<compile_context>
chip_gen: v7x
topology: tpu7x:2x2x1
jax: 0.10.2.dev20260603
libtpu: 0.0.44.dev20260713+nightly
codegen_flags: <defaults>
</compile_context>

<pallas_src>
import functools

import jax
import jax.numpy as jnp
from jax import lax
from jax.experimental import pallas as pl
from jax.experimental.pallas import tpu as pltpu
from jax.experimental.pallas import tpu_sc as plsc

_K = 8
_NEG_INF = float("-inf")
_NW = 32
_SEGS = 4
_GL = 128


def _normalize_body(x_ref, o_ref):
    x = x_ref[...]
    n = jnp.sqrt(jnp.sum(x * x, axis=1, keepdims=True))
    o_ref[...] = x / jnp.maximum(n, 1e-12)


_SORT8 = [
    (0, 1), (2, 3), (4, 5), (6, 7),
    (0, 2), (1, 3), (4, 6), (5, 7),
    (1, 2), (5, 6), (0, 4), (1, 5),
    (2, 6), (3, 7), (2, 4), (3, 5),
    (1, 2), (3, 4), (5, 6),
]


def _ce(vals, chs, a, b):
    va, vb = vals[a], vals[b]
    g = va < vb
    vals[a], vals[b] = jnp.maximum(va, vb), jnp.minimum(va, vb)
    ca, cb = chs[a], chs[b]
    chs[a], chs[b] = jnp.where(g, cb, ca), jnp.where(g, ca, cb)


def _simtopk_body(a_ref, b_ref, idx_ref, *, strip: int, n: int):
    a = a_ref[...]
    b = b_ref[...]
    sim = jax.lax.dot_general(
        a, b, (((1,), (1,)), ((), ())), preferred_element_type=jnp.float32)
    i = pl.program_id(0)
    row_ids = jax.lax.broadcasted_iota(jnp.int32, (strip, n), 0) + i * strip
    col_ids = jax.lax.broadcasted_iota(jnp.int32, (strip, n), 1)
    sim = jnp.where(col_ids == row_ids, _NEG_INF, sim)

    ngrp = (n // 128) // _K
    tops = []
    for g in range(ngrp):
        vals = [sim[:, (g * _K + s) * 128:(g * _K + s + 1) * 128]
                for s in range(_K)]
        chs = [jnp.full((strip, 128), g * _K + s, jnp.int32)
               for s in range(_K)]
        for (x, y) in _SORT8:
            _ce(vals, chs, x, y)
        tops.append((vals, chs))
    while len(tops) > 1:
        nxt = []
        for p in range(0, len(tops), 2):
            (va, ca), (vb, cb) = tops[p], tops[p + 1]
            mv, mc = [], []
            for s in range(_K):
                x, y = va[s], vb[_K - 1 - s]
                gt = x < y
                mv.append(jnp.maximum(x, y))
                mc.append(jnp.where(gt, cb[_K - 1 - s], ca[s]))
            for stage in (4, 2, 1):
                for lo in range(_K):
                    if lo & stage == 0 and lo + stage < _K:
                        _ce(mv, mc, lo, lo + stage)
            nxt.append((mv, mc))
        tops = nxt
    vals, chs = tops[0]
    lane = jax.lax.broadcasted_iota(jnp.int32, (strip, 128), 1)
    cols = [chs[s] * 128 + lane for s in range(_K)]

    out_cols = []
    for _ in range(_K):
        m = vals[0]
        for s in range(1, _K):
            m = jnp.maximum(m, vals[s])
        m = jnp.max(m, axis=1, keepdims=True)
        amin = jnp.full((strip, 128), n, jnp.int32)
        for s in range(_K):
            amin = jnp.minimum(amin, jnp.where(vals[s] == m, cols[s], n))
        amax = jnp.min(amin, axis=1, keepdims=True)
        out_cols.append(amax)
        for s in range(_K):
            vals[s] = jnp.where(cols[s] == amax, _NEG_INF, vals[s])
    idx_ref[...] = jnp.concatenate(out_cols, axis=1)


def _sc_adj_body(idx_hbm, out_hbm, idx_v, rows2d, vals2d, cnt_v, val_v,
                 zsrc, sem_fill, sem_sc, *, n: int):
    rpw = n // _NW
    nedge = n * _K
    seg_elems = nedge // _SEGS
    gps = seg_elems // _GL
    slab = rpw * n
    zlen = min(16384, slab)
    nfill = slab // zlen
    fwd_groups = (rpw * _K) // _GL

    c = lax.axis_index("c")
    s = lax.axis_index("s")
    w = s * 2 + c
    base = w * rpw
    iota = lax.iota(jnp.int32, 16)

    def zero_body(q, _):
        zsrc[pl.ds(q * 16, 16)] = jnp.zeros((16,), jnp.float32)
        return _
    lax.fori_loop(0, zlen // 16, zero_body, None)

    def fill_issue(i, _):
        pltpu.async_copy(zsrc, out_hbm.at[pl.ds(base * n + i * zlen, zlen)],
                         sem_fill)
        return _
    lax.fori_loop(0, nfill, fill_issue, None)

    pltpu.sync_copy(idx_hbm, idx_v)

    def cnt_init(q, _):
        cnt_v[pl.ds(q * 16, 16)] = jnp.full((16,), float(_K), jnp.float32)
        return _
    lax.fori_loop(0, rpw // 16, cnt_init, None)

    def s1_body(e16, _):
        e0 = e16 * 16
        t = idx_v[pl.ds(e0, 16)]
        inr = (t >= base) & (t < base + rpw)
        nhit = jnp.sum(jnp.where(inr, 1, 0))

        @pl.when(nhit > 0)
        def _do():
            src = lax.shift_right_logical(e0 + iota, 3)
            t8 = t * _K
            mut = plsc.load_gather(idx_v, [t8]) == src
            for k in range(1, _K):
                mut = mut | (plsc.load_gather(idx_v, [t8 + k]) == src)
            novel = jnp.where(inr & (~mut), 1.0, 0.0).astype(jnp.float32)
            tl = jnp.where(inr, t - base, 0)
            for l in range(16):
                plsc.addupdate_scatter(cnt_v, [tl], novel,
                                       mask=(iota == l) & inr)
        return _
    lax.fori_loop(0, nedge // 16, s1_body, None)

    def val_body(q, _):
        val_v[pl.ds(q * 16, 16)] = 1.0 / cnt_v[pl.ds(q * 16, 16)]
        return _
    lax.fori_loop(0, rpw // 16, val_body, None)

    def fill_drain(i, _):
        pltpu.make_async_copy(
            zsrc, out_hbm.at[pl.ds(base * n + i * zlen, zlen)],
            sem_fill).wait()
        return _
    lax.fori_loop(0, nfill, fill_drain, None)

    def fw_body(g, _):
        for q in range(_GL // 16):
            el = q * 16 + g * _GL
            t = idx_v[pl.ds(base * _K + el, 16)]
            i_loc = lax.shift_right_logical(el + iota, 3)
            rows2d[g, pl.ds(q * 16, 16)] = (base + i_loc) * n + t
            vals2d[g, pl.ds(q * 16, 16)] = plsc.load_gather(val_v, [i_loc])
        return _
    lax.fori_loop(0, fwd_groups, fw_body, None)

    def fw_issue(g, _):
        pltpu.async_copy(vals2d.at[g], out_hbm.at[rows2d.at[g]], sem_sc)
        return _
    lax.fori_loop(0, fwd_groups, fw_issue, None)

    def fw_drain(g, _):
        pltpu.make_async_copy(vals2d.at[g], out_hbm.at[rows2d.at[g]],
                              sem_sc).wait()
        return _
    lax.fori_loop(0, fwd_groups, fw_drain, None)

    for seg in range(_SEGS):
        def s2_body(g, _):
            for q in range(_GL // 16):
                e0 = seg * seg_elems + q * 16
                t = idx_v[pl.ds(e0 + g * _GL, 16)]
                src = lax.shift_right_logical(e0 + g * _GL + iota, 3)
                inr = (t >= base) & (t < base + rpw)
                tl = jnp.where(inr, t - base, 0)
                diag = (base + q * 16 + iota) * (n + 1)
                off = jnp.where(inr, t * n + src, diag)
                v = jnp.where(inr, plsc.load_gather(val_v, [tl]), 0.0)
                rows2d[g, pl.ds(q * 16, 16)] = off
                vals2d[g, pl.ds(q * 16, 16)] = v.astype(jnp.float32)
            return _
        lax.fori_loop(0, gps, s2_body, None)

        def s2_issue(g, _):
            pltpu.async_copy(vals2d.at[g], out_hbm.at[rows2d.at[g]], sem_sc)
            return _
        lax.fori_loop(0, gps, s2_issue, None)

        def s2_drain(g, _):
            pltpu.make_async_copy(vals2d.at[g], out_hbm.at[rows2d.at[g]],
                                  sem_sc).wait()
            return _
        lax.fori_loop(0, gps, s2_drain, None)


def _sc_adjacency(idx_flat, n):
    mesh = plsc.VectorSubcoreMesh(
        core_axis_name="c", subcore_axis_name="s", num_cores=2,
        num_subcores=16)
    kern = functools.partial(
        pl.kernel,
        out_type=jax.ShapeDtypeStruct((n * n,), jnp.float32),
        mesh=mesh,
        compiler_params=pltpu.CompilerParams(needs_layout_passes=False),
        scratch_types=[
            pltpu.VMEM((n * _K,), jnp.int32),
            pltpu.VMEM((_GL, _GL), jnp.int32),
            pltpu.VMEM((_GL, _GL), jnp.float32),
            pltpu.VMEM((n // _NW,), jnp.float32),
            pltpu.VMEM((n // _NW,), jnp.float32),
            pltpu.VMEM((min(16384, n * n // _NW),), jnp.float32),
            pltpu.SemaphoreType.DMA,
            pltpu.SemaphoreType.DMA,
        ],
    )(functools.partial(_sc_adj_body, n=n))
    return kern(idx_flat)


@jax.jit
def kernel(embeddings):
    n, d = embeddings.shape
    rn = min(1024, n)
    xn = pl.pallas_call(
        _normalize_body,
        grid=(n // rn,),
        in_specs=[pl.BlockSpec((rn, d), lambda i: (i, 0))],
        out_specs=pl.BlockSpec((rn, d), lambda i: (i, 0)),
        out_shape=jax.ShapeDtypeStruct((n, d), jnp.float32),
    )(embeddings)

    strip = min(256, n)
    nstrips = n // strip
    idx = pl.pallas_call(
        functools.partial(_simtopk_body, strip=strip, n=n),
        grid=(nstrips,),
        in_specs=[
            pl.BlockSpec((strip, d), lambda i: (i, 0)),
            pl.BlockSpec((n, d), lambda i: (0, 0)),
        ],
        out_specs=pl.BlockSpec((strip, _K), lambda i: (i, 0)),
        out_shape=jax.ShapeDtypeStruct((n, _K), jnp.int32),
    )(xn, xn)

    adjacency = _sc_adjacency(idx.reshape(-1), n).reshape(n, n)
    return adjacency, xn

# --- scband reference (transcript-rebuilt; emitter-appended) ---
"""Pipeline reference for scband-graph-constructor-25615184953658 (READ-ONLY COPY).

The authoritative reference and input builder live on the scoring server;
editing this copy changes nothing except your own understanding.
"""

import jax, jax.numpy as jnp
import numpy as np

K = 8

def setup_inputs(seed: int = 0) -> dict:
    key = jax.random.key(seed)
    embeddings = jax.random.normal(key, (8192, 512), dtype=jnp.float32)
    return {"embeddings": embeddings}

def reference(embeddings):
    N = embeddings.shape[0]
    # cosine similarity matrix (F.normalize with eps=1e-12)
    norms = jnp.sqrt(jnp.sum(embeddings ** 2, axis=-1, keepdims=True))
    xn = embeddings / jnp.maximum(norms, 1e-12)
    sim = xn @ xn.T
    # knn adjacency: mask diagonal with -inf, take top-k indices
    diag_mask = jnp.eye(N, dtype=bool)
    sim_no_self = jnp.where(diag_mask, -jnp.inf, sim)
    k = min(K, N - 1)
    _, topk_idx = jax.lax.top_k(sim_no_self, k)
    adjacency = jnp.zeros((N, N), dtype=sim.dtype)
    rows = jnp.arange(N)[:, None]
    adjacency = adjacency.at[rows, jnp.broadcast_to(topk_idx, (N, k))].set(1.0)
    # symmetrize
    adjacency = jnp.maximum(adjacency, adjacency.T)
    # remove self loops
    adjacency = adjacency * (1.0 - jnp.eye(N, dtype=adjacency.dtype))
    # row-normalize
    row_sum = jnp.clip(jnp.sum(adjacency, axis=-1, keepdims=True), 1e-8, None)
    adjacency = adjacency / row_sum
    node_states = xn
    return adjacency, node_states

if __name__ == "__main__":
    import jax
    _d = setup_inputs()
    print(jax.jit(kernel)(*tuple(_d.values())))

</pallas_src>

<mosaic_0001>
#map = affine_map<(d0, d1) -> (0)>
module attributes {stable_mosaic.version = 14 : i64} {
  func.func @_sc_adj_body(%arg0: i32, %arg1: i32, %arg2: memref<65536xi32, #tpu.memory_space<hbm>>, %arg3: memref<67108864xf32, #tpu.memory_space<hbm>>, %arg4: memref<65536xi32, #tpu.memory_space<vmem>>, %arg5: memref<128x128xi32, #tpu.memory_space<vmem>>, %arg6: memref<128x128xf32, #tpu.memory_space<vmem>>, %arg7: memref<256xf32, #tpu.memory_space<vmem>>, %arg8: memref<256xf32, #tpu.memory_space<vmem>>, %arg9: memref<16384xf32, #tpu.memory_space<vmem>>, %arg10: memref<!tpu.dma_semaphore, #tpu.memory_space<semaphore_mem>>, %arg11: memref<!tpu.dma_semaphore, #tpu.memory_space<semaphore_mem>>) attributes {dimension_semantics = [#tpu.dimension_semantics<core_parallel>, #tpu.dimension_semantics<subcore_parallel>], iteration_bounds = array<i64: 2, 16>, scalar_prefetch = 0 : i64, scratch_operands = 8 : i64, tpu.core_type = #tpu.core_type<sc_vector_subcore>, window_params = [{transform_indices = #map}, {transform_indices = #map}]} {
    %mul3A = arith.constant 2 : i32
    %mul3A_0 = arith.muli %arg1, %mul3A : i32
    %add3A = arith.addi %mul3A_0, %arg0 : i32
    %mul3A_1 = arith.constant 256 : i32
    %mul3A_2 = arith.muli %add3A, %mul3A_1 : i32
    %iota3A = tpu.iota {dimensions = array<i32: 0>} : vector<16xi32>
    %scan3A = arith.constant 0 : i32
    %scan3A_3 = arith.constant 1024 : i32
    %scan3A_4 = arith.addi %scan3A, %scan3A_3 : i32
    %scan3A_5 = arith.constant 1 : i32
    scf.for %scan3A_107 = %scan3A to %scan3A_4 step %scan3A_5  : i32 {
      %broadcast_in_dim3A = arith.constant 0.000000e+00 : f32
      %broadcast_in_dim3A_108 = vector.broadcast %broadcast_in_dim3A : f32 to vector<16xf32>
      %mul3A_109 = arith.constant 16 : i32
      %mul3A_110 = arith.muli %scan3A_107, %mul3A_109 : i32
      %swap3A = arith.index_cast %mul3A_110 : i32 to index
      %swap3A_111 = tpu.vector_load %arg9[%swap3A] {strides = array<i32>} : memref<16384xf32, #tpu.memory_space<vmem>>, vector<16xf32>,
      tpu.vector_store %arg9[%swap3A], %broadcast_in_dim3A_108 {strides = array<i32>} : memref<16384xf32, #tpu.memory_space<vmem>>, vector<16xf32>,
    }
    %scan3A_6 = arith.constant 1024 : i32
    %scan3A_7 = arith.constant 0 : i32
    %scan3A_8 = arith.constant 128 : i32
    %scan3A_9 = arith.addi %scan3A_7, %scan3A_8 : i32
    %scan3A_10 = arith.constant 1 : i32
    scf.for %scan3A_107 = %scan3A_7 to %scan3A_9 step %scan3A_10  : i32 {
      %mul3A_108 = arith.constant 8192 : i32
      %mul3A_109 = arith.muli %mul3A_2, %mul3A_108 : i32
      %mul3A_110 = arith.constant 16384 : i32
      %mul3A_111 = arith.muli %scan3A_107, %mul3A_110 : i32
      %add3A_112 = arith.addi %mul3A_109, %mul3A_111 : i32
      %dma_start3A = tpu.memref_slice %arg3[%add3A_112] : memref<67108864xf32, #tpu.memory_space<hbm>> -> memref<16384xf32, #tpu.memory_space<hbm>>
      %dma_start3A_113 = tpu.memref_slice %arg3[%add3A_112] : memref<67108864xf32, #tpu.memory_space<hbm>> -> memref<16384xf32, #tpu.memory_space<hbm>>
      tpu.enqueue_dma source(%arg9 : memref<16384xf32, #tpu.memory_space<vmem>>) target(%dma_start3A_113 : memref<16384xf32, #tpu.memory_space<hbm>>) target_semaphore(%arg10 : memref<!tpu.dma_semaphore, #tpu.memory_space<semaphore_mem>>)
    }
    %scan3A_11 = arith.constant 128 : i32
    "tpu.region"() ({
      %run_scoped3A = tpu.sem_alloc : memref<!tpu.dma_semaphore, #tpu.memory_space<semaphore_mem>>
      tpu.enqueue_dma source(%arg2 : memref<65536xi32, #tpu.memory_space<hbm>>) target(%arg4 : memref<65536xi32, #tpu.memory_space<vmem>>) target_semaphore(%run_scoped3A : memref<!tpu.dma_semaphore, #tpu.memory_space<semaphore_mem>>)
      tpu.wait_dma2 semaphore(%run_scoped3A : memref<!tpu.dma_semaphore, #tpu.memory_space<semaphore_mem>>) src(%arg2 : memref<65536xi32, #tpu.memory_space<hbm>>) dst(%arg4 : memref<65536xi32, #tpu.memory_space<vmem>>)
      tpu.yield
    }) : () -> ()
    %scan3A_12 = arith.constant 0 : i32
    %scan3A_13 = arith.constant 16 : i32
    %scan3A_14 = arith.addi %scan3A_12, %scan3A_13 : i32
    %scan3A_15 = arith.constant 1 : i32
    scf.for %scan3A_107 = %scan3A_12 to %scan3A_14 step %scan3A_15  : i32 {
      %broadcast_in_dim3A = arith.constant 8.000000e+00 : f32
      %broadcast_in_dim3A_108 = vector.broadcast %broadcast_in_dim3A : f32 to vector<16xf32>
      %mul3A_109 = arith.constant 16 : i32
      %mul3A_110 = arith.muli %scan3A_107, %mul3A_109 : i32
      %swap3A = arith.index_cast %mul3A_110 : i32 to index
      %swap3A_111 = tpu.vector_load %arg7[%swap3A] {strides = array<i32>} : memref<256xf32, #tpu.memory_space<vmem>>, vector<16xf32>,
      tpu.vector_store %arg7[%swap3A], %broadcast_in_dim3A_108 {strides = array<i32>} : memref<256xf32, #tpu.memory_space<vmem>>, vector<16xf32>,
    }
    %scan3A_16 = arith.constant 16 : i32
    %scan3A_17 = arith.constant 0 : i32
    %scan3A_18 = arith.constant 4096 : i32
    %scan3A_19 = arith.addi %scan3A_17, %scan3A_18 : i32
    %scan3A_20 = arith.constant 1 : i32
    scf.for %scan3A_107 = %scan3A_17 to %scan3A_19 step %scan3A_20  : i32 {
      %mul3A_108 = arith.constant 16 : i32
      %mul3A_109 = arith.muli %scan3A_107, %mul3A_108 : i32
      %get3A = arith.index_cast %mul3A_109 : i32 to index
      %get3A_110 = tpu.vector_load %arg4[%get3A] {strides = array<i32>} : memref<65536xi32, #tpu.memory_space<vmem>>, vector<16xi32>,
      %ge3A = vector.broadcast %mul3A_2 : i32 to vector<16xi32>
      %ge3A_111 = arith.cmpi sge, %get3A_110, %ge3A : vector<16xi32>
      %add3A_112 = arith.constant 256 : i32
      %add3A_113 = arith.addi %mul3A_2, %add3A_112 : i32
      %lt3A = vector.broadcast %add3A_113 : i32 to vector<16xi32>
      %lt3A_114 = arith.cmpi slt, %get3A_110, %lt3A : vector<16xi32>
      %and3A = arith.andi %ge3A_111, %lt3A_114 : vector<16xi1>
      %jit3A = arith.constant 1 : i32
      %jit3A_115 = arith.constant 0 : i32
      %broadcast_in_dim3A = vector.broadcast %jit3A : i32 to vector<16xi32>
      %broadcast_in_dim3A_116 = vector.broadcast %jit3A_115 : i32 to vector<16xi32>
      %select_n3A = arith.select %and3A, %broadcast_in_dim3A, %broadcast_in_dim3A_116 : vector<16xi1>, vector<16xi32>
      %reduce_sum3A = arith.constant true
      %reduce_sum3A_117 = vector.broadcast %reduce_sum3A : i1 to vector<16xi1>
      %reduce_sum3A_118 = tpu.scan <sum>, %select_n3A masked %reduce_sum3A_117 : vector<16xi32>, vector<16xi1> -> vector<16xi32>
      %reduce_sum3A_119 = vector.extract %reduce_sum3A_118[15] : i32 from vector<16xi32>
      %gt3A = arith.constant 0 : i32
      %gt3A_120 = arith.cmpi sgt, %reduce_sum3A_119, %gt3A : i32
      %convert_element_type3A = arith.extui %gt3A_120 : i1 to i32
      %cond3A = arith.constant 0 : i32
      %cond3A_121 = arith.cmpi ne, %convert_element_type3A, %cond3A : i32
      scf.if %cond3A_121 {
        %add3A_122 = vector.broadcast %mul3A_109 : i32 to vector<16xi32>
        %add3A_123 = arith.addi %add3A_122, %iota3A : vector<16xi32>
        %shift_right_logical3A = arith.constant 3 : i32
        %shift_right_logical3A_124 = vector.broadcast %shift_right_logical3A : i32 to vector<16xi32>
        %shift_right_logical3A_125 = arith.shrui %add3A_123, %shift_right_logical3A_124 : vector<16xi32>
        %mul3A_126 = arith.constant 8 : i32
        %mul3A_127 = vector.broadcast %mul3A_126 : i32 to vector<16xi32>
        %mul3A_128 = arith.muli %get3A_110, %mul3A_127 : vector<16xi32>
        %gather3A = tpu.vector_load_idx %arg4[%mul3A_128] : memref<65536xi32, #tpu.memory_space<vmem>>[vector<16xi32>], vector<16xi32>,
        %eq3A = arith.cmpi eq, %gather3A, %shift_right_logical3A_125 : vector<16xi32>
        %add3A_129 = arith.constant 1 : i32
        %add3A_130 = vector.broadcast %add3A_129 : i32 to vector<16xi32>
        %add3A_131 = arith.addi %mul3A_128, %add3A_130 : vector<16xi32>
        %gather3A_132 = tpu.vector_load_idx %arg4[%add3A_131] : memref<65536xi32, #tpu.memory_space<vmem>>[vector<16xi32>], vector<16xi32>,
        %eq3A_133 = arith.cmpi eq, %gather3A_132, %shift_right_logical3A_125 : vector<16xi32>
        %or3A = arith.ori %eq3A, %eq3A_133 : vector<16xi1>
        %add3A_134 = arith.constant 2 : i32
        %add3A_135 = vector.broadcast %add3A_134 : i32 to vector<16xi32>
        %add3A_136 = arith.addi %mul3A_128, %add3A_135 : vector<16xi32>
        %gather3A_137 = tpu.vector_load_idx %arg4[%add3A_136] : memref<65536xi32, #tpu.memory_space<vmem>>[vector<16xi32>], vector<16xi32>,
        %eq3A_138 = arith.cmpi eq, %gather3A_137, %shift_right_logical3A_125 : vector<16xi32>
        %or3A_139 = arith.ori %or3A, %eq3A_138 : vector<16xi1>
        %add3A_140 = arith.constant 3 : i32
        %add3A_141 = vector.broadcast %add3A_140 : i32 to vector<16xi32>
        %add3A_142 = arith.addi %mul3A_128, %add3A_141 : vector<16xi32>
        %gather3A_143 = tpu.vector_load_idx %arg4[%add3A_142] : memref<65536xi32, #tpu.memory_space<vmem>>[vector<16xi32>], vector<16xi32>,
        %eq3A_144 = arith.cmpi eq, %gather3A_143, %shift_right_logical3A_125 : vector<16xi32>
        %or3A_145 = arith.ori %or3A_139, %eq3A_144 : vector<16xi1>
        %add3A_146 = arith.constant 4 : i32
        %add3A_147 = vector.broadcast %add3A_146 : i32 to vector<16xi32>
        %add3A_148 = arith.addi %mul3A_128, %add3A_147 : vector<16xi32>
        %gather3A_149 = tpu.vector_load_idx %arg4[%add3A_148] : memref<65536xi32, #tpu.memory_space<vmem>>[vector<16xi32>], vector<16xi32>,
        %eq3A_150 = arith.cmpi eq, %gather3A_149, %shift_right_logical3A_125 : vector<16xi32>
        %or3A_151 = arith.ori %or3A_145, %eq3A_150 : vector<16xi1>
        %add3A_152 = arith.constant 5 : i32
        %add3A_153 = vector.broadcast %add3A_152 : i32 to vector<16xi32>
        %add3A_154 = arith.addi %mul3A_128, %add3A_153 : vector<16xi32>
        %gather3A_155 = tpu.vector_load_idx %arg4[%add3A_154] : memref<65536xi32, #tpu.memory_space<vmem>>[vector<16xi32>], vector<16xi32>,
        %eq3A_156 = arith.cmpi eq, %gather3A_155, %shift_right_logical3A_125 : vector<16xi32>
        %or3A_157 = arith.ori %or3A_151, %eq3A_156 : vector<16xi1>
        %add3A_158 = arith.constant 6 : i32
        %add3A_159 = vector.broadcast %add3A_158 : i32 to vector<16xi32>
        %add3A_160 = arith.addi %mul3A_128, %add3A_159 : vector<16xi32>
        %gather3A_161 = tpu.vector_load_idx %arg4[%add3A_160] : memref<65536xi32, #tpu.memory_space<vmem>>[vector<16xi32>], vector<16xi32>,
        %eq3A_162 = arith.cmpi eq, %gather3A_161, %shift_right_logical3A_125 : vector<16xi32>
        %or3A_163 = arith.ori %or3A_157, %eq3A_162 : vector<16xi1>
        %add3A_164 = arith.constant 7 : i32
        %add3A_165 = vector.broadcast %add3A_164 : i32 to vector<16xi32>
        %add3A_166 = arith.addi %mul3A_128, %add3A_165 : vector<16xi32>
        %gather3A_167 = tpu.vector_load_idx %arg4[%add3A_166] : memref<65536xi32, #tpu.memory_space<vmem>>[vector<16xi32>], vector<16xi32>,
        %eq3A_168 = arith.cmpi eq, %gather3A_167, %shift_right_logical3A_125 : vector<16xi32>
        %or3A_169 = arith.ori %or3A_163, %eq3A_168 : vector<16xi1>
        %not3A = arith.constant dense<true> : vector<16xi1>
        %not3A_170 = arith.xori %or3A_169, %not3A : vector<16xi1>
        %and3A_171 = arith.andi %and3A, %not3A_170 : vector<16xi1>
        %jit3A_172 = arith.constant 1.000000e+00 : f32
        %jit3A_173 = arith.constant 0.000000e+00 : f32
        %broadcast_in_dim3A_174 = vector.broadcast %jit3A_172 : f32 to vector<16xf32>
        %broadcast_in_dim3A_175 = vector.broadcast %jit3A_173 : f32 to vector<16xf32>
        %select_n3A_176 = arith.select %and3A_171, %broadcast_in_dim3A_174, %broadcast_in_dim3A_175 : vector<16xi1>, vector<16xf32>
        %sub3A = vector.broadcast %mul3A_2 : i32 to vector<16xi32>
        %sub3A_177 = arith.subi %get3A_110, %sub3A : vector<16xi32>
        %jit3A_178 = arith.constant 0 : i32
        %broadcast_in_dim3A_179 = vector.broadcast %jit3A_178 : i32 to vector<16xi32>
        %select_n3A_180 = arith.select %and3A, %sub3A_177, %broadcast_in_dim3A_179 : vector<16xi1>, vector<16xi32>
        %eq3A_181 = arith.constant 0 : i32
        %eq3A_182 = vector.broadcast %eq3A_181 : i32 to vector<16xi32>
        %eq3A_183 = arith.cmpi eq, %iota3A, %eq3A_182 : vector<16xi32>
        %and3A_184 = arith.andi %eq3A_183, %and3A : vector<16xi1>
        tpu.vector_store_idx %arg7[%select_n3A_180], %select_n3A_176 masked %and3A_184 {add = true} : memref<256xf32, #tpu.memory_space<vmem>>[vector<16xi32>], vector<16xf32>, vector<16xi1>
        %eq3A_185 = arith.constant 1 : i32
        %eq3A_186 = vector.broadcast %eq3A_185 : i32 to vector<16xi32>
        %eq3A_187 = arith.cmpi eq, %iota3A, %eq3A_186 : vector<16xi32>
        %and3A_188 = arith.andi %eq3A_187, %and3A : vector<16xi1>
        tpu.vector_store_idx %arg7[%select_n3A_180], %select_n3A_176 masked %and3A_188 {add = true} : memref<256xf32, #tpu.memory_space<vmem>>[vector<16xi32>], vector<16xf32>, vector<16xi1>
        %eq3A_189 = arith.constant 2 : i32
        %eq3A_190 = vector.broadcast %eq3A_189 : i32 to vector<16xi32>
        %eq3A_191 = arith.cmpi eq, %iota3A, %eq3A_190 : vector<16xi32>
        %and3A_192 = arith.andi %eq3A_191, %and3A : vector<16xi1>
        tpu.vector_store_idx %arg7[%select_n3A_180], %select_n3A_176 masked %and3A_192 {add = true} : memref<256xf32, #tpu.memory_space<vmem>>[vector<16xi32>], vector<16xf32>, vector<16xi1>
        %eq3A_193 = arith.constant 3 : i32
        %eq3A_194 = vector.broadcast %eq3A_193 : i32 to vector<16xi32>
        %eq3A_195 = arith.cmpi eq, %iota3A, %eq3A_194 : vector<16xi32>
        %and3A_196 = arith.andi %eq3A_195, %and3A : vector<16xi1>
        tpu.vector_store_idx %arg7[%select_n3A_180], %select_n3A_176 masked %and3A_196 {add = true} : memref<256xf32, #tpu.memory_space<vmem>>[vector<16xi32>], vector<16xf32>, vector<16xi1>
        %eq3A_197 = arith.constant 4 : i32
        %eq3A_198 = vector.broadcast %eq3A_197 : i32 to vector<16xi32>
        %eq3A_199 = arith.cmpi eq, %iota3A, %eq3A_198 : vector<16xi32>
        %and3A_200 = arith.andi %eq3A_199, %and3A : vector<16xi1>
        tpu.vector_store_idx %arg7[%select_n3A_180], %select_n3A_176 masked %and3A_200 {add = true} : memref<256xf32, #tpu.memory_space<vmem>>[vector<16xi32>], vector<16xf32>, vector<16xi1>
        %eq3A_201 = arith.constant 5 : i32
        %eq3A_202 = vector.broadcast %eq3A_201 : i32 to vector<16xi32>
        %eq3A_203 = arith.cmpi eq, %iota3A, %eq3A_202 : vector<16xi32>
        %and3A_204 = arith.andi %eq3A_203, %and3A : vector<16xi1>
        tpu.vector_store_idx %arg7[%select_n3A_180], %select_n3A_176 masked %and3A_204 {add = true} : memref<256xf32, #tpu.memory_space<vmem>>[vector<16xi32>], vector<16xf32>, vector<16xi1>
        %eq3A_205 = arith.constant 6 : i32
        %eq3A_206 = vector.broadcast %eq3A_205 : i32 to vector<16xi32>
        %eq3A_207 = arith.cmpi eq, %iota3A, %eq3A_206 : vector<16xi32>
        %and3A_208 = arith.andi %eq3A_207, %and3A : vector<16xi1>
        tpu.vector_store_idx %arg7[%select_n3A_180], %select_n3A_176 masked %and3A_208 {add = true} : memref<256xf32, #tpu.memory_space<vmem>>[vector<16xi32>], vector<16xf32>, vector<16xi1>
        %eq3A_209 = arith.constant 7 : i32
        %eq3A_210 = vector.broadcast %eq3A_209 : i32 to vector<16xi32>
        %eq3A_211 = arith.cmpi eq, %iota3A, %eq3A_210 : vector<16xi32>
        %and3A_212 = arith.andi %eq3A_211, %and3A : vector<16xi1>
        tpu.vector_store_idx %arg7[%select_n3A_180], %select_n3A_176 masked %and3A_212 {add = true} : memref<256xf32, #tpu.memory_space<vmem>>[vector<16xi32>], vector<16xf32>, vector<16xi1>
        %eq3A_213 = arith.constant 8 : i32
        %eq3A_214 = vector.broadcast %eq3A_213 : i32 to vector<16xi32>
        %eq3A_215 = arith.cmpi eq, %iota3A, %eq3A_214 : vector<16xi32>
        %and3A_216 = arith.andi %eq3A_215, %and3A : vector<16xi1>
        tpu.vector_store_idx %arg7[%select_n3A_180], %select_n3A_176 masked %and3A_216 {add = true} : memref<256xf32, #tpu.memory_space<vmem>>[vector<16xi32>], vector<16xf32>, vector<16xi1>
        %eq3A_217 = arith.constant 9 : i32
        %eq3A_218 = vector.broadcast %eq3A_217 : i32 to vector<16xi32>
        %eq3A_219 = arith.cmpi eq, %iota3A, %eq3A_218 : vector<16xi32>
        %and3A_220 = arith.andi %eq3A_219, %and3A : vector<16xi1>
        tpu.vector_store_idx %arg7[%select_n3A_180], %select_n3A_176 masked %and3A_220 {add = true} : memref<256xf32, #tpu.memory_space<vmem>>[vector<16xi32>], vector<16xf32>, vector<16xi1>
        %eq3A_221 = arith.constant 10 : i32
        %eq3A_222 = vector.broadcast %eq3A_221 : i32 to vector<16xi32>
        %eq3A_223 = arith.cmpi eq, %iota3A, %eq3A_222 : vector<16xi32>
        %and3A_224 = arith.andi %eq3A_223, %and3A : vector<16xi1>
        tpu.vector_store_idx %arg7[%select_n3A_180], %select_n3A_176 masked %and3A_224 {add = true} : memref<256xf32, #tpu.memory_space<vmem>>[vector<16xi32>], vector<16xf32>, vector<16xi1>
        %eq3A_225 = arith.constant 11 : i32
        %eq3A_226 = vector.broadcast %eq3A_225 : i32 to vector<16xi32>
        %eq3A_227 = arith.cmpi eq, %iota3A, %eq3A_226 : vector<16xi32>
        %and3A_228 = arith.andi %eq3A_227, %and3A : vector<16xi1>
        tpu.vector_store_idx %arg7[%select_n3A_180], %select_n3A_176 masked %and3A_228 {add = true} : memref<256xf32, #tpu.memory_space<vmem>>[vector<16xi32>], vector<16xf32>, vector<16xi1>
        %eq3A_229 = arith.constant 12 : i32
        %eq3A_230 = vector.broadcast %eq3A_229 : i32 to vector<16xi32>
        %eq3A_231 = arith.cmpi eq, %iota3A, %eq3A_230 : vector<16xi32>
        %and3A_232 = arith.andi %eq3A_231, %and3A : vector<16xi1>
        tpu.vector_store_idx %arg7[%select_n3A_180], %select_n3A_176 masked %and3A_232 {add = true} : memref<256xf32, #tpu.memory_space<vmem>>[vector<16xi32>], vector<16xf32>, vector<16xi1>
        %eq3A_233 = arith.constant 13 : i32
        %eq3A_234 = vector.broadcast %eq3A_233 : i32 to vector<16xi32>
        %eq3A_235 = arith.cmpi eq, %iota3A, %eq3A_234 : vector<16xi32>
        %and3A_236 = arith.andi %eq3A_235, %and3A : vector<16xi1>
        tpu.vector_store_idx %arg7[%select_n3A_180], %select_n3A_176 masked %and3A_236 {add = true} : memref<256xf32, #tpu.memory_space<vmem>>[vector<16xi32>], vector<16xf32>, vector<16xi1>
        %eq3A_237 = arith.constant 14 : i32
        %eq3A_238 = vector.broadcast %eq3A_237 : i32 to vector<16xi32>
        %eq3A_239 = arith.cmpi eq, %iota3A, %eq3A_238 : vector<16xi32>
        %and3A_240 = arith.andi %eq3A_239, %and3A : vector<16xi1>
        tpu.vector_store_idx %arg7[%select_n3A_180], %select_n3A_176 masked %and3A_240 {add = true} : memref<256xf32, #tpu.memory_space<vmem>>[vector<16xi32>], vector<16xf32>, vector<16xi1>
        %eq3A_241 = arith.constant 15 : i32
        %eq3A_242 = vector.broadcast %eq3A_241 : i32 to vector<16xi32>
        %eq3A_243 = arith.cmpi eq, %iota3A, %eq3A_242 : vector<16xi32>
        %and3A_244 = arith.andi %eq3A_243, %and3A : vector<16xi1>
        tpu.vector_store_idx %arg7[%select_n3A_180], %select_n3A_176 masked %and3A_244 {add = true} : memref<256xf32, #tpu.memory_space<vmem>>[vector<16xi32>], vector<16xf32>, vector<16xi1>
      } else {
      }
    }
    %scan3A_21 = arith.constant 4096 : i32
    %scan3A_22 = arith.constant 0 : i32
    %scan3A_23 = arith.constant 16 : i32
    %scan3A_24 = arith.addi %scan3A_22, %scan3A_23 : i32
    %scan3A_25 = arith.constant 1 : i32
    scf.for %scan3A_107 = %scan3A_22 to %scan3A_24 step %scan3A_25  : i32 {
      %mul3A_108 = arith.constant 16 : i32
      %mul3A_109 = arith.muli %scan3A_107, %mul3A_108 : i32
      %get3A = arith.index_cast %mul3A_109 : i32 to index
      %get3A_110 = tpu.vector_load %arg7[%get3A] {strides = array<i32>} : memref<256xf32, #tpu.memory_space<vmem>>, vector<16xf32>,
      %div3A = arith.constant 1.000000e+00 : f32
      %div3A_111 = vector.broadcast %div3A : f32 to vector<16xf32>
      %div3A_112 = arith.divf %div3A_111, %get3A_110 : vector<16xf32>
      %mul3A_113 = arith.constant 16 : i32
      %mul3A_114 = arith.muli %scan3A_107, %mul3A_113 : i32
      %swap3A = arith.index_cast %mul3A_114 : i32 to index
      %swap3A_115 = tpu.vector_load %arg8[%swap3A] {strides = array<i32>} : memref<256xf32, #tpu.memory_space<vmem>>, vector<16xf32>,
      tpu.vector_store %arg8[%swap3A], %div3A_112 {strides = array<i32>} : memref<256xf32, #tpu.memory_space<vmem>>, vector<16xf32>,
    }
    %scan3A_26 = arith.constant 16 : i32
    %scan3A_27 = arith.constant 0 : i32
    %scan3A_28 = arith.constant 128 : i32
    %scan3A_29 = arith.addi %scan3A_27, %scan3A_28 : i32
    %scan3A_30 = arith.constant 1 : i32
    scf.for %scan3A_107 = %scan3A_27 to %scan3A_29 step %scan3A_30  : i32 {
      %mul3A_108 = arith.constant 8192 : i32
      %mul3A_109 = arith.muli %mul3A_2, %mul3A_108 : i32
      %mul3A_110 = arith.constant 16384 : i32
      %mul3A_111 = arith.muli %scan3A_107, %mul3A_110 : i32
      %add3A_112 = arith.addi %mul3A_109, %mul3A_111 : i32
      %dma_wait3A = tpu.memref_slice %arg3[%add3A_112] : memref<67108864xf32, #tpu.memory_space<hbm>> -> memref<16384xf32, #tpu.memory_space<hbm>>
      %dma_wait3A_113 = tpu.memref_slice %arg3[%add3A_112] : memref<67108864xf32, #tpu.memory_space<hbm>> -> memref<16384xf32, #tpu.memory_space<hbm>>
      tpu.wait_dma2 semaphore(%arg10 : memref<!tpu.dma_semaphore, #tpu.memory_space<semaphore_mem>>) src(%arg9 : memref<16384xf32, #tpu.memory_space<vmem>>) dst(%dma_wait3A_113 : memref<16384xf32, #tpu.memory_space<hbm>>)
    }
    %scan3A_31 = arith.constant 128 : i32
    %scan3A_32 = arith.constant 0 : i32
    %scan3A_33 = arith.constant 16 : i32
    %scan3A_34 = arith.addi %scan3A_32, %scan3A_33 : i32
    %scan3A_35 = arith.constant 1 : i32
    scf.for %scan3A_107 = %scan3A_32 to %scan3A_34 step %scan3A_35  : i32 {
      %mul3A_108 = arith.constant 128 : i32
      %mul3A_109 = arith.muli %scan3A_107, %mul3A_108 : i32
      %add3A_110 = arith.constant 0 : i32
      %add3A_111 = arith.addi %add3A_110, %mul3A_109 : i32
      %mul3A_112 = arith.constant 8 : i32
      %mul3A_113 = arith.muli %mul3A_2, %mul3A_112 : i32
      %add3A_114 = arith.addi %mul3A_113, %add3A_111 : i32
      %get3A = arith.index_cast %add3A_114 : i32 to index
      %get3A_115 = tpu.vector_load %arg4[%get3A] {strides = array<i32>} : memref<65536xi32, #tpu.memory_space<vmem>>, vector<16xi32>,
      %add3A_116 = vector.broadcast %add3A_111 : i32 to vector<16xi32>
      %add3A_117 = arith.addi %add3A_116, %iota3A : vector<16xi32>
      %shift_right_logical3A = arith.constant 3 : i32
      %shift_right_logical3A_118 = vector.broadcast %shift_right_logical3A : i32 to vector<16xi32>
      %shift_right_logical3A_119 = arith.shrui %add3A_117, %shift_right_logical3A_118 : vector<16xi32>
      %add3A_120 = vector.broadcast %mul3A_2 : i32 to vector<16xi32>
      %add3A_121 = arith.addi %add3A_120, %shift_right_logical3A_119 : vector<16xi32>
      %mul3A_122 = arith.constant 8192 : i32
      %mul3A_123 = vector.broadcast %mul3A_122 : i32 to vector<16xi32>
      %mul3A_124 = arith.muli %add3A_121, %mul3A_123 : vector<16xi32>
      %add3A_125 = arith.addi %mul3A_124, %get3A_115 : vector<16xi32>
      %swap3A = arith.index_cast %scan3A_107 : i32 to index
      %swap3A_126 = arith.constant 0 : index
      %swap3A_127 = tpu.vector_load %arg5[%swap3A, %swap3A_126] {strides = array<i32>} : memref<128x128xi32, #tpu.memory_space<vmem>>, vector<16xi32>,
      tpu.vector_store %arg5[%swap3A, %swap3A_126], %add3A_125 {strides = array<i32>} : memref<128x128xi32, #tpu.memory_space<vmem>>, vector<16xi32>,
      %gather3A = tpu.vector_load_idx %arg8[%shift_right_logical3A_119] : memref<256xf32, #tpu.memory_space<vmem>>[vector<16xi32>], vector<16xf32>,
      %swap3A_128 = arith.index_cast %scan3A_107 : i32 to index
      %swap3A_129 = arith.constant 0 : index
      %swap3A_130 = tpu.vector_load %arg6[%swap3A_128, %swap3A_129] {strides = array<i32>} : memref<128x128xf32, #tpu.memory_space<vmem>>, vector<16xf32>,
      tpu.vector_store %arg6[%swap3A_128, %swap3A_129], %gather3A {strides = array<i32>} : memref<128x128xf32, #tpu.memory_space<vmem>>, vector<16xf32>,
      %mul3A_131 = arith.constant 128 : i32
      %mul3A_132 = arith.muli %scan3A_107, %mul3A_131 : i32
      %add3A_133 = arith.constant 16 : i32
      %add3A_134 = arith.addi %add3A_133, %mul3A_132 : i32
      %mul3A_135 = arith.constant 8 : i32
      %mul3A_136 = arith.muli %mul3A_2, %mul3A_135 : i32
      %add3A_137 = arith.addi %mul3A_136, %add3A_134 : i32
      %get3A_138 = arith.index_cast %add3A_137 : i32 to index
      %get3A_139 = tpu.vector_load %arg4[%get3A_138] {strides = array<i32>} : memref<65536xi32, #tpu.memory_space<vmem>>, vector<16xi32>,
      %add3A_140 = vector.broadcast %add3A_134 : i32 to vector<16xi32>
      %add3A_141 = arith.addi %add3A_140, %iota3A : vector<16xi32>
      %shift_right_logical3A_142 = arith.constant 3 : i32
      %shift_right_logical3A_143 = vector.broadcast %shift_right_logical3A_142 : i32 to vector<16xi32>
      %shift_right_logical3A_144 = arith.shrui %add3A_141, %shift_right_logical3A_143 : vector<16xi32>
      %add3A_145 = vector.broadcast %mul3A_2 : i32 to vector<16xi32>
      %add3A_146 = arith.addi %add3A_145, %shift_right_logical3A_144 : vector<16xi32>
      %mul3A_147 = arith.constant 8192 : i32
      %mul3A_148 = vector.broadcast %mul3A_147 : i32 to vector<16xi32>
      %mul3A_149 = arith.muli %add3A_146, %mul3A_148 : vector<16xi32>
      %add3A_150 = arith.addi %mul3A_149, %get3A_139 : vector<16xi32>
      %swap3A_151 = arith.index_cast %scan3A_107 : i32 to index
      %swap3A_152 = arith.constant 16 : index
      %swap3A_153 = tpu.vector_load %arg5[%swap3A_151, %swap3A_152] {strides = array<i32>} : memref<128x128xi32, #tpu.memory_space<vmem>>, vector<16xi32>,
      tpu.vector_store %arg5[%swap3A_151, %swap3A_152], %add3A_150 {strides = array<i32>} : memref<128x128xi32, #tpu.memory_space<vmem>>, vector<16xi32>,
      %gather3A_154 = tpu.vector_load_idx %arg8[%shift_right_logical3A_144] : memref<256xf32, #tpu.memory_space<vmem>>[vector<16xi32>], vector<16xf32>,
      %swap3A_155 = arith.index_cast %scan3A_107 : i32 to index
      %swap3A_156 = arith.constant 16 : index
      %swap3A_157 = tpu.vector_load %arg6[%swap3A_155, %swap3A_156] {strides = array<i32>} : memref<128x128xf32, #tpu.memory_space<vmem>>, vector<16xf32>,
      tpu.vector_store %arg6[%swap3A_155, %swap3A_156], %gather3A_154 {strides = array<i32>} : memref<128x128xf32, #tpu.memory_space<vmem>>, vector<16xf32>,
      %mul3A_158 = arith.constant 128 : i32
      %mul3A_159 = arith.muli %scan3A_107, %mul3A_158 : i32
      %add3A_160 = arith.constant 32 : i32
      %add3A_161 = arith.addi %add3A_160, %mul3A_159 : i32
      %mul3A_162 = arith.constant 8 : i32
      %mul3A_163 = arith.muli %mul3A_2, %mul3A_162 : i32
      %add3A_164 = arith.addi %mul3A_163, %add3A_161 : i32
      %get3A_165 = arith.index_cast %add3A_164 : i32 to index
      %get3A_166 = tpu.vector_load %arg4[%get3A_165] {strides = array<i32>} : memref<65536xi32, #tpu.memory_space<vmem>>, vector<16xi32>,
      %add3A_167 = vector.broadcast %add3A_161 : i32 to vector<16xi32>
      %add3A_168 = arith.addi %add3A_167, %iota3A : vector<16xi32>
      %shift_right_logical3A_169 = arith.constant 3 : i32
      %shift_right_logical3A_170 = vector.broadcast %shift_right_logical3A_169 : i32 to vector<16xi32>
      %shift_right_logical3A_171 = arith.shrui %add3A_168, %shift_right_logical3A_170 : vector<16xi32>
      %add3A_172 = vector.broadcast %mul3A_2 : i32 to vector<16xi32>
      %add3A_173 = arith.addi %add3A_172, %shift_right_logical3A_171 : vector<16xi32>
      %mul3A_174 = arith.constant 8192 : i32
      %mul3A_175 = vector.broadcast %mul3A_174 : i32 to vector<16xi32>
      %mul3A_176 = arith.muli %add3A_173, %mul3A_175 : vector<16xi32>
      %add3A_177 = arith.addi %mul3A_176, %get3A_166 : vector<16xi32>
      %swap3A_178 = arith.index_cast %scan3A_107 : i32 to index
      %swap3A_179 = arith.constant 32 : index
      %swap3A_180 = tpu.vector_load %arg5[%swap3A_178, %swap3A_179] {strides = array<i32>} : memref<128x128xi32, #tpu.memory_space<vmem>>, vector<16xi32>,
      tpu.vector_store %arg5[%swap3A_178, %swap3A_179], %add3A_177 {strides = array<i32>} : memref<128x128xi32, #tpu.memory_space<vmem>>, vector<16xi32>,
      %gather3A_181 = tpu.vector_load_idx %arg8[%shift_right_logical3A_171] : memref<256xf32, #tpu.memory_space<vmem>>[vector<16xi32>], vector<16xf32>,
      %swap3A_182 = arith.index_cast %scan3A_107 : i32 to index
      %swap3A_183 = arith.constant 32 : index
      %swap3A_184 = tpu.vector_load %arg6[%swap3A_182, %swap3A_183] {strides = array<i32>} : memref<128x128xf32, #tpu.memory_space<vmem>>, vector<16xf32>,
      tpu.vector_store %arg6[%swap3A_182, %swap3A_183], %gather3A_181 {strides = array<i32>} : memref<128x128xf32, #tpu.memory_space<vmem>>, vector<16xf32>,
      %mul3A_185 = arith.constant 128 : i32
      %mul3A_186 = arith.muli %scan3A_107, %mul3A_185 : i32
      %add3A_187 = arith.constant 48 : i32
      %add3A_188 = arith.addi %add3A_187, %mul3A_186 : i32
      %mul3A_189 = arith.constant 8 : i32
      %mul3A_190 = arith.muli %mul3A_2, %mul3A_189 : i32
      %add3A_191 = arith.addi %mul3A_190, %add3A_188 : i32
      %get3A_192 = arith.index_cast %add3A_191 : i32 to index
      %get3A_193 = tpu.vector_load %arg4[%get3A_192] {strides = array<i32>} : memref<65536xi32, #tpu.memory_space<vmem>>, vector<16xi32>,
      %add3A_194 = vector.broadcast %add3A_188 : i32 to vector<16xi32>
      %add3A_195 = arith.addi %add3A_194, %iota3A : vector<16xi32>
      %shift_right_logical3A_196 = arith.constant 3 : i32
      %shift_right_logical3A_197 = vector.broadcast %shift_right_logical3A_196 : i32 to vector<16xi32>
      %shift_right_logical3A_198 = arith.shrui %add3A_195, %shift_right_logical3A_197 : vector<16xi32>
      %add3A_199 = vector.broadcast %mul3A_2 : i32 to vector<16xi32>
      %add3A_200 = arith.addi %add3A_199, %shift_right_logical3A_198 : vector<16xi32>
      %mul3A_201 = arith.constant 8192 : i32
      %mul3A_202 = vector.broadcast %mul3A_201 : i32 to vector<16xi32>
      %mul3A_203 = arith.muli %add3A_200, %mul3A_202 : vector<16xi32>
      %add3A_204 = arith.addi %mul3A_203, %get3A_193 : vector<16xi32>
      %swap3A_205 = arith.index_cast %scan3A_107 : i32 to index
      %swap3A_206 = arith.constant 48 : index
      %swap3A_207 = tpu.vector_load %arg5[%swap3A_205, %swap3A_206] {strides = array<i32>} : memref<128x128xi32, #tpu.memory_space<vmem>>, vector<16xi32>,
      tpu.vector_store %arg5[%swap3A_205, %swap3A_206], %add3A_204 {strides = array<i32>} : memref<128x128xi32, #tpu.memory_space<vmem>>, vector<16xi32>,
      %gather3A_208 = tpu.vector_load_idx %arg8[%shift_right_logical3A_198] : memref<256xf32, #tpu.memory_space<vmem>>[vector<16xi32>], vector<16xf32>,
      %swap3A_209 = arith.index_cast %scan3A_107 : i32 to index
      %swap3A_210 = arith.constant 48 : index
      %swap3A_211 = tpu.vector_load %arg6[%swap3A_209, %swap3A_210] {strides = array<i32>} : memref<128x128xf32, #tpu.memory_space<vmem>>, vector<16xf32>,
      tpu.vector_store %arg6[%swap3A_209, %swap3A_210], %gather3A_208 {strides = array<i32>} : memref<128x128xf32, #tpu.memory_space<vmem>>, vector<16xf32>,
      %mul3A_212 = arith.constant 128 : i32
      %mul3A_213 = arith.muli %scan3A_107, %mul3A_212 : i32
      %add3A_214 = arith.constant 64 : i32
      %add3A_215 = arith.addi %add3A_214, %mul3A_213 : i32
      %mul3A_216 = arith.constant 8 : i32
      %mul3A_217 = arith.muli %mul3A_2, %mul3A_216 : i32
      %add3A_218 = arith.addi %mul3A_217, %add3A_215 : i32
      %get3A_219 = arith.index_cast %add3A_218 : i32 to index
      %get3A_220 = tpu.vector_load %arg4[%get3A_219] {strides = array<i32>} : memref<65536xi32, #tpu.memory_space<vmem>>, vector<16xi32>,
      %add3A_221 = vector.broadcast %add3A_215 : i32 to vector<16xi32>
      %add3A_222 = arith.addi %add3A_221, %iota3A : vector<16xi32>
      %shift_right_logical3A_223 = arith.constant 3 : i32
      %shift_right_logical3A_224 = vector.broadcast %shift_right_logical3A_223 : i32 to vector<16xi32>
      %shift_right_logical3A_225 = arith.shrui %add3A_222, %shift_right_logical3A_224 : vector<16xi32>
      %add3A_226 = vector.broadcast %mul3A_2 : i32 to vector<16xi32>
      %add3A_227 = arith.addi %add3A_226, %shift_right_logical3A_225 : vector<16xi32>
      %mul3A_228 = arith.constant 8192 : i32
      %mul3A_229 = vector.broadcast %mul3A_228 : i32 to vector<16xi32>
      %mul3A_230 = arith.muli %add3A_227, %mul3A_229 : vector<16xi32>
      %add3A_231 = arith.addi %mul3A_230, %get3A_220 : vector<16xi32>
      %swap3A_232 = arith.index_cast %scan3A_107 : i32 to index
      %swap3A_233 = arith.constant 64 : index
      %swap3A_234 = tpu.vector_load %arg5[%swap3A_232, %swap3A_233] {strides = array<i32>} : memref<128x128xi32, #tpu.memory_space<vmem>>, vector<16xi32>,
      tpu.vector_store %arg5[%swap3A_232, %swap3A_233], %add3A_231 {strides = array<i32>} : memref<128x128xi32, #tpu.memory_space<vmem>>, vector<16xi32>,
      %gather3A_235 = tpu.vector_load_idx %arg8[%shift_right_logical3A_225] : memref<256xf32, #tpu.memory_space<vmem>>[vector<16xi32>], vector<16xf32>,
      %swap3A_236 = arith.index_cast %scan3A_107 : i32 to index
      %swap3A_237 = arith.constant 64 : index
      %swap3A_238 = tpu.vector_load %arg6[%swap3A_236, %swap3A_237] {strides = array<i32>} : memref<128x128xf32, #tpu.memory_space<vmem>>, vector<16xf32>,
      tpu.vector_store %arg6[%swap3A_236, %swap3A_237], %gather3A_235 {strides = array<i32>} : memref<128x128xf32, #tpu.memory_space<vmem>>, vector<16xf32>,
      %mul3A_239 = arith.constant 128 : i32
      %mul3A_240 = arith.muli %scan3A_107, %mul3A_239 : i32
      %add3A_241 = arith.constant 80 : i32
      %add3A_242 = arith.addi %add3A_241, %mul3A_240 : i32
      %mul3A_243 = arith.constant 8 : i32
      %mul3A_244 = arith.muli %mul3A_2, %mul3A_243 : i32
      %add3A_245 = arith.addi %mul3A_244, %add3A_242 : i32
      %get3A_246 = arith.index_cast %add3A_245 : i32 to index
      %get3A_247 = tpu.vector_load %arg4[%get3A_246] {strides = array<i32>} : memref<65536xi32, #tpu.memory_space<vmem>>, vector<16xi32>,
      %add3A_248 = vector.broadcast %add3A_242 : i32 to vector<16xi32>
      %add3A_249 = arith.addi %add3A_248, %iota3A : vector<16xi32>
      %shift_right_logical3A_250 = arith.constant 3 : i32
      %shift_right_logical3A_251 = vector.broadcast %shift_right_logical3A_250 : i32 to vector<16xi32>
      %shift_right_logical3A_252 = arith.shrui %add3A_249, %shift_right_logical3A_251 : vector<16xi32>
      %add3A_253 = vector.broadcast %mul3A_2 : i32 to vector<16xi32>
      %add3A_254 = arith.addi %add3A_253, %shift_right_logical3A_252 : vector<16xi32>
      %mul3A_255 = arith.constant 8192 : i32
      %mul3A_256 = vector.broadcast %mul3A_255 : i32 to vector<16xi32>
      %mul3A_257 = arith.muli %add3A_254, %mul3A_256 : vector<16xi32>
      %add3A_258 = arith.addi %mul3A_257, %get3A_247 : vector<16xi32>
      %swap3A_259 = arith.index_cast %scan3A_107 : i32 to index
      %swap3A_260 = arith.constant 80 : index
      %swap3A_261 = tpu.vector_load %arg5[%swap3A_259, %swap3A_260] {strides = array<i32>} : memref<128x128xi32, #tpu.memory_space<vmem>>, vector<16xi32>,
      tpu.vector_store %arg5[%swap3A_259, %swap3A_260], %add3A_258 {strides = array<i32>} : memref<128x128xi32, #tpu.memory_space<vmem>>, vector<16xi32>,
      %gather3A_262 = tpu.vector_load_idx %arg8[%shift_right_logical3A_252] : memref<256xf32, #tpu.memory_space<vmem>>[vector<16xi32>], vector<16xf32>,
      %swap3A_263 = arith.index_cast %scan3A_107 : i32 to index
      %swap3A_264 = arith.constant 80 : index
      %swap3A_265 = tpu.vector_load %arg6[%swap3A_263, %swap3A_264] {strides = array<i32>} : memref<128x128xf32, #tpu.memory_space<vmem>>, vector<16xf32>,
      tpu.vector_store %arg6[%swap3A_263, %swap3A_264], %gather3A_262 {strides = array<i32>} : memref<128x128xf32, #tpu.memory_space<vmem>>, vector<16xf32>,
      %mul3A_266 = arith.constant 128 : i32
      %mul3A_267 = arith.muli %scan3A_107, %mul3A_266 : i32
      %add3A_268 = arith.constant 96 : i32
      %add3A_269 = arith.addi %add3A_268, %mul3A_267 : i32
      %mul3A_270 = arith.constant 8 : i32
      %mul3A_271 = arith.muli %mul3A_2, %mul3A_270 : i32
      %add3A_272 = arith.addi %mul3A_271, %add3A_269 : i32
      %get3A_273 = arith.index_cast %add3A_272 : i32 to index
      %get3A_274 = tpu.vector_load %arg4[%get3A_273] {strides = array<i32>} : memref<65536xi32, #tpu.memory_space<vmem>>, vector<16xi32>,
      %add3A_275 = vector.broadcast %add3A_269 : i32 to vector<16xi32>
      %add3A_276 = arith.addi %add3A_275, %iota3A : vector<16xi32>
      %shift_right_logical3A_277 = arith.constant 3 : i32
      %shift_right_logical3A_278 = vector.broadcast %shift_right_logical3A_277 : i32 to vector<16xi32>
      %shift_right_logical3A_279 = arith.shrui %add3A_276, %shift_right_logical3A_278 : vector<16xi32>
      %add3A_280 = vector.broadcast %mul3A_2 : i32 to vector<16xi32>
      %add3A_281 = arith.addi %add3A_280, %shift_right_logical3A_279 : vector<16xi32>
      %mul3A_282 = arith.constant 8192 : i32
      %mul3A_283 = vector.broadcast %mul3A_282 : i32 to vector<16xi32>
      %mul3A_284 = arith.muli %add3A_281, %mul3A_283 : vector<16xi32>
      %add3A_285 = arith.addi %mul3A_284, %get3A_274 : vector<16xi32>
      %swap3A_286 = arith.index_cast %scan3A_107 : i32 to index
      %swap3A_287 = arith.constant 96 : index
      %swap3A_288 = tpu.vector_load %arg5[%swap3A_286, %swap3A_287] {strides = array<i32>} : memref<128x128xi32, #tpu.memory_space<vmem>>, vector<16xi32>,
      tpu.vector_store %arg5[%swap3A_286, %swap3A_287], %add3A_285 {strides = array<i32>} : memref<128x128xi32, #tpu.memory_space<vmem>>, vector<16xi32>,
      %gather3A_289 = tpu.vector_load_idx %arg8[%shift_right_logical3A_279] : memref<256xf32, #tpu.memory_space<vmem>>[vector<16xi32>], vector<16xf32>,
      %swap3A_290 = arith.index_cast %scan3A_107 : i32 to index
      %swap3A_291 = arith.constant 96 : index
      %swap3A_292 = tpu.vector_load %arg6[%swap3A_290, %swap3A_291] {strides = array<i32>} : memref<128x128xf32, #tpu.memory_space<vmem>>, vector<16xf32>,
      tpu.vector_store %arg6[%swap3A_290, %swap3A_291], %gather3A_289 {strides = array<i32>} : memref<128x128xf32, #tpu.memory_space<vmem>>, vector<16xf32>,
      %mul3A_293 = arith.constant 128 : i32
      %mul3A_294 = arith.muli %scan3A_107, %mul3A_293 : i32
      %add3A_295 = arith.constant 112 : i32
      %add3A_296 = arith.addi %add3A_295, %mul3A_294 : i32
      %mul3A_297 = arith.constant 8 : i32
      %mul3A_298 = arith.muli %mul3A_2, %mul3A_297 : i32
      %add3A_299 = arith.addi %mul3A_298, %add3A_296 : i32
      %get3A_300 = arith.index_cast %add3A_299 : i32 to index
      %get3A_301 = tpu.vector_load %arg4[%get3A_300] {strides = array<i32>} : memref<65536xi32, #tpu.memory_space<vmem>>, vector<16xi32>,
      %add3A_302 = vector.broadcast %add3A_296 : i32 to vector<16xi32>
      %add3A_303 = arith.addi %add3A_302, %iota3A : vector<16xi32>
      %shift_right_logical3A_304 = arith.constant 3 : i32
      %shift_right_logical3A_305 = vector.broadcast %shift_right_logical3A_304 : i32 to vector<16xi32>
      %shift_right_logical3A_306 = arith.shrui %add3A_303, %shift_right_logical3A_305 : vector<16xi32>
      %add3A_307 = vector.broadcast %mul3A_2 : i32 to vector<16xi32>
      %add3A_308 = arith.addi %add3A_307, %shift_right_logical3A_306 : vector<16xi32>
      %mul3A_309 = arith.constant 8192 : i32
      %mul3A_310 = vector.broadcast %mul3A_309 : i32 to vector<16xi32>
      %mul3A_311 = arith.muli %add3A_308, %mul3A_310 : vector<16xi32>
      %add3A_312 = arith.addi %mul3A_311, %get3A_301 : vector<16xi32>
      %swap3A_313 = arith.index_cast %scan3A_107 : i32 to index
      %swap3A_314 = arith.constant 112 : index
      %swap3A_315 = tpu.vector_load %arg5[%swap3A_313, %swap3A_314] {strides = array<i32>} : memref<128x128xi32, #tpu.memory_space<vmem>>, vector<16xi32>,
      tpu.vector_store %arg5[%swap3A_313, %swap3A_314], %add3A_312 {strides = array<i32>} : memref<128x128xi32, #tpu.memory_space<vmem>>, vector<16xi32>,
      %gather3A_316 = tpu.vector_load_idx %arg8[%shift_right_logical3A_306] : memref<256xf32, #tpu.memory_space<vmem>>[vector<16xi32>], vector<16xf32>,
      %swap3A_317 = arith.index_cast %scan3A_107 : i32 to index
      %swap3A_318 = arith.constant 112 : index
      %swap3A_319 = tpu.vector_load %arg6[%swap3A_317, %swap3A_318] {strides = array<i32>} : memref<128x128xf32, #tpu.memory_space<vmem>>, vector<16xf32>,
      tpu.vector_store %arg6[%swap3A_317, %swap3A_318], %gather3A_316 {strides = array<i32>} : memref<128x128xf32, #tpu.memory_space<vmem>>, vector<16xf32>,
    }
    %scan3A_36 = arith.constant 16 : i32
    %scan3A_37 = arith.constant 0 : i32
    %scan3A_38 = arith.constant 16 : i32
    %scan3A_39 = arith.addi %scan3A_37, %scan3A_38 : i32
    %scan3A_40 = arith.constant 1 : i32
    scf.for %scan3A_107 = %scan3A_37 to %scan3A_39 step %scan3A_40  : i32 {
      %dma_start3A = arith.constant 0 : i32
      %dma_start3A_108 = tpu.memref_slice %arg6[%scan3A_107, %dma_start3A] : memref<128x128xf32, #tpu.memory_space<vmem>> -> memref<1x128xf32, #tpu.memory_space<vmem>>
      %dma_start3A_109 = tpu.memref_squeeze %dma_start3A_108 : memref<1x128xf32, #tpu.memory_space<vmem>> -> memref<128xf32, #tpu.memory_space<vmem>>
      %dma_start3A_110 = arith.constant 0 : i32
      %dma_start3A_111 = tpu.memref_slice %arg5[%scan3A_107, %dma_start3A_110] : memref<128x128xi32, #tpu.memory_space<vmem>> -> memref<1x128xi32, #tpu.memory_space<vmem>>
      %dma_start3A_112 = tpu.memref_squeeze %dma_start3A_111 : memref<1x128xi32, #tpu.memory_space<vmem>> -> memref<128xi32, #tpu.memory_space<vmem>>
      %dma_start3A_113 = arith.constant 0 : i32
      %dma_start3A_114 = tpu.memref_slice %arg3[%dma_start3A_113] : memref<67108864xf32, #tpu.memory_space<hbm>> -> memref<67108864xf32, #tpu.memory_space<hbm>>
      tpu.enqueue_indirect_dma source(%dma_start3A_109 : memref<128xf32, #tpu.memory_space<vmem>>) target(%dma_start3A_114 : memref<67108864xf32, #tpu.memory_space<hbm>>) offsets(%dma_start3A_112 : memref<128xi32, #tpu.memory_space<vmem>>) semaphore(%arg11 : memref<!tpu.dma_semaphore, #tpu.memory_space<semaphore_mem>>)
    }
    %scan3A_41 = arith.constant 16 : i32
    %scan3A_42 = arith.constant 0 : i32
    %scan3A_43 = arith.constant 16 : i32
    %scan3A_44 = arith.addi %scan3A_42, %scan3A_43 : i32
    %scan3A_45 = arith.constant 1 : i32
    scf.for %scan3A_107 = %scan3A_42 to %scan3A_44 step %scan3A_45  : i32 {
      %dma_wait3A = arith.constant 0 : i32
      %dma_wait3A_108 = tpu.memref_slice %arg6[%scan3A_107, %dma_wait3A] : memref<128x128xf32, #tpu.memory_space<vmem>> -> memref<1x128xf32, #tpu.memory_space<vmem>>
      %dma_wait3A_109 = tpu.memref_squeeze %dma_wait3A_108 : memref<1x128xf32, #tpu.memory_space<vmem>> -> memref<128xf32, #tpu.memory_space<vmem>>
      %dma_wait3A_110 = arith.constant 0 : i32
      %dma_wait3A_111 = tpu.memref_slice %arg5[%scan3A_107, %dma_wait3A_110] : memref<128x128xi32, #tpu.memory_space<vmem>> -> memref<1x128xi32, #tpu.memory_space<vmem>>
      %dma_wait3A_112 = tpu.memref_squeeze %dma_wait3A_111 : memref<1x128xi32, #tpu.memory_space<vmem>> -> memref<128xi32, #tpu.memory_space<vmem>>
      %dma_wait3A_113 = arith.constant 0 : i32
      %dma_wait3A_114 = tpu.memref_slice %arg3[%dma_wait3A_113] : memref<67108864xf32, #tpu.memory_space<hbm>> -> memref<67108864xf32, #tpu.memory_space<hbm>>
      tpu.wait_indirect_dma semaphore(%arg11 : memref<!tpu.dma_semaphore, #tpu.memory_space<semaphore_mem>>) src(%dma_wait3A_109 : memref<128xf32, #tpu.memory_space<vmem>>) dst(%dma_wait3A_114 : memref<67108864xf32, #tpu.memory_space<hbm>>)
    }
    %scan3A_46 = arith.constant 16 : i32
    %scan3A_47 = arith.constant 0 : i32
    %scan3A_48 = arith.constant 128 : i32
    %scan3A_49 = arith.addi %scan3A_47, %scan3A_48 : i32
    %scan3A_50 = arith.constant 1 : i32
    scf.for %scan3A_107 = %scan3A_47 to %scan3A_49 step %scan3A_50  : i32 {
      %mul3A_108 = arith.constant 128 : i32
      %mul3A_109 = arith.muli %scan3A_107, %mul3A_108 : i32
      %add3A_110 = arith.constant 0 : i32
      %add3A_111 = arith.addi %add3A_110, %mul3A_109 : i32
      %get3A = arith.index_cast %add3A_111 : i32 to index
      %get3A_112 = tpu.vector_load %arg4[%get3A] {strides = array<i32>} : memref<65536xi32, #tpu.memory_space<vmem>>, vector<16xi32>,
      %mul3A_113 = arith.constant 128 : i32
      %mul3A_114 = arith.muli %scan3A_107, %mul3A_113 : i32
      %add3A_115 = arith.constant 0 : i32
      %add3A_116 = arith.addi %add3A_115, %mul3A_114 : i32
      %add3A_117 = vector.broadcast %add3A_116 : i32 to vector<16xi32>
      %add3A_118 = arith.addi %add3A_117, %iota3A : vector<16xi32>
      %shift_right_logical3A = arith.constant 3 : i32
      %shift_right_logical3A_119 = vector.broadcast %shift_right_logical3A : i32 to vector<16xi32>
      %shift_right_logical3A_120 = arith.shrui %add3A_118, %shift_right_logical3A_119 : vector<16xi32>
      %ge3A = vector.broadcast %mul3A_2 : i32 to vector<16xi32>
      %ge3A_121 = arith.cmpi sge, %get3A_112, %ge3A : vector<16xi32>
      %add3A_122 = arith.constant 256 : i32
      %add3A_123 = arith.addi %mul3A_2, %add3A_122 : i32
      %lt3A = vector.broadcast %add3A_123 : i32 to vector<16xi32>
      %lt3A_124 = arith.cmpi slt, %get3A_112, %lt3A : vector<16xi32>
      %and3A = arith.andi %ge3A_121, %lt3A_124 : vector<16xi1>
      %sub3A = vector.broadcast %mul3A_2 : i32 to vector<16xi32>
      %sub3A_125 = arith.subi %get3A_112, %sub3A : vector<16xi32>
      %jit3A = arith.constant 0 : i32
      %broadcast_in_dim3A = vector.broadcast %jit3A : i32 to vector<16xi32>
      %select_n3A = arith.select %and3A, %sub3A_125, %broadcast_in_dim3A : vector<16xi1>, vector<16xi32>
      %add3A_126 = arith.constant 0 : i32
      %add3A_127 = arith.addi %mul3A_2, %add3A_126 : i32
      %add3A_128 = vector.broadcast %add3A_127 : i32 to vector<16xi32>
      %add3A_129 = arith.addi %add3A_128, %iota3A : vector<16xi32>
      %mul3A_130 = arith.constant 8193 : i32
      %mul3A_131 = vector.broadcast %mul3A_130 : i32 to vector<16xi32>
      %mul3A_132 = arith.muli %add3A_129, %mul3A_131 : vector<16xi32>
      %mul3A_133 = arith.constant 8192 : i32
      %mul3A_134 = vector.broadcast %mul3A_133 : i32 to vector<16xi32>
      %mul3A_135 = arith.muli %get3A_112, %mul3A_134 : vector<16xi32>
      %add3A_136 = arith.addi %mul3A_135, %shift_right_logical3A_120 : vector<16xi32>
      %select_n3A_137 = arith.select %and3A, %add3A_136, %mul3A_132 : vector<16xi1>, vector<16xi32>
      %gather3A = tpu.vector_load_idx %arg8[%select_n3A] : memref<256xf32, #tpu.memory_space<vmem>>[vector<16xi32>], vector<16xf32>,
      %jit3A_138 = arith.constant 0.000000e+00 : f32
      %broadcast_in_dim3A_139 = vector.broadcast %jit3A_138 : f32 to vector<16xf32>
      %select_n3A_140 = arith.select %and3A, %gather3A, %broadcast_in_dim3A_139 : vector<16xi1>, vector<16xf32>
      %swap3A = arith.index_cast %scan3A_107 : i32 to index
      %swap3A_141 = arith.constant 0 : index
      %swap3A_142 = tpu.vector_load %arg5[%swap3A, %swap3A_141] {strides = array<i32>} : memref<128x128xi32, #tpu.memory_space<vmem>>, vector<16xi32>,
      tpu.vector_store %arg5[%swap3A, %swap3A_141], %select_n3A_137 {strides = array<i32>} : memref<128x128xi32, #tpu.memory_space<vmem>>, vector<16xi32>,
      %swap3A_143 = arith.index_cast %scan3A_107 : i32 to index
      %swap3A_144 = arith.constant 0 : index
      %swap3A_145 = tpu.vector_load %arg6[%swap3A_143, %swap3A_144] {strides = array<i32>} : memref<128x128xf32, #tpu.memory_space<vmem>>, vector<16xf32>,
      tpu.vector_store %arg6[%swap3A_143, %swap3A_144], %select_n3A_140 {strides = array<i32>} : memref<128x128xf32, #tpu.memory_space<vmem>>, vector<16xf32>,
      %mul3A_146 = arith.constant 128 : i32
      %mul3A_147 = arith.muli %scan3A_107, %mul3A_146 : i32
      %add3A_148 = arith.constant 16 : i32
      %add3A_149 = arith.addi %add3A_148, %mul3A_147 : i32
      %get3A_150 = arith.index_cast %add3A_149 : i32 to index
      %get3A_151 = tpu.vector_load %arg4[%get3A_150] {strides = array<i32>} : memref<65536xi32, #tpu.memory_space<vmem>>, vector<16xi32>,
      %mul3A_152 = arith.constant 128 : i32
      %mul3A_153 = arith.muli %scan3A_107, %mul3A_152 : i32
      %add3A_154 = arith.constant 16 : i32
      %add3A_155 = arith.addi %add3A_154, %mul3A_153 : i32
      %add3A_156 = vector.broadcast %add3A_155 : i32 to vector<16xi32>
      %add3A_157 = arith.addi %add3A_156, %iota3A : vector<16xi32>
      %shift_right_logical3A_158 = arith.constant 3 : i32
      %shift_right_logical3A_159 = vector.broadcast %shift_right_logical3A_158 : i32 to vector<16xi32>
      %shift_right_logical3A_160 = arith.shrui %add3A_157, %shift_right_logical3A_159 : vector<16xi32>
      %ge3A_161 = vector.broadcast %mul3A_2 : i32 to vector<16xi32>
      %ge3A_162 = arith.cmpi sge, %get3A_151, %ge3A_161 : vector<16xi32>
      %add3A_163 = arith.constant 256 : i32
      %add3A_164 = arith.addi %mul3A_2, %add3A_163 : i32
      %lt3A_165 = vector.broadcast %add3A_164 : i32 to vector<16xi32>
      %lt3A_166 = arith.cmpi slt, %get3A_151, %lt3A_165 : vector<16xi32>
      %and3A_167 = arith.andi %ge3A_162, %lt3A_166 : vector<16xi1>
      %sub3A_168 = vector.broadcast %mul3A_2 : i32 to vector<16xi32>
      %sub3A_169 = arith.subi %get3A_151, %sub3A_168 : vector<16xi32>
      %jit3A_170 = arith.constant 0 : i32
      %broadcast_in_dim3A_171 = vector.broadcast %jit3A_170 : i32 to vector<16xi32>
      %select_n3A_172 = arith.select %and3A_167, %sub3A_169, %broadcast_in_dim3A_171 : vector<16xi1>, vector<16xi32>
      %add3A_173 = arith.constant 16 : i32
      %add3A_174 = arith.addi %mul3A_2, %add3A_173 : i32
      %add3A_175 = vector.broadcast %add3A_174 : i32 to vector<16xi32>
      %add3A_176 = arith.addi %add3A_175, %iota3A : vector<16xi32>
      %mul3A_177 = arith.constant 8193 : i32
      %mul3A_178 = vector.broadcast %mul3A_177 : i32 to vector<16xi32>
      %mul3A_179 = arith.muli %add3A_176, %mul3A_178 : vector<16xi32>
      %mul3A_180 = arith.constant 8192 : i32
      %mul3A_181 = vector.broadcast %mul3A_180 : i32 to vector<16xi32>
      %mul3A_182 = arith.muli %get3A_151, %mul3A_181 : vector<16xi32>
      %add3A_183 = arith.addi %mul3A_182, %shift_right_logical3A_160 : vector<16xi32>
      %select_n3A_184 = arith.select %and3A_167, %add3A_183, %mul3A_179 : vector<16xi1>, vector<16xi32>
      %gather3A_185 = tpu.vector_load_idx %arg8[%select_n3A_172] : memref<256xf32, #tpu.memory_space<vmem>>[vector<16xi32>], vector<16xf32>,
      %jit3A_186 = arith.constant 0.000000e+00 : f32
      %broadcast_in_dim3A_187 = vector.broadcast %jit3A_186 : f32 to vector<16xf32>
      %select_n3A_188 = arith.select %and3A_167, %gather3A_185, %broadcast_in_dim3A_187 : vector<16xi1>, vector<16xf32>
      %swap3A_189 = arith.index_cast %scan3A_107 : i32 to index
      %swap3A_190 = arith.constant 16 : index
      %swap3A_191 = tpu.vector_load %arg5[%swap3A_189, %swap3A_190] {strides = array<i32>} : memref<128x128xi32, #tpu.memory_space<vmem>>, vector<16xi32>,
      tpu.vector_store %arg5[%swap3A_189, %swap3A_190], %select_n3A_184 {strides = array<i32>} : memref<128x128xi32, #tpu.memory_space<vmem>>, vector<16xi32>,
      %swap3A_192 = arith.index_cast %scan3A_107 : i32 to index
      %swap3A_193 = arith.constant 16 : index
      %swap3A_194 = tpu.vector_load %arg6[%swap3A_192, %swap3A_193] {strides = array<i32>} : memref<128x128xf32, #tpu.memory_space<vmem>>, vector<16xf32>,
      tpu.vector_store %arg6[%swap3A_192, %swap3A_193], %select_n3A_188 {strides = array<i32>} : memref<128x128xf32, #tpu.memory_space<vmem>>, vector<16xf32>,
      %mul3A_195 = arith.constant 128 : i32
      %mul3A_196 = arith.muli %scan3A_107, %mul3A_195 : i32
      %add3A_197 = arith.constant 32 : i32
      %add3A_198 = arith.addi %add3A_197, %mul3A_196 : i32
      %get3A_199 = arith.index_cast %add3A_198 : i32 to index
      %get3A_200 = tpu.vector_load %arg4[%get3A_199] {strides = array<i32>} : memref<65536xi32, #tpu.memory_space<vmem>>, vector<16xi32>,
      %mul3A_201 = arith.constant 128 : i32
      %mul3A_202 = arith.muli %scan3A_107, %mul3A_201 : i32
      %add3A_203 = arith.constant 32 : i32
      %add3A_204 = arith.addi %add3A_203, %mul3A_202 : i32
      %add3A_205 = vector.broadcast %add3A_204 : i32 to vector<16xi32>
      %add3A_206 = arith.addi %add3A_205, %iota3A : vector<16xi32>
      %shift_right_logical3A_207 = arith.constant 3 : i32
      %shift_right_logical3A_208 = vector.broadcast %shift_right_logical3A_207 : i32 to vector<16xi32>
      %shift_right_logical3A_209 = arith.shrui %add3A_206, %shift_right_logical3A_208 : vector<16xi32>
      %ge3A_210 = vector.broadcast %mul3A_2 : i32 to vector<16xi32>
      %ge3A_211 = arith.cmpi sge, %get3A_200, %ge3A_210 : vector<16xi32>
      %add3A_212 = arith.constant 256 : i32
      %add3A_213 = arith.addi %mul3A_2, %add3A_212 : i32
      %lt3A_214 = vector.broadcast %add3A_213 : i32 to vector<16xi32>
      %lt3A_215 = arith.cmpi slt, %get3A_200, %lt3A_214 : vector<16xi32>
      %and3A_216 = arith.andi %ge3A_211, %lt3A_215 : vector<16xi1>
      %sub3A_217 = vector.broadcast %mul3A_2 : i32 to vector<16xi32>
      %sub3A_218 = arith.subi %get3A_200, %sub3A_217 : vector<16xi32>
      %jit3A_219 = arith.constant 0 : i32
      %broadcast_in_dim3A_220 = vector.broadcast %jit3A_219 : i32 to vector<16xi32>
      %select_n3A_221 = arith.select %and3A_216, %sub3A_218, %broadcast_in_dim3A_220 : vector<16xi1>, vector<16xi32>
      %add3A_222 = arith.constant 32 : i32
      %add3A_223 = arith.addi %mul3A_2, %add3A_222 : i32
      %add3A_224 = vector.broadcast %add3A_223 : i32 to vector<16xi32>
      %add3A_225 = arith.addi %add3A_224, %iota3A : vector<16xi32>
      %mul3A_226 = arith.constant 8193 : i32
      %mul3A_227 = vector.broadcast %mul3A_226 : i32 to vector<16xi32>
      %mul3A_228 = arith.muli %add3A_225, %mul3A_227 : vector<16xi32>
      %mul3A_229 = arith.constant 8192 : i32
      %mul3A_230 = vector.broadcast %mul3A_229 : i32 to vector<16xi32>
      %mul3A_231 = arith.muli %get3A_200, %mul3A_230 : vector<16xi32>
      %add3A_232 = arith.addi %mul3A_231, %shift_right_logical3A_209 : vector<16xi32>
      %select_n3A_233 = arith.select %and3A_216, %add3A_232, %mul3A_228 : vector<16xi1>, vector<16xi32>
      %gather3A_234 = tpu.vector_load_idx %arg8[%select_n3A_221] : memref<256xf32, #tpu.memory_space<vmem>>[vector<16xi32>], vector<16xf32>,
      %jit3A_235 = arith.constant 0.000000e+00 : f32
      %broadcast_in_dim3A_236 = vector.broadcast %jit3A_235 : f32 to vector<16xf32>
      %select_n3A_237 = arith.select %and3A_216, %gather3A_234, %broadcast_in_dim3A_236 : vector<16xi1>, vector<16xf32>
      %swap3A_238 = arith.index_cast %scan3A_107 : i32 to index
      %swap3A_239 = arith.constant 32 : index
      %swap3A_240 = tpu.vector_load %arg5[%swap3A_238, %swap3A_239] {strides = array<i32>} : memref<128x128xi32, #tpu.memory_space<vmem>>, vector<16xi32>,
      tpu.vector_store %arg5[%swap3A_238, %swap3A_239], %select_n3A_233 {strides = array<i32>} : memref<128x128xi32, #tpu.memory_space<vmem>>, vector<16xi32>,
      %swap3A_241 = arith.index_cast %scan3A_107 : i32 to index
      %swap3A_242 = arith.constant 32 : index
      %swap3A_243 = tpu.vector_load %arg6[%swap3A_241, %swap3A_242] {strides = array<i32>} : memref<128x128xf32, #tpu.memory_space<vmem>>, vector<16xf32>,
      tpu.vector_store %arg6[%swap3A_241, %swap3A_242], %select_n3A_237 {strides = array<i32>} : memref<128x128xf32, #tpu.memory_space<vmem>>, vector<16xf32>,
      %mul3A_244 = arith.constant 128 : i32
      %mul3A_245 = arith.muli %scan3A_107, %mul3A_244 : i32
      %add3A_246 = arith.constant 48 : i32
      %add3A_247 = arith.addi %add3A_246, %mul3A_245 : i32
      %get3A_248 = arith.index_cast %add3A_247 : i32 to index
      %get3A_249 = tpu.vector_load %arg4[%get3A_248] {strides = array<i32>} : memref<65536xi32, #tpu.memory_space<vmem>>, vector<16xi32>,
      %mul3A_250 = arith.constant 128 : i32
      %mul3A_251 = arith.muli %scan3A_107, %mul3A_250 : i32
      %add3A_252 = arith.constant 48 : i32
      %add3A_253 = arith.addi %add3A_252, %mul3A_251 : i32
      %add3A_254 = vector.broadcast %add3A_253 : i32 to vector<16xi32>
      %add3A_255 = arith.addi %add3A_254, %iota3A : vector<16xi32>
      %shift_right_logical3A_256 = arith.constant 3 : i32
      %shift_right_logical3A_257 = vector.broadcast %shift_right_logical3A_256 : i32 to vector<16xi32>
      %shift_right_logical3A_258 = arith.shrui %add3A_255, %shift_right_logical3A_257 : vector<16xi32>
      %ge3A_259 = vector.broadcast %mul3A_2 : i32 to vector<16xi32>
      %ge3A_260 = arith.cmpi sge, %get3A_249, %ge3A_259 : vector<16xi32>
      %add3A_261 = arith.constant 256 : i32
      %add3A_262 = arith.addi %mul3A_2, %add3A_261 : i32
      %lt3A_263 = vector.broadcast %add3A_262 : i32 to vector<16xi32>
      %lt3A_264 = arith.cmpi slt, %get3A_249, %lt3A_263 : vector<16xi32>
      %and3A_265 = arith.andi %ge3A_260, %lt3A_264 : vector<16xi1>
      %sub3A_266 = vector.broadcast %mul3A_2 : i32 to vector<16xi32>
      %sub3A_267 = arith.subi %get3A_249, %sub3A_266 : vector<16xi32>
      %jit3A_268 = arith.constant 0 : i32
      %broadcast_in_dim3A_269 = vector.broadcast %jit3A_268 : i32 to vector<16xi32>
      %select_n3A_270 = arith.select %and3A_265, %sub3A_267, %broadcast_in_dim3A_269 : vector<16xi1>, vector<16xi32>
      %add3A_271 = arith.constant 48 : i32
      %add3A_272 = arith.addi %mul3A_2, %add3A_271 : i32
      %add3A_273 = vector.broadcast %add3A_272 : i32 to vector<16xi32>
      %add3A_274 = arith.addi %add3A_273, %iota3A : vector<16xi32>
      %mul3A_275 = arith.constant 8193 : i32
      %mul3A_276 = vector.broadcast %mul3A_275 : i32 to vector<16xi32>
      %mul3A_277 = arith.muli %add3A_274, %mul3A_276 : vector<16xi32>
      %mul3A_278 = arith.constant 8192 : i32
      %mul3A_279 = vector.broadcast %mul3A_278 : i32 to vector<16xi32>
      %mul3A_280 = arith.muli %get3A_249, %mul3A_279 : vector<16xi32>
      %add3A_281 = arith.addi %mul3A_280, %shift_right_logical3A_258 : vector<16xi32>
      %select_n3A_282 = arith.select %and3A_265, %add3A_281, %mul3A_277 : vector<16xi1>, vector<16xi32>
      %gather3A_283 = tpu.vector_load_idx %arg8[%select_n3A_270] : memref<256xf32, #tpu.memory_space<vmem>>[vector<16xi32>], vector<16xf32>,
      %jit3A_284 = arith.constant 0.000000e+00 : f32
      %broadcast_in_dim3A_285 = vector.broadcast %jit3A_284 : f32 to vector<16xf32>
      %select_n3A_286 = arith.select %and3A_265, %gather3A_283, %broadcast_in_dim3A_285 : vector<16xi1>, vector<16xf32>
      %swap3A_287 = arith.index_cast %scan3A_107 : i32 to index
      %swap3A_288 = arith.constant 48 : index
      %swap3A_289 = tpu.vector_load %arg5[%swap3A_287, %swap3A_288] {strides = array<i32>} : memref<128x128xi32, #tpu.memory_space<vmem>>, vector<16xi32>,
      tpu.vector_store %arg5[%swap3A_287, %swap3A_288], %select_n3A_282 {strides = array<i32>} : memref<128x128xi32, #tpu.memory_space<vmem>>, vector<16xi32>,
      %swap3A_290 = arith.index_cast %scan3A_107 : i32 to index
      %swap3A_291 = arith.constant 48 : index
      %swap3A_292 = tpu.vector_load %arg6[%swap3A_290, %swap3A_291] {strides = array<i32>} : memref<128x128xf32, #tpu.memory_space<vmem>>, vector<16xf32>,
      tpu.vector_store %arg6[%swap3A_290, %swap3A_291], %select_n3A_286 {strides = array<i32>} : memref<128x128xf32, #tpu.memory_space<vmem>>, vector<16xf32>,
      %mul3A_293 = arith.constant 128 : i32
      %mul3A_294 = arith.muli %scan3A_107, %mul3A_293 : i32
      %add3A_295 = arith.constant 64 : i32
      %add3A_296 = arith.addi %add3A_295, %mul3A_294 : i32
      %get3A_297 = arith.index_cast %add3A_296 : i32 to index
      %get3A_298 = tpu.vector_load %arg4[%get3A_297] {strides = array<i32>} : memref<65536xi32, #tpu.memory_space<vmem>>, vector<16xi32>,
      %mul3A_299 = arith.constant 128 : i32
      %mul3A_300 = arith.muli %scan3A_107, %mul3A_299 : i32
      %add3A_301 = arith.constant 64 : i32
      %add3A_302 = arith.addi %add3A_301, %mul3A_300 : i32
      %add3A_303 = vector.broadcast %add3A_302 : i32 to vector<16xi32>
      %add3A_304 = arith.addi %add3A_303, %iota3A : vector<16xi32>
      %shift_right_logical3A_305 = arith.constant 3 : i32
      %shift_right_logical3A_306 = vector.broadcast %shift_right_logical3A_305 : i32 to vector<16xi32>
      %shift_right_logical3A_307 = arith.shrui %add3A_304, %shift_right_logical3A_306 : vector<16xi32>
      %ge3A_308 = vector.broadcast %mul3A_2 : i32 to vector<16xi32>
      %ge3A_309 = arith.cmpi sge, %get3A_298, %ge3A_308 : vector<16xi32>
      %add3A_310 = arith.constant 256 : i32
      %add3A_311 = arith.addi %mul3A_2, %add3A_310 : i32
      %lt3A_312 = vector.broadcast %add3A_311 : i32 to vector<16xi32>
      %lt3A_313 = arith.cmpi slt, %get3A_298, %lt3A_312 : vector<16xi32>
      %and3A_314 = arith.andi %ge3A_309, %lt3A_313 : vector<16xi1>
      %sub3A_315 = vector.broadcast %mul3A_2 : i32 to vector<16xi32>
      %sub3A_316 = arith.subi %get3A_298, %sub3A_315 : vector<16xi32>
      %jit3A_317 = arith.constant 0 : i32
      %broadcast_in_dim3A_318 = vector.broadcast %jit3A_317 : i32 to vector<16xi32>
      %select_n3A_319 = arith.select %and3A_314, %sub3A_316, %broadcast_in_dim3A_318 : vector<16xi1>, vector<16xi32>
      %add3A_320 = arith.constant 64 : i32
      %add3A_321 = arith.addi %mul3A_2, %add3A_320 : i32
      %add3A_322 = vector.broadcast %add3A_321 : i32 to vector<16xi32>
      %add3A_323 = arith.addi %add3A_322, %iota3A : vector<16xi32>
      %mul3A_324 = arith.constant 8193 : i32
      %mul3A_325 = vector.broadcast %mul3A_324 : i32 to vector<16xi32>
      %mul3A_326 = arith.muli %add3A_323, %mul3A_325 : vector<16xi32>
      %mul3A_327 = arith.constant 8192 : i32
      %mul3A_328 = vector.broadcast %mul3A_327 : i32 to vector<16xi32>
      %mul3A_329 = arith.muli %get3A_298, %mul3A_328 : vector<16xi32>
      %add3A_330 = arith.addi %mul3A_329, %shift_right_logical3A_307 : vector<16xi32>
      %select_n3A_331 = arith.select %and3A_314, %add3A_330, %mul3A_326 : vector<16xi1>, vector<16xi32>
      %gather3A_332 = tpu.vector_load_idx %arg8[%select_n3A_319] : memref<256xf32, #tpu.memory_space<vmem>>[vector<16xi32>], vector<16xf32>,
      %jit3A_333 = arith.constant 0.000000e+00 : f32
      %broadcast_in_dim3A_334 = vector.broadcast %jit3A_333 : f32 to vector<16xf32>
      %select_n3A_335 = arith.select %and3A_314, %gather3A_332, %broadcast_in_dim3A_334 : vector<16xi1>, vector<16xf32>
      %swap3A_336 = arith.index_cast %scan3A_107 : i32 to index
      %swap3A_337 = arith.constant 64 : index
      %swap3A_338 = tpu.vector_load %arg5[%swap3A_336, %swap3A_337] {strides = array<i32>} : memref<128x128xi32, #tpu.memory_space<vmem>>, vector<16xi32>,
      tpu.vector_store %arg5[%swap3A_336, %swap3A_337], %select_n3A_331 {strides = array<i32>} : memref<128x128xi32, #tpu.memory_space<vmem>>, vector<16xi32>,
      %swap3A_339 = arith.index_cast %scan3A_107 : i32 to index
      %swap3A_340 = arith.constant 64 : index
      %swap3A_341 = tpu.vector_load %arg6[%swap3A_339, %swap3A_340] {strides = array<i32>} : memref<128x128xf32, #tpu.memory_space<vmem>>, vector<16xf32>,
      tpu.vector_store %arg6[%swap3A_339, %swap3A_340], %select_n3A_335 {strides = array<i32>} : memref<128x128xf32, #tpu.memory_space<vmem>>, vector<16xf32>,
      %mul3A_342 = arith.constant 128 : i32
      %mul3A_343 = arith.muli %scan3A_107, %mul3A_342 : i32
      %add3A_344 = arith.constant 80 : i32
      %add3A_345 = arith.addi %add3A_344, %mul3A_343 : i32
      %get3A_346 = arith.index_cast %add3A_345 : i32 to index
      %get3A_347 = tpu.vector_load %arg4[%get3A_346] {strides = array<i32>} : memref<65536xi32, #tpu.memory_space<vmem>>, vector<16xi32>,
      %mul3A_348 = arith.constant 128 : i32
      %mul3A_349 = arith.muli %scan3A_107, %mul3A_348 : i32
      %add3A_350 = arith.constant 80 : i32
      %add3A_351 = arith.addi %add3A_350, %mul3A_349 : i32
      %add3A_352 = vector.broadcast %add3A_351 : i32 to vector<16xi32>
      %add3A_353 = arith.addi %add3A_352, %iota3A : vector<16xi32>
      %shift_right_logical3A_354 = arith.constant 3 : i32
      %shift_right_logical3A_355 = vector.broadcast %shift_right_logical3A_354 : i32 to vector<16xi32>
      %shift_right_logical3A_356 = arith.shrui %add3A_353, %shift_right_logical3A_355 : vector<16xi32>
      %ge3A_357 = vector.broadcast %mul3A_2 : i32 to vector<16xi32>
      %ge3A_358 = arith.cmpi sge, %get3A_347, %ge3A_357 : vector<16xi32>
      %add3A_359 = arith.constant 256 : i32
      %add3A_360 = arith.addi %mul3A_2, %add3A_359 : i32
      %lt3A_361 = vector.broadcast %add3A_360 : i32 to vector<16xi32>
      %lt3A_362 = arith.cmpi slt, %get3A_347, %lt3A_361 : vector<16xi32>
      %and3A_363 = arith.andi %ge3A_358, %lt3A_362 : vector<16xi1>
      %sub3A_364 = vector.broadcast %mul3A_2 : i32 to vector<16xi32>
      %sub3A_365 = arith.subi %get3A_347, %sub3A_364 : vector<16xi32>
      %jit3A_366 = arith.constant 0 : i32
      %broadcast_in_dim3A_367 = vector.broadcast %jit3A_366 : i32 to vector<16xi32>
      %select_n3A_368 = arith.select %and3A_363, %sub3A_365, %broadcast_in_dim3A_367 : vector<16xi1>, vector<16xi32>
      %add3A_369 = arith.constant 80 : i32
      %add3A_370 = arith.addi %mul3A_2, %add3A_369 : i32
      %add3A_371 = vector.broadcast %add3A_370 : i32 to vector<16xi32>
      %add3A_372 = arith.addi %add3A_371, %iota3A : vector<16xi32>
      %mul3A_373 = arith.constant 8193 : i32
      %mul3A_374 = vector.broadcast %mul3A_373 : i32 to vector<16xi32>
      %mul3A_375 = arith.muli %add3A_372, %mul3A_374 : vector<16xi32>
      %mul3A_376 = arith.constant 8192 : i32
      %mul3A_377 = vector.broadcast %mul3A_376 : i32 to vector<16xi32>
      %mul3A_378 = arith.muli %get3A_347, %mul3A_377 : vector<16xi32>
      %add3A_379 = arith.addi %mul3A_378, %shift_right_logical3A_356 : vector<16xi32>
      %select_n3A_380 = arith.select %and3A_363, %add3A_379, %mul3A_375 : vector<16xi1>, vector<16xi32>
      %gather3A_381 = tpu.vector_load_idx %arg8[%select_n3A_368] : memref<256xf32, #tpu.memory_space<vmem>>[vector<16xi32>], vector<16xf32>,
      %jit3A_382 = arith.constant 0.000000e+00 : f32
      %broadcast_in_dim3A_383 = vector.broadcast %jit3A_382 : f32 to vector<16xf32>
      %select_n3A_384 = arith.select %and3A_363, %gather3A_381, %broadcast_in_dim3A_383 : vector<16xi1>, vector<16xf32>
      %swap3A_385 = arith.index_cast %scan3A_107 : i32 to index
      %swap3A_386 = arith.constant 80 : index
      %swap3A_387 = tpu.vector_load %arg5[%swap3A_385, %swap3A_386] {strides = array<i32>} : memref<128x128xi32, #tpu.memory_space<vmem>>, vector<16xi32>,
      tpu.vector_store %arg5[%swap3A_385, %swap3A_386], %select_n3A_380 {strides = array<i32>} : memref<128x128xi32, #tpu.memory_space<vmem>>, vector<16xi32>,
      %swap3A_388 = arith.index_cast %scan3A_107 : i32 to index
      %swap3A_389 = arith.constant 80 : index
      %swap3A_390 = tpu.vector_load %arg6[%swap3A_388, %swap3A_389] {strides = array<i32>} : memref<128x128xf32, #tpu.memory_space<vmem>>, vector<16xf32>,
      tpu.vector_store %arg6[%swap3A_388, %swap3A_389], %select_n3A_384 {strides = array<i32>} : memref<128x128xf32, #tpu.memory_space<vmem>>, vector<16xf32>,
      %mul3A_391 = arith.constant 128 : i32
      %mul3A_392 = arith.muli %scan3A_107, %mul3A_391 : i32
      %add3A_393 = arith.constant 96 : i32
      %add3A_394 = arith.addi %add3A_393, %mul3A_392 : i32
      %get3A_395 = arith.index_cast %add3A_394 : i32 to index
      %get3A_396 = tpu.vector_load %arg4[%get3A_395] {strides = array<i32>} : memref<65536xi32, #tpu.memory_space<vmem>>, vector<16xi32>,
      %mul3A_397 = arith.constant 128 : i32
      %mul3A_398 = arith.muli %scan3A_107, %mul3A_397 : i32
      %add3A_399 = arith.constant 96 : i32
      %add3A_400 = arith.addi %add3A_399, %mul3A_398 : i32
      %add3A_401 = vector.broadcast %add3A_400 : i32 to vector<16xi32>
      %add3A_402 = arith.addi %add3A_401, %iota3A : vector<16xi32>
      %shift_right_logical3A_403 = arith.constant 3 : i32
      %shift_right_logical3A_404 = vector.broadcast %shift_right_logical3A_403 : i32 to vector<16xi32>
      %shift_right_logical3A_405 = arith.shrui %add3A_402, %shift_right_logical3A_404 : vector<16xi32>
      %ge3A_406 = vector.broadcast %mul3A_2 : i32 to vector<16xi32>
      %ge3A_407 = arith.cmpi sge, %get3A_396, %ge3A_406 : vector<16xi32>
      %add3A_408 = arith.constant 256 : i32
      %add3A_409 = arith.addi %mul3A_2, %add3A_408 : i32
      %lt3A_410 = vector.broadcast %add3A_409 : i32 to vector<16xi32>
      %lt3A_411 = arith.cmpi slt, %get3A_396, %lt3A_410 : vector<16xi32>
      %and3A_412 = arith.andi %ge3A_407, %lt3A_411 : vector<16xi1>
      %sub3A_413 = vector.broadcast %mul3A_2 : i32 to vector<16xi32>
      %sub3A_414 = arith.subi %get3A_396, %sub3A_413 : vector<16xi32>
      %jit3A_415 = arith.constant 0 : i32
      %broadcast_in_dim3A_416 = vector.broadcast %jit3A_415 : i32 to vector<16xi32>
      %select_n3A_417 = arith.select %and3A_412, %sub3A_414, %broadcast_in_dim3A_416 : vector<16xi1>, vector<16xi32>
      %add3A_418 = arith.constant 96 : i32
      %add3A_419 = arith.addi %mul3A_2, %add3A_418 : i32
      %add3A_420 = vector.broadcast %add3A_419 : i32 to vector<16xi32>
      %add3A_421 = arith.addi %add3A_420, %iota3A : vector<16xi32>
      %mul3A_422 = arith.constant 8193 : i32
      %mul3A_423 = vector.broadcast %mul3A_422 : i32 to vector<16xi32>
      %mul3A_424 = arith.muli %add3A_421, %mul3A_423 : vector<16xi32>
      %mul3A_425 = arith.constant 8192 : i32
      %mul3A_426 = vector.broadcast %mul3A_425 : i32 to vector<16xi32>
      %mul3A_427 = arith.muli %get3A_396, %mul3A_426 : vector<16xi32>
      %add3A_428 = arith.addi %mul3A_427, %shift_right_logical3A_405 : vector<16xi32>
      %select_n3A_429 = arith.select %and3A_412, %add3A_428, %mul3A_424 : vector<16xi1>, vector<16xi32>
      %gather3A_430 = tpu.vector_load_idx %arg8[%select_n3A_417] : memref<256xf32, #tpu.memory_space<vmem>>[vector<16xi32>], vector<16xf32>,
      %jit3A_431 = arith.constant 0.000000e+00 : f32
      %broadcast_in_dim3A_432 = vector.broadcast %jit3A_431 : f32 to vector<16xf32>
      %select_n3A_433 = arith.select %and3A_412, %gather3A_430, %broadcast_in_dim3A_432 : vector<16xi1>, vector<16xf32>
      %swap3A_434 = arith.index_cast %scan3A_107 : i32 to index
      %swap3A_435 = arith.constant 96 : index
      %swap3A_436 = tpu.vector_load %arg5[%swap3A_434, %swap3A_435] {strides = array<i32>} : memref<128x128xi32, #tpu.memory_space<vmem>>, vector<16xi32>,
      tpu.vector_store %arg5[%swap3A_434, %swap3A_435], %select_n3A_429 {strides = array<i32>} : memref<128x128xi32, #tpu.memory_space<vmem>>, vector<16xi32>,
      %swap3A_437 = arith.index_cast %scan3A_107 : i32 to index
      %swap3A_438 = arith.constant 96 : index
      %swap3A_439 = tpu.vector_load %arg6[%swap3A_437, %swap3A_438] {strides = array<i32>} : memref<128x128xf32, #tpu.memory_space<vmem>>, vector<16xf32>,
      tpu.vector_store %arg6[%swap3A_437, %swap3A_438], %select_n3A_433 {strides = array<i32>} : memref<128x128xf32, #tpu.memory_space<vmem>>, vector<16xf32>,
      %mul3A_440 = arith.constant 128 : i32
      %mul3A_441 = arith.muli %scan3A_107, %mul3A_440 : i32
      %add3A_442 = arith.constant 112 : i32
      %add3A_443 = arith.addi %add3A_442, %mul3A_441 : i32
      %get3A_444 = arith.index_cast %add3A_443 : i32 to index
      %get3A_445 = tpu.vector_load %arg4[%get3A_444] {strides = array<i32>} : memref<65536xi32, #tpu.memory_space<vmem>>, vector<16xi32>,
      %mul3A_446 = arith.constant 128 : i32
      %mul3A_447 = arith.muli %scan3A_107, %mul3A_446 : i32
      %add3A_448 = arith.constant 112 : i32
      %add3A_449 = arith.addi %add3A_448, %mul3A_447 : i32
      %add3A_450 = vector.broadcast %add3A_449 : i32 to vector<16xi32>
      %add3A_451 = arith.addi %add3A_450, %iota3A : vector<16xi32>
      %shift_right_logical3A_452 = arith.constant 3 : i32
      %shift_right_logical3A_453 = vector.broadcast %shift_right_logical3A_452 : i32 to vector<16xi32>
      %shift_right_logical3A_454 = arith.shrui %add3A_451, %shift_right_logical3A_453 : vector<16xi32>
      %ge3A_455 = vector.broadcast %mul3A_2 : i32 to vector<16xi32>
      %ge3A_456 = arith.cmpi sge, %get3A_445, %ge3A_455 : vector<16xi32>
      %add3A_457 = arith.constant 256 : i32
      %add3A_458 = arith.addi %mul3A_2, %add3A_457 : i32
      %lt3A_459 = vector.broadcast %add3A_458 : i32 to vector<16xi32>
      %lt3A_460 = arith.cmpi slt, %get3A_445, %lt3A_459 : vector<16xi32>
      %and3A_461 = arith.andi %ge3A_456, %lt3A_460 : vector<16xi1>
      %sub3A_462 = vector.broadcast %mul3A_2 : i32 to vector<16xi32>
      %sub3A_463 = arith.subi %get3A_445, %sub3A_462 : vector<16xi32>
      %jit3A_464 = arith.constant 0 : i32
      %broadcast_in_dim3A_465 = vector.broadcast %jit3A_464 : i32 to vector<16xi32>
      %select_n3A_466 = arith.select %and3A_461, %sub3A_463, %broadcast_in_dim3A_465 : vector<16xi1>, vector<16xi32>
      %add3A_467 = arith.constant 112 : i32
      %add3A_468 = arith.addi %mul3A_2, %add3A_467 : i32
      %add3A_469 = vector.broadcast %add3A_468 : i32 to vector<16xi32>
      %add3A_470 = arith.addi %add3A_469, %iota3A : vector<16xi32>
      %mul3A_471 = arith.constant 8193 : i32
      %mul3A_472 = vector.broadcast %mul3A_471 : i32 to vector<16xi32>
      %mul3A_473 = arith.muli %add3A_470, %mul3A_472 : vector<16xi32>
      %mul3A_474 = arith.constant 8192 : i32
      %mul3A_475 = vector.broadcast %mul3A_474 : i32 to vector<16xi32>
      %mul3A_476 = arith.muli %get3A_445, %mul3A_475 : vector<16xi32>
      %add3A_477 = arith.addi %mul3A_476, %shift_right_logical3A_454 : vector<16xi32>
      %select_n3A_478 = arith.select %and3A_461, %add3A_477, %mul3A_473 : vector<16xi1>, vector<16xi32>
      %gather3A_479 = tpu.vector_load_idx %arg8[%select_n3A_466] : memref<256xf32, #tpu.memory_space<vmem>>[vector<16xi32>], vector<16xf32>,
      %jit3A_480 = arith.constant 0.000000e+00 : f32
      %broadcast_in_dim3A_481 = vector.broadcast %jit3A_480 : f32 to vector<16xf32>
      %select_n3A_482 = arith.select %and3A_461, %gather3A_479, %broadcast_in_dim3A_481 : vector<16xi1>, vector<16xf32>
      %swap3A_483 = arith.index_cast %scan3A_107 : i32 to index
      %swap3A_484 = arith.constant 112 : index
      %swap3A_485 = tpu.vector_load %arg5[%swap3A_483, %swap3A_484] {strides = array<i32>} : memref<128x128xi32, #tpu.memory_space<vmem>>, vector<16xi32>,
      tpu.vector_store %arg5[%swap3A_483, %swap3A_484], %select_n3A_478 {strides = array<i32>} : memref<128x128xi32, #tpu.memory_space<vmem>>, vector<16xi32>,
      %swap3A_486 = arith.index_cast %scan3A_107 : i32 to index
      %swap3A_487 = arith.constant 112 : index
      %swap3A_488 = tpu.vector_load %arg6[%swap3A_486, %swap3A_487] {strides = array<i32>} : memref<128x128xf32, #tpu.memory_space<vmem>>, vector<16xf32>,
      tpu.vector_store %arg6[%swap3A_486, %swap3A_487], %select_n3A_482 {strides = array<i32>} : memref<128x128xf32, #tpu.memory_space<vmem>>, vector<16xf32>,
    }
    %scan3A_51 = arith.constant 128 : i32
    %scan3A_52 = arith.constant 0 : i32
    %scan3A_53 = arith.constant 128 : i32
    %scan3A_54 = arith.addi %scan3A_52, %scan3A_53 : i32
    %scan3A_55 = arith.constant 1 : i32
    scf.for %scan3A_107 = %scan3A_52 to %scan3A_54 step %scan3A_55  : i32 {
      %dma_start3A = arith.constant 0 : i32
      %dma_start3A_108 = tpu.memref_slice %arg6[%scan3A_107, %dma_start3A] : memref<128x128xf32, #tpu.memory_space<vmem>> -> memref<1x128xf32, #tpu.memory_space<vmem>>
      %dma_start3A_109 = tpu.memref_squeeze %dma_start3A_108 : memref<1x128xf32, #tpu.memory_space<vmem>> -> memref<128xf32, #tpu.memory_space<vmem>>
      %dma_start3A_110 = arith.constant 0 : i32
      %dma_start3A_111 = tpu.memref_slice %arg5[%scan3A_107, %dma_start3A_110] : memref<128x128xi32, #tpu.memory_space<vmem>> -> memref<1x128xi32, #tpu.memory_space<vmem>>
      %dma_start3A_112 = tpu.memref_squeeze %dma_start3A_111 : memref<1x128xi32, #tpu.memory_space<vmem>> -> memref<128xi32, #tpu.memory_space<vmem>>
      %dma_start3A_113 = arith.constant 0 : i32
      %dma_start3A_114 = tpu.memref_slice %arg3[%dma_start3A_113] : memref<67108864xf32, #tpu.memory_space<hbm>> -> memref<67108864xf32, #tpu.memory_space<hbm>>
      tpu.enqueue_indirect_dma source(%dma_start3A_109 : memref<128xf32, #tpu.memory_space<vmem>>) target(%dma_start3A_114 : memref<67108864xf32, #tpu.memory_space<hbm>>) offsets(%dma_start3A_112 : memref<128xi32, #tpu.memory_space<vmem>>) semaphore(%arg11 : memref<!tpu.dma_semaphore, #tpu.memory_space<semaphore_mem>>)
    }
    %scan3A_56 = arith.constant 128 : i32
    %scan3A_57 = arith.constant 0 : i32
    %scan3A_58 = arith.constant 128 : i32
    %scan3A_59 = arith.addi %scan3A_57, %scan3A_58 : i32
    %scan3A_60 = arith.constant 1 : i32
    scf.for %scan3A_107 = %scan3A_57 to %scan3A_59 step %scan3A_60  : i32 {
      %dma_wait3A = arith.constant 0 : i32
      %dma_wait3A_108 = tpu.memref_slice %arg6[%scan3A_107, %dma_wait3A] : memref<128x128xf32, #tpu.memory_space<vmem>> -> memref<1x128xf32, #tpu.memory_space<vmem>>
      %dma_wait3A_109 = tpu.memref_squeeze %dma_wait3A_108 : memref<1x128xf32, #tpu.memory_space<vmem>> -> memref<128xf32, #tpu.memory_space<vmem>>
      %dma_wait3A_110 = arith.constant 0 : i32
      %dma_wait3A_111 = tpu.memref_slice %arg5[%scan3A_107, %dma_wait3A_110] : memref<128x128xi32, #tpu.memory_space<vmem>> -> memref<1x128xi32, #tpu.memory_space<vmem>>
      %dma_wait3A_112 = tpu.memref_squeeze %dma_wait3A_111 : memref<1x128xi32, #tpu.memory_space<vmem>> -> memref<128xi32, #tpu.memory_space<vmem>>
      %dma_wait3A_113 = arith.constant 0 : i32
      %dma_wait3A_114 = tpu.memref_slice %arg3[%dma_wait3A_113] : memref<67108864xf32, #tpu.memory_space<hbm>> -> memref<67108864xf32, #tpu.memory_space<hbm>>
      tpu.wait_indirect_dma semaphore(%arg11 : memref<!tpu.dma_semaphore, #tpu.memory_space<semaphore_mem>>) src(%dma_wait3A_109 : memref<128xf32, #tpu.memory_space<vmem>>) dst(%dma_wait3A_114 : memref<67108864xf32, #tpu.memory_space<hbm>>)
    }
    %scan3A_61 = arith.constant 128 : i32
    %scan3A_62 = arith.constant 0 : i32
    %scan3A_63 = arith.constant 128 : i32
    %scan3A_64 = arith.addi %scan3A_62, %scan3A_63 : i32
    %scan3A_65 = arith.constant 1 : i32
    scf.for %scan3A_107 = %scan3A_62 to %scan3A_64 step %scan3A_65  : i32 {
      %mul3A_108 = arith.constant 128 : i32
      %mul3A_109 = arith.muli %scan3A_107, %mul3A_108 : i32
      %add3A_110 = arith.constant 16384 : i32
      %add3A_111 = arith.addi %add3A_110, %mul3A_109 : i32
      %get3A = arith.index_cast %add3A_111 : i32 to index
      %get3A_112 = tpu.vector_load %arg4[%get3A] {strides = array<i32>} : memref<65536xi32, #tpu.memory_space<vmem>>, vector<16xi32>,
      %mul3A_113 = arith.constant 128 : i32
      %mul3A_114 = arith.muli %scan3A_107, %mul3A_113 : i32
      %add3A_115 = arith.constant 16384 : i32
      %add3A_116 = arith.addi %add3A_115, %mul3A_114 : i32
      %add3A_117 = vector.broadcast %add3A_116 : i32 to vector<16xi32>
      %add3A_118 = arith.addi %add3A_117, %iota3A : vector<16xi32>
      %shift_right_logical3A = arith.constant 3 : i32
      %shift_right_logical3A_119 = vector.broadcast %shift_right_logical3A : i32 to vector<16xi32>
      %shift_right_logical3A_120 = arith.shrui %add3A_118, %shift_right_logical3A_119 : vector<16xi32>
      %ge3A = vector.broadcast %mul3A_2 : i32 to vector<16xi32>
      %ge3A_121 = arith.cmpi sge, %get3A_112, %ge3A : vector<16xi32>
      %add3A_122 = arith.constant 256 : i32
      %add3A_123 = arith.addi %mul3A_2, %add3A_122 : i32
      %lt3A = vector.broadcast %add3A_123 : i32 to vector<16xi32>
      %lt3A_124 = arith.cmpi slt, %get3A_112, %lt3A : vector<16xi32>
      %and3A = arith.andi %ge3A_121, %lt3A_124 : vector<16xi1>
      %sub3A = vector.broadcast %mul3A_2 : i32 to vector<16xi32>
      %sub3A_125 = arith.subi %get3A_112, %sub3A : vector<16xi32>
      %jit3A = arith.constant 0 : i32
      %broadcast_in_dim3A = vector.broadcast %jit3A : i32 to vector<16xi32>
      %select_n3A = arith.select %and3A, %sub3A_125, %broadcast_in_dim3A : vector<16xi1>, vector<16xi32>
      %add3A_126 = arith.constant 0 : i32
      %add3A_127 = arith.addi %mul3A_2, %add3A_126 : i32
      %add3A_128 = vector.broadcast %add3A_127 : i32 to vector<16xi32>
      %add3A_129 = arith.addi %add3A_128, %iota3A : vector<16xi32>
      %mul3A_130 = arith.constant 8193 : i32
      %mul3A_131 = vector.broadcast %mul3A_130 : i32 to vector<16xi32>
      %mul3A_132 = arith.muli %add3A_129, %mul3A_131 : vector<16xi32>
      %mul3A_133 = arith.constant 8192 : i32
      %mul3A_134 = vector.broadcast %mul3A_133 : i32 to vector<16xi32>
      %mul3A_135 = arith.muli %get3A_112, %mul3A_134 : vector<16xi32>
      %add3A_136 = arith.addi %mul3A_135, %shift_right_logical3A_120 : vector<16xi32>
      %select_n3A_137 = arith.select %and3A, %add3A_136, %mul3A_132 : vector<16xi1>, vector<16xi32>
      %gather3A = tpu.vector_load_idx %arg8[%select_n3A] : memref<256xf32, #tpu.memory_space<vmem>>[vector<16xi32>], vector<16xf32>,
      %jit3A_138 = arith.constant 0.000000e+00 : f32
      %broadcast_in_dim3A_139 = vector.broadcast %jit3A_138 : f32 to vector<16xf32>
      %select_n3A_140 = arith.select %and3A, %gather3A, %broadcast_in_dim3A_139 : vector<16xi1>, vector<16xf32>
      %swap3A = arith.index_cast %scan3A_107 : i32 to index
      %swap3A_141 = arith.constant 0 : index
      %swap3A_142 = tpu.vector_load %arg5[%swap3A, %swap3A_141] {strides = array<i32>} : memref<128x128xi32, #tpu.memory_space<vmem>>, vector<16xi32>,
      tpu.vector_store %arg5[%swap3A, %swap3A_141], %select_n3A_137 {strides = array<i32>} : memref<128x128xi32, #tpu.memory_space<vmem>>, vector<16xi32>,
      %swap3A_143 = arith.index_cast %scan3A_107 : i32 to index
      %swap3A_144 = arith.constant 0 : index
      %swap3A_145 = tpu.vector_load %arg6[%swap3A_143, %swap3A_144] {strides = array<i32>} : memref<128x128xf32, #tpu.memory_space<vmem>>, vector<16xf32>,
      tpu.vector_store %arg6[%swap3A_143, %swap3A_144], %select_n3A_140 {strides = array<i32>} : memref<128x128xf32, #tpu.memory_space<vmem>>, vector<16xf32>,
      %mul3A_146 = arith.constant 128 : i32
      %mul3A_147 = arith.muli %scan3A_107, %mul3A_146 : i32
      %add3A_148 = arith.constant 16400 : i32
      %add3A_149 = arith.addi %add3A_148, %mul3A_147 : i32
      %get3A_150 = arith.index_cast %add3A_149 : i32 to index
      %get3A_151 = tpu.vector_load %arg4[%get3A_150] {strides = array<i32>} : memref<65536xi32, #tpu.memory_space<vmem>>, vector<16xi32>,
      %mul3A_152 = arith.constant 128 : i32
      %mul3A_153 = arith.muli %scan3A_107, %mul3A_152 : i32
      %add3A_154 = arith.constant 16400 : i32
      %add3A_155 = arith.addi %add3A_154, %mul3A_153 : i32
      %add3A_156 = vector.broadcast %add3A_155 : i32 to vector<16xi32>
      %add3A_157 = arith.addi %add3A_156, %iota3A : vector<16xi32>
      %shift_right_logical3A_158 = arith.constant 3 : i32
      %shift_right_logical3A_159 = vector.broadcast %shift_right_logical3A_158 : i32 to vector<16xi32>
      %shift_right_logical3A_160 = arith.shrui %add3A_157, %shift_right_logical3A_159 : vector<16xi32>
      %ge3A_161 = vector.broadcast %mul3A_2 : i32 to vector<16xi32>
      %ge3A_162 = arith.cmpi sge, %get3A_151, %ge3A_161 : vector<16xi32>
      %add3A_163 = arith.constant 256 : i32
      %add3A_164 = arith.addi %mul3A_2, %add3A_163 : i32
      %lt3A_165 = vector.broadcast %add3A_164 : i32 to vector<16xi32>
      %lt3A_166 = arith.cmpi slt, %get3A_151, %lt3A_165 : vector<16xi32>
      %and3A_167 = arith.andi %ge3A_162, %lt3A_166 : vector<16xi1>
      %sub3A_168 = vector.broadcast %mul3A_2 : i32 to vector<16xi32>
      %sub3A_169 = arith.subi %get3A_151, %sub3A_168 : vector<16xi32>
      %jit3A_170 = arith.constant 0 : i32
      %broadcast_in_dim3A_171 = vector.broadcast %jit3A_170 : i32 to vector<16xi32>
      %select_n3A_172 = arith.select %and3A_167, %sub3A_169, %broadcast_in_dim3A_171 : vector<16xi1>, vector<16xi32>
      %add3A_173 = arith.constant 16 : i32
      %add3A_174 = arith.addi %mul3A_2, %add3A_173 : i32
      %add3A_175 = vector.broadcast %add3A_174 : i32 to vector<16xi32>
      %add3A_176 = arith.addi %add3A_175, %iota3A : vector<16xi32>
      %mul3A_177 = arith.constant 8193 : i32
      %mul3A_178 = vector.broadcast %mul3A_177 : i32 to vector<16xi32>
      %mul3A_179 = arith.muli %add3A_176, %mul3A_178 : vector<16xi32>
      %mul3A_180 = arith.constant 8192 : i32
      %mul3A_181 = vector.broadcast %mul3A_180 : i32 to vector<16xi32>
      %mul3A_182 = arith.muli %get3A_151, %mul3A_181 : vector<16xi32>
      %add3A_183 = arith.addi %mul3A_182, %shift_right_logical3A_160 : vector<16xi32>
      %select_n3A_184 = arith.select %and3A_167, %add3A_183, %mul3A_179 : vector<16xi1>, vector<16xi32>
      %gather3A_185 = tpu.vector_load_idx %arg8[%select_n3A_172] : memref<256xf32, #tpu.memory_space<vmem>>[vector<16xi32>], vector<16xf32>,
      %jit3A_186 = arith.constant 0.000000e+00 : f32
      %broadcast_in_dim3A_187 = vector.broadcast %jit3A_186 : f32 to vector<16xf32>
      %select_n3A_188 = arith.select %and3A_167, %gather3A_185, %broadcast_in_dim3A_187 : vector<16xi1>, vector<16xf32>
      %swap3A_189 = arith.index_cast %scan3A_107 : i32 to index
      %swap3A_190 = arith.constant 16 : index
      %swap3A_191 = tpu.vector_load %arg5[%swap3A_189, %swap3A_190] {strides = array<i32>} : memref<128x128xi32, #tpu.memory_space<vmem>>, vector<16xi32>,
      tpu.vector_store %arg5[%swap3A_189, %swap3A_190], %select_n3A_184 {strides = array<i32>} : memref<128x128xi32, #tpu.memory_space<vmem>>, vector<16xi32>,
      %swap3A_192 = arith.index_cast %scan3A_107 : i32 to index
      %swap3A_193 = arith.constant 16 : index
      %swap3A_194 = tpu.vector_load %arg6[%swap3A_192, %swap3A_193] {strides = array<i32>} : memref<128x128xf32, #tpu.memory_space<vmem>>, vector<16xf32>,
      tpu.vector_store %arg6[%swap3A_192, %swap3A_193], %select_n3A_188 {strides = array<i32>} : memref<128x128xf32, #tpu.memory_space<vmem>>, vector<16xf32>,
      %mul3A_195 = arith.constant 128 : i32
      %mul3A_196 = arith.muli %scan3A_107, %mul3A_195 : i32
      %add3A_197 = arith.constant 16416 : i32
      %add3A_198 = arith.addi %add3A_197, %mul3A_196 : i32
      %get3A_199 = arith.index_cast %add3A_198 : i32 to index
      %get3A_200 = tpu.vector_load %arg4[%get3A_199] {strides = array<i32>} : memref<65536xi32, #tpu.memory_space<vmem>>, vector<16xi32>,
      %mul3A_201 = arith.constant 128 : i32
      %mul3A_202 = arith.muli %scan3A_107, %mul3A_201 : i32
      %add3A_203 = arith.constant 16416 : i32
      %add3A_204 = arith.addi %add3A_203, %mul3A_202 : i32
      %add3A_205 = vector.broadcast %add3A_204 : i32 to vector<16xi32>
      %add3A_206 = arith.addi %add3A_205, %iota3A : vector<16xi32>
      %shift_right_logical3A_207 = arith.constant 3 : i32
      %shift_right_logical3A_208 = vector.broadcast %shift_right_logical3A_207 : i32 to vector<16xi32>
      %shift_right_logical3A_209 = arith.shrui %add3A_206, %shift_right_logical3A_208 : vector<16xi32>
      %ge3A_210 = vector.broadcast %mul3A_2 : i32 to vector<16xi32>
      %ge3A_211 = arith.cmpi sge, %get3A_200, %ge3A_210 : vector<16xi32>
      %add3A_212 = arith.constant 256 : i32
      %add3A_213 = arith.addi %mul3A_2, %add3A_212 : i32
      %lt3A_214 = vector.broadcast %add3A_213 : i32 to vector<16xi32>
      %lt3A_215 = arith.cmpi slt, %get3A_200, %lt3A_214 : vector<16xi32>
      %and3A_216 = arith.andi %ge3A_211, %lt3A_215 : vector<16xi1>
      %sub3A_217 = vector.broadcast %mul3A_2 : i32 to vector<16xi32>
      %sub3A_218 = arith.subi %get3A_200, %sub3A_217 : vector<16xi32>
      %jit3A_219 = arith.constant 0 : i32
      %broadcast_in_dim3A_220 = vector.broadcast %jit3A_219 : i32 to vector<16xi32>
      %select_n3A_221 = arith.select %and3A_216, %sub3A_218, %broadcast_in_dim3A_220 : vector<16xi1>, vector<16xi32>
      %add3A_222 = arith.constant 32 : i32
      %add3A_223 = arith.addi %mul3A_2, %add3A_222 : i32
      %add3A_224 = vector.broadcast %add3A_223 : i32 to vector<16xi32>
      %add3A_225 = arith.addi %add3A_224, %iota3A : vector<16xi32>
      %mul3A_226 = arith.constant 8193 : i32
      %mul3A_227 = vector.broadcast %mul3A_226 : i32 to vector<16xi32>
      %mul3A_228 = arith.muli %add3A_225, %mul3A_227 : vector<16xi32>
      %mul3A_229 = arith.constant 8192 : i32
      %mul3A_230 = vector.broadcast %mul3A_229 : i32 to vector<16xi32>
      %mul3A_231 = arith.muli %get3A_200, %mul3A_230 : vector<16xi32>
      %add3A_232 = arith.addi %mul3A_231, %shift_right_logical3A_209 : vector<16xi32>
      %select_n3A_233 = arith.select %and3A_216, %add3A_232, %mul3A_228 : vector<16xi1>, vector<16xi32>
      %gather3A_234 = tpu.vector_load_idx %arg8[%select_n3A_221] : memref<256xf32, #tpu.memory_space<vmem>>[vector<16xi32>], vector<16xf32>,
      %jit3A_235 = arith.constant 0.000000e+00 : f32
      %broadcast_in_dim3A_236 = vector.broadcast %jit3A_235 : f32 to vector<16xf32>
      %select_n3A_237 = arith.select %and3A_216, %gather3A_234, %broadcast_in_dim3A_236 : vector<16xi1>, vector<16xf32>
      %swap3A_238 = arith.index_cast %scan3A_107 : i32 to index
      %swap3A_239 = arith.constant 32 : index
      %swap3A_240 = tpu.vector_load %arg5[%swap3A_238, %swap3A_239] {strides = array<i32>} : memref<128x128xi32, #tpu.memory_space<vmem>>, vector<16xi32>,
      tpu.vector_store %arg5[%swap3A_238, %swap3A_239], %select_n3A_233 {strides = array<i32>} : memref<128x128xi32, #tpu.memory_space<vmem>>, vector<16xi32>,
      %swap3A_241 = arith.index_cast %scan3A_107 : i32 to index
      %swap3A_242 = arith.constant 32 : index
      %swap3A_243 = tpu.vector_load %arg6[%swap3A_241, %swap3A_242] {strides = array<i32>} : memref<128x128xf32, #tpu.memory_space<vmem>>, vector<16xf32>,
      tpu.vector_store %arg6[%swap3A_241, %swap3A_242], %select_n3A_237 {strides = array<i32>} : memref<128x128xf32, #tpu.memory_space<vmem>>, vector<16xf32>,
      %mul3A_244 = arith.constant 128 : i32
      %mul3A_245 = arith.muli %scan3A_107, %mul3A_244 : i32
      %add3A_246 = arith.constant 16432 : i32
      %add3A_247 = arith.addi %add3A_246, %mul3A_245 : i32
      %get3A_248 = arith.index_cast %add3A_247 : i32 to index
      %get3A_249 = tpu.vector_load %arg4[%get3A_248] {strides = array<i32>} : memref<65536xi32, #tpu.memory_space<vmem>>, vector<16xi32>,
      %mul3A_250 = arith.constant 128 : i32
      %mul3A_251 = arith.muli %scan3A_107, %mul3A_250 : i32
      %add3A_252 = arith.constant 16432 : i32
      %add3A_253 = arith.addi %add3A_252, %mul3A_251 : i32
      %add3A_254 = vector.broadcast %add3A_253 : i32 to vector<16xi32>
      %add3A_255 = arith.addi %add3A_254, %iota3A : vector<16xi32>
      %shift_right_logical3A_256 = arith.constant 3 : i32
      %shift_right_logical3A_257 = vector.broadcast %shift_right_logical3A_256 : i32 to vector<16xi32>
      %shift_right_logical3A_258 = arith.shrui %add3A_255, %shift_right_logical3A_257 : vector<16xi32>
      %ge3A_259 = vector.broadcast %mul3A_2 : i32 to vector<16xi32>
      %ge3A_260 = arith.cmpi sge, %get3A_249, %ge3A_259 : vector<16xi32>
      %add3A_261 = arith.constant 256 : i32
      %add3A_262 = arith.addi %mul3A_2, %add3A_261 : i32
      %lt3A_263 = vector.broadcast %add3A_262 : i32 to vector<16xi32>
      %lt3A_264 = arith.cmpi slt, %get3A_249, %lt3A_263 : vector<16xi32>
      %and3A_265 = arith.andi %ge3A_260, %lt3A_264 : vector<16xi1>
      %sub3A_266 = vector.broadcast %mul3A_2 : i32 to vector<16xi32>
      %sub3A_267 = arith.subi %get3A_249, %sub3A_266 : vector<16xi32>
      %jit3A_268 = arith.constant 0 : i32
      %broadcast_in_dim3A_269 = vector.broadcast %jit3A_268 : i32 to vector<16xi32>
      %select_n3A_270 = arith.select %and3A_265, %sub3A_267, %broadcast_in_dim3A_269 : vector<16xi1>, vector<16xi32>
      %add3A_271 = arith.constant 48 : i32
      %add3A_272 = arith.addi %mul3A_2, %add3A_271 : i32
      %add3A_273 = vector.broadcast %add3A_272 : i32 to vector<16xi32>
      %add3A_274 = arith.addi %add3A_273, %iota3A : vector<16xi32>
      %mul3A_275 = arith.constant 8193 : i32
      %mul3A_276 = vector.broadcast %mul3A_275 : i32 to vector<16xi32>
      %mul3A_277 = arith.muli %add3A_274, %mul3A_276 : vector<16xi32>
      %mul3A_278 = arith.constant 8192 : i32
      %mul3A_279 = vector.broadcast %mul3A_278 : i32 to vector<16xi32>
      %mul3A_280 = arith.muli %get3A_249, %mul3A_279 : vector<16xi32>
      %add3A_281 = arith.addi %mul3A_280, %shift_right_logical3A_258 : vector<16xi32>
      %select_n3A_282 = arith.select %and3A_265, %add3A_281, %mul3A_277 : vector<16xi1>, vector<16xi32>
      %gather3A_283 = tpu.vector_load_idx %arg8[%select_n3A_270] : memref<256xf32, #tpu.memory_space<vmem>>[vector<16xi32>], vector<16xf32>,
      %jit3A_284 = arith.constant 0.000000e+00 : f32
      %broadcast_in_dim3A_285 = vector.broadcast %jit3A_284 : f32 to vector<16xf32>
      %select_n3A_286 = arith.select %and3A_265, %gather3A_283, %broadcast_in_dim3A_285 : vector<16xi1>, vector<16xf32>
      %swap3A_287 = arith.index_cast %scan3A_107 : i32 to index
      %swap3A_288 = arith.constant 48 : index
      %swap3A_289 = tpu.vector_load %arg5[%swap3A_287, %swap3A_288] {strides = array<i32>} : memref<128x128xi32, #tpu.memory_space<vmem>>, vector<16xi32>,
      tpu.vector_store %arg5[%swap3A_287, %swap3A_288], %select_n3A_282 {strides = array<i32>} : memref<128x128xi32, #tpu.memory_space<vmem>>, vector<16xi32>,
      %swap3A_290 = arith.index_cast %scan3A_107 : i32 to index
      %swap3A_291 = arith.constant 48 : index
      %swap3A_292 = tpu.vector_load %arg6[%swap3A_290, %swap3A_291] {strides = array<i32>} : memref<128x128xf32, #tpu.memory_space<vmem>>, vector<16xf32>,
      tpu.vector_store %arg6[%swap3A_290, %swap3A_291], %select_n3A_286 {strides = array<i32>} : memref<128x128xf32, #tpu.memory_space<vmem>>, vector<16xf32>,
      %mul3A_293 = arith.constant 128 : i32
      %mul3A_294 = arith.muli %scan3A_107, %mul3A_293 : i32
      %add3A_295 = arith.constant 16448 : i32
      %add3A_296 = arith.addi %add3A_295, %mul3A_294 : i32
      %get3A_297 = arith.index_cast %add3A_296 : i32 to index
      %get3A_298 = tpu.vector_load %arg4[%get3A_297] {strides = array<i32>} : memref<65536xi32, #tpu.memory_space<vmem>>, vector<16xi32>,
      %mul3A_299 = arith.constant 128 : i32
      %mul3A_300 = arith.muli %scan3A_107, %mul3A_299 : i32
      %add3A_301 = arith.constant 16448 : i32
      %add3A_302 = arith.addi %add3A_301, %mul3A_300 : i32
      %add3A_303 = vector.broadcast %add3A_302 : i32 to vector<16xi32>
      %add3A_304 = arith.addi %add3A_303, %iota3A : vector<16xi32>
      %shift_right_logical3A_305 = arith.constant 3 : i32
      %shift_right_logical3A_306 = vector.broadcast %shift_right_logical3A_305 : i32 to vector<16xi32>
      %shift_right_logical3A_307 = arith.shrui %add3A_304, %shift_right_logical3A_306 : vector<16xi32>
      %ge3A_308 = vector.broadcast %mul3A_2 : i32 to vector<16xi32>
      %ge3A_309 = arith.cmpi sge, %get3A_298, %ge3A_308 : vector<16xi32>
      %add3A_310 = arith.constant 256 : i32
      %add3A_311 = arith.addi %mul3A_2, %add3A_310 : i32
      %lt3A_312 = vector.broadcast %add3A_311 : i32 to vector<16xi32>
      %lt3A_313 = arith.cmpi slt, %get3A_298, %lt3A_312 : vector<16xi32>
      %and3A_314 = arith.andi %ge3A_309, %lt3A_313 : vector<16xi1>
      %sub3A_315 = vector.broadcast %mul3A_2 : i32 to vector<16xi32>
      %sub3A_316 = arith.subi %get3A_298, %sub3A_315 : vector<16xi32>
      %jit3A_317 = arith.constant 0 : i32
      %broadcast_in_dim3A_318 = vector.broadcast %jit3A_317 : i32 to vector<16xi32>
      %select_n3A_319 = arith.select %and3A_314, %sub3A_316, %broadcast_in_dim3A_318 : vector<16xi1>, vector<16xi32>
      %add3A_320 = arith.constant 64 : i32
      %add3A_321 = arith.addi %mul3A_2, %add3A_320 : i32
      %add3A_322 = vector.broadcast %add3A_321 : i32 to vector<16xi32>
      %add3A_323 = arith.addi %add3A_322, %iota3A : vector<16xi32>
      %mul3A_324 = arith.constant 8193 : i32
      %mul3A_325 = vector.broadcast %mul3A_324 : i32 to vector<16xi32>
      %mul3A_326 = arith.muli %add3A_323, %mul3A_325 : vector<16xi32>
      %mul3A_327 = arith.constant 8192 : i32
      %mul3A_328 = vector.broadcast %mul3A_327 : i32 to vector<16xi32>
      %mul3A_329 = arith.muli %get3A_298, %mul3A_328 : vector<16xi32>
      %add3A_330 = arith.addi %mul3A_329, %shift_right_logical3A_307 : vector<16xi32>
      %select_n3A_331 = arith.select %and3A_314, %add3A_330, %mul3A_326 : vector<16xi1>, vector<16xi32>
      %gather3A_332 = tpu.vector_load_idx %arg8[%select_n3A_319] : memref<256xf32, #tpu.memory_space<vmem>>[vector<16xi32>], vector<16xf32>,
      %jit3A_333 = arith.constant 0.000000e+00 : f32
      %broadcast_in_dim3A_334 = vector.broadcast %jit3A_333 : f32 to vector<16xf32>
      %select_n3A_335 = arith.select %and3A_314, %gather3A_332, %broadcast_in_dim3A_334 : vector<16xi1>, vector<16xf32>
      %swap3A_336 = arith.index_cast %scan3A_107 : i32 to index
      %swap3A_337 = arith.constant 64 : index
      %swap3A_338 = tpu.vector_load %arg5[%swap3A_336, %swap3A_337] {strides = array<i32>} : memref<128x128xi32, #tpu.memory_space<vmem>>, vector<16xi32>,
      tpu.vector_store %arg5[%swap3A_336, %swap3A_337], %select_n3A_331 {strides = array<i32>} : memref<128x128xi32, #tpu.memory_space<vmem>>, vector<16xi32>,
      %swap3A_339 = arith.index_cast %scan3A_107 : i32 to index
      %swap3A_340 = arith.constant 64 : index
      %swap3A_341 = tpu.vector_load %arg6[%swap3A_339, %swap3A_340] {strides = array<i32>} : memref<128x128xf32, #tpu.memory_space<vmem>>, vector<16xf32>,
      tpu.vector_store %arg6[%swap3A_339, %swap3A_340], %select_n3A_335 {strides = array<i32>} : memref<128x128xf32, #tpu.memory_space<vmem>>, vector<16xf32>,
      %mul3A_342 = arith.constant 128 : i32
      %mul3A_343 = arith.muli %scan3A_107, %mul3A_342 : i32
      %add3A_344 = arith.constant 16464 : i32
      %add3A_345 = arith.addi %add3A_344, %mul3A_343 : i32
      %get3A_346 = arith.index_cast %add3A_345 : i32 to index
      %get3A_347 = tpu.vector_load %arg4[%get3A_346] {strides = array<i32>} : memref<65536xi32, #tpu.memory_space<vmem>>, vector<16xi32>,
      %mul3A_348 = arith.constant 128 : i32
      %mul3A_349 = arith.muli %scan3A_107, %mul3A_348 : i32
      %add3A_350 = arith.constant 16464 : i32
      %add3A_351 = arith.addi %add3A_350, %mul3A_349 : i32
      %add3A_352 = vector.broadcast %add3A_351 : i32 to vector<16xi32>
      %add3A_353 = arith.addi %add3A_352, %iota3A : vector<16xi32>
      %shift_right_logical3A_354 = arith.constant 3 : i32
      %shift_right_logical3A_355 = vector.broadcast %shift_right_logical3A_354 : i32 to vector<16xi32>
      %shift_right_logical3A_356 = arith.shrui %add3A_353, %shift_right_logical3A_355 : vector<16xi32>
      %ge3A_357 = vector.broadcast %mul3A_2 : i32 to vector<16xi32>
      %ge3A_358 = arith.cmpi sge, %get3A_347, %ge3A_357 : vector<16xi32>
      %add3A_359 = arith.constant 256 : i32
      %add3A_360 = arith.addi %mul3A_2, %add3A_359 : i32
      %lt3A_361 = vector.broadcast %add3A_360 : i32 to vector<16xi32>
      %lt3A_362 = arith.cmpi slt, %get3A_347, %lt3A_361 : vector<16xi32>
      %and3A_363 = arith.andi %ge3A_358, %lt3A_362 : vector<16xi1>
      %sub3A_364 = vector.broadcast %mul3A_2 : i32 to vector<16xi32>
      %sub3A_365 = arith.subi %get3A_347, %sub3A_364 : vector<16xi32>
      %jit3A_366 = arith.constant 0 : i32
      %broadcast_in_dim3A_367 = vector.broadcast %jit3A_366 : i32 to vector<16xi32>
      %select_n3A_368 = arith.select %and3A_363, %sub3A_365, %broadcast_in_dim3A_367 : vector<16xi1>, vector<16xi32>
      %add3A_369 = arith.constant 80 : i32
      %add3A_370 = arith.addi %mul3A_2, %add3A_369 : i32
      %add3A_371 = vector.broadcast %add3A_370 : i32 to vector<16xi32>
      %add3A_372 = arith.addi %add3A_371, %iota3A : vector<16xi32>
      %mul3A_373 = arith.constant 8193 : i32
      %mul3A_374 = vector.broadcast %mul3A_373 : i32 to vector<16xi32>
      %mul3A_375 = arith.muli %add3A_372, %mul3A_374 : vector<16xi32>
      %mul3A_376 = arith.constant 8192 : i32
      %mul3A_377 = vector.broadcast %mul3A_376 : i32 to vector<16xi32>
      %mul3A_378 = arith.muli %get3A_347, %mul3A_377 : vector<16xi32>
      %add3A_379 = arith.addi %mul3A_378, %shift_right_logical3A_356 : vector<16xi32>
      %select_n3A_380 = arith.select %and3A_363, %add3A_379, %mul3A_375 : vector<16xi1>, vector<16xi32>
      %gather3A_381 = tpu.vector_load_idx %arg8[%select_n3A_368] : memref<256xf32, #tpu.memory_space<vmem>>[vector<16xi32>], vector<16xf32>,
      %jit3A_382 = arith.constant 0.000000e+00 : f32
      %broadcast_in_dim3A_383 = vector.broadcast %jit3A_382 : f32 to vector<16xf32>
      %select_n3A_384 = arith.select %and3A_363, %gather3A_381, %broadcast_in_dim3A_383 : vector<16xi1>, vector<16xf32>
      %swap3A_385 = arith.index_cast %scan3A_107 : i32 to index
      %swap3A_386 = arith.constant 80 : index
      %swap3A_387 = tpu.vector_load %arg5[%swap3A_385, %swap3A_386] {strides = array<i32>} : memref<128x128xi32, #tpu.memory_space<vmem>>, vector<16xi32>,
      tpu.vector_store %arg5[%swap3A_385, %swap3A_386], %select_n3A_380 {strides = array<i32>} : memref<128x128xi32, #tpu.memory_space<vmem>>, vector<16xi32>,
      %swap3A_388 = arith.index_cast %scan3A_107 : i32 to index
      %swap3A_389 = arith.constant 80 : index
      %swap3A_390 = tpu.vector_load %arg6[%swap3A_388, %swap3A_389] {strides = array<i32>} : memref<128x128xf32, #tpu.memory_space<vmem>>, vector<16xf32>,
      tpu.vector_store %arg6[%swap3A_388, %swap3A_389], %select_n3A_384 {strides = array<i32>} : memref<128x128xf32, #tpu.memory_space<vmem>>, vector<16xf32>,
      %mul3A_391 = arith.constant 128 : i32
      %mul3A_392 = arith.muli %scan3A_107, %mul3A_391 : i32
      %add3A_393 = arith.constant 16480 : i32
      %add3A_394 = arith.addi %add3A_393, %mul3A_392 : i32
      %get3A_395 = arith.index_cast %add3A_394 : i32 to index
      %get3A_396 = tpu.vector_load %arg4[%get3A_395] {strides = array<i32>} : memref<65536xi32, #tpu.memory_space<vmem>>, vector<16xi32>,
      %mul3A_397 = arith.constant 128 : i32
      %mul3A_398 = arith.muli %scan3A_107, %mul3A_397 : i32
      %add3A_399 = arith.constant 16480 : i32
      %add3A_400 = arith.addi %add3A_399, %mul3A_398 : i32
      %add3A_401 = vector.broadcast %add3A_400 : i32 to vector<16xi32>
      %add3A_402 = arith.addi %add3A_401, %iota3A : vector<16xi32>
      %shift_right_logical3A_403 = arith.constant 3 : i32
      %shift_right_logical3A_404 = vector.broadcast %shift_right_logical3A_403 : i32 to vector<16xi32>
      %shift_right_logical3A_405 = arith.shrui %add3A_402, %shift_right_logical3A_404 : vector<16xi32>
      %ge3A_406 = vector.broadcast %mul3A_2 : i32 to vector<16xi32>
      %ge3A_407 = arith.cmpi sge, %get3A_396, %ge3A_406 : vector<16xi32>
      %add3A_408 = arith.constant 256 : i32
      %add3A_409 = arith.addi %mul3A_2, %add3A_408 : i32
      %lt3A_410 = vector.broadcast %add3A_409 : i32 to vector<16xi32>
      %lt3A_411 = arith.cmpi slt, %get3A_396, %lt3A_410 : vector<16xi32>
      %and3A_412 = arith.andi %ge3A_407, %lt3A_411 : vector<16xi1>
      %sub3A_413 = vector.broadcast %mul3A_2 : i32 to vector<16xi32>
      %sub3A_414 = arith.subi %get3A_396, %sub3A_413 : vector<16xi32>
      %jit3A_415 = arith.constant 0 : i32
      %broadcast_in_dim3A_416 = vector.broadcast %jit3A_415 : i32 to vector<16xi32>
      %select_n3A_417 = arith.select %and3A_412, %sub3A_414, %broadcast_in_dim3A_416 : vector<16xi1>, vector<16xi32>
      %add3A_418 = arith.constant 96 : i32
      %add3A_419 = arith.addi %mul3A_2, %add3A_418 : i32
      %add3A_420 = vector.broadcast %add3A_419 : i32 to vector<16xi32>
      %add3A_421 = arith.addi %add3A_420, %iota3A : vector<16xi32>
      %mul3A_422 = arith.constant 8193 : i32
      %mul3A_423 = vector.broadcast %mul3A_422 : i32 to vector<16xi32>
      %mul3A_424 = arith.muli %add3A_421, %mul3A_423 : vector<16xi32>
      %mul3A_425 = arith.constant 8192 : i32
      %mul3A_426 = vector.broadcast %mul3A_425 : i32 to vector<16xi32>
      %mul3A_427 = arith.muli %get3A_396, %mul3A_426 : vector<16xi32>
      %add3A_428 = arith.addi %mul3A_427, %shift_right_logical3A_405 : vector<16xi32>
      %select_n3A_429 = arith.select %and3A_412, %add3A_428, %mul3A_424 : vector<16xi1>, vector<16xi32>
      %gather3A_430 = tpu.vector_load_idx %arg8[%select_n3A_417] : memref<256xf32, #tpu.memory_space<vmem>>[vector<16xi32>], vector<16xf32>,
      %jit3A_431 = arith.constant 0.000000e+00 : f32
      %broadcast_in_dim3A_432 = vector.broadcast %jit3A_431 : f32 to vector<16xf32>
      %select_n3A_433 = arith.select %and3A_412, %gather3A_430, %broadcast_in_dim3A_432 : vector<16xi1>, vector<16xf32>
      %swap3A_434 = arith.index_cast %scan3A_107 : i32 to index
      %swap3A_435 = arith.constant 96 : index
      %swap3A_436 = tpu.vector_load %arg5[%swap3A_434, %swap3A_435] {strides = array<i32>} : memref<128x128xi32, #tpu.memory_space<vmem>>, vector<16xi32>,
      tpu.vector_store %arg5[%swap3A_434, %swap3A_435], %select_n3A_429 {strides = array<i32>} : memref<128x128xi32, #tpu.memory_space<vmem>>, vector<16xi32>,
      %swap3A_437 = arith.index_cast %scan3A_107 : i32 to index
      %swap3A_438 = arith.constant 96 : index
      %swap3A_439 = tpu.vector_load %arg6[%swap3A_437, %swap3A_438] {strides = array<i32>} : memref<128x128xf32, #tpu.memory_space<vmem>>, vector<16xf32>,
      tpu.vector_store %arg6[%swap3A_437, %swap3A_438], %select_n3A_433 {strides = array<i32>} : memref<128x128xf32, #tpu.memory_space<vmem>>, vector<16xf32>,
      %mul3A_440 = arith.constant 128 : i32
      %mul3A_441 = arith.muli %scan3A_107, %mul3A_440 : i32
      %add3A_442 = arith.constant 16496 : i32
      %add3A_443 = arith.addi %add3A_442, %mul3A_441 : i32
      %get3A_444 = arith.index_cast %add3A_443 : i32 to index
      %get3A_445 = tpu.vector_load %arg4[%get3A_444] {strides = array<i32>} : memref<65536xi32, #tpu.memory_space<vmem>>, vector<16xi32>,
      %mul3A_446 = arith.constant 128 : i32
      %mul3A_447 = arith.muli %scan3A_107, %mul3A_446 : i32
      %add3A_448 = arith.constant 16496 : i32
      %add3A_449 = arith.addi %add3A_448, %mul3A_447 : i32
      %add3A_450 = vector.broadcast %add3A_449 : i32 to vector<16xi32>
      %add3A_451 = arith.addi %add3A_450, %iota3A : vector<16xi32>
      %shift_right_logical3A_452 = arith.constant 3 : i32
      %shift_right_logical3A_453 = vector.broadcast %shift_right_logical3A_452 : i32 to vector<16xi32>
      %shift_right_logical3A_454 = arith.shrui %add3A_451, %shift_right_logical3A_453 : vector<16xi32>
      %ge3A_455 = vector.broadcast %mul3A_2 : i32 to vector<16xi32>
      %ge3A_456 = arith.cmpi sge, %get3A_445, %ge3A_455 : vector<16xi32>
      %add3A_457 = arith.constant 256 : i32
      %add3A_458 = arith.addi %mul3A_2, %add3A_457 : i32
      %lt3A_459 = vector.broadcast %add3A_458 : i32 to vector<16xi32>
      %lt3A_460 = arith.cmpi slt, %get3A_445, %lt3A_459 : vector<16xi32>
      %and3A_461 = arith.andi %ge3A_456, %lt3A_460 : vector<16xi1>
      %sub3A_462 = vector.broadcast %mul3A_2 : i32 to vector<16xi32>
      %sub3A_463 = arith.subi %get3A_445, %sub3A_462 : vector<16xi32>
      %jit3A_464 = arith.constant 0 : i32
      %broadcast_in_dim3A_465 = vector.broadcast %jit3A_464 : i32 to vector<16xi32>
      %select_n3A_466 = arith.select %and3A_461, %sub3A_463, %broadcast_in_dim3A_465 : vector<16xi1>, vector<16xi32>
      %add3A_467 = arith.constant 112 : i32
      %add3A_468 = arith.addi %mul3A_2, %add3A_467 : i32
      %add3A_469 = vector.broadcast %add3A_468 : i32 to vector<16xi32>
      %add3A_470 = arith.addi %add3A_469, %iota3A : vector<16xi32>
      %mul3A_471 = arith.constant 8193 : i32
      %mul3A_472 = vector.broadcast %mul3A_471 : i32 to vector<16xi32>
      %mul3A_473 = arith.muli %add3A_470, %mul3A_472 : vector<16xi32>
      %mul3A_474 = arith.constant 8192 : i32
      %mul3A_475 = vector.broadcast %mul3A_474 : i32 to vector<16xi32>
      %mul3A_476 = arith.muli %get3A_445, %mul3A_475 : vector<16xi32>
      %add3A_477 = arith.addi %mul3A_476, %shift_right_logical3A_454 : vector<16xi32>
      %select_n3A_478 = arith.select %and3A_461, %add3A_477, %mul3A_473 : vector<16xi1>, vector<16xi32>
      %gather3A_479 = tpu.vector_load_idx %arg8[%select_n3A_466] : memref<256xf32, #tpu.memory_space<vmem>>[vector<16xi32>], vector<16xf32>,
      %jit3A_480 = arith.constant 0.000000e+00 : f32
      %broadcast_in_dim3A_481 = vector.broadcast %jit3A_480 : f32 to vector<16xf32>
      %select_n3A_482 = arith.select %and3A_461, %gather3A_479, %broadcast_in_dim3A_481 : vector<16xi1>, vector<16xf32>
      %swap3A_483 = arith.index_cast %scan3A_107 : i32 to index
      %swap3A_484 = arith.constant 112 : index
      %swap3A_485 = tpu.vector_load %arg5[%swap3A_483, %swap3A_484] {strides = array<i32>} : memref<128x128xi32, #tpu.memory_space<vmem>>, vector<16xi32>,
      tpu.vector_store %arg5[%swap3A_483, %swap3A_484], %select_n3A_478 {strides = array<i32>} : memref<128x128xi32, #tpu.memory_space<vmem>>, vector<16xi32>,
      %swap3A_486 = arith.index_cast %scan3A_107 : i32 to index
      %swap3A_487 = arith.constant 112 : index
      %swap3A_488 = tpu.vector_load %arg6[%swap3A_486, %swap3A_487] {strides = array<i32>} : memref<128x128xf32, #tpu.memory_space<vmem>>, vector<16xf32>,
      tpu.vector_store %arg6[%swap3A_486, %swap3A_487], %select_n3A_482 {strides = array<i32>} : memref<128x128xf32, #tpu.memory_space<vmem>>, vector<16xf32>,
    }
    %scan3A_66 = arith.constant 128 : i32
    %scan3A_67 = arith.constant 0 : i32
    %scan3A_68 = arith.constant 128 : i32
    %scan3A_69 = arith.addi %scan3A_67, %scan3A_68 : i32
    %scan3A_70 = arith.constant 1 : i32
    scf.for %scan3A_107 = %scan3A_67 to %scan3A_69 step %scan3A_70  : i32 {
      %dma_start3A = arith.constant 0 : i32
      %dma_start3A_108 = tpu.memref_slice %arg6[%scan3A_107, %dma_start3A] : memref<128x128xf32, #tpu.memory_space<vmem>> -> memref<1x128xf32, #tpu.memory_space<vmem>>
      %dma_start3A_109 = tpu.memref_squeeze %dma_start3A_108 : memref<1x128xf32, #tpu.memory_space<vmem>> -> memref<128xf32, #tpu.memory_space<vmem>>
      %dma_start3A_110 = arith.constant 0 : i32
      %dma_start3A_111 = tpu.memref_slice %arg5[%scan3A_107, %dma_start3A_110] : memref<128x128xi32, #tpu.memory_space<vmem>> -> memref<1x128xi32, #tpu.memory_space<vmem>>
      %dma_start3A_112 = tpu.memref_squeeze %dma_start3A_111 : memref<1x128xi32, #tpu.memory_space<vmem>> -> memref<128xi32, #tpu.memory_space<vmem>>
      %dma_start3A_113 = arith.constant 0 : i32
      %dma_start3A_114 = tpu.memref_slice %arg3[%dma_start3A_113] : memref<67108864xf32, #tpu.memory_space<hbm>> -> memref<67108864xf32, #tpu.memory_space<hbm>>
      tpu.enqueue_indirect_dma source(%dma_start3A_109 : memref<128xf32, #tpu.memory_space<vmem>>) target(%dma_start3A_114 : memref<67108864xf32, #tpu.memory_space<hbm>>) offsets(%dma_start3A_112 : memref<128xi32, #tpu.memory_space<vmem>>) semaphore(%arg11 : memref<!tpu.dma_semaphore, #tpu.memory_space<semaphore_mem>>)
    }
    %scan3A_71 = arith.constant 128 : i32
    %scan3A_72 = arith.constant 0 : i32
    %scan3A_73 = arith.constant 128 : i32
    %scan3A_74 = arith.addi %scan3A_72, %scan3A_73 : i32
    %scan3A_75 = arith.constant 1 : i32
    scf.for %scan3A_107 = %scan3A_72 to %scan3A_74 step %scan3A_75  : i32 {
      %dma_wait3A = arith.constant 0 : i32
      %dma_wait3A_108 = tpu.memref_slice %arg6[%scan3A_107, %dma_wait3A] : memref<128x128xf32, #tpu.memory_space<vmem>> -> memref<1x128xf32, #tpu.memory_space<vmem>>
      %dma_wait3A_109 = tpu.memref_squeeze %dma_wait3A_108 : memref<1x128xf32, #tpu.memory_space<vmem>> -> memref<128xf32, #tpu.memory_space<vmem>>
      %dma_wait3A_110 = arith.constant 0 : i32
      %dma_wait3A_111 = tpu.memref_slice %arg5[%scan3A_107, %dma_wait3A_110] : memref<128x128xi32, #tpu.memory_space<vmem>> -> memref<1x128xi32, #tpu.memory_space<vmem>>
      %dma_wait3A_112 = tpu.memref_squeeze %dma_wait3A_111 : memref<1x128xi32, #tpu.memory_space<vmem>> -> memref<128xi32, #tpu.memory_space<vmem>>
      %dma_wait3A_113 = arith.constant 0 : i32
      %dma_wait3A_114 = tpu.memref_slice %arg3[%dma_wait3A_113] : memref<67108864xf32, #tpu.memory_space<hbm>> -> memref<67108864xf32, #tpu.memory_space<hbm>>
      tpu.wait_indirect_dma semaphore(%arg11 : memref<!tpu.dma_semaphore, #tpu.memory_space<semaphore_mem>>) src(%dma_wait3A_109 : memref<128xf32, #tpu.memory_space<vmem>>) dst(%dma_wait3A_114 : memref<67108864xf32, #tpu.memory_space<hbm>>)
    }
    %scan3A_76 = arith.constant 128 : i32
    %scan3A_77 = arith.constant 0 : i32
    %scan3A_78 = arith.constant 128 : i32
    %scan3A_79 = arith.addi %scan3A_77, %scan3A_78 : i32
    %scan3A_80 = arith.constant 1 : i32
    scf.for %scan3A_107 = %scan3A_77 to %scan3A_79 step %scan3A_80  : i32 {
      %mul3A_108 = arith.constant 128 : i32
      %mul3A_109 = arith.muli %scan3A_107, %mul3A_108 : i32
      %add3A_110 = arith.constant 32768 : i32
      %add3A_111 = arith.addi %add3A_110, %mul3A_109 : i32
      %get3A = arith.index_cast %add3A_111 : i32 to index
      %get3A_112 = tpu.vector_load %arg4[%get3A] {strides = array<i32>} : memref<65536xi32, #tpu.memory_space<vmem>>, vector<16xi32>,
      %mul3A_113 = arith.constant 128 : i32
      %mul3A_114 = arith.muli %scan3A_107, %mul3A_113 : i32
      %add3A_115 = arith.constant 32768 : i32
      %add3A_116 = arith.addi %add3A_115, %mul3A_114 : i32
      %add3A_117 = vector.broadcast %add3A_116 : i32 to vector<16xi32>
      %add3A_118 = arith.addi %add3A_117, %iota3A : vector<16xi32>
      %shift_right_logical3A = arith.constant 3 : i32
      %shift_right_logical3A_119 = vector.broadcast %shift_right_logical3A : i32 to vector<16xi32>
      %shift_right_logical3A_120 = arith.shrui %add3A_118, %shift_right_logical3A_119 : vector<16xi32>
      %ge3A = vector.broadcast %mul3A_2 : i32 to vector<16xi32>
      %ge3A_121 = arith.cmpi sge, %get3A_112, %ge3A : vector<16xi32>
      %add3A_122 = arith.constant 256 : i32
      %add3A_123 = arith.addi %mul3A_2, %add3A_122 : i32
      %lt3A = vector.broadcast %add3A_123 : i32 to vector<16xi32>
      %lt3A_124 = arith.cmpi slt, %get3A_112, %lt3A : vector<16xi32>
      %and3A = arith.andi %ge3A_121, %lt3A_124 : vector<16xi1>
      %sub3A = vector.broadcast %mul3A_2 : i32 to vector<16xi32>
      %sub3A_125 = arith.subi %get3A_112, %sub3A : vector<16xi32>
      %jit3A = arith.constant 0 : i32
      %broadcast_in_dim3A = vector.broadcast %jit3A : i32 to vector<16xi32>
      %select_n3A = arith.select %and3A, %sub3A_125, %broadcast_in_dim3A : vector<16xi1>, vector<16xi32>
      %add3A_126 = arith.constant 0 : i32
      %add3A_127 = arith.addi %mul3A_2, %add3A_126 : i32
      %add3A_128 = vector.broadcast %add3A_127 : i32 to vector<16xi32>
      %add3A_129 = arith.addi %add3A_128, %iota3A : vector<16xi32>
      %mul3A_130 = arith.constant 8193 : i32
      %mul3A_131 = vector.broadcast %mul3A_130 : i32 to vector<16xi32>
      %mul3A_132 = arith.muli %add3A_129, %mul3A_131 : vector<16xi32>
      %mul3A_133 = arith.constant 8192 : i32
      %mul3A_134 = vector.broadcast %mul3A_133 : i32 to vector<16xi32>
      %mul3A_135 = arith.muli %get3A_112, %mul3A_134 : vector<16xi32>
      %add3A_136 = arith.addi %mul3A_135, %shift_right_logical3A_120 : vector<16xi32>
      %select_n3A_137 = arith.select %and3A, %add3A_136, %mul3A_132 : vector<16xi1>, vector<16xi32>
      %gather3A = tpu.vector_load_idx %arg8[%select_n3A] : memref<256xf32, #tpu.memory_space<vmem>>[vector<16xi32>], vector<16xf32>,
      %jit3A_138 = arith.constant 0.000000e+00 : f32
      %broadcast_in_dim3A_139 = vector.broadcast %jit3A_138 : f32 to vector<16xf32>
      %select_n3A_140 = arith.select %and3A, %gather3A, %broadcast_in_dim3A_139 : vector<16xi1>, vector<16xf32>
      %swap3A = arith.index_cast %scan3A_107 : i32 to index
      %swap3A_141 = arith.constant 0 : index
      %swap3A_142 = tpu.vector_load %arg5[%swap3A, %swap3A_141] {strides = array<i32>} : memref<128x128xi32, #tpu.memory_space<vmem>>, vector<16xi32>,
      tpu.vector_store %arg5[%swap3A, %swap3A_141], %select_n3A_137 {strides = array<i32>} : memref<128x128xi32, #tpu.memory_space<vmem>>, vector<16xi32>,
      %swap3A_143 = arith.index_cast %scan3A_107 : i32 to index
      %swap3A_144 = arith.constant 0 : index
      %swap3A_145 = tpu.vector_load %arg6[%swap3A_143, %swap3A_144] {strides = array<i32>} : memref<128x128xf32, #tpu.memory_space<vmem>>, vector<16xf32>,
      tpu.vector_store %arg6[%swap3A_143, %swap3A_144], %select_n3A_140 {strides = array<i32>} : memref<128x128xf32, #tpu.memory_space<vmem>>, vector<16xf32>,
      %mul3A_146 = arith.constant 128 : i32
      %mul3A_147 = arith.muli %scan3A_107, %mul3A_146 : i32
      %add3A_148 = arith.constant 32784 : i32
      %add3A_149 = arith.addi %add3A_148, %mul3A_147 : i32
      %get3A_150 = arith.index_cast %add3A_149 : i32 to index
      %get3A_151 = tpu.vector_load %arg4[%get3A_150] {strides = array<i32>} : memref<65536xi32, #tpu.memory_space<vmem>>, vector<16xi32>,
      %mul3A_152 = arith.constant 128 : i32
      %mul3A_153 = arith.muli %scan3A_107, %mul3A_152 : i32
      %add3A_154 = arith.constant 32784 : i32
      %add3A_155 = arith.addi %add3A_154, %mul3A_153 : i32
      %add3A_156 = vector.broadcast %add3A_155 : i32 to vector<16xi32>
      %add3A_157 = arith.addi %add3A_156, %iota3A : vector<16xi32>
      %shift_right_logical3A_158 = arith.constant 3 : i32
      %shift_right_logical3A_159 = vector.broadcast %shift_right_logical3A_158 : i32 to vector<16xi32>
      %shift_right_logical3A_160 = arith.shrui %add3A_157, %shift_right_logical3A_159 : vector<16xi32>
      %ge3A_161 = vector.broadcast %mul3A_2 : i32 to vector<16xi32>
      %ge3A_162 = arith.cmpi sge, %get3A_151, %ge3A_161 : vector<16xi32>
      %add3A_163 = arith.constant 256 : i32
      %add3A_164 = arith.addi %mul3A_2, %add3A_163 : i32
      %lt3A_165 = vector.broadcast %add3A_164 : i32 to vector<16xi32>
      %lt3A_166 = arith.cmpi slt, %get3A_151, %lt3A_165 : vector<16xi32>
      %and3A_167 = arith.andi %ge3A_162, %lt3A_166 : vector<16xi1>
      %sub3A_168 = vector.broadcast %mul3A_2 : i32 to vector<16xi32>
      %sub3A_169 = arith.subi %get3A_151, %sub3A_168 : vector<16xi32>
      %jit3A_170 = arith.constant 0 : i32
      %broadcast_in_dim3A_171 = vector.broadcast %jit3A_170 : i32 to vector<16xi32>
      %select_n3A_172 = arith.select %and3A_167, %sub3A_169, %broadcast_in_dim3A_171 : vector<16xi1>, vector<16xi32>
      %add3A_173 = arith.constant 16 : i32
      %add3A_174 = arith.addi %mul3A_2, %add3A_173 : i32
      %add3A_175 = vector.broadcast %add3A_174 : i32 to vector<16xi32>
      %add3A_176 = arith.addi %add3A_175, %iota3A : vector<16xi32>
      %mul3A_177 = arith.constant 8193 : i32
      %mul3A_178 = vector.broadcast %mul3A_177 : i32 to vector<16xi32>
      %mul3A_179 = arith.muli %add3A_176, %mul3A_178 : vector<16xi32>
      %mul3A_180 = arith.constant 8192 : i32
      %mul3A_181 = vector.broadcast %mul3A_180 : i32 to vector<16xi32>
      %mul3A_182 = arith.muli %get3A_151, %mul3A_181 : vector<16xi32>
      %add3A_183 = arith.addi %mul3A_182, %shift_right_logical3A_160 : vector<16xi32>
      %select_n3A_184 = arith.select %and3A_167, %add3A_183, %mul3A_179 : vector<16xi1>, vector<16xi32>
      %gather3A_185 = tpu.vector_load_idx %arg8[%select_n3A_172] : memref<256xf32, #tpu.memory_space<vmem>>[vector<16xi32>], vector<16xf32>,
      %jit3A_186 = arith.constant 0.000000e+00 : f32
      %broadcast_in_dim3A_187 = vector.broadcast %jit3A_186 : f32 to vector<16xf32>
      %select_n3A_188 = arith.select %and3A_167, %gather3A_185, %broadcast_in_dim3A_187 : vector<16xi1>, vector<16xf32>
      %swap3A_189 = arith.index_cast %scan3A_107 : i32 to index
      %swap3A_190 = arith.constant 16 : index
      %swap3A_191 = tpu.vector_load %arg5[%swap3A_189, %swap3A_190] {strides = array<i32>} : memref<128x128xi32, #tpu.memory_space<vmem>>, vector<16xi32>,
      tpu.vector_store %arg5[%swap3A_189, %swap3A_190], %select_n3A_184 {strides = array<i32>} : memref<128x128xi32, #tpu.memory_space<vmem>>, vector<16xi32>,
      %swap3A_192 = arith.index_cast %scan3A_107 : i32 to index
      %swap3A_193 = arith.constant 16 : index
      %swap3A_194 = tpu.vector_load %arg6[%swap3A_192, %swap3A_193] {strides = array<i32>} : memref<128x128xf32, #tpu.memory_space<vmem>>, vector<16xf32>,
      tpu.vector_store %arg6[%swap3A_192, %swap3A_193], %select_n3A_188 {strides = array<i32>} : memref<128x128xf32, #tpu.memory_space<vmem>>, vector<16xf32>,
      %mul3A_195 = arith.constant 128 : i32
      %mul3A_196 = arith.muli %scan3A_107, %mul3A_195 : i32
      %add3A_197 = arith.constant 32800 : i32
      %add3A_198 = arith.addi %add3A_197, %mul3A_196 : i32
      %get3A_199 = arith.index_cast %add3A_198 : i32 to index
      %get3A_200 = tpu.vector_load %arg4[%get3A_199] {strides = array<i32>} : memref<65536xi32, #tpu.memory_space<vmem>>, vector<16xi32>,
      %mul3A_201 = arith.constant 128 : i32
      %mul3A_202 = arith.muli %scan3A_107, %mul3A_201 : i32
      %add3A_203 = arith.constant 32800 : i32
      %add3A_204 = arith.addi %add3A_203, %mul3A_202 : i32
      %add3A_205 = vector.broadcast %add3A_204 : i32 to vector<16xi32>
      %add3A_206 = arith.addi %add3A_205, %iota3A : vector<16xi32>
      %shift_right_logical3A_207 = arith.constant 3 : i32
      %shift_right_logical3A_208 = vector.broadcast %shift_right_logical3A_207 : i32 to vector<16xi32>
      %shift_right_logical3A_209 = arith.shrui %add3A_206, %shift_right_logical3A_208 : vector<16xi32>
      %ge3A_210 = vector.broadcast %mul3A_2 : i32 to vector<16xi32>
      %ge3A_211 = arith.cmpi sge, %get3A_200, %ge3A_210 : vector<16xi32>
      %add3A_212 = arith.constant 256 : i32
      %add3A_213 = arith.addi %mul3A_2, %add3A_212 : i32
      %lt3A_214 = vector.broadcast %add3A_213 : i32 to vector<16xi32>
      %lt3A_215 = arith.cmpi slt, %get3A_200, %lt3A_214 : vector<16xi32>
      %and3A_216 = arith.andi %ge3A_211, %lt3A_215 : vector<16xi1>
      %sub3A_217 = vector.broadcast %mul3A_2 : i32 to vector<16xi32>
      %sub3A_218 = arith.subi %get3A_200, %sub3A_217 : vector<16xi32>
      %jit3A_219 = arith.constant 0 : i32
      %broadcast_in_dim3A_220 = vector.broadcast %jit3A_219 : i32 to vector<16xi32>
      %select_n3A_221 = arith.select %and3A_216, %sub3A_218, %broadcast_in_dim3A_220 : vector<16xi1>, vector<16xi32>
      %add3A_222 = arith.constant 32 : i32
      %add3A_223 = arith.addi %mul3A_2, %add3A_222 : i32
      %add3A_224 = vector.broadcast %add3A_223 : i32 to vector<16xi32>
      %add3A_225 = arith.addi %add3A_224, %iota3A : vector<16xi32>
      %mul3A_226 = arith.constant 8193 : i32
      %mul3A_227 = vector.broadcast %mul3A_226 : i32 to vector<16xi32>
      %mul3A_228 = arith.muli %add3A_225, %mul3A_227 : vector<16xi32>
      %mul3A_229 = arith.constant 8192 : i32
      %mul3A_230 = vector.broadcast %mul3A_229 : i32 to vector<16xi32>
      %mul3A_231 = arith.muli %get3A_200, %mul3A_230 : vector<16xi32>
      %add3A_232 = arith.addi %mul3A_231, %shift_right_logical3A_209 : vector<16xi32>
      %select_n3A_233 = arith.select %and3A_216, %add3A_232, %mul3A_228 : vector<16xi1>, vector<16xi32>
      %gather3A_234 = tpu.vector_load_idx %arg8[%select_n3A_221] : memref<256xf32, #tpu.memory_space<vmem>>[vector<16xi32>], vector<16xf32>,
      %jit3A_235 = arith.constant 0.000000e+00 : f32
      %broadcast_in_dim3A_236 = vector.broadcast %jit3A_235 : f32 to vector<16xf32>
      %select_n3A_237 = arith.select %and3A_216, %gather3A_234, %broadcast_in_dim3A_236 : vector<16xi1>, vector<16xf32>
      %swap3A_238 = arith.index_cast %scan3A_107 : i32 to index
      %swap3A_239 = arith.constant 32 : index
      %swap3A_240 = tpu.vector_load %arg5[%swap3A_238, %swap3A_239] {strides = array<i32>} : memref<128x128xi32, #tpu.memory_space<vmem>>, vector<16xi32>,
      tpu.vector_store %arg5[%swap3A_238, %swap3A_239], %select_n3A_233 {strides = array<i32>} : memref<128x128xi32, #tpu.memory_space<vmem>>, vector<16xi32>,
      %swap3A_241 = arith.index_cast %scan3A_107 : i32 to index
      %swap3A_242 = arith.constant 32 : index
      %swap3A_243 = tpu.vector_load %arg6[%swap3A_241, %swap3A_242] {strides = array<i32>} : memref<128x128xf32, #tpu.memory_space<vmem>>, vector<16xf32>,
      tpu.vector_store %arg6[%swap3A_241, %swap3A_242], %select_n3A_237 {strides = array<i32>} : memref<128x128xf32, #tpu.memory_space<vmem>>, vector<16xf32>,
      %mul3A_244 = arith.constant 128 : i32
      %mul3A_245 = arith.muli %scan3A_107, %mul3A_244 : i32
      %add3A_246 = arith.constant 32816 : i32
      %add3A_247 = arith.addi %add3A_246, %mul3A_245 : i32
      %get3A_248 = arith.index_cast %add3A_247 : i32 to index
      %get3A_249 = tpu.vector_load %arg4[%get3A_248] {strides = array<i32>} : memref<65536xi32, #tpu.memory_space<vmem>>, vector<16xi32>,
      %mul3A_250 = arith.constant 128 : i32
      %mul3A_251 = arith.muli %scan3A_107, %mul3A_250 : i32
      %add3A_252 = arith.constant 32816 : i32
      %add3A_253 = arith.addi %add3A_252, %mul3A_251 : i32
      %add3A_254 = vector.broadcast %add3A_253 : i32 to vector<16xi32>
      %add3A_255 = arith.addi %add3A_254, %iota3A : vector<16xi32>
      %shift_right_logical3A_256 = arith.constant 3 : i32
      %shift_right_logical3A_257 = vector.broadcast %shift_right_logical3A_256 : i32 to vector<16xi32>
      %shift_right_logical3A_258 = arith.shrui %add3A_255, %shift_right_logical3A_257 : vector<16xi32>
      %ge3A_259 = vector.broadcast %mul3A_2 : i32 to vector<16xi32>
      %ge3A_260 = arith.cmpi sge, %get3A_249, %ge3A_259 : vector<16xi32>
      %add3A_261 = arith.constant 256 : i32
      %add3A_262 = arith.addi %mul3A_2, %add3A_261 : i32
      %lt3A_263 = vector.broadcast %add3A_262 : i32 to vector<16xi32>
      %lt3A_264 = arith.cmpi slt, %get3A_249, %lt3A_263 : vector<16xi32>
      %and3A_265 = arith.andi %ge3A_260, %lt3A_264 : vector<16xi1>
      %sub3A_266 = vector.broadcast %mul3A_2 : i32 to vector<16xi32>
      %sub3A_267 = arith.subi %get3A_249, %sub3A_266 : vector<16xi32>
      %jit3A_268 = arith.constant 0 : i32
      %broadcast_in_dim3A_269 = vector.broadcast %jit3A_268 : i32 to vector<16xi32>
      %select_n3A_270 = arith.select %and3A_265, %sub3A_267, %broadcast_in_dim3A_269 : vector<16xi1>, vector<16xi32>
      %add3A_271 = arith.constant 48 : i32
      %add3A_272 = arith.addi %mul3A_2, %add3A_271 : i32
      %add3A_273 = vector.broadcast %add3A_272 : i32 to vector<16xi32>
      %add3A_274 = arith.addi %add3A_273, %iota3A : vector<16xi32>
      %mul3A_275 = arith.constant 8193 : i32
      %mul3A_276 = vector.broadcast %mul3A_275 : i32 to vector<16xi32>
      %mul3A_277 = arith.muli %add3A_274, %mul3A_276 : vector<16xi32>
      %mul3A_278 = arith.constant 8192 : i32
      %mul3A_279 = vector.broadcast %mul3A_278 : i32 to vector<16xi32>
      %mul3A_280 = arith.muli %get3A_249, %mul3A_279 : vector<16xi32>
      %add3A_281 = arith.addi %mul3A_280, %shift_right_logical3A_258 : vector<16xi32>
      %select_n3A_282 = arith.select %and3A_265, %add3A_281, %mul3A_277 : vector<16xi1>, vector<16xi32>
      %gather3A_283 = tpu.vector_load_idx %arg8[%select_n3A_270] : memref<256xf32, #tpu.memory_space<vmem>>[vector<16xi32>], vector<16xf32>,
      %jit3A_284 = arith.constant 0.000000e+00 : f32
      %broadcast_in_dim3A_285 = vector.broadcast %jit3A_284 : f32 to vector<16xf32>
      %select_n3A_286 = arith.select %and3A_265, %gather3A_283, %broadcast_in_dim3A_285 : vector<16xi1>, vector<16xf32>
      %swap3A_287 = arith.index_cast %scan3A_107 : i32 to index
      %swap3A_288 = arith.constant 48 : index
      %swap3A_289 = tpu.vector_load %arg5[%swap3A_287, %swap3A_288] {strides = array<i32>} : memref<128x128xi32, #tpu.memory_space<vmem>>, vector<16xi32>,
      tpu.vector_store %arg5[%swap3A_287, %swap3A_288], %select_n3A_282 {strides = array<i32>} : memref<128x128xi32, #tpu.memory_space<vmem>>, vector<16xi32>,
      %swap3A_290 = arith.index_cast %scan3A_107 : i32 to index
      %swap3A_291 = arith.constant 48 : index
      %swap3A_292 = tpu.vector_load %arg6[%swap3A_290, %swap3A_291] {strides = array<i32>} : memref<128x128xf32, #tpu.memory_space<vmem>>, vector<16xf32>,
      tpu.vector_store %arg6[%swap3A_290, %swap3A_291], %select_n3A_286 {strides = array<i32>} : memref<128x128xf32, #tpu.memory_space<vmem>>, vector<16xf32>,
      %mul3A_293 = arith.constant 128 : i32
      %mul3A_294 = arith.muli %scan3A_107, %mul3A_293 : i32
      %add3A_295 = arith.constant 32832 : i32
      %add3A_296 = arith.addi %add3A_295, %mul3A_294 : i32
      %get3A_297 = arith.index_cast %add3A_296 : i32 to index
      %get3A_298 = tpu.vector_load %arg4[%get3A_297] {strides = array<i32>} : memref<65536xi32, #tpu.memory_space<vmem>>, vector<16xi32>,
      %mul3A_299 = arith.constant 128 : i32
      %mul3A_300 = arith.muli %scan3A_107, %mul3A_299 : i32
      %add3A_301 = arith.constant 32832 : i32
      %add3A_302 = arith.addi %add3A_301, %mul3A_300 : i32
      %add3A_303 = vector.broadcast %add3A_302 : i32 to vector<16xi32>
      %add3A_304 = arith.addi %add3A_303, %iota3A : vector<16xi32>
      %shift_right_logical3A_305 = arith.constant 3 : i32
      %shift_right_logical3A_306 = vector.broadcast %shift_right_logical3A_305 : i32 to vector<16xi32>
      %shift_right_logical3A_307 = arith.shrui %add3A_304, %shift_right_logical3A_306 : vector<16xi32>
      %ge3A_308 = vector.broadcast %mul3A_2 : i32 to vector<16xi32>
      %ge3A_309 = arith.cmpi sge, %get3A_298, %ge3A_308 : vector<16xi32>
      %add3A_310 = arith.constant 256 : i32
      %add3A_311 = arith.addi %mul3A_2, %add3A_310 : i32
      %lt3A_312 = vector.broadcast %add3A_311 : i32 to vector<16xi32>
      %lt3A_313 = arith.cmpi slt, %get3A_298, %lt3A_312 : vector<16xi32>
      %and3A_314 = arith.andi %ge3A_309, %lt3A_313 : vector<16xi1>
      %sub3A_315 = vector.broadcast %mul3A_2 : i32 to vector<16xi32>
      %sub3A_316 = arith.subi %get3A_298, %sub3A_315 : vector<16xi32>
      %jit3A_317 = arith.constant 0 : i32
      %broadcast_in_dim3A_318 = vector.broadcast %jit3A_317 : i32 to vector<16xi32>
      %select_n3A_319 = arith.select %and3A_314, %sub3A_316, %broadcast_in_dim3A_318 : vector<16xi1>, vector<16xi32>
      %add3A_320 = arith.constant 64 : i32
      %add3A_321 = arith.addi %mul3A_2, %add3A_320 : i32
      %add3A_322 = vector.broadcast %add3A_321 : i32 to vector<16xi32>
      %add3A_323 = arith.addi %add3A_322, %iota3A : vector<16xi32>
      %mul3A_324 = arith.constant 8193 : i32
      %mul3A_325 = vector.broadcast %mul3A_324 : i32 to vector<16xi32>
      %mul3A_326 = arith.muli %add3A_323, %mul3A_325 : vector<16xi32>
      %mul3A_327 = arith.constant 8192 : i32
      %mul3A_328 = vector.broadcast %mul3A_327 : i32 to vector<16xi32>
      %mul3A_329 = arith.muli %get3A_298, %mul3A_328 : vector<16xi32>
      %add3A_330 = arith.addi %mul3A_329, %shift_right_logical3A_307 : vector<16xi32>
      %select_n3A_331 = arith.select %and3A_314, %add3A_330, %mul3A_326 : vector<16xi1>, vector<16xi32>
      %gather3A_332 = tpu.vector_load_idx %arg8[%select_n3A_319] : memref<256xf32, #tpu.memory_space<vmem>>[vector<16xi32>], vector<16xf32>,
      %jit3A_333 = arith.constant 0.000000e+00 : f32
      %broadcast_in_dim3A_334 = vector.broadcast %jit3A_333 : f32 to vector<16xf32>
      %select_n3A_335 = arith.select %and3A_314, %gather3A_332, %broadcast_in_dim3A_334 : vector<16xi1>, vector<16xf32>
      %swap3A_336 = arith.index_cast %scan3A_107 : i32 to index
      %swap3A_337 = arith.constant 64 : index
      %swap3A_338 = tpu.vector_load %arg5[%swap3A_336, %swap3A_337] {strides = array<i32>} : memref<128x128xi32, #tpu.memory_space<vmem>>, vector<16xi32>,
      tpu.vector_store %arg5[%swap3A_336, %swap3A_337], %select_n3A_331 {strides = array<i32>} : memref<128x128xi32, #tpu.memory_space<vmem>>, vector<16xi32>,
      %swap3A_339 = arith.index_cast %scan3A_107 : i32 to index
      %swap3A_340 = arith.constant 64 : index
      %swap3A_341 = tpu.vector_load %arg6[%swap3A_339, %swap3A_340] {strides = array<i32>} : memref<128x128xf32, #tpu.memory_space<vmem>>, vector<16xf32>,
      tpu.vector_store %arg6[%swap3A_339, %swap3A_340], %select_n3A_335 {strides = array<i32>} : memref<128x128xf32, #tpu.memory_space<vmem>>, vector<16xf32>,
      %mul3A_342 = arith.constant 128 : i32
      %mul3A_343 = arith.muli %scan3A_107, %mul3A_342 : i32
      %add3A_344 = arith.constant 32848 : i32
      %add3A_345 = arith.addi %add3A_344, %mul3A_343 : i32
      %get3A_346 = arith.index_cast %add3A_345 : i32 to index
      %get3A_347 = tpu.vector_load %arg4[%get3A_346] {strides = array<i32>} : memref<65536xi32, #tpu.memory_space<vmem>>, vector<16xi32>,
      %mul3A_348 = arith.constant 128 : i32
      %mul3A_349 = arith.muli %scan3A_107, %mul3A_348 : i32
      %add3A_350 = arith.constant 32848 : i32
      %add3A_351 = arith.addi %add3A_350, %mul3A_349 : i32
      %add3A_352 = vector.broadcast %add3A_351 : i32 to vector<16xi32>
      %add3A_353 = arith.addi %add3A_352, %iota3A : vector<16xi32>
      %shift_right_logical3A_354 = arith.constant 3 : i32
      %shift_right_logical3A_355 = vector.broadcast %shift_right_logical3A_354 : i32 to vector<16xi32>
      %shift_right_logical3A_356 = arith.shrui %add3A_353, %shift_right_logical3A_355 : vector<16xi32>
      %ge3A_357 = vector.broadcast %mul3A_2 : i32 to vector<16xi32>
      %ge3A_358 = arith.cmpi sge, %get3A_347, %ge3A_357 : vector<16xi32>
      %add3A_359 = arith.constant 256 : i32
      %add3A_360 = arith.addi %mul3A_2, %add3A_359 : i32
      %lt3A_361 = vector.broadcast %add3A_360 : i32 to vector<16xi32>
      %lt3A_362 = arith.cmpi slt, %get3A_347, %lt3A_361 : vector<16xi32>
      %and3A_363 = arith.andi %ge3A_358, %lt3A_362 : vector<16xi1>
      %sub3A_364 = vector.broadcast %mul3A_2 : i32 to vector<16xi32>
      %sub3A_365 = arith.subi %get3A_347, %sub3A_364 : vector<16xi32>
      %jit3A_366 = arith.constant 0 : i32
      %broadcast_in_dim3A_367 = vector.broadcast %jit3A_366 : i32 to vector<16xi32>
      %select_n3A_368 = arith.select %and3A_363, %sub3A_365, %broadcast_in_dim3A_367 : vector<16xi1>, vector<16xi32>
      %add3A_369 = arith.constant 80 : i32
      %add3A_370 = arith.addi %mul3A_2, %add3A_369 : i32
      %add3A_371 = vector.broadcast %add3A_370 : i32 to vector<16xi32>
      %add3A_372 = arith.addi %add3A_371, %iota3A : vector<16xi32>
      %mul3A_373 = arith.constant 8193 : i32
      %mul3A_374 = vector.broadcast %mul3A_373 : i32 to vector<16xi32>
      %mul3A_375 = arith.muli %add3A_372, %mul3A_374 : vector<16xi32>
      %mul3A_376 = arith.constant 8192 : i32
      %mul3A_377 = vector.broadcast %mul3A_376 : i32 to vector<16xi32>
      %mul3A_378 = arith.muli %get3A_347, %mul3A_377 : vector<16xi32>
      %add3A_379 = arith.addi %mul3A_378, %shift_right_logical3A_356 : vector<16xi32>
      %select_n3A_380 = arith.select %and3A_363, %add3A_379, %mul3A_375 : vector<16xi1>, vector<16xi32>
      %gather3A_381 = tpu.vector_load_idx %arg8[%select_n3A_368] : memref<256xf32, #tpu.memory_space<vmem>>[vector<16xi32>], vector<16xf32>,
      %jit3A_382 = arith.constant 0.000000e+00 : f32
      %broadcast_in_dim3A_383 = vector.broadcast %jit3A_382 : f32 to vector<16xf32>
      %select_n3A_384 = arith.select %and3A_363, %gather3A_381, %broadcast_in_dim3A_383 : vector<16xi1>, vector<16xf32>
      %swap3A_385 = arith.index_cast %scan3A_107 : i32 to index
      %swap3A_386 = arith.constant 80 : index
      %swap3A_387 = tpu.vector_load %arg5[%swap3A_385, %swap3A_386] {strides = array<i32>} : memref<128x128xi32, #tpu.memory_space<vmem>>, vector<16xi32>,
      tpu.vector_store %arg5[%swap3A_385, %swap3A_386], %select_n3A_380 {strides = array<i32>} : memref<128x128xi32, #tpu.memory_space<vmem>>, vector<16xi32>,
      %swap3A_388 = arith.index_cast %scan3A_107 : i32 to index
      %swap3A_389 = arith.constant 80 : index
      %swap3A_390 = tpu.vector_load %arg6[%swap3A_388, %swap3A_389] {strides = array<i32>} : memref<128x128xf32, #tpu.memory_space<vmem>>, vector<16xf32>,
      tpu.vector_store %arg6[%swap3A_388, %swap3A_389], %select_n3A_384 {strides = array<i32>} : memref<128x128xf32, #tpu.memory_space<vmem>>, vector<16xf32>,
      %mul3A_391 = arith.constant 128 : i32
      %mul3A_392 = arith.muli %scan3A_107, %mul3A_391 : i32
      %add3A_393 = arith.constant 32864 : i32
      %add3A_394 = arith.addi %add3A_393, %mul3A_392 : i32
      %get3A_395 = arith.index_cast %add3A_394 : i32 to index
      %get3A_396 = tpu.vector_load %arg4[%get3A_395] {strides = array<i32>} : memref<65536xi32, #tpu.memory_space<vmem>>, vector<16xi32>,
      %mul3A_397 = arith.constant 128 : i32
      %mul3A_398 = arith.muli %scan3A_107, %mul3A_397 : i32
      %add3A_399 = arith.constant 32864 : i32
      %add3A_400 = arith.addi %add3A_399, %mul3A_398 : i32
      %add3A_401 = vector.broadcast %add3A_400 : i32 to vector<16xi32>
      %add3A_402 = arith.addi %add3A_401, %iota3A : vector<16xi32>
      %shift_right_logical3A_403 = arith.constant 3 : i32
      %shift_right_logical3A_404 = vector.broadcast %shift_right_logical3A_403 : i32 to vector<16xi32>
      %shift_right_logical3A_405 = arith.shrui %add3A_402, %shift_right_logical3A_404 : vector<16xi32>
      %ge3A_406 = vector.broadcast %mul3A_2 : i32 to vector<16xi32>
      %ge3A_407 = arith.cmpi sge, %get3A_396, %ge3A_406 : vector<16xi32>
      %add3A_408 = arith.constant 256 : i32
      %add3A_409 = arith.addi %mul3A_2, %add3A_408 : i32
      %lt3A_410 = vector.broadcast %add3A_409 : i32 to vector<16xi32>
      %lt3A_411 = arith.cmpi slt, %get3A_396, %lt3A_410 : vector<16xi32>
      %and3A_412 = arith.andi %ge3A_407, %lt3A_411 : vector<16xi1>
      %sub3A_413 = vector.broadcast %mul3A_2 : i32 to vector<16xi32>
      %sub3A_414 = arith.subi %get3A_396, %sub3A_413 : vector<16xi32>
      %jit3A_415 = arith.constant 0 : i32
      %broadcast_in_dim3A_416 = vector.broadcast %jit3A_415 : i32 to vector<16xi32>
      %select_n3A_417 = arith.select %and3A_412, %sub3A_414, %broadcast_in_dim3A_416 : vector<16xi1>, vector<16xi32>
      %add3A_418 = arith.constant 96 : i32
      %add3A_419 = arith.addi %mul3A_2, %add3A_418 : i32
      %add3A_420 = vector.broadcast %add3A_419 : i32 to vector<16xi32>
      %add3A_421 = arith.addi %add3A_420, %iota3A : vector<16xi32>
      %mul3A_422 = arith.constant 8193 : i32
      %mul3A_423 = vector.broadcast %mul3A_422 : i32 to vector<16xi32>
      %mul3A_424 = arith.muli %add3A_421, %mul3A_423 : vector<16xi32>
      %mul3A_425 = arith.constant 8192 : i32
      %mul3A_426 = vector.broadcast %mul3A_425 : i32 to vector<16xi32>
      %mul3A_427 = arith.muli %get3A_396, %mul3A_426 : vector<16xi32>
      %add3A_428 = arith.addi %mul3A_427, %shift_right_logical3A_405 : vector<16xi32>
      %select_n3A_429 = arith.select %and3A_412, %add3A_428, %mul3A_424 : vector<16xi1>, vector<16xi32>
      %gather3A_430 = tpu.vector_load_idx %arg8[%select_n3A_417] : memref<256xf32, #tpu.memory_space<vmem>>[vector<16xi32>], vector<16xf32>,
      %jit3A_431 = arith.constant 0.000000e+00 : f32
      %broadcast_in_dim3A_432 = vector.broadcast %jit3A_431 : f32 to vector<16xf32>
      %select_n3A_433 = arith.select %and3A_412, %gather3A_430, %broadcast_in_dim3A_432 : vector<16xi1>, vector<16xf32>
      %swap3A_434 = arith.index_cast %scan3A_107 : i32 to index
      %swap3A_435 = arith.constant 96 : index
      %swap3A_436 = tpu.vector_load %arg5[%swap3A_434, %swap3A_435] {strides = array<i32>} : memref<128x128xi32, #tpu.memory_space<vmem>>, vector<16xi32>,
      tpu.vector_store %arg5[%swap3A_434, %swap3A_435], %select_n3A_429 {strides = array<i32>} : memref<128x128xi32, #tpu.memory_space<vmem>>, vector<16xi32>,
      %swap3A_437 = arith.index_cast %scan3A_107 : i32 to index
      %swap3A_438 = arith.constant 96 : index
      %swap3A_439 = tpu.vector_load %arg6[%swap3A_437, %swap3A_438] {strides = array<i32>} : memref<128x128xf32, #tpu.memory_space<vmem>>, vector<16xf32>,
      tpu.vector_store %arg6[%swap3A_437, %swap3A_438], %select_n3A_433 {strides = array<i32>} : memref<128x128xf32, #tpu.memory_space<vmem>>, vector<16xf32>,
      %mul3A_440 = arith.constant 128 : i32
      %mul3A_441 = arith.muli %scan3A_107, %mul3A_440 : i32
      %add3A_442 = arith.constant 32880 : i32
      %add3A_443 = arith.addi %add3A_442, %mul3A_441 : i32
      %get3A_444 = arith.index_cast %add3A_443 : i32 to index
      %get3A_445 = tpu.vector_load %arg4[%get3A_444] {strides = array<i32>} : memref<65536xi32, #tpu.memory_space<vmem>>, vector<16xi32>,
      %mul3A_446 = arith.constant 128 : i32
      %mul3A_447 = arith.muli %scan3A_107, %mul3A_446 : i32
      %add3A_448 = arith.constant 32880 : i32
      %add3A_449 = arith.addi %add3A_448, %mul3A_447 : i32
      %add3A_450 = vector.broadcast %add3A_449 : i32 to vector<16xi32>
      %add3A_451 = arith.addi %add3A_450, %iota3A : vector<16xi32>
      %shift_right_logical3A_452 = arith.constant 3 : i32
      %shift_right_logical3A_453 = vector.broadcast %shift_right_logical3A_452 : i32 to vector<16xi32>
      %shift_right_logical3A_454 = arith.shrui %add3A_451, %shift_right_logical3A_453 : vector<16xi32>
      %ge3A_455 = vector.broadcast %mul3A_2 : i32 to vector<16xi32>
      %ge3A_456 = arith.cmpi sge, %get3A_445, %ge3A_455 : vector<16xi32>
      %add3A_457 = arith.constant 256 : i32
      %add3A_458 = arith.addi %mul3A_2, %add3A_457 : i32
      %lt3A_459 = vector.broadcast %add3A_458 : i32 to vector<16xi32>
      %lt3A_460 = arith.cmpi slt, %get3A_445, %lt3A_459 : vector<16xi32>
      %and3A_461 = arith.andi %ge3A_456, %lt3A_460 : vector<16xi1>
      %sub3A_462 = vector.broadcast %mul3A_2 : i32 to vector<16xi32>
      %sub3A_463 = arith.subi %get3A_445, %sub3A_462 : vector<16xi32>
      %jit3A_464 = arith.constant 0 : i32
      %broadcast_in_dim3A_465 = vector.broadcast %jit3A_464 : i32 to vector<16xi32>
      %select_n3A_466 = arith.select %and3A_461, %sub3A_463, %broadcast_in_dim3A_465 : vector<16xi1>, vector<16xi32>
      %add3A_467 = arith.constant 112 : i32
      %add3A_468 = arith.addi %mul3A_2, %add3A_467 : i32
      %add3A_469 = vector.broadcast %add3A_468 : i32 to vector<16xi32>
      %add3A_470 = arith.addi %add3A_469, %iota3A : vector<16xi32>
      %mul3A_471 = arith.constant 8193 : i32
      %mul3A_472 = vector.broadcast %mul3A_471 : i32 to vector<16xi32>
      %mul3A_473 = arith.muli %add3A_470, %mul3A_472 : vector<16xi32>
      %mul3A_474 = arith.constant 8192 : i32
      %mul3A_475 = vector.broadcast %mul3A_474 : i32 to vector<16xi32>
      %mul3A_476 = arith.muli %get3A_445, %mul3A_475 : vector<16xi32>
      %add3A_477 = arith.addi %mul3A_476, %shift_right_logical3A_454 : vector<16xi32>
      %select_n3A_478 = arith.select %and3A_461, %add3A_477, %mul3A_473 : vector<16xi1>, vector<16xi32>
      %gather3A_479 = tpu.vector_load_idx %arg8[%select_n3A_466] : memref<256xf32, #tpu.memory_space<vmem>>[vector<16xi32>], vector<16xf32>,
      %jit3A_480 = arith.constant 0.000000e+00 : f32
      %broadcast_in_dim3A_481 = vector.broadcast %jit3A_480 : f32 to vector<16xf32>
      %select_n3A_482 = arith.select %and3A_461, %gather3A_479, %broadcast_in_dim3A_481 : vector<16xi1>, vector<16xf32>
      %swap3A_483 = arith.index_cast %scan3A_107 : i32 to index
      %swap3A_484 = arith.constant 112 : index
      %swap3A_485 = tpu.vector_load %arg5[%swap3A_483, %swap3A_484] {strides = array<i32>} : memref<128x128xi32, #tpu.memory_space<vmem>>, vector<16xi32>,
      tpu.vector_store %arg5[%swap3A_483, %swap3A_484], %select_n3A_478 {strides = array<i32>} : memref<128x128xi32, #tpu.memory_space<vmem>>, vector<16xi32>,
      %swap3A_486 = arith.index_cast %scan3A_107 : i32 to index
      %swap3A_487 = arith.constant 112 : index
      %swap3A_488 = tpu.vector_load %arg6[%swap3A_486, %swap3A_487] {strides = array<i32>} : memref<128x128xf32, #tpu.memory_space<vmem>>, vector<16xf32>,
      tpu.vector_store %arg6[%swap3A_486, %swap3A_487], %select_n3A_482 {strides = array<i32>} : memref<128x128xf32, #tpu.memory_space<vmem>>, vector<16xf32>,
    }
    %scan3A_81 = arith.constant 128 : i32
    %scan3A_82 = arith.constant 0 : i32
    %scan3A_83 = arith.constant 128 : i32
    %scan3A_84 = arith.addi %scan3A_82, %scan3A_83 : i32
    %scan3A_85 = arith.constant 1 : i32
    scf.for %scan3A_107 = %scan3A_82 to %scan3A_84 step %scan3A_85  : i32 {
      %dma_start3A = arith.constant 0 : i32
      %dma_start3A_108 = tpu.memref_slice %arg6[%scan3A_107, %dma_start3A] : memref<128x128xf32, #tpu.memory_space<vmem>> -> memref<1x128xf32, #tpu.memory_space<vmem>>
      %dma_start3A_109 = tpu.memref_squeeze %dma_start3A_108 : memref<1x128xf32, #tpu.memory_space<vmem>> -> memref<128xf32, #tpu.memory_space<vmem>>
      %dma_start3A_110 = arith.constant 0 : i32
      %dma_start3A_111 = tpu.memref_slice %arg5[%scan3A_107, %dma_start3A_110] : memref<128x128xi32, #tpu.memory_space<vmem>> -> memref<1x128xi32, #tpu.memory_space<vmem>>
      %dma_start3A_112 = tpu.memref_squeeze %dma_start3A_111 : memref<1x128xi32, #tpu.memory_space<vmem>> -> memref<128xi32, #tpu.memory_space<vmem>>
      %dma_start3A_113 = arith.constant 0 : i32
      %dma_start3A_114 = tpu.memref_slice %arg3[%dma_start3A_113] : memref<67108864xf32, #tpu.memory_space<hbm>> -> memref<67108864xf32, #tpu.memory_space<hbm>>
      tpu.enqueue_indirect_dma source(%dma_start3A_109 : memref<128xf32, #tpu.memory_space<vmem>>) target(%dma_start3A_114 : memref<67108864xf32, #tpu.memory_space<hbm>>) offsets(%dma_start3A_112 : memref<128xi32, #tpu.memory_space<vmem>>) semaphore(%arg11 : memref<!tpu.dma_semaphore, #tpu.memory_space<semaphore_mem>>)
    }
    %scan3A_86 = arith.constant 128 : i32
    %scan3A_87 = arith.constant 0 : i32
    %scan3A_88 = arith.constant 128 : i32
    %scan3A_89 = arith.addi %scan3A_87, %scan3A_88 : i32
    %scan3A_90 = arith.constant 1 : i32
    scf.for %scan3A_107 = %scan3A_87 to %scan3A_89 step %scan3A_90  : i32 {
      %dma_wait3A = arith.constant 0 : i32
      %dma_wait3A_108 = tpu.memref_slice %arg6[%scan3A_107, %dma_wait3A] : memref<128x128xf32, #tpu.memory_space<vmem>> -> memref<1x128xf32, #tpu.memory_space<vmem>>
      %dma_wait3A_109 = tpu.memref_squeeze %dma_wait3A_108 : memref<1x128xf32, #tpu.memory_space<vmem>> -> memref<128xf32, #tpu.memory_space<vmem>>
      %dma_wait3A_110 = arith.constant 0 : i32
      %dma_wait3A_111 = tpu.memref_slice %arg5[%scan3A_107, %dma_wait3A_110] : memref<128x128xi32, #tpu.memory_space<vmem>> -> memref<1x128xi32, #tpu.memory_space<vmem>>
      %dma_wait3A_112 = tpu.memref_squeeze %dma_wait3A_111 : memref<1x128xi32, #tpu.memory_space<vmem>> -> memref<128xi32, #tpu.memory_space<vmem>>
      %dma_wait3A_113 = arith.constant 0 : i32
      %dma_wait3A_114 = tpu.memref_slice %arg3[%dma_wait3A_113] : memref<67108864xf32, #tpu.memory_space<hbm>> -> memref<67108864xf32, #tpu.memory_space<hbm>>
      tpu.wait_indirect_dma semaphore(%arg11 : memref<!tpu.dma_semaphore, #tpu.memory_space<semaphore_mem>>) src(%dma_wait3A_109 : memref<128xf32, #tpu.memory_space<vmem>>) dst(%dma_wait3A_114 : memref<67108864xf32, #tpu.memory_space<hbm>>)
    }
    %scan3A_91 = arith.constant 128 : i32
    %scan3A_92 = arith.constant 0 : i32
    %scan3A_93 = arith.constant 128 : i32
    %scan3A_94 = arith.addi %scan3A_92, %scan3A_93 : i32
    %scan3A_95 = arith.constant 1 : i32
    scf.for %scan3A_107 = %scan3A_92 to %scan3A_94 step %scan3A_95  : i32 {
      %mul3A_108 = arith.constant 128 : i32
      %mul3A_109 = arith.muli %scan3A_107, %mul3A_108 : i32
      %add3A_110 = arith.constant 49152 : i32
      %add3A_111 = arith.addi %add3A_110, %mul3A_109 : i32
      %get3A = arith.index_cast %add3A_111 : i32 to index
      %get3A_112 = tpu.vector_load %arg4[%get3A] {strides = array<i32>} : memref<65536xi32, #tpu.memory_space<vmem>>, vector<16xi32>,
      %mul3A_113 = arith.constant 128 : i32
      %mul3A_114 = arith.muli %scan3A_107, %mul3A_113 : i32
      %add3A_115 = arith.constant 49152 : i32
      %add3A_116 = arith.addi %add3A_115, %mul3A_114 : i32
      %add3A_117 = vector.broadcast %add3A_116 : i32 to vector<16xi32>
      %add3A_118 = arith.addi %add3A_117, %iota3A : vector<16xi32>
      %shift_right_logical3A = arith.constant 3 : i32
      %shift_right_logical3A_119 = vector.broadcast %shift_right_logical3A : i32 to vector<16xi32>
      %shift_right_logical3A_120 = arith.shrui %add3A_118, %shift_right_logical3A_119 : vector<16xi32>
      %ge3A = vector.broadcast %mul3A_2 : i32 to vector<16xi32>
      %ge3A_121 = arith.cmpi sge, %get3A_112, %ge3A : vector<16xi32>
      %add3A_122 = arith.constant 256 : i32
      %add3A_123 = arith.addi %mul3A_2, %add3A_122 : i32
      %lt3A = vector.broadcast %add3A_123 : i32 to vector<16xi32>
      %lt3A_124 = arith.cmpi slt, %get3A_112, %lt3A : vector<16xi32>
      %and3A = arith.andi %ge3A_121, %lt3A_124 : vector<16xi1>
      %sub3A = vector.broadcast %mul3A_2 : i32 to vector<16xi32>
      %sub3A_125 = arith.subi %get3A_112, %sub3A : vector<16xi32>
      %jit3A = arith.constant 0 : i32
      %broadcast_in_dim3A = vector.broadcast %jit3A : i32 to vector<16xi32>
      %select_n3A = arith.select %and3A, %sub3A_125, %broadcast_in_dim3A : vector<16xi1>, vector<16xi32>
      %add3A_126 = arith.constant 0 : i32
      %add3A_127 = arith.addi %mul3A_2, %add3A_126 : i32
      %add3A_128 = vector.broadcast %add3A_127 : i32 to vector<16xi32>
      %add3A_129 = arith.addi %add3A_128, %iota3A : vector<16xi32>
      %mul3A_130 = arith.constant 8193 : i32
      %mul3A_131 = vector.broadcast %mul3A_130 : i32 to vector<16xi32>
      %mul3A_132 = arith.muli %add3A_129, %mul3A_131 : vector<16xi32>
      %mul3A_133 = arith.constant 8192 : i32
      %mul3A_134 = vector.broadcast %mul3A_133 : i32 to vector<16xi32>
      %mul3A_135 = arith.muli %get3A_112, %mul3A_134 : vector<16xi32>
      %add3A_136 = arith.addi %mul3A_135, %shift_right_logical3A_120 : vector<16xi32>
      %select_n3A_137 = arith.select %and3A, %add3A_136, %mul3A_132 : vector<16xi1>, vector<16xi32>
      %gather3A = tpu.vector_load_idx %arg8[%select_n3A] : memref<256xf32, #tpu.memory_space<vmem>>[vector<16xi32>], vector<16xf32>,
      %jit3A_138 = arith.constant 0.000000e+00 : f32
      %broadcast_in_dim3A_139 = vector.broadcast %jit3A_138 : f32 to vector<16xf32>
      %select_n3A_140 = arith.select %and3A, %gather3A, %broadcast_in_dim3A_139 : vector<16xi1>, vector<16xf32>
      %swap3A = arith.index_cast %scan3A_107 : i32 to index
      %swap3A_141 = arith.constant 0 : index
      %swap3A_142 = tpu.vector_load %arg5[%swap3A, %swap3A_141] {strides = array<i32>} : memref<128x128xi32, #tpu.memory_space<vmem>>, vector<16xi32>,
      tpu.vector_store %arg5[%swap3A, %swap3A_141], %select_n3A_137 {strides = array<i32>} : memref<128x128xi32, #tpu.memory_space<vmem>>, vector<16xi32>,
      %swap3A_143 = arith.index_cast %scan3A_107 : i32 to index
      %swap3A_144 = arith.constant 0 : index
      %swap3A_145 = tpu.vector_load %arg6[%swap3A_143, %swap3A_144] {strides = array<i32>} : memref<128x128xf32, #tpu.memory_space<vmem>>, vector<16xf32>,
      tpu.vector_store %arg6[%swap3A_143, %swap3A_144], %select_n3A_140 {strides = array<i32>} : memref<128x128xf32, #tpu.memory_space<vmem>>, vector<16xf32>,
      %mul3A_146 = arith.constant 128 : i32
      %mul3A_147 = arith.muli %scan3A_107, %mul3A_146 : i32
      %add3A_148 = arith.constant 49168 : i32
      %add3A_149 = arith.addi %add3A_148, %mul3A_147 : i32
      %get3A_150 = arith.index_cast %add3A_149 : i32 to index
      %get3A_151 = tpu.vector_load %arg4[%get3A_150] {strides = array<i32>} : memref<65536xi32, #tpu.memory_space<vmem>>, vector<16xi32>,
      %mul3A_152 = arith.constant 128 : i32
      %mul3A_153 = arith.muli %scan3A_107, %mul3A_152 : i32
      %add3A_154 = arith.constant 49168 : i32
      %add3A_155 = arith.addi %add3A_154, %mul3A_153 : i32
      %add3A_156 = vector.broadcast %add3A_155 : i32 to vector<16xi32>
      %add3A_157 = arith.addi %add3A_156, %iota3A : vector<16xi32>
      %shift_right_logical3A_158 = arith.constant 3 : i32
      %shift_right_logical3A_159 = vector.broadcast %shift_right_logical3A_158 : i32 to vector<16xi32>
      %shift_right_logical3A_160 = arith.shrui %add3A_157, %shift_right_logical3A_159 : vector<16xi32>
      %ge3A_161 = vector.broadcast %mul3A_2 : i32 to vector<16xi32>
      %ge3A_162 = arith.cmpi sge, %get3A_151, %ge3A_161 : vector<16xi32>
      %add3A_163 = arith.constant 256 : i32
      %add3A_164 = arith.addi %mul3A_2, %add3A_163 : i32
      %lt3A_165 = vector.broadcast %add3A_164 : i32 to vector<16xi32>
      %lt3A_166 = arith.cmpi slt, %get3A_151, %lt3A_165 : vector<16xi32>
      %and3A_167 = arith.andi %ge3A_162, %lt3A_166 : vector<16xi1>
      %sub3A_168 = vector.broadcast %mul3A_2 : i32 to vector<16xi32>
      %sub3A_169 = arith.subi %get3A_151, %sub3A_168 : vector<16xi32>
      %jit3A_170 = arith.constant 0 : i32
      %broadcast_in_dim3A_171 = vector.broadcast %jit3A_170 : i32 to vector<16xi32>
      %select_n3A_172 = arith.select %and3A_167, %sub3A_169, %broadcast_in_dim3A_171 : vector<16xi1>, vector<16xi32>
      %add3A_173 = arith.constant 16 : i32
      %add3A_174 = arith.addi %mul3A_2, %add3A_173 : i32
      %add3A_175 = vector.broadcast %add3A_174 : i32 to vector<16xi32>
      %add3A_176 = arith.addi %add3A_175, %iota3A : vector<16xi32>
      %mul3A_177 = arith.constant 8193 : i32
      %mul3A_178 = vector.broadcast %mul3A_177 : i32 to vector<16xi32>
      %mul3A_179 = arith.muli %add3A_176, %mul3A_178 : vector<16xi32>
      %mul3A_180 = arith.constant 8192 : i32
      %mul3A_181 = vector.broadcast %mul3A_180 : i32 to vector<16xi32>
      %mul3A_182 = arith.muli %get3A_151, %mul3A_181 : vector<16xi32>
      %add3A_183 = arith.addi %mul3A_182, %shift_right_logical3A_160 : vector<16xi32>
      %select_n3A_184 = arith.select %and3A_167, %add3A_183, %mul3A_179 : vector<16xi1>, vector<16xi32>
      %gather3A_185 = tpu.vector_load_idx %arg8[%select_n3A_172] : memref<256xf32, #tpu.memory_space<vmem>>[vector<16xi32>], vector<16xf32>,
      %jit3A_186 = arith.constant 0.000000e+00 : f32
      %broadcast_in_dim3A_187 = vector.broadcast %jit3A_186 : f32 to vector<16xf32>
      %select_n3A_188 = arith.select %and3A_167, %gather3A_185, %broadcast_in_dim3A_187 : vector<16xi1>, vector<16xf32>
      %swap3A_189 = arith.index_cast %scan3A_107 : i32 to index
      %swap3A_190 = arith.constant 16 : index
      %swap3A_191 = tpu.vector_load %arg5[%swap3A_189, %swap3A_190] {strides = array<i32>} : memref<128x128xi32, #tpu.memory_space<vmem>>, vector<16xi32>,
      tpu.vector_store %arg5[%swap3A_189, %swap3A_190], %select_n3A_184 {strides = array<i32>} : memref<128x128xi32, #tpu.memory_space<vmem>>, vector<16xi32>,
      %swap3A_192 = arith.index_cast %scan3A_107 : i32 to index
      %swap3A_193 = arith.constant 16 : index
      %swap3A_194 = tpu.vector_load %arg6[%swap3A_192, %swap3A_193] {strides = array<i32>} : memref<128x128xf32, #tpu.memory_space<vmem>>, vector<16xf32>,
      tpu.vector_store %arg6[%swap3A_192, %swap3A_193], %select_n3A_188 {strides = array<i32>} : memref<128x128xf32, #tpu.memory_space<vmem>>, vector<16xf32>,
      %mul3A_195 = arith.constant 128 : i32
      %mul3A_196 = arith.muli %scan3A_107, %mul3A_195 : i32
      %add3A_197 = arith.constant 49184 : i32
      %add3A_198 = arith.addi %add3A_197, %mul3A_196 : i32
      %get3A_199 = arith.index_cast %add3A_198 : i32 to index
      %get3A_200 = tpu.vector_load %arg4[%get3A_199] {strides = array<i32>} : memref<65536xi32, #tpu.memory_space<vmem>>, vector<16xi32>,
      %mul3A_201 = arith.constant 128 : i32
      %mul3A_202 = arith.muli %scan3A_107, %mul3A_201 : i32
      %add3A_203 = arith.constant 49184 : i32
      %add3A_204 = arith.addi %add3A_203, %mul3A_202 : i32
      %add3A_205 = vector.broadcast %add3A_204 : i32 to vector<16xi32>
      %add3A_206 = arith.addi %add3A_205, %iota3A : vector<16xi32>
      %shift_right_logical3A_207 = arith.constant 3 : i32
      %shift_right_logical3A_208 = vector.broadcast %shift_right_logical3A_207 : i32 to vector<16xi32>
      %shift_right_logical3A_209 = arith.shrui %add3A_206, %shift_right_logical3A_208 : vector<16xi32>
      %ge3A_210 = vector.broadcast %mul3A_2 : i32 to vector<16xi32>
      %ge3A_211 = arith.cmpi sge, %get3A_200, %ge3A_210 : vector<16xi32>
      %add3A_212 = arith.constant 256 : i32
      %add3A_213 = arith.addi %mul3A_2, %add3A_212 : i32
      %lt3A_214 = vector.broadcast %add3A_213 : i32 to vector<16xi32>
      %lt3A_215 = arith.cmpi slt, %get3A_200, %lt3A_214 : vector<16xi32>
      %and3A_216 = arith.andi %ge3A_211, %lt3A_215 : vector<16xi1>
      %sub3A_217 = vector.broadcast %mul3A_2 : i32 to vector<16xi32>
      %sub3A_218 = arith.subi %get3A_200, %sub3A_217 : vector<16xi32>
      %jit3A_219 = arith.constant 0 : i32
      %broadcast_in_dim3A_220 = vector.broadcast %jit3A_219 : i32 to vector<16xi32>
      %select_n3A_221 = arith.select %and3A_216, %sub3A_218, %broadcast_in_dim3A_220 : vector<16xi1>, vector<16xi32>
      %add3A_222 = arith.constant 32 : i32
      %add3A_223 = arith.addi %mul3A_2, %add3A_222 : i32
      %add3A_224 = vector.broadcast %add3A_223 : i32 to vector<16xi32>
      %add3A_225 = arith.addi %add3A_224, %iota3A : vector<16xi32>
      %mul3A_226 = arith.constant 8193 : i32
      %mul3A_227 = vector.broadcast %mul3A_226 : i32 to vector<16xi32>
      %mul3A_228 = arith.muli %add3A_225, %mul3A_227 : vector<16xi32>
      %mul3A_229 = arith.constant 8192 : i32
      %mul3A_230 = vector.broadcast %mul3A_229 : i32 to vector<16xi32>
      %mul3A_231 = arith.muli %get3A_200, %mul3A_230 : vector<16xi32>
      %add3A_232 = arith.addi %mul3A_231, %shift_right_logical3A_209 : vector<16xi32>
      %select_n3A_233 = arith.select %and3A_216, %add3A_232, %mul3A_228 : vector<16xi1>, vector<16xi32>
      %gather3A_234 = tpu.vector_load_idx %arg8[%select_n3A_221] : memref<256xf32, #tpu.memory_space<vmem>>[vector<16xi32>], vector<16xf32>,
      %jit3A_235 = arith.constant 0.000000e+00 : f32
      %broadcast_in_dim3A_236 = vector.broadcast %jit3A_235 : f32 to vector<16xf32>
      %select_n3A_237 = arith.select %and3A_216, %gather3A_234, %broadcast_in_dim3A_236 : vector<16xi1>, vector<16xf32>
      %swap3A_238 = arith.index_cast %scan3A_107 : i32 to index
      %swap3A_239 = arith.constant 32 : index
      %swap3A_240 = tpu.vector_load %arg5[%swap3A_238, %swap3A_239] {strides = array<i32>} : memref<128x128xi32, #tpu.memory_space<vmem>>, vector<16xi32>,
      tpu.vector_store %arg5[%swap3A_238, %swap3A_239], %select_n3A_233 {strides = array<i32>} : memref<128x128xi32, #tpu.memory_space<vmem>>, vector<16xi32>,
      %swap3A_241 = arith.index_cast %scan3A_107 : i32 to index
      %swap3A_242 = arith.constant 32 : index
      %swap3A_243 = tpu.vector_load %arg6[%swap3A_241, %swap3A_242] {strides = array<i32>} : memref<128x128xf32, #tpu.memory_space<vmem>>, vector<16xf32>,
      tpu.vector_store %arg6[%swap3A_241, %swap3A_242], %select_n3A_237 {strides = array<i32>} : memref<128x128xf32, #tpu.memory_space<vmem>>, vector<16xf32>,
      %mul3A_244 = arith.constant 128 : i32
      %mul3A_245 = arith.muli %scan3A_107, %mul3A_244 : i32
      %add3A_246 = arith.constant 49200 : i32
      %add3A_247 = arith.addi %add3A_246, %mul3A_245 : i32
      %get3A_248 = arith.index_cast %add3A_247 : i32 to index
      %get3A_249 = tpu.vector_load %arg4[%get3A_248] {strides = array<i32>} : memref<65536xi32, #tpu.memory_space<vmem>>, vector<16xi32>,
      %mul3A_250 = arith.constant 128 : i32
      %mul3A_251 = arith.muli %scan3A_107, %mul3A_250 : i32
      %add3A_252 = arith.constant 49200 : i32
      %add3A_253 = arith.addi %add3A_252, %mul3A_251 : i32
      %add3A_254 = vector.broadcast %add3A_253 : i32 to vector<16xi32>
      %add3A_255 = arith.addi %add3A_254, %iota3A : vector<16xi32>
      %shift_right_logical3A_256 = arith.constant 3 : i32
      %shift_right_logical3A_257 = vector.broadcast %shift_right_logical3A_256 : i32 to vector<16xi32>
      %shift_right_logical3A_258 = arith.shrui %add3A_255, %shift_right_logical3A_257 : vector<16xi32>
      %ge3A_259 = vector.broadcast %mul3A_2 : i32 to vector<16xi32>
      %ge3A_260 = arith.cmpi sge, %get3A_249, %ge3A_259 : vector<16xi32>
      %add3A_261 = arith.constant 256 : i32
      %add3A_262 = arith.addi %mul3A_2, %add3A_261 : i32
      %lt3A_263 = vector.broadcast %add3A_262 : i32 to vector<16xi32>
      %lt3A_264 = arith.cmpi slt, %get3A_249, %lt3A_263 : vector<16xi32>
      %and3A_265 = arith.andi %ge3A_260, %lt3A_264 : vector<16xi1>
      %sub3A_266 = vector.broadcast %mul3A_2 : i32 to vector<16xi32>
      %sub3A_267 = arith.subi %get3A_249, %sub3A_266 : vector<16xi32>
      %jit3A_268 = arith.constant 0 : i32
      %broadcast_in_dim3A_269 = vector.broadcast %jit3A_268 : i32 to vector<16xi32>
      %select_n3A_270 = arith.select %and3A_265, %sub3A_267, %broadcast_in_dim3A_269 : vector<16xi1>, vector<16xi32>
      %add3A_271 = arith.constant 48 : i32
      %add3A_272 = arith.addi %mul3A_2, %add3A_271 : i32
      %add3A_273 = vector.broadcast %add3A_272 : i32 to vector<16xi32>
      %add3A_274 = arith.addi %add3A_273, %iota3A : vector<16xi32>
      %mul3A_275 = arith.constant 8193 : i32
      %mul3A_276 = vector.broadcast %mul3A_275 : i32 to vector<16xi32>
      %mul3A_277 = arith.muli %add3A_274, %mul3A_276 : vector<16xi32>
      %mul3A_278 = arith.constant 8192 : i32
      %mul3A_279 = vector.broadcast %mul3A_278 : i32 to vector<16xi32>
      %mul3A_280 = arith.muli %get3A_249, %mul3A_279 : vector<16xi32>
      %add3A_281 = arith.addi %mul3A_280, %shift_right_logical3A_258 : vector<16xi32>
      %select_n3A_282 = arith.select %and3A_265, %add3A_281, %mul3A_277 : vector<16xi1>, vector<16xi32>
      %gather3A_283 = tpu.vector_load_idx %arg8[%select_n3A_270] : memref<256xf32, #tpu.memory_space<vmem>>[vector<16xi32>], vector<16xf32>,
      %jit3A_284 = arith.constant 0.000000e+00 : f32
      %broadcast_in_dim3A_285 = vector.broadcast %jit3A_284 : f32 to vector<16xf32>
      %select_n3A_286 = arith.select %and3A_265, %gather3A_283, %broadcast_in_dim3A_285 : vector<16xi1>, vector<16xf32>
      %swap3A_287 = arith.index_cast %scan3A_107 : i32 to index
      %swap3A_288 = arith.constant 48 : index
      %swap3A_289 = tpu.vector_load %arg5[%swap3A_287, %swap3A_288] {strides = array<i32>} : memref<128x128xi32, #tpu.memory_space<vmem>>, vector<16xi32>,
      tpu.vector_store %arg5[%swap3A_287, %swap3A_288], %select_n3A_282 {strides = array<i32>} : memref<128x128xi32, #tpu.memory_space<vmem>>, vector<16xi32>,
      %swap3A_290 = arith.index_cast %scan3A_107 : i32 to index
      %swap3A_291 = arith.constant 48 : index
      %swap3A_292 = tpu.vector_load %arg6[%swap3A_290, %swap3A_291] {strides = array<i32>} : memref<128x128xf32, #tpu.memory_space<vmem>>, vector<16xf32>,
      tpu.vector_store %arg6[%swap3A_290, %swap3A_291], %select_n3A_286 {strides = array<i32>} : memref<128x128xf32, #tpu.memory_space<vmem>>, vector<16xf32>,
      %mul3A_293 = arith.constant 128 : i32
      %mul3A_294 = arith.muli %scan3A_107, %mul3A_293 : i32
      %add3A_295 = arith.constant 49216 : i32
      %add3A_296 = arith.addi %add3A_295, %mul3A_294 : i32
      %get3A_297 = arith.index_cast %add3A_296 : i32 to index
      %get3A_298 = tpu.vector_load %arg4[%get3A_297] {strides = array<i32>} : memref<65536xi32, #tpu.memory_space<vmem>>, vector<16xi32>,
      %mul3A_299 = arith.constant 128 : i32
      %mul3A_300 = arith.muli %scan3A_107, %mul3A_299 : i32
      %add3A_301 = arith.constant 49216 : i32
      %add3A_302 = arith.addi %add3A_301, %mul3A_300 : i32
      %add3A_303 = vector.broadcast %add3A_302 : i32 to vector<16xi32>
      %add3A_304 = arith.addi %add3A_303, %iota3A : vector<16xi32>
      %shift_right_logical3A_305 = arith.constant 3 : i32
      %shift_right_logical3A_306 = vector.broadcast %shift_right_logical3A_305 : i32 to vector<16xi32>
      %shift_right_logical3A_307 = arith.shrui %add3A_304, %shift_right_logical3A_306 : vector<16xi32>
      %ge3A_308 = vector.broadcast %mul3A_2 : i32 to vector<16xi32>
      %ge3A_309 = arith.cmpi sge, %get3A_298, %ge3A_308 : vector<16xi32>
      %add3A_310 = arith.constant 256 : i32
      %add3A_311 = arith.addi %mul3A_2, %add3A_310 : i32
      %lt3A_312 = vector.broadcast %add3A_311 : i32 to vector<16xi32>
      %lt3A_313 = arith.cmpi slt, %get3A_298, %lt3A_312 : vector<16xi32>
      %and3A_314 = arith.andi %ge3A_309, %lt3A_313 : vector<16xi1>
      %sub3A_315 = vector.broadcast %mul3A_2 : i32 to vector<16xi32>
      %sub3A_316 = arith.subi %get3A_298, %sub3A_315 : vector<16xi32>
      %jit3A_317 = arith.constant 0 : i32
      %broadcast_in_dim3A_318 = vector.broadcast %jit3A_317 : i32 to vector<16xi32>
      %select_n3A_319 = arith.select %and3A_314, %sub3A_316, %broadcast_in_dim3A_318 : vector<16xi1>, vector<16xi32>
      %add3A_320 = arith.constant 64 : i32
      %add3A_321 = arith.addi %mul3A_2, %add3A_320 : i32
      %add3A_322 = vector.broadcast %add3A_321 : i32 to vector<16xi32>
      %add3A_323 = arith.addi %add3A_322, %iota3A : vector<16xi32>
      %mul3A_324 = arith.constant 8193 : i32
      %mul3A_325 = vector.broadcast %mul3A_324 : i32 to vector<16xi32>
      %mul3A_326 = arith.muli %add3A_323, %mul3A_325 : vector<16xi32>
      %mul3A_327 = arith.constant 8192 : i32
      %mul3A_328 = vector.broadcast %mul3A_327 : i32 to vector<16xi32>
      %mul3A_329 = arith.muli %get3A_298, %mul3A_328 : vector<16xi32>
      %add3A_330 = arith.addi %mul3A_329, %shift_right_logical3A_307 : vector<16xi32>
      %select_n3A_331 = arith.select %and3A_314, %add3A_330, %mul3A_326 : vector<16xi1>, vector<16xi32>
      %gather3A_332 = tpu.vector_load_idx %arg8[%select_n3A_319] : memref<256xf32, #tpu.memory_space<vmem>>[vector<16xi32>], vector<16xf32>,
      %jit3A_333 = arith.constant 0.000000e+00 : f32
      %broadcast_in_dim3A_334 = vector.broadcast %jit3A_333 : f32 to vector<16xf32>
      %select_n3A_335 = arith.select %and3A_314, %gather3A_332, %broadcast_in_dim3A_334 : vector<16xi1>, vector<16xf32>
      %swap3A_336 = arith.index_cast %scan3A_107 : i32 to index
      %swap3A_337 = arith.constant 64 : index
      %swap3A_338 = tpu.vector_load %arg5[%swap3A_336, %swap3A_337] {strides = array<i32>} : memref<128x128xi32, #tpu.memory_space<vmem>>, vector<16xi32>,
      tpu.vector_store %arg5[%swap3A_336, %swap3A_337], %select_n3A_331 {strides = array<i32>} : memref<128x128xi32, #tpu.memory_space<vmem>>, vector<16xi32>,
      %swap3A_339 = arith.index_cast %scan3A_107 : i32 to index
      %swap3A_340 = arith.constant 64 : index
      %swap3A_341 = tpu.vector_load %arg6[%swap3A_339, %swap3A_340] {strides = array<i32>} : memref<128x128xf32, #tpu.memory_space<vmem>>, vector<16xf32>,
      tpu.vector_store %arg6[%swap3A_339, %swap3A_340], %select_n3A_335 {strides = array<i32>} : memref<128x128xf32, #tpu.memory_space<vmem>>, vector<16xf32>,
      %mul3A_342 = arith.constant 128 : i32
      %mul3A_343 = arith.muli %scan3A_107, %mul3A_342 : i32
      %add3A_344 = arith.constant 49232 : i32
      %add3A_345 = arith.addi %add3A_344, %mul3A_343 : i32
      %get3A_346 = arith.index_cast %add3A_345 : i32 to index
      %get3A_347 = tpu.vector_load %arg4[%get3A_346] {strides = array<i32>} : memref<65536xi32, #tpu.memory_space<vmem>>, vector<16xi32>,
      %mul3A_348 = arith.constant 128 : i32
      %mul3A_349 = arith.muli %scan3A_107, %mul3A_348 : i32
      %add3A_350 = arith.constant 49232 : i32
      %add3A_351 = arith.addi %add3A_350, %mul3A_349 : i32
      %add3A_352 = vector.broadcast %add3A_351 : i32 to vector<16xi32>
      %add3A_353 = arith.addi %add3A_352, %iota3A : vector<16xi32>
      %shift_right_logical3A_354 = arith.constant 3 : i32
      %shift_right_logical3A_355 = vector.broadcast %shift_right_logical3A_354 : i32 to vector<16xi32>
      %shift_right_logical3A_356 = arith.shrui %add3A_353, %shift_right_logical3A_355 : vector<16xi32>
      %ge3A_357 = vector.broadcast %mul3A_2 : i32 to vector<16xi32>
      %ge3A_358 = arith.cmpi sge, %get3A_347, %ge3A_357 : vector<16xi32>
      %add3A_359 = arith.constant 256 : i32
      %add3A_360 = arith.addi %mul3A_2, %add3A_359 : i32
      %lt3A_361 = vector.broadcast %add3A_360 : i32 to vector<16xi32>
      %lt3A_362 = arith.cmpi slt, %get3A_347, %lt3A_361 : vector<16xi32>
      %and3A_363 = arith.andi %ge3A_358, %lt3A_362 : vector<16xi1>
      %sub3A_364 = vector.broadcast %mul3A_2 : i32 to vector<16xi32>
      %sub3A_365 = arith.subi %get3A_347, %sub3A_364 : vector<16xi32>
      %jit3A_366 = arith.constant 0 : i32
      %broadcast_in_dim3A_367 = vector.broadcast %jit3A_366 : i32 to vector<16xi32>
      %select_n3A_368 = arith.select %and3A_363, %sub3A_365, %broadcast_in_dim3A_367 : vector<16xi1>, vector<16xi32>
      %add3A_369 = arith.constant 80 : i32
      %add3A_370 = arith.addi %mul3A_2, %add3A_369 : i32
      %add3A_371 = vector.broadcast %add3A_370 : i32 to vector<16xi32>
      %add3A_372 = arith.addi %add3A_371, %iota3A : vector<16xi32>
      %mul3A_373 = arith.constant 8193 : i32
      %mul3A_374 = vector.broadcast %mul3A_373 : i32 to vector<16xi32>
      %mul3A_375 = arith.muli %add3A_372, %mul3A_374 : vector<16xi32>
      %mul3A_376 = arith.constant 8192 : i32
      %mul3A_377 = vector.broadcast %mul3A_376 : i32 to vector<16xi32>
      %mul3A_378 = arith.muli %get3A_347, %mul3A_377 : vector<16xi32>
      %add3A_379 = arith.addi %mul3A_378, %shift_right_logical3A_356 : vector<16xi32>
      %select_n3A_380 = arith.select %and3A_363, %add3A_379, %mul3A_375 : vector<16xi1>, vector<16xi32>
      %gather3A_381 = tpu.vector_load_idx %arg8[%select_n3A_368] : memref<256xf32, #tpu.memory_space<vmem>>[vector<16xi32>], vector<16xf32>,
      %jit3A_382 = arith.constant 0.000000e+00 : f32
      %broadcast_in_dim3A_383 = vector.broadcast %jit3A_382 : f32 to vector<16xf32>
      %select_n3A_384 = arith.select %and3A_363, %gather3A_381, %broadcast_in_dim3A_383 : vector<16xi1>, vector<16xf32>
      %swap3A_385 = arith.index_cast %scan3A_107 : i32 to index
      %swap3A_386 = arith.constant 80 : index
      %swap3A_387 = tpu.vector_load %arg5[%swap3A_385, %swap3A_386] {strides = array<i32>} : memref<128x128xi32, #tpu.memory_space<vmem>>, vector<16xi32>,
      tpu.vector_store %arg5[%swap3A_385, %swap3A_386], %select_n3A_380 {strides = array<i32>} : memref<128x128xi32, #tpu.memory_space<vmem>>, vector<16xi32>,
      %swap3A_388 = arith.index_cast %scan3A_107 : i32 to index
      %swap3A_389 = arith.constant 80 : index
      %swap3A_390 = tpu.vector_load %arg6[%swap3A_388, %swap3A_389] {strides = array<i32>} : memref<128x128xf32, #tpu.memory_space<vmem>>, vector<16xf32>,
      tpu.vector_store %arg6[%swap3A_388, %swap3A_389], %select_n3A_384 {strides = array<i32>} : memref<128x128xf32, #tpu.memory_space<vmem>>, vector<16xf32>,
      %mul3A_391 = arith.constant 128 : i32
      %mul3A_392 = arith.muli %scan3A_107, %mul3A_391 : i32
      %add3A_393 = arith.constant 49248 : i32
      %add3A_394 = arith.addi %add3A_393, %mul3A_392 : i32
      %get3A_395 = arith.index_cast %add3A_394 : i32 to index
      %get3A_396 = tpu.vector_load %arg4[%get3A_395] {strides = array<i32>} : memref<65536xi32, #tpu.memory_space<vmem>>, vector<16xi32>,
      %mul3A_397 = arith.constant 128 : i32
      %mul3A_398 = arith.muli %scan3A_107, %mul3A_397 : i32
      %add3A_399 = arith.constant 49248 : i32
      %add3A_400 = arith.addi %add3A_399, %mul3A_398 : i32
      %add3A_401 = vector.broadcast %add3A_400 : i32 to vector<16xi32>
      %add3A_402 = arith.addi %add3A_401, %iota3A : vector<16xi32>
      %shift_right_logical3A_403 = arith.constant 3 : i32
      %shift_right_logical3A_404 = vector.broadcast %shift_right_logical3A_403 : i32 to vector<16xi32>
      %shift_right_logical3A_405 = arith.shrui %add3A_402, %shift_right_logical3A_404 : vector<16xi32>
      %ge3A_406 = vector.broadcast %mul3A_2 : i32 to vector<16xi32>
      %ge3A_407 = arith.cmpi sge, %get3A_396, %ge3A_406 : vector<16xi32>
      %add3A_408 = arith.constant 256 : i32
      %add3A_409 = arith.addi %mul3A_2, %add3A_408 : i32
      %lt3A_410 = vector.broadcast %add3A_409 : i32 to vector<16xi32>
      %lt3A_411 = arith.cmpi slt, %get3A_396, %lt3A_410 : vector<16xi32>
      %and3A_412 = arith.andi %ge3A_407, %lt3A_411 : vector<16xi1>
      %sub3A_413 = vector.broadcast %mul3A_2 : i32 to vector<16xi32>
      %sub3A_414 = arith.subi %get3A_396, %sub3A_413 : vector<16xi32>
      %jit3A_415 = arith.constant 0 : i32
      %broadcast_in_dim3A_416 = vector.broadcast %jit3A_415 : i32 to vector<16xi32>
      %select_n3A_417 = arith.select %and3A_412, %sub3A_414, %broadcast_in_dim3A_416 : vector<16xi1>, vector<16xi32>
      %add3A_418 = arith.constant 96 : i32
      %add3A_419 = arith.addi %mul3A_2, %add3A_418 : i32
      %add3A_420 = vector.broadcast %add3A_419 : i32 to vector<16xi32>
      %add3A_421 = arith.addi %add3A_420, %iota3A : vector<16xi32>
      %mul3A_422 = arith.constant 8193 : i32
      %mul3A_423 = vector.broadcast %mul3A_422 : i32 to vector<16xi32>
      %mul3A_424 = arith.muli %add3A_421, %mul3A_423 : vector<16xi32>
      %mul3A_425 = arith.constant 8192 : i32
      %mul3A_426 = vector.broadcast %mul3A_425 : i32 to vector<16xi32>
      %mul3A_427 = arith.muli %get3A_396, %mul3A_426 : vector<16xi32>
      %add3A_428 = arith.addi %mul3A_427, %shift_right_logical3A_405 : vector<16xi32>
      %select_n3A_429 = arith.select %and3A_412, %add3A_428, %mul3A_424 : vector<16xi1>, vector<16xi32>
      %gather3A_430 = tpu.vector_load_idx %arg8[%select_n3A_417] : memref<256xf32, #tpu.memory_space<vmem>>[vector<16xi32>], vector<16xf32>,
      %jit3A_431 = arith.constant 0.000000e+00 : f32
      %broadcast_in_dim3A_432 = vector.broadcast %jit3A_431 : f32 to vector<16xf32>
      %select_n3A_433 = arith.select %and3A_412, %gather3A_430, %broadcast_in_dim3A_432 : vector<16xi1>, vector<16xf32>
      %swap3A_434 = arith.index_cast %scan3A_107 : i32 to index
      %swap3A_435 = arith.constant 96 : index
      %swap3A_436 = tpu.vector_load %arg5[%swap3A_434, %swap3A_435] {strides = array<i32>} : memref<128x128xi32, #tpu.memory_space<vmem>>, vector<16xi32>,
      tpu.vector_store %arg5[%swap3A_434, %swap3A_435], %select_n3A_429 {strides = array<i32>} : memref<128x128xi32, #tpu.memory_space<vmem>>, vector<16xi32>,
      %swap3A_437 = arith.index_cast %scan3A_107 : i32 to index
      %swap3A_438 = arith.constant 96 : index
      %swap3A_439 = tpu.vector_load %arg6[%swap3A_437, %swap3A_438] {strides = array<i32>} : memref<128x128xf32, #tpu.memory_space<vmem>>, vector<16xf32>,
      tpu.vector_store %arg6[%swap3A_437, %swap3A_438], %select_n3A_433 {strides = array<i32>} : memref<128x128xf32, #tpu.memory_space<vmem>>, vector<16xf32>,
      %mul3A_440 = arith.constant 128 : i32
      %mul3A_441 = arith.muli %scan3A_107, %mul3A_440 : i32
      %add3A_442 = arith.constant 49264 : i32
      %add3A_443 = arith.addi %add3A_442, %mul3A_441 : i32
      %get3A_444 = arith.index_cast %add3A_443 : i32 to index
      %get3A_445 = tpu.vector_load %arg4[%get3A_444] {strides = array<i32>} : memref<65536xi32, #tpu.memory_space<vmem>>, vector<16xi32>,
      %mul3A_446 = arith.constant 128 : i32
      %mul3A_447 = arith.muli %scan3A_107, %mul3A_446 : i32
      %add3A_448 = arith.constant 49264 : i32
      %add3A_449 = arith.addi %add3A_448, %mul3A_447 : i32
      %add3A_450 = vector.broadcast %add3A_449 : i32 to vector<16xi32>
      %add3A_451 = arith.addi %add3A_450, %iota3A : vector<16xi32>
      %shift_right_logical3A_452 = arith.constant 3 : i32
      %shift_right_logical3A_453 = vector.broadcast %shift_right_logical3A_452 : i32 to vector<16xi32>
      %shift_right_logical3A_454 = arith.shrui %add3A_451, %shift_right_logical3A_453 : vector<16xi32>
      %ge3A_455 = vector.broadcast %mul3A_2 : i32 to vector<16xi32>
      %ge3A_456 = arith.cmpi sge, %get3A_445, %ge3A_455 : vector<16xi32>
      %add3A_457 = arith.constant 256 : i32
      %add3A_458 = arith.addi %mul3A_2, %add3A_457 : i32
      %lt3A_459 = vector.broadcast %add3A_458 : i32 to vector<16xi32>
      %lt3A_460 = arith.cmpi slt, %get3A_445, %lt3A_459 : vector<16xi32>
      %and3A_461 = arith.andi %ge3A_456, %lt3A_460 : vector<16xi1>
      %sub3A_462 = vector.broadcast %mul3A_2 : i32 to vector<16xi32>
      %sub3A_463 = arith.subi %get3A_445, %sub3A_462 : vector<16xi32>
      %jit3A_464 = arith.constant 0 : i32
      %broadcast_in_dim3A_465 = vector.broadcast %jit3A_464 : i32 to vector<16xi32>
      %select_n3A_466 = arith.select %and3A_461, %sub3A_463, %broadcast_in_dim3A_465 : vector<16xi1>, vector<16xi32>
      %add3A_467 = arith.constant 112 : i32
      %add3A_468 = arith.addi %mul3A_2, %add3A_467 : i32
      %add3A_469 = vector.broadcast %add3A_468 : i32 to vector<16xi32>
      %add3A_470 = arith.addi %add3A_469, %iota3A : vector<16xi32>
      %mul3A_471 = arith.constant 8193 : i32
      %mul3A_472 = vector.broadcast %mul3A_471 : i32 to vector<16xi32>
      %mul3A_473 = arith.muli %add3A_470, %mul3A_472 : vector<16xi32>
      %mul3A_474 = arith.constant 8192 : i32
      %mul3A_475 = vector.broadcast %mul3A_474 : i32 to vector<16xi32>
      %mul3A_476 = arith.muli %get3A_445, %mul3A_475 : vector<16xi32>
      %add3A_477 = arith.addi %mul3A_476, %shift_right_logical3A_454 : vector<16xi32>
      %select_n3A_478 = arith.select %and3A_461, %add3A_477, %mul3A_473 : vector<16xi1>, vector<16xi32>
      %gather3A_479 = tpu.vector_load_idx %arg8[%select_n3A_466] : memref<256xf32, #tpu.memory_space<vmem>>[vector<16xi32>], vector<16xf32>,
      %jit3A_480 = arith.constant 0.000000e+00 : f32
      %broadcast_in_dim3A_481 = vector.broadcast %jit3A_480 : f32 to vector<16xf32>
      %select_n3A_482 = arith.select %and3A_461, %gather3A_479, %broadcast_in_dim3A_481 : vector<16xi1>, vector<16xf32>
      %swap3A_483 = arith.index_cast %scan3A_107 : i32 to index
      %swap3A_484 = arith.constant 112 : index
      %swap3A_485 = tpu.vector_load %arg5[%swap3A_483, %swap3A_484] {strides = array<i32>} : memref<128x128xi32, #tpu.memory_space<vmem>>, vector<16xi32>,
      tpu.vector_store %arg5[%swap3A_483, %swap3A_484], %select_n3A_478 {strides = array<i32>} : memref<128x128xi32, #tpu.memory_space<vmem>>, vector<16xi32>,
      %swap3A_486 = arith.index_cast %scan3A_107 : i32 to index
      %swap3A_487 = arith.constant 112 : index
      %swap3A_488 = tpu.vector_load %arg6[%swap3A_486, %swap3A_487] {strides = array<i32>} : memref<128x128xf32, #tpu.memory_space<vmem>>, vector<16xf32>,
      tpu.vector_store %arg6[%swap3A_486, %swap3A_487], %select_n3A_482 {strides = array<i32>} : memref<128x128xf32, #tpu.memory_space<vmem>>, vector<16xf32>,
    }
    %scan3A_96 = arith.constant 128 : i32
    %scan3A_97 = arith.constant 0 : i32
    %scan3A_98 = arith.constant 128 : i32
    %scan3A_99 = arith.addi %scan3A_97, %scan3A_98 : i32
    %scan3A_100 = arith.constant 1 : i32
    scf.for %scan3A_107 = %scan3A_97 to %scan3A_99 step %scan3A_100  : i32 {
      %dma_start3A = arith.constant 0 : i32
      %dma_start3A_108 = tpu.memref_slice %arg6[%scan3A_107, %dma_start3A] : memref<128x128xf32, #tpu.memory_space<vmem>> -> memref<1x128xf32, #tpu.memory_space<vmem>>
      %dma_start3A_109 = tpu.memref_squeeze %dma_start3A_108 : memref<1x128xf32, #tpu.memory_space<vmem>> -> memref<128xf32, #tpu.memory_space<vmem>>
      %dma_start3A_110 = arith.constant 0 : i32
      %dma_start3A_111 = tpu.memref_slice %arg5[%scan3A_107, %dma_start3A_110] : memref<128x128xi32, #tpu.memory_space<vmem>> -> memref<1x128xi32, #tpu.memory_space<vmem>>
      %dma_start3A_112 = tpu.memref_squeeze %dma_start3A_111 : memref<1x128xi32, #tpu.memory_space<vmem>> -> memref<128xi32, #tpu.memory_space<vmem>>
      %dma_start3A_113 = arith.constant 0 : i32
      %dma_start3A_114 = tpu.memref_slice %arg3[%dma_start3A_113] : memref<67108864xf32, #tpu.memory_space<hbm>> -> memref<67108864xf32, #tpu.memory_space<hbm>>
      tpu.enqueue_indirect_dma source(%dma_start3A_109 : memref<128xf32, #tpu.memory_space<vmem>>) target(%dma_start3A_114 : memref<67108864xf32, #tpu.memory_space<hbm>>) offsets(%dma_start3A_112 : memref<128xi32, #tpu.memory_space<vmem>>) semaphore(%arg11 : memref<!tpu.dma_semaphore, #tpu.memory_space<semaphore_mem>>)
    }
    %scan3A_101 = arith.constant 128 : i32
    %scan3A_102 = arith.constant 0 : i32
    %scan3A_103 = arith.constant 128 : i32
    %scan3A_104 = arith.addi %scan3A_102, %scan3A_103 : i32
    %scan3A_105 = arith.constant 1 : i32
    scf.for %scan3A_107 = %scan3A_102 to %scan3A_104 step %scan3A_105  : i32 {
      %dma_wait3A = arith.constant 0 : i32
      %dma_wait3A_108 = tpu.memref_slice %arg6[%scan3A_107, %dma_wait3A] : memref<128x128xf32, #tpu.memory_space<vmem>> -> memref<1x128xf32, #tpu.memory_space<vmem>>
      %dma_wait3A_109 = tpu.memref_squeeze %dma_wait3A_108 : memref<1x128xf32, #tpu.memory_space<vmem>> -> memref<128xf32, #tpu.memory_space<vmem>>
      %dma_wait3A_110 = arith.constant 0 : i32
      %dma_wait3A_111 = tpu.memref_slice %arg5[%scan3A_107, %dma_wait3A_110] : memref<128x128xi32, #tpu.memory_space<vmem>> -> memref<1x128xi32, #tpu.memory_space<vmem>>
      %dma_wait3A_112 = tpu.memref_squeeze %dma_wait3A_111 : memref<1x128xi32, #tpu.memory_space<vmem>> -> memref<128xi32, #tpu.memory_space<vmem>>
      %dma_wait3A_113 = arith.constant 0 : i32
      %dma_wait3A_114 = tpu.memref_slice %arg3[%dma_wait3A_113] : memref<67108864xf32, #tpu.memory_space<hbm>> -> memref<67108864xf32, #tpu.memory_space<hbm>>
      tpu.wait_indirect_dma semaphore(%arg11 : memref<!tpu.dma_semaphore, #tpu.memory_space<semaphore_mem>>) src(%dma_wait3A_109 : memref<128xf32, #tpu.memory_space<vmem>>) dst(%dma_wait3A_114 : memref<67108864xf32, #tpu.memory_space<hbm>>)
    }
    %scan3A_106 = arith.constant 128 : i32
    return
  }
}

module attributes {stable_mosaic.version = 14 : i64} {
  func.func @_normalize_body(%arg0: i32, %arg1: memref<1024x512xf32, #tpu.memory_space<vmem>>, %arg2: memref<1024x512xf32, #tpu.memory_space<vmem>>) attributes {dimension_semantics = [#tpu.dimension_semantics<arbitrary>], iteration_bounds = array<i64: 8>, scalar_prefetch = 0 : i64, scratch_operands = 0 : i64, tpu.core_type = #tpu.core_type<tc>, window_params = [{transform_indices = @transform_0, window_bounds = array<i64: 1024, 512>}, {transform_indices = @transform_1, window_bounds = array<i64: 1024, 512>}]} {
    %get3A = arith.constant 0 : index
    %get3A_0 = arith.constant 0 : index
    %get3A_1 = vector.load %arg1[%get3A, %get3A_0] : memref<1024x512xf32, #tpu.memory_space<vmem>>, vector<1024x512xf32>
    %mul3A = arith.mulf %get3A_1, %get3A_1 : vector<1024x512xf32>
    %reduce_sum3A = arith.constant dense<0.000000e+00> : vector<1024xf32>
    %reduce_sum3A_2 = vector.multi_reduction <add>, %mul3A, %reduce_sum3A [1] : vector<1024x512xf32> to vector<1024xf32>
    %broadcast_in_dim3A = vector.shape_cast %reduce_sum3A_2 : vector<1024xf32> to vector<1024x1xf32>
    %sqrt3A = math.sqrt %broadcast_in_dim3A : vector<1024x1xf32>
    %max3A = arith.constant 9.99999996E-13 : f32
    %max3A_3 = vector.broadcast %max3A : f32 to vector<1024x1xf32>
    %max3A_4 = arith.maximumf %sqrt3A, %max3A_3 : vector<1024x1xf32>
    %div3A = vector.broadcast %max3A_4 : vector<1024x1xf32> to vector<1024x512xf32>
    %div3A_5 = arith.divf %get3A_1, %div3A : vector<1024x512xf32>
    %swap3A = arith.constant 0 : index
    %swap3A_6 = arith.constant 0 : index
    %swap3A_7 = vector.load %arg2[%swap3A, %swap3A_6] : memref<1024x512xf32, #tpu.memory_space<vmem>>, vector<1024x512xf32>
    tpu.vector_store %arg2[%swap3A, %swap3A_6], %div3A_5 {strides = array<i32>} : memref<1024x512xf32, #tpu.memory_space<vmem>>, vector<1024x512xf32>,
    return
  }
  func.func @transform_0(%arg0: i32) -> (i32, i32) {
    %c0_i32 = arith.constant 0 : i32
    %c0_i32_0 = arith.constant 0 : i32
    return %arg0, %c0_i32 : i32, i32
  }
  func.func @transform_1(%arg0: i32) -> (i32, i32) {
    %c0_i32 = arith.constant 0 : i32
    %c0_i32_0 = arith.constant 0 : i32
    return %arg0, %c0_i32 : i32, i32
  }
}

module attributes {stable_mosaic.version = 14 : i64} {
  func.func @_simtopk_body(%arg0: i32, %arg1: memref<256x512xf32, #tpu.memory_space<vmem>>, %arg2: memref<8192x512xf32, #tpu.memory_space<vmem>>, %arg3: memref<256x8xi32, #tpu.memory_space<vmem>>) attributes {dimension_semantics = [#tpu.dimension_semantics<arbitrary>], iteration_bounds = array<i64: 32>, scalar_prefetch = 0 : i64, scratch_operands = 0 : i64, tpu.core_type = #tpu.core_type<tc>, window_params = [{transform_indices = @transform_0, window_bounds = array<i64: 256, 512>}, {pipeline_mode = #tpu.pipeline_mode<synchronous>, transform_indices = @transform_1, window_bounds = array<i64: 8192, 512>}, {transform_indices = @transform_2, window_bounds = array<i64: 256, 8>}]} {
    %get3A = arith.constant 0 : index
    %get3A_0 = arith.constant 0 : index
    %get3A_1 = vector.load %arg1[%get3A, %get3A_0] : memref<256x512xf32, #tpu.memory_space<vmem>>, vector<256x512xf32>
    %get3A_2 = arith.constant 0 : index
    %get3A_3 = arith.constant 0 : index
    %get3A_4 = vector.load %arg2[%get3A_2, %get3A_3] : memref<8192x512xf32, #tpu.memory_space<vmem>>, vector<8192x512xf32>
    %dot_general3A = arith.constant dense<0.000000e+00> : vector<256x8192xf32>
    %dot_general3A_5 = tpu.matmul %get3A_1, %get3A_4, %dot_general3A {dimension_numbers = #tpu.dot_dimension_numbers<[1], [1], [0], [0], [0, 0, 1, 0], [], []>, transpose_lhs_hint = false} : vector<256x512xf32>, vector<8192x512xf32>, vector<256x8192xf32> -> vector<256x8192xf32>
    %iota3A = tpu.iota {dimensions = array<i32: 0>} : vector<256x8192xi32>
    %mul3A = arith.constant 256 : i32
    %mul3A_6 = arith.muli %arg0, %mul3A : i32
    %add3A = vector.broadcast %mul3A_6 : i32 to vector<256x8192xi32>
    %add3A_7 = arith.addi %iota3A, %add3A : vector<256x8192xi32>
    %iota3A_8 = tpu.iota {dimensions = array<i32: 1>} : vector<256x8192xi32>
    %eq3A = arith.cmpi eq, %iota3A_8, %add3A_7 : vector<256x8192xi32>
    %jit3A = arith.constant 0xFF800000 : f32
    %broadcast_in_dim3A = vector.broadcast %jit3A : f32 to vector<256x8192xf32>
    %select_n3A = arith.select %eq3A, %broadcast_in_dim3A, %dot_general3A_5 : vector<256x8192xi1>, vector<256x8192xf32>
    %slice3A = vector.extract_strided_slice %select_n3A {offsets = [0, 0], sizes = [256, 128], strides = [1, 1]} : vector<256x8192xf32> to vector<256x128xf32>
    %slice3A_9 = vector.extract_strided_slice %select_n3A {offsets = [0, 128], sizes = [256, 128], strides = [1, 1]} : vector<256x8192xf32> to vector<256x128xf32>
    %slice3A_10 = vector.extract_strided_slice %select_n3A {offsets = [0, 256], sizes = [256, 128], strides = [1, 1]} : vector<256x8192xf32> to vector<256x128xf32>
    %slice3A_11 = vector.extract_strided_slice %select_n3A {offsets = [0, 384], sizes = [256, 128], strides = [1, 1]} : vector<256x8192xf32> to vector<256x128xf32>
    %slice3A_12 = vector.extract_strided_slice %select_n3A {offsets = [0, 512], sizes = [256, 128], strides = [1, 1]} : vector<256x8192xf32> to vector<256x128xf32>
    %slice3A_13 = vector.extract_strided_slice %select_n3A {offsets = [0, 640], sizes = [256, 128], strides = [1, 1]} : vector<256x8192xf32> to vector<256x128xf32>
    %slice3A_14 = vector.extract_strided_slice %select_n3A {offsets = [0, 768], sizes = [256, 128], strides = [1, 1]} : vector<256x8192xf32> to vector<256x128xf32>
    %slice3A_15 = vector.extract_strided_slice %select_n3A {offsets = [0, 896], sizes = [256, 128], strides = [1, 1]} : vector<256x8192xf32> to vector<256x128xf32>
    %broadcast_in_dim3A_16 = arith.constant 0 : i32
    %broadcast_in_dim3A_17 = vector.broadcast %broadcast_in_dim3A_16 : i32 to vector<256x128xi32>
    %broadcast_in_dim3A_18 = arith.constant 1 : i32
    %broadcast_in_dim3A_19 = vector.broadcast %broadcast_in_dim3A_18 : i32 to vector<256x128xi32>
    %broadcast_in_dim3A_20 = arith.constant 2 : i32
    %broadcast_in_dim3A_21 = vector.broadcast %broadcast_in_dim3A_20 : i32 to vector<256x128xi32>
    %broadcast_in_dim3A_22 = arith.constant 3 : i32
    %broadcast_in_dim3A_23 = vector.broadcast %broadcast_in_dim3A_22 : i32 to vector<256x128xi32>
    %broadcast_in_dim3A_24 = arith.constant 4 : i32
    %broadcast_in_dim3A_25 = vector.broadcast %broadcast_in_dim3A_24 : i32 to vector<256x128xi32>
    %broadcast_in_dim3A_26 = arith.constant 5 : i32
    %broadcast_in_dim3A_27 = vector.broadcast %broadcast_in_dim3A_26 : i32 to vector<256x128xi32>
    %broadcast_in_dim3A_28 = arith.constant 6 : i32
    %broadcast_in_dim3A_29 = vector.broadcast %broadcast_in_dim3A_28 : i32 to vector<256x128xi32>
    %broadcast_in_dim3A_30 = arith.constant 7 : i32
    %broadcast_in_dim3A_31 = vector.broadcast %broadcast_in_dim3A_30 : i32 to vector<256x128xi32>
    %lt3A = arith.cmpf olt, %slice3A, %slice3A_9 : vector<256x128xf32>
    %max3A = arith.maximumf %slice3A, %slice3A_9 : vector<256x128xf32>
    %min3A = arith.minimumf %slice3A, %slice3A_9 : vector<256x128xf32>
    %select_n3A_32 = arith.select %lt3A, %broadcast_in_dim3A_19, %broadcast_in_dim3A_17 : vector<256x128xi1>, vector<256x128xi32>
    %select_n3A_33 = arith.select %lt3A, %broadcast_in_dim3A_17, %broadcast_in_dim3A_19 : vector<256x128xi1>, vector<256x128xi32>
    %lt3A_34 = arith.cmpf olt, %slice3A_10, %slice3A_11 : vector<256x128xf32>
    %max3A_35 = arith.maximumf %slice3A_10, %slice3A_11 : vector<256x128xf32>
    %min3A_36 = arith.minimumf %slice3A_10, %slice3A_11 : vector<256x128xf32>
    %select_n3A_37 = arith.select %lt3A_34, %broadcast_in_dim3A_23, %broadcast_in_dim3A_21 : vector<256x128xi1>, vector<256x128xi32>
    %select_n3A_38 = arith.select %lt3A_34, %broadcast_in_dim3A_21, %broadcast_in_dim3A_23 : vector<256x128xi1>, vector<256x128xi32>
    %lt3A_39 = arith.cmpf olt, %slice3A_12, %slice3A_13 : vector<256x128xf32>
    %max3A_40 = arith.maximumf %slice3A_12, %slice3A_13 : vector<256x128xf32>
    %min3A_41 = arith.minimumf %slice3A_12, %slice3A_13 : vector<256x128xf32>
    %select_n3A_42 = arith.select %lt3A_39, %broadcast_in_dim3A_27, %broadcast_in_dim3A_25 : vector<256x128xi1>, vector<256x128xi32>
    %select_n3A_43 = arith.select %lt3A_39, %broadcast_in_dim3A_25, %broadcast_in_dim3A_27 : vector<256x128xi1>, vector<256x128xi32>
    %lt3A_44 = arith.cmpf olt, %slice3A_14, %slice3A_15 : vector<256x128xf32>
    %max3A_45 = arith.maximumf %slice3A_14, %slice3A_15 : vector<256x128xf32>
    %min3A_46 = arith.minimumf %slice3A_14, %slice3A_15 : vector<256x128xf32>
    %select_n3A_47 = arith.select %lt3A_44, %broadcast_in_dim3A_31, %broadcast_in_dim3A_29 : vector<256x128xi1>, vector<256x128xi32>
    %select_n3A_48 = arith.select %lt3A_44, %broadcast_in_dim3A_29, %broadcast_in_dim3A_31 : vector<256x128xi1>, vector<256x128xi32>
    %lt3A_49 = arith.cmpf olt, %max3A, %max3A_35 : vector<256x128xf32>
    %max3A_50 = arith.maximumf %max3A, %max3A_35 : vector<256x128xf32>
    %min3A_51 = arith.minimumf %max3A, %max3A_35 : vector<256x128xf32>
    %select_n3A_52 = arith.select %lt3A_49, %select_n3A_37, %select_n3A_32 : vector<256x128xi1>, vector<256x128xi32>
    %select_n3A_53 = arith.select %lt3A_49, %select_n3A_32, %select_n3A_37 : vector<256x128xi1>, vector<256x128xi32>
    %lt3A_54 = arith.cmpf olt, %min3A, %min3A_36 : vector<256x128xf32>
    %max3A_55 = arith.maximumf %min3A, %min3A_36 : vector<256x128xf32>
    %min3A_56 = arith.minimumf %min3A, %min3A_36 : vector<256x128xf32>
    %select_n3A_57 = arith.select %lt3A_54, %select_n3A_38, %select_n3A_33 : vector<256x128xi1>, vector<256x128xi32>
    %select_n3A_58 = arith.select %lt3A_54, %select_n3A_33, %select_n3A_38 : vector<256x128xi1>, vector<256x128xi32>
    %lt3A_59 = arith.cmpf olt, %max3A_40, %max3A_45 : vector<256x128xf32>
    %max3A_60 = arith.maximumf %max3A_40, %max3A_45 : vector<256x128xf32>
    %min3A_61 = arith.minimumf %max3A_40, %max3A_45 : vector<256x128xf32>
    %select_n3A_62 = arith.select %lt3A_59, %select_n3A_47, %select_n3A_42 : vector<256x128xi1>, vector<256x128xi32>
    %select_n3A_63 = arith.select %lt3A_59, %select_n3A_42, %select_n3A_47 : vector<256x128xi1>, vector<256x128xi32>
    %lt3A_64 = arith.cmpf olt, %min3A_41, %min3A_46 : vector<256x128xf32>
    %max3A_65 = arith.maximumf %min3A_41, %min3A_46 : vector<256x128xf32>
    %min3A_66 = arith.minimumf %min3A_41, %min3A_46 : vector<256x128xf32>
    %select_n3A_67 = arith.select %lt3A_64, %select_n3A_48, %select_n3A_43 : vector<256x128xi1>, vector<256x128xi32>
    %select_n3A_68 = arith.select %lt3A_64, %select_n3A_43, %select_n3A_48 : vector<256x128xi1>, vector<256x128xi32>
    %lt3A_69 = arith.cmpf olt, %max3A_55, %min3A_51 : vector<256x128xf32>
    %max3A_70 = arith.maximumf %max3A_55, %min3A_51 : vector<256x128xf32>
    %min3A_71 = arith.minimumf %max3A_55, %min3A_51 : vector<256x128xf32>
    %select_n3A_72 = arith.select %lt3A_69, %select_n3A_53, %select_n3A_57 : vector<256x128xi1>, vector<256x128xi32>
    %select_n3A_73 = arith.select %lt3A_69, %select_n3A_57, %select_n3A_53 : vector<256x128xi1>, vector<256x128xi32>
    %lt3A_74 = arith.cmpf olt, %max3A_65, %min3A_61 : vector<256x128xf32>
    %max3A_75 = arith.maximumf %max3A_65, %min3A_61 : vector<256x128xf32>
    %min3A_76 = arith.minimumf %max3A_65, %min3A_61 : vector<256x128xf32>
    %select_n3A_77 = arith.select %lt3A_74, %select_n3A_63, %select_n3A_67 : vector<256x128xi1>, vector<256x128xi32>
    %select_n3A_78 = arith.select %lt3A_74, %select_n3A_67, %select_n3A_63 : vector<256x128xi1>, vector<256x128xi32>
    %lt3A_79 = arith.cmpf olt, %max3A_50, %max3A_60 : vector<256x128xf32>
    %max3A_80 = arith.maximumf %max3A_50, %max3A_60 : vector<256x128xf32>
    %min3A_81 = arith.minimumf %max3A_50, %max3A_60 : vector<256x128xf32>
    %select_n3A_82 = arith.select %lt3A_79, %select_n3A_62, %select_n3A_52 : vector<256x128xi1>, vector<256x128xi32>
    %select_n3A_83 = arith.select %lt3A_79, %select_n3A_52, %select_n3A_62 : vector<256x128xi1>, vector<256x128xi32>
    %lt3A_84 = arith.cmpf olt, %max3A_70, %max3A_75 : vector<256x128xf32>
    %max3A_85 = arith.maximumf %max3A_70, %max3A_75 : vector<256x128xf32>
    %min3A_86 = arith.minimumf %max3A_70, %max3A_75 : vector<256x128xf32>
    %select_n3A_87 = arith.select %lt3A_84, %select_n3A_77, %select_n3A_72 : vector<256x128xi1>, vector<256x128xi32>
    %select_n3A_88 = arith.select %lt3A_84, %select_n3A_72, %select_n3A_77 : vector<256x128xi1>, vector<256x128xi32>
    %lt3A_89 = arith.cmpf olt, %min3A_71, %min3A_76 : vector<256x128xf32>
    %max3A_90 = arith.maximumf %min3A_71, %min3A_76 : vector<256x128xf32>
    %min3A_91 = arith.minimumf %min3A_71, %min3A_76 : vector<256x128xf32>
    %select_n3A_92 = arith.select %lt3A_89, %select_n3A_78, %select_n3A_73 : vector<256x128xi1>, vector<256x128xi32>
    %select_n3A_93 = arith.select %lt3A_89, %select_n3A_73, %select_n3A_78 : vector<256x128xi1>, vector<256x128xi32>
    %lt3A_94 = arith.cmpf olt, %min3A_56, %min3A_66 : vector<256x128xf32>
    %max3A_95 = arith.maximumf %min3A_56, %min3A_66 : vector<256x128xf32>
    %min3A_96 = arith.minimumf %min3A_56, %min3A_66 : vector<256x128xf32>
    %select_n3A_97 = arith.select %lt3A_94, %select_n3A_68, %select_n3A_58 : vector<256x128xi1>, vector<256x128xi32>
    %select_n3A_98 = arith.select %lt3A_94, %select_n3A_58, %select_n3A_68 : vector<256x128xi1>, vector<256x128xi32>
    %lt3A_99 = arith.cmpf olt, %max3A_90, %min3A_81 : vector<256x128xf32>
    %max3A_100 = arith.maximumf %max3A_90, %min3A_81 : vector<256x128xf32>
    %min3A_101 = arith.minimumf %max3A_90, %min3A_81 : vector<256x128xf32>
    %select_n3A_102 = arith.select %lt3A_99, %select_n3A_83, %select_n3A_92 : vector<256x128xi1>, vector<256x128xi32>
    %select_n3A_103 = arith.select %lt3A_99, %select_n3A_92, %select_n3A_83 : vector<256x128xi1>, vector<256x128xi32>
    %lt3A_104 = arith.cmpf olt, %max3A_95, %min3A_86 : vector<256x128xf32>
    %max3A_105 = arith.maximumf %max3A_95, %min3A_86 : vector<256x128xf32>
    %min3A_106 = arith.minimumf %max3A_95, %min3A_86 : vector<256x128xf32>
    %select_n3A_107 = arith.select %lt3A_104, %select_n3A_88, %select_n3A_97 : vector<256x128xi1>, vector<256x128xi32>
    %select_n3A_108 = arith.select %lt3A_104, %select_n3A_97, %select_n3A_88 : vector<256x128xi1>, vector<256x128xi32>
    %lt3A_109 = arith.cmpf olt, %max3A_85, %max3A_100 : vector<256x128xf32>
    %max3A_110 = arith.maximumf %max3A_85, %max3A_100 : vector<256x128xf32>
    %min3A_111 = arith.minimumf %max3A_85, %max3A_100 : vector<256x128xf32>
    %select_n3A_112 = arith.select %lt3A_109, %select_n3A_102, %select_n3A_87 : vector<256x128xi1>, vector<256x128xi32>
    %select_n3A_113 = arith.select %lt3A_109, %select_n3A_87, %select_n3A_102 : vector<256x128xi1>, vector<256x128xi32>
    %lt3A_114 = arith.cmpf olt, %max3A_105, %min3A_101 : vector<256x128xf32>
    %max3A_115 = arith.maximumf %max3A_105, %min3A_101 : vector<256x128xf32>
    %min3A_116 = arith.minimumf %max3A_105, %min3A_101 : vector<256x128xf32>
    %select_n3A_117 = arith.select %lt3A_114, %select_n3A_103, %select_n3A_107 : vector<256x128xi1>, vector<256x128xi32>
    %select_n3A_118 = arith.select %lt3A_114, %select_n3A_107, %select_n3A_103 : vector<256x128xi1>, vector<256x128xi32>
    %lt3A_119 = arith.cmpf olt, %min3A_106, %min3A_91 : vector<256x128xf32>
    %max3A_120 = arith.maximumf %min3A_106, %min3A_91 : vector<256x128xf32>
    %min3A_121 = arith.minimumf %min3A_106, %min3A_91 : vector<256x128xf32>
    %select_n3A_122 = arith.select %lt3A_119, %select_n3A_93, %select_n3A_108 : vector<256x128xi1>, vector<256x128xi32>
    %select_n3A_123 = arith.select %lt3A_119, %select_n3A_108, %select_n3A_93 : vector<256x128xi1>, vector<256x128xi32>
    %slice3A_124 = vector.extract_strided_slice %select_n3A {offsets = [0, 1024], sizes = [256, 128], strides = [1, 1]} : vector<256x8192xf32> to vector<256x128xf32>
    %slice3A_125 = vector.extract_strided_slice %select_n3A {offsets = [0, 1152], sizes = [256, 128], strides = [1, 1]} : vector<256x8192xf32> to vector<256x128xf32>
    %slice3A_126 = vector.extract_strided_slice %select_n3A {offsets = [0, 1280], sizes = [256, 128], strides = [1, 1]} : vector<256x8192xf32> to vector<256x128xf32>
    %slice3A_127 = vector.extract_strided_slice %select_n3A {offsets = [0, 1408], sizes = [256, 128], strides = [1, 1]} : vector<256x8192xf32> to vector<256x128xf32>
    %slice3A_128 = vector.extract_strided_slice %select_n3A {offsets = [0, 1536], sizes = [256, 128], strides = [1, 1]} : vector<256x8192xf32> to vector<256x128xf32>
    %slice3A_129 = vector.extract_strided_slice %select_n3A {offsets = [0, 1664], sizes = [256, 128], strides = [1, 1]} : vector<256x8192xf32> to vector<256x128xf32>
    %slice3A_130 = vector.extract_strided_slice %select_n3A {offsets = [0, 1792], sizes = [256, 128], strides = [1, 1]} : vector<256x8192xf32> to vector<256x128xf32>
    %slice3A_131 = vector.extract_strided_slice %select_n3A {offsets = [0, 1920], sizes = [256, 128], strides = [1, 1]} : vector<256x8192xf32> to vector<256x128xf32>
    %broadcast_in_dim3A_132 = arith.constant 8 : i32
    %broadcast_in_dim3A_133 = vector.broadcast %broadcast_in_dim3A_132 : i32 to vector<256x128xi32>
    %broadcast_in_dim3A_134 = arith.constant 9 : i32
    %broadcast_in_dim3A_135 = vector.broadcast %broadcast_in_dim3A_134 : i32 to vector<256x128xi32>
    %broadcast_in_dim3A_136 = arith.constant 10 : i32
    %broadcast_in_dim3A_137 = vector.broadcast %broadcast_in_dim3A_136 : i32 to vector<256x128xi32>
    %broadcast_in_dim3A_138 = arith.constant 11 : i32
    %broadcast_in_dim3A_139 = vector.broadcast %broadcast_in_dim3A_138 : i32 to vector<256x128xi32>
    %broadcast_in_dim3A_140 = arith.constant 12 : i32
    %broadcast_in_dim3A_141 = vector.broadcast %broadcast_in_dim3A_140 : i32 to vector<256x128xi32>
    %broadcast_in_dim3A_142 = arith.constant 13 : i32
    %broadcast_in_dim3A_143 = vector.broadcast %broadcast_in_dim3A_142 : i32 to vector<256x128xi32>
    %broadcast_in_dim3A_144 = arith.constant 14 : i32
    %broadcast_in_dim3A_145 = vector.broadcast %broadcast_in_dim3A_144 : i32 to vector<256x128xi32>
    %broadcast_in_dim3A_146 = arith.constant 15 : i32
    %broadcast_in_dim3A_147 = vector.broadcast %broadcast_in_dim3A_146 : i32 to vector<256x128xi32>
    %lt3A_148 = arith.cmpf olt, %slice3A_124, %slice3A_125 : vector<256x128xf32>
    %max3A_149 = arith.maximumf %slice3A_124, %slice3A_125 : vector<256x128xf32>
    %min3A_150 = arith.minimumf %slice3A_124, %slice3A_125 : vector<256x128xf32>
    %select_n3A_151 = arith.select %lt3A_148, %broadcast_in_dim3A_135, %broadcast_in_dim3A_133 : vector<256x128xi1>, vector<256x128xi32>
    %select_n3A_152 = arith.select %lt3A_148, %broadcast_in_dim3A_133, %broadcast_in_dim3A_135 : vector<256x128xi1>, vector<256x128xi32>
    %lt3A_153 = arith.cmpf olt, %slice3A_126, %slice3A_127 : vector<256x128xf32>
    %max3A_154 = arith.maximumf %slice3A_126, %slice3A_127 : vector<256x128xf32>
    %min3A_155 = arith.minimumf %slice3A_126, %slice3A_127 : vector<256x128xf32>
    %select_n3A_156 = arith.select %lt3A_153, %broadcast_in_dim3A_139, %broadcast_in_dim3A_137 : vector<256x128xi1>, vector<256x128xi32>
    %select_n3A_157 = arith.select %lt3A_153, %broadcast_in_dim3A_137, %broadcast_in_dim3A_139 : vector<256x128xi1>, vector<256x128xi32>
    %lt3A_158 = arith.cmpf olt, %slice3A_128, %slice3A_129 : vector<256x128xf32>
    %max3A_159 = arith.maximumf %slice3A_128, %slice3A_129 : vector<256x128xf32>
    %min3A_160 = arith.minimumf %slice3A_128, %slice3A_129 : vector<256x128xf32>
    %select_n3A_161 = arith.select %lt3A_158, %broadcast_in_dim3A_143, %broadcast_in_dim3A_141 : vector<256x128xi1>, vector<256x128xi32>
    %select_n3A_162 = arith.select %lt3A_158, %broadcast_in_dim3A_141, %broadcast_in_dim3A_143 : vector<256x128xi1>, vector<256x128xi32>
    %lt3A_163 = arith.cmpf olt, %slice3A_130, %slice3A_131 : vector<256x128xf32>
    %max3A_164 = arith.maximumf %slice3A_130, %slice3A_131 : vector<256x128xf32>
    %min3A_165 = arith.minimumf %slice3A_130, %slice3A_131 : vector<256x128xf32>
    %select_n3A_166 = arith.select %lt3A_163, %broadcast_in_dim3A_147, %broadcast_in_dim3A_145 : vector<256x128xi1>, vector<256x128xi32>
    %select_n3A_167 = arith.select %lt3A_163, %broadcast_in_dim3A_145, %broadcast_in_dim3A_147 : vector<256x128xi1>, vector<256x128xi32>
    %lt3A_168 = arith.cmpf olt, %max3A_149, %max3A_154 : vector<256x128xf32>
    %max3A_169 = arith.maximumf %max3A_149, %max3A_154 : vector<256x128xf32>
    %min3A_170 = arith.minimumf %max3A_149, %max3A_154 : vector<256x128xf32>
    %select_n3A_171 = arith.select %lt3A_168, %select_n3A_156, %select_n3A_151 : vector<256x128xi1>, vector<256x128xi32>
    %select_n3A_172 = arith.select %lt3A_168, %select_n3A_151, %select_n3A_156 : vector<256x128xi1>, vector<256x128xi32>
    %lt3A_173 = arith.cmpf olt, %min3A_150, %min3A_155 : vector<256x128xf32>
    %max3A_174 = arith.maximumf %min3A_150, %min3A_155 : vector<256x128xf32>
    %min3A_175 = arith.minimumf %min3A_150, %min3A_155 : vector<256x128xf32>
    %select_n3A_176 = arith.select %lt3A_173, %select_n3A_157, %select_n3A_152 : vector<256x128xi1>, vector<256x128xi32>
    %select_n3A_177 = arith.select %lt3A_173, %select_n3A_152, %select_n3A_157 : vector<256x128xi1>, vector<256x128xi32>
    %lt3A_178 = arith.cmpf olt, %max3A_159, %max3A_164 : vector<256x128xf32>
    %max3A_179 = arith.maximumf %max3A_159, %max3A_164 : vector<256x128xf32>
    %min3A_180 = arith.minimumf %max3A_159, %max3A_164 : vector<256x128xf32>
    %select_n3A_181 = arith.select %lt3A_178, %select_n3A_166, %select_n3A_161 : vector<256x128xi1>, vector<256x128xi32>
    %select_n3A_182 = arith.select %lt3A_178, %select_n3A_161, %select_n3A_166 : vector<256x128xi1>, vector<256x128xi32>
    %lt3A_183 = arith.cmpf olt, %min3A_160, %min3A_165 : vector<256x128xf32>
    %max3A_184 = arith.maximumf %min3A_160, %min3A_165 : vector<256x128xf32>
    %min3A_185 = arith.minimumf %min3A_160, %min3A_165 : vector<256x128xf32>
    %select_n3A_186 = arith.select %lt3A_183, %select_n3A_167, %select_n3A_162 : vector<256x128xi1>, vector<256x128xi32>
    %select_n3A_187 = arith.select %lt3A_183, %select_n3A_162, %select_n3A_167 : vector<256x128xi1>, vector<256x128xi32>
    %lt3A_188 = arith.cmpf olt, %max3A_174, %min3A_170 : vector<256x128xf32>
    %max3A_189 = arith.maximumf %max3A_174, %min3A_170 : vector<256x128xf32>
    %min3A_190 = arith.minimumf %max3A_174, %min3A_170 : vector<256x128xf32>
    %select_n3A_191 = arith.select %lt3A_188, %select_n3A_172, %select_n3A_176 : vector<256x128xi1>, vector<256x128xi32>
    %select_n3A_192 = arith.select %lt3A_188, %select_n3A_176, %select_n3A_172 : vector<256x128xi1>, vector<256x128xi32>
    %lt3A_193 = arith.cmpf olt, %max3A_184, %min3A_180 : vector<256x128xf32>
    %max3A_194 = arith.maximumf %max3A_184, %min3A_180 : vector<256x128xf32>
    %min3A_195 = arith.minimumf %max3A_184, %min3A_180 : vector<256x128xf32>
    %select_n3A_196 = arith.select %lt3A_193, %select_n3A_182, %select_n3A_186 : vector<256x128xi1>, vector<256x128xi32>
    %select_n3A_197 = arith.select %lt3A_193, %select_n3A_186, %select_n3A_182 : vector<256x128xi1>, vector<256x128xi32>
    %lt3A_198 = arith.cmpf olt, %max3A_169, %max3A_179 : vector<256x128xf32>
    %max3A_199 = arith.maximumf %max3A_169, %max3A_179 : vector<256x128xf32>
    %min3A_200 = arith.minimumf %max3A_169, %max3A_179 : vector<256x128xf32>
    %select_n3A_201 = arith.select %lt3A_198, %select_n3A_181, %select_n3A_171 : vector<256x128xi1>, vector<256x128xi32>
    %select_n3A_202 = arith.select %lt3A_198, %select_n3A_171, %select_n3A_181 : vector<256x128xi1>, vector<256x128xi32>
    %lt3A_203 = arith.cmpf olt, %max3A_189, %max3A_194 : vector<256x128xf32>
    %max3A_204 = arith.maximumf %max3A_189, %max3A_194 : vector<256x128xf32>
    %min3A_205 = arith.minimumf %max3A_189, %max3A_194 : vector<256x128xf32>
    %select_n3A_206 = arith.select %lt3A_203, %select_n3A_196, %select_n3A_191 : vector<256x128xi1>, vector<256x128xi32>
    %select_n3A_207 = arith.select %lt3A_203, %select_n3A_191, %select_n3A_196 : vector<256x128xi1>, vector<256x128xi32>
    %lt3A_208 = arith.cmpf olt, %min3A_190, %min3A_195 : vector<256x128xf32>
    %max3A_209 = arith.maximumf %min3A_190, %min3A_195 : vector<256x128xf32>
    %min3A_210 = arith.minimumf %min3A_190, %min3A_195 : vector<256x128xf32>
    %select_n3A_211 = arith.select %lt3A_208, %select_n3A_197, %select_n3A_192 : vector<256x128xi1>, vector<256x128xi32>
    %select_n3A_212 = arith.select %lt3A_208, %select_n3A_192, %select_n3A_197 : vector<256x128xi1>, vector<256x128xi32>
    %lt3A_213 = arith.cmpf olt, %min3A_175, %min3A_185 : vector<256x128xf32>
    %max3A_214 = arith.maximumf %min3A_175, %min3A_185 : vector<256x128xf32>
    %min3A_215 = arith.minimumf %min3A_175, %min3A_185 : vector<256x128xf32>
    %select_n3A_216 = arith.select %lt3A_213, %select_n3A_187, %select_n3A_177 : vector<256x128xi1>, vector<256x128xi32>
    %select_n3A_217 = arith.select %lt3A_213, %select_n3A_177, %select_n3A_187 : vector<256x128xi1>, vector<256x128xi32>
    %lt3A_218 = arith.cmpf olt, %max3A_209, %min3A_200 : vector<256x128xf32>
    %max3A_219 = arith.maximumf %max3A_209, %min3A_200 : vector<256x128xf32>
    %min3A_220 = arith.minimumf %max3A_209, %min3A_200 : vector<256x128xf32>
    %select_n3A_221 = arith.select %lt3A_218, %select_n3A_202, %select_n3A_211 : vector<256x128xi1>, vector<256x128xi32>
    %select_n3A_222 = arith.select %lt3A_218, %select_n3A_211, %select_n3A_202 : vector<256x128xi1>, vector<256x128xi32>
    %lt3A_223 = arith.cmpf olt, %max3A_214, %min3A_205 : vector<256x128xf32>
    %max3A_224 = arith.maximumf %max3A_214, %min3A_205 : vector<256x128xf32>
    %min3A_225 = arith.minimumf %max3A_214, %min3A_205 : vector<256x128xf32>
    %select_n3A_226 = arith.select %lt3A_223, %select_n3A_207, %select_n3A_216 : vector<256x128xi1>, vector<256x128xi32>
    %select_n3A_227 = arith.select %lt3A_223, %select_n3A_216, %select_n3A_207 : vector<256x128xi1>, vector<256x128xi32>
    %lt3A_228 = arith.cmpf olt, %max3A_204, %max3A_219 : vector<256x128xf32>
    %max3A_229 = arith.maximumf %max3A_204, %max3A_219 : vector<256x128xf32>
    %min3A_230 = arith.minimumf %max3A_204, %max3A_219 : vector<256x128xf32>
    %select_n3A_231 = arith.select %lt3A_228, %select_n3A_221, %select_n3A_206 : vector<256x128xi1>, vector<256x128xi32>
    %select_n3A_232 = arith.select %lt3A_228, %select_n3A_206, %select_n3A_221 : vector<256x128xi1>, vector<256x128xi32>
    %lt3A_233 = arith.cmpf olt, %max3A_224, %min3A_220 : vector<256x128xf32>
    %max3A_234 = arith.maximumf %max3A_224, %min3A_220 : vector<256x128xf32>
    %min3A_235 = arith.minimumf %max3A_224, %min3A_220 : vector<256x128xf32>
    %select_n3A_236 = arith.select %lt3A_233, %select_n3A_222, %select_n3A_226 : vector<256x128xi1>, vector<256x128xi32>
    %select_n3A_237 = arith.select %lt3A_233, %select_n3A_226, %select_n3A_222 : vector<256x128xi1>, vector<256x128xi32>
    %lt3A_238 = arith.cmpf olt, %min3A_225, %min3A_210 : vector<256x128xf32>
    %max3A_239 = arith.maximumf %min3A_225, %min3A_210 : vector<256x128xf32>
    %min3A_240 = arith.minimumf %min3A_225, %min3A_210 : vector<256x128xf32>
    %select_n3A_241 = arith.select %lt3A_238, %select_n3A_212, %select_n3A_227 : vector<256x128xi1>, vector<256x128xi32>
    %select_n3A_242 = arith.select %lt3A_238, %select_n3A_227, %select_n3A_212 : vector<256x128xi1>, vector<256x128xi32>
    %slice3A_243 = vector.extract_strided_slice %select_n3A {offsets = [0, 2048], sizes = [256, 128], strides = [1, 1]} : vector<256x8192xf32> to vector<256x128xf32>
    %slice3A_244 = vector.extract_strided_slice %select_n3A {offsets = [0, 2176], sizes = [256, 128], strides = [1, 1]} : vector<256x8192xf32> to vector<256x128xf32>
    %slice3A_245 = vector.extract_strided_slice %select_n3A {offsets = [0, 2304], sizes = [256, 128], strides = [1, 1]} : vector<256x8192xf32> to vector<256x128xf32>
    %slice3A_246 = vector.extract_strided_slice %select_n3A {offsets = [0, 2432], sizes = [256, 128], strides = [1, 1]} : vector<256x8192xf32> to vector<256x128xf32>
    %slice3A_247 = vector.extract_strided_slice %select_n3A {offsets = [0, 2560], sizes = [256, 128], strides = [1, 1]} : vector<256x8192xf32> to vector<256x128xf32>
    %slice3A_248 = vector.extract_strided_slice %select_n3A {offsets = [0, 2688], sizes = [256, 128], strides = [1, 1]} : vector<256x8192xf32> to vector<256x128xf32>
    %slice3A_249 = vector.extract_strided_slice %select_n3A {offsets = [0, 2816], sizes = [256, 128], strides = [1, 1]} : vector<256x8192xf32> to vector<256x128xf32>
    %slice3A_250 = vector.extract_strided_slice %select_n3A {offsets = [0, 2944], sizes = [256, 128], strides = [1, 1]} : vector<256x8192xf32> to vector<256x128xf32>
    %broadcast_in_dim3A_251 = arith.constant 16 : i32
    %broadcast_in_dim3A_252 = vector.broadcast %broadcast_in_dim3A_251 : i32 to vector<256x128xi32>
    %broadcast_in_dim3A_253 = arith.constant 17 : i32
    %broadcast_in_dim3A_254 = vector.broadcast %broadcast_in_dim3A_253 : i32 to vector<256x128xi32>
    %broadcast_in_dim3A_255 = arith.constant 18 : i32
    %broadcast_in_dim3A_256 = vector.broadcast %broadcast_in_dim3A_255 : i32 to vector<256x128xi32>
    %broadcast_in_dim3A_257 = arith.constant 19 : i32
    %broadcast_in_dim3A_258 = vector.broadcast %broadcast_in_dim3A_257 : i32 to vector<256x128xi32>
    %broadcast_in_dim3A_259 = arith.constant 20 : i32
    %broadcast_in_dim3A_260 = vector.broadcast %broadcast_in_dim3A_259 : i32 to vector<256x128xi32>
    %broadcast_in_dim3A_261 = arith.constant 21 : i32
    %broadcast_in_dim3A_262 = vector.broadcast %broadcast_in_dim3A_261 : i32 to vector<256x128xi32>
    %broadcast_in_dim3A_263 = arith.constant 22 : i32
    %broadcast_in_dim3A_264 = vector.broadcast %broadcast_in_dim3A_263 : i32 to vector<256x128xi32>
    %broadcast_in_dim3A_265 = arith.constant 23 : i32
    %broadcast_in_dim3A_266 = vector.broadcast %broadcast_in_dim3A_265 : i32 to vector<256x128xi32>
    %lt3A_267 = arith.cmpf olt, %slice3A_243, %slice3A_244 : vector<256x128xf32>
    %max3A_268 = arith.maximumf %slice3A_243, %slice3A_244 : vector<256x128xf32>
    %min3A_269 = arith.minimumf %slice3A_243, %slice3A_244 : vector<256x128xf32>
    %select_n3A_270 = arith.select %lt3A_267, %broadcast_in_dim3A_254, %broadcast_in_dim3A_252 : vector<256x128xi1>, vector<256x128xi32>
    %select_n3A_271 = arith.select %lt3A_267, %broadcast_in_dim3A_252, %broadcast_in_dim3A_254 : vector<256x128xi1>, vector<256x128xi32>
    %lt3A_272 = arith.cmpf olt, %slice3A_245, %slice3A_246 : vector<256x128xf32>
    %max3A_273 = arith.maximumf %slice3A_245, %slice3A_246 : vector<256x128xf32>
    %min3A_274 = arith.minimumf %slice3A_245, %slice3A_246 : vector<256x128xf32>
    %select_n3A_275 = arith.select %lt3A_272, %broadcast_in_dim3A_258, %broadcast_in_dim3A_256 : vector<256x128xi1>, vector<256x128xi32>
    %select_n3A_276 = arith.select %lt3A_272, %broadcast_in_dim3A_256, %broadcast_in_dim3A_258 : vector<256x128xi1>, vector<256x128xi32>
    %lt3A_277 = arith.cmpf olt, %slice3A_247, %slice3A_248 : vector<256x128xf32>
    %max3A_278 = arith.maximumf %slice3A_247, %slice3A_248 : vector<256x128xf32>
    %min3A_279 = arith.minimumf %slice3A_247, %slice3A_248 : vector<256x128xf32>
    %select_n3A_280 = arith.select %lt3A_277, %broadcast_in_dim3A_262, %broadcast_in_dim3A_260 : vector<256x128xi1>, vector<256x128xi32>
    %select_n3A_281 = arith.select %lt3A_277, %broadcast_in_dim3A_260, %broadcast_in_dim3A_262 : vector<256x128xi1>, vector<256x128xi32>
    %lt3A_282 = arith.cmpf olt, %slice3A_249, %slice3A_250 : vector<256x128xf32>
    %max3A_283 = arith.maximumf %slice3A_249, %slice3A_250 : vector<256x128xf32>
    %min3A_284 = arith.minimumf %slice3A_249, %slice3A_250 : vector<256x128xf32>
    %select_n3A_285 = arith.select %lt3A_282, %broadcast_in_dim3A_266, %broadcast_in_dim3A_264 : vector<256x128xi1>, vector<256x128xi32>
    %select_n3A_286 = arith.select %lt3A_282, %broadcast_in_dim3A_264, %broadcast_in_dim3A_266 : vector<256x128xi1>, vector<256x128xi32>
    %lt3A_287 = arith.cmpf olt, %max3A_268, %max3A_273 : vector<256x128xf32>
    %max3A_288 = arith.maximumf %max3A_268, %max3A_273 : vector<256x128xf32>
    %min3A_289 = arith.minimumf %max3A_268, %max3A_273 : vector<256x128xf32>
    %select_n3A_290 = arith.select %lt3A_287, %select_n3A_275, %select_n3A_270 : vector<256x128xi1>, vector<256x128xi32>
    %select_n3A_291 = arith.select %lt3A_287, %select_n3A_270, %select_n3A_275 : vector<256x128xi1>, vector<256x128xi32>
    %lt3A_292 = arith.cmpf olt, %min3A_269, %min3A_274 : vector<256x128xf32>
    %max3A_293 = arith.maximumf %min3A_269, %min3A_274 : vector<256x128xf32>
    %min3A_294 = arith.minimumf %min3A_269, %min3A_274 : vector<256x128xf32>
    %select_n3A_295 = arith.select %lt3A_292, %select_n3A_276, %select_n3A_271 : vector<256x128xi1>, vector<256x128xi32>
    %select_n3A_296 = arith.select %lt3A_292, %select_n3A_271, %select_n3A_276 : vector<256x128xi1>, vector<256x128xi32>
    %lt3A_297 = arith.cmpf olt, %max3A_278, %max3A_283 : vector<256x128xf32>
    %max3A_298 = arith.maximumf %max3A_278, %max3A_283 : vector<256x128xf32>
    %min3A_299 = arith.minimumf %max3A_278, %max3A_283 : vector<256x128xf32>
    %select_n3A_300 = arith.select %lt3A_297, %select_n3A_285, %select_n3A_280 : vector<256x128xi1>, vector<256x128xi32>
    %select_n3A_301 = arith.select %lt3A_297, %select_n3A_280, %select_n3A_285 : vector<256x128xi1>, vector<256x128xi32>
    %lt3A_302 = arith.cmpf olt, %min3A_279, %min3A_284 : vector<256x128xf32>
    %max3A_303 = arith.maximumf %min3A_279, %min3A_284 : vector<256x128xf32>
    %min3A_304 = arith.minimumf %min3A_279, %min3A_284 : vector<256x128xf32>
    %select_n3A_305 = arith.select %lt3A_302, %select_n3A_286, %select_n3A_281 : vector<256x128xi1>, vector<256x128xi32>
    %select_n3A_306 = arith.select %lt3A_302, %select_n3A_281, %select_n3A_286 : vector<256x128xi1>, vector<256x128xi32>
    %lt3A_307 = arith.cmpf olt, %max3A_293, %min3A_289 : vector<256x128xf32>
    %max3A_308 = arith.maximumf %max3A_293, %min3A_289 : vector<256x128xf32>
    %min3A_309 = arith.minimumf %max3A_293, %min3A_289 : vector<256x128xf32>
    %select_n3A_310 = arith.select %lt3A_307, %select_n3A_291, %select_n3A_295 : vector<256x128xi1>, vector<256x128xi32>
    %select_n3A_311 = arith.select %lt3A_307, %select_n3A_295, %select_n3A_291 : vector<256x128xi1>, vector<256x128xi32>
    %lt3A_312 = arith.cmpf olt, %max3A_303, %min3A_299 : vector<256x128xf32>
    %max3A_313 = arith.maximumf %max3A_303, %min3A_299 : vector<256x128xf32>
    %min3A_314 = arith.minimumf %max3A_303, %min3A_299 : vector<256x128xf32>
    %select_n3A_315 = arith.select %lt3A_312, %select_n3A_301, %select_n3A_305 : vector<256x128xi1>, vector<256x128xi32>
    %select_n3A_316 = arith.select %lt3A_312, %select_n3A_305, %select_n3A_301 : vector<256x128xi1>, vector<256x128xi32>
    %lt3A_317 = arith.cmpf olt, %max3A_288, %max3A_298 : vector<256x128xf32>
    %max3A_318 = arith.maximumf %max3A_288, %max3A_298 : vector<256x128xf32>
    %min3A_319 = arith.minimumf %max3A_288, %max3A_298 : vector<256x128xf32>
    %select_n3A_320 = arith.select %lt3A_317, %select_n3A_300, %select_n3A_290 : vector<256x128xi1>, vector<256x128xi32>
    %select_n3A_321 = arith.select %lt3A_317, %select_n3A_290, %select_n3A_300 : vector<256x128xi1>, vector<256x128xi32>
    %lt3A_322 = arith.cmpf olt, %max3A_308, %max3A_313 : vector<256x128xf32>
    %max3A_323 = arith.maximumf %max3A_308, %max3A_313 : vector<256x128xf32>
    %min3A_324 = arith.minimumf %max3A_308, %max3A_313 : vector<256x128xf32>
    %select_n3A_325 = arith.select %lt3A_322, %select_n3A_315, %select_n3A_310 : vector<256x128xi1>, vector<256x128xi32>
    %select_n3A_326 = arith.select %lt3A_322, %select_n3A_310, %select_n3A_315 : vector<256x128xi1>, vector<256x128xi32>
    %lt3A_327 = arith.cmpf olt, %min3A_309, %min3A_314 : vector<256x128xf32>
    %max3A_328 = arith.maximumf %min3A_309, %min3A_314 : vector<256x128xf32>
    %min3A_329 = arith.minimumf %min3A_309, %min3A_314 : vector<256x128xf32>
    %select_n3A_330 = arith.select %lt3A_327, %select_n3A_316, %select_n3A_311 : vector<256x128xi1>, vector<256x128xi32>
    %select_n3A_331 = arith.select %lt3A_327, %select_n3A_311, %select_n3A_316 : vector<256x128xi1>, vector<256x128xi32>
    %lt3A_332 = arith.cmpf olt, %min3A_294, %min3A_304 : vector<256x128xf32>
    %max3A_333 = arith.maximumf %min3A_294, %min3A_304 : vector<256x128xf32>
    %min3A_334 = arith.minimumf %min3A_294, %min3A_304 : vector<256x128xf32>
    %select_n3A_335 = arith.select %lt3A_332, %select_n3A_306, %select_n3A_296 : vector<256x128xi1>, vector<256x128xi32>
    %select_n3A_336 = arith.select %lt3A_332, %select_n3A_296, %select_n3A_306 : vector<256x128xi1>, vector<256x128xi32>
    %lt3A_337 = arith.cmpf olt, %max3A_328, %min3A_319 : vector<256x128xf32>
    %max3A_338 = arith.maximumf %max3A_328, %min3A_319 : vector<256x128xf32>
    %min3A_339 = arith.minimumf %max3A_328, %min3A_319 : vector<256x128xf32>
    %select_n3A_340 = arith.select %lt3A_337, %select_n3A_321, %select_n3A_330 : vector<256x128xi1>, vector<256x128xi32>
    %select_n3A_341 = arith.select %lt3A_337, %select_n3A_330, %select_n3A_321 : vector<256x128xi1>, vector<256x128xi32>
    %lt3A_342 = arith.cmpf olt, %max3A_333, %min3A_324 : vector<256x128xf32>
    %max3A_343 = arith.maximumf %max3A_333, %min3A_324 : vector<256x128xf32>
    %min3A_344 = arith.minimumf %max3A_333, %min3A_324 : vector<256x128xf32>
    %select_n3A_345 = arith.select %lt3A_342, %select_n3A_326, %select_n3A_335 : vector<256x128xi1>, vector<256x128xi32>
    %select_n3A_346 = arith.select %lt3A_342, %select_n3A_335, %select_n3A_326 : vector<256x128xi1>, vector<256x128xi32>
    %lt3A_347 = arith.cmpf olt, %max3A_323, %max3A_338 : vector<256x128xf32>
    %max3A_348 = arith.maximumf %max3A_323, %max3A_338 : vector<256x128xf32>
    %min3A_349 = arith.minimumf %max3A_323, %max3A_338 : vector<256x128xf32>
    %select_n3A_350 = arith.select %lt3A_347, %select_n3A_340, %select_n3A_325 : vector<256x128xi1>, vector<256x128xi32>
    %select_n3A_351 = arith.select %lt3A_347, %select_n3A_325, %select_n3A_340 : vector<256x128xi1>, vector<256x128xi32>
    %lt3A_352 = arith.cmpf olt, %max3A_343, %min3A_339 : vector<256x128xf32>
    %max3A_353 = arith.maximumf %max3A_343, %min3A_339 : vector<256x128xf32>
    %min3A_354 = arith.minimumf %max3A_343, %min3A_339 : vector<256x128xf32>
    %select_n3A_355 = arith.select %lt3A_352, %select_n3A_341, %select_n3A_345 : vector<256x128xi1>, vector<256x128xi32>
    %select_n3A_356 = arith.select %lt3A_352, %select_n3A_345, %select_n3A_341 : vector<256x128xi1>, vector<256x128xi32>
    %lt3A_357 = arith.cmpf olt, %min3A_344, %min3A_329 : vector<256x128xf32>
    %max3A_358 = arith.maximumf %min3A_344, %min3A_329 : vector<256x128xf32>
    %min3A_359 = arith.minimumf %min3A_344, %min3A_329 : vector<256x128xf32>
    %select_n3A_360 = arith.select %lt3A_357, %select_n3A_331, %select_n3A_346 : vector<256x128xi1>, vector<256x128xi32>
    %select_n3A_361 = arith.select %lt3A_357, %select_n3A_346, %select_n3A_331 : vector<256x128xi1>, vector<256x128xi32>
    %slice3A_362 = vector.extract_strided_slice %select_n3A {offsets = [0, 3072], sizes = [256, 128], strides = [1, 1]} : vector<256x8192xf32> to vector<256x128xf32>
    %slice3A_363 = vector.extract_strided_slice %select_n3A {offsets = [0, 3200], sizes = [256, 128], strides = [1, 1]} : vector<256x8192xf32> to vector<256x128xf32>
    %slice3A_364 = vector.extract_strided_slice %select_n3A {offsets = [0, 3328], sizes = [256, 128], strides = [1, 1]} : vector<256x8192xf32> to vector<256x128xf32>
    %slice3A_365 = vector.extract_strided_slice %select_n3A {offsets = [0, 3456], sizes = [256, 128], strides = [1, 1]} : vector<256x8192xf32> to vector<256x128xf32>
    %slice3A_366 = vector.extract_strided_slice %select_n3A {offsets = [0, 3584], sizes = [256, 128], strides = [1, 1]} : vector<256x8192xf32> to vector<256x128xf32>
    %slice3A_367 = vector.extract_strided_slice %select_n3A {offsets = [0, 3712], sizes = [256, 128], strides = [1, 1]} : vector<256x8192xf32> to vector<256x128xf32>
    %slice3A_368 = vector.extract_strided_slice %select_n3A {offsets = [0, 3840], sizes = [256, 128], strides = [1, 1]} : vector<256x8192xf32> to vector<256x128xf32>
    %slice3A_369 = vector.extract_strided_slice %select_n3A {offsets = [0, 3968], sizes = [256, 128], strides = [1, 1]} : vector<256x8192xf32> to vector<256x128xf32>
    %broadcast_in_dim3A_370 = arith.constant 24 : i32
    %broadcast_in_dim3A_371 = vector.broadcast %broadcast_in_dim3A_370 : i32 to vector<256x128xi32>
    %broadcast_in_dim3A_372 = arith.constant 25 : i32
    %broadcast_in_dim3A_373 = vector.broadcast %broadcast_in_dim3A_372 : i32 to vector<256x128xi32>
    %broadcast_in_dim3A_374 = arith.constant 26 : i32
    %broadcast_in_dim3A_375 = vector.broadcast %broadcast_in_dim3A_374 : i32 to vector<256x128xi32>
    %broadcast_in_dim3A_376 = arith.constant 27 : i32
    %broadcast_in_dim3A_377 = vector.broadcast %broadcast_in_dim3A_376 : i32 to vector<256x128xi32>
    %broadcast_in_dim3A_378 = arith.constant 28 : i32
    %broadcast_in_dim3A_379 = vector.broadcast %broadcast_in_dim3A_378 : i32 to vector<256x128xi32>
    %broadcast_in_dim3A_380 = arith.constant 29 : i32
    %broadcast_in_dim3A_381 = vector.broadcast %broadcast_in_dim3A_380 : i32 to vector<256x128xi32>
    %broadcast_in_dim3A_382 = arith.constant 30 : i32
    %broadcast_in_dim3A_383 = vector.broadcast %broadcast_in_dim3A_382 : i32 to vector<256x128xi32>
    %broadcast_in_dim3A_384 = arith.constant 31 : i32
    %broadcast_in_dim3A_385 = vector.broadcast %broadcast_in_dim3A_384 : i32 to vector<256x128xi32>
    %lt3A_386 = arith.cmpf olt, %slice3A_362, %slice3A_363 : vector<256x128xf32>
    %max3A_387 = arith.maximumf %slice3A_362, %slice3A_363 : vector<256x128xf32>
    %min3A_388 = arith.minimumf %slice3A_362, %slice3A_363 : vector<256x128xf32>
    %select_n3A_389 = arith.select %lt3A_386, %broadcast_in_dim3A_373, %broadcast_in_dim3A_371 : vector<256x128xi1>, vector<256x128xi32>
    %select_n3A_390 = arith.select %lt3A_386, %broadcast_in_dim3A_371, %broadcast_in_dim3A_373 : vector<256x128xi1>, vector<256x128xi32>
    %lt3A_391 = arith.cmpf olt, %slice3A_364, %slice3A_365 : vector<256x128xf32>
    %max3A_392 = arith.maximumf %slice3A_364, %slice3A_365 : vector<256x128xf32>
    %min3A_393 = arith.minimumf %slice3A_364, %slice3A_365 : vector<256x128xf32>
    %select_n3A_394 = arith.select %lt3A_391, %broadcast_in_dim3A_377, %broadcast_in_dim3A_375 : vector<256x128xi1>, vector<256x128xi32>
    %select_n3A_395 = arith.select %lt3A_391, %broadcast_in_dim3A_375, %broadcast_in_dim3A_377 : vector<256x128xi1>, vector<256x128xi32>
    %lt3A_396 = arith.cmpf olt, %slice3A_366, %slice3A_367 : vector<256x128xf32>
    %max3A_397 = arith.maximumf %slice3A_366, %slice3A_367 : vector<256x128xf32>
    %min3A_398 = arith.minimumf %slice3A_366, %slice3A_367 : vector<256x128xf32>
    %select_n3A_399 = arith.select %lt3A_396, %broadcast_in_dim3A_381, %broadcast_in_dim3A_379 : vector<256x128xi1>, vector<256x128xi32>
    %select_n3A_400 = arith.select %lt3A_396, %broadcast_in_dim3A_379, %broadcast_in_dim3A_381 : vector<256x128xi1>, vector<256x128xi32>
    %lt3A_401 = arith.cmpf olt, %slice3A_368, %slice3A_369 : vector<256x128xf32>
    %max3A_402 = arith.maximumf %slice3A_368, %slice3A_369 : vector<256x128xf32>
    %min3A_403 = arith.minimumf %slice3A_368, %slice3A_369 : vector<256x128xf32>
    %select_n3A_404 = arith.select %lt3A_401, %broadcast_in_dim3A_385, %broadcast_in_dim3A_383 : vector<256x128xi1>, vector<256x128xi32>
    %select_n3A_405 = arith.select %lt3A_401, %broadcast_in_dim3A_383, %broadcast_in_dim3A_385 : vector<256x128xi1>, vector<256x128xi32>
    %lt3A_406 = arith.cmpf olt, %max3A_387, %max3A_392 : vector<256x128xf32>
    %max3A_407 = arith.maximumf %max3A_387, %max3A_392 : vector<256x128xf32>
    %min3A_408 = arith.minimumf %max3A_387, %max3A_392 : vector<256x128xf32>
    %select_n3A_409 = arith.select %lt3A_406, %select_n3A_394, %select_n3A_389 : vector<256x128xi1>, vector<256x128xi32>
    %select_n3A_410 = arith.select %lt3A_406, %select_n3A_389, %select_n3A_394 : vector<256x128xi1>, vector<256x128xi32>
    %lt3A_411 = arith.cmpf olt, %min3A_388, %min3A_393 : vector<256x128xf32>
    %max3A_412 = arith.maximumf %min3A_388, %min3A_393 : vector<256x128xf32>
    %min3A_413 = arith.minimumf %min3A_388, %min3A_393 : vector<256x128xf32>
    %select_n3A_414 = arith.select %lt3A_411, %select_n3A_395, %select_n3A_390 : vector<256x128xi1>, vector<256x128xi32>
    %select_n3A_415 = arith.select %lt3A_411, %select_n3A_390, %select_n3A_395 : vector<256x128xi1>, vector<256x128xi32>
    %lt3A_416 = arith.cmpf olt, %max3A_397, %max3A_402 : vector<256x128xf32>
    %max3A_417 = arith.maximumf %max3A_397, %max3A_402 : vector<256x128xf32>
    %min3A_418 = arith.minimumf %max3A_397, %max3A_402 : vector<256x128xf32>
    %select_n3A_419 = arith.select %lt3A_416, %select_n3A_404, %select_n3A_399 : vector<256x128xi1>, vector<256x128xi32>
    %select_n3A_420 = arith.select %lt3A_416, %select_n3A_399, %select_n3A_404 : vector<256x128xi1>, vector<256x128xi32>
    %lt3A_421 = arith.cmpf olt, %min3A_398, %min3A_403 : vector<256x128xf32>
    %max3A_422 = arith.maximumf %min3A_398, %min3A_403 : vector<256x128xf32>
    %min3A_423 = arith.minimumf %min3A_398, %min3A_403 : vector<256x128xf32>
    %select_n3A_424 = arith.select %lt3A_421, %select_n3A_405, %select_n3A_400 : vector<256x128xi1>, vector<256x128xi32>
    %select_n3A_425 = arith.select %lt3A_421, %select_n3A_400, %select_n3A_405 : vector<256x128xi1>, vector<256x128xi32>
    %lt3A_426 = arith.cmpf olt, %max3A_412, %min3A_408 : vector<256x128xf32>
    %max3A_427 = arith.maximumf %max3A_412, %min3A_408 : vector<256x128xf32>
    %min3A_428 = arith.minimumf %max3A_412, %min3A_408 : vector<256x128xf32>
    %select_n3A_429 = arith.select %lt3A_426, %select_n3A_410, %select_n3A_414 : vector<256x128xi1>, vector<256x128xi32>
    %select_n3A_430 = arith.select %lt3A_426, %select_n3A_414, %select_n3A_410 : vector<256x128xi1>, vector<256x128xi32>
    %lt3A_431 = arith.cmpf olt, %max3A_422, %min3A_418 : vector<256x128xf32>
    %max3A_432 = arith.maximumf %max3A_422, %min3A_418 : vector<256x128xf32>
    %min3A_433 = arith.minimumf %max3A_422, %min3A_418 : vector<256x128xf32>
    %select_n3A_434 = arith.select %lt3A_431, %select_n3A_420, %select_n3A_424 : vector<256x128xi1>, vector<256x128xi32>
    %select_n3A_435 = arith.select %lt3A_431, %select_n3A_424, %select_n3A_420 : vector<256x128xi1>, vector<256x128xi32>
    %lt3A_436 = arith.cmpf olt, %max3A_407, %max3A_417 : vector<256x128xf32>
    %max3A_437 = arith.maximumf %max3A_407, %max3A_417 : vector<256x128xf32>
    %min3A_438 = arith.minimumf %max3A_407, %max3A_417 : vector<256x128xf32>
    %select_n3A_439 = arith.select %lt3A_436, %select_n3A_419, %select_n3A_409 : vector<256x128xi1>, vector<256x128xi32>
    %select_n3A_440 = arith.select %lt3A_436, %select_n3A_409, %select_n3A_419 : vector<256x128xi1>, vector<256x128xi32>
    %lt3A_441 = arith.cmpf olt, %max3A_427, %max3A_432 : vector<256x128xf32>
    %max3A_442 = arith.maximumf %max3A_427, %max3A_432 : vector<256x128xf32>
    %min3A_443 = arith.minimumf %max3A_427, %max3A_432 : vector<256x128xf32>
    %select_n3A_444 = arith.select %lt3A_441, %select_n3A_434, %select_n3A_429 : vector<256x128xi1>, vector<256x128xi32>
    %select_n3A_445 = arith.select %lt3A_441, %select_n3A_429, %select_n3A_434 : vector<256x128xi1>, vector<256x128xi32>
    %lt3A_446 = arith.cmpf olt, %min3A_428, %min3A_433 : vector<256x128xf32>
    %max3A_447 = arith.maximumf %min3A_428, %min3A_433 : vector<256x128xf32>
    %min3A_448 = arith.minimumf %min3A_428, %min3A_433 : vector<256x128xf32>
    %select_n3A_449 = arith.select %lt3A_446, %select_n3A_435, %select_n3A_430 : vector<256x128xi1>, vector<256x128xi32>
    %select_n3A_450 = arith.select %lt3A_446, %select_n3A_430, %select_n3A_435 : vector<256x128xi1>, vector<256x128xi32>
    %lt3A_451 = arith.cmpf olt, %min3A_413, %min3A_423 : vector<256x128xf32>
    %max3A_452 = arith.maximumf %min3A_413, %min3A_423 : vector<256x128xf32>
    %min3A_453 = arith.minimumf %min3A_413, %min3A_423 : vector<256x128xf32>
    %select_n3A_454 = arith.select %lt3A_451, %select_n3A_425, %select_n3A_415 : vector<256x128xi1>, vector<256x128xi32>
    %select_n3A_455 = arith.select %lt3A_451, %select_n3A_415, %select_n3A_425 : vector<256x128xi1>, vector<256x128xi32>
    %lt3A_456 = arith.cmpf olt, %max3A_447, %min3A_438 : vector<256x128xf32>
    %max3A_457 = arith.maximumf %max3A_447, %min3A_438 : vector<256x128xf32>
    %min3A_458 = arith.minimumf %max3A_447, %min3A_438 : vector<256x128xf32>
    %select_n3A_459 = arith.select %lt3A_456, %select_n3A_440, %select_n3A_449 : vector<256x128xi1>, vector<256x128xi32>
    %select_n3A_460 = arith.select %lt3A_456, %select_n3A_449, %select_n3A_440 : vector<256x128xi1>, vector<256x128xi32>
    %lt3A_461 = arith.cmpf olt, %max3A_452, %min3A_443 : vector<256x128xf32>
    %max3A_462 = arith.maximumf %max3A_452, %min3A_443 : vector<256x128xf32>
    %min3A_463 = arith.minimumf %max3A_452, %min3A_443 : vector<256x128xf32>
    %select_n3A_464 = arith.select %lt3A_461, %select_n3A_445, %select_n3A_454 : vector<256x128xi1>, vector<256x128xi32>
    %select_n3A_465 = arith.select %lt3A_461, %select_n3A_454, %select_n3A_445 : vector<256x128xi1>, vector<256x128xi32>
    %lt3A_466 = arith.cmpf olt, %max3A_442, %max3A_457 : vector<256x128xf32>
    %max3A_467 = arith.maximumf %max3A_442, %max3A_457 : vector<256x128xf32>
    %min3A_468 = arith.minimumf %max3A_442, %max3A_457 : vector<256x128xf32>
    %select_n3A_469 = arith.select %lt3A_466, %select_n3A_459, %select_n3A_444 : vector<256x128xi1>, vector<256x128xi32>
    %select_n3A_470 = arith.select %lt3A_466, %select_n3A_444, %select_n3A_459 : vector<256x128xi1>, vector<256x128xi32>
    %lt3A_471 = arith.cmpf olt, %max3A_462, %min3A_458 : vector<256x128xf32>
    %max3A_472 = arith.maximumf %max3A_462, %min3A_458 : vector<256x128xf32>
    %min3A_473 = arith.minimumf %max3A_462, %min3A_458 : vector<256x128xf32>
    %select_n3A_474 = arith.select %lt3A_471, %select_n3A_460, %select_n3A_464 : vector<256x128xi1>, vector<256x128xi32>
    %select_n3A_475 = arith.select %lt3A_471, %select_n3A_464, %select_n3A_460 : vector<256x128xi1>, vector<256x128xi32>
    %lt3A_476 = arith.cmpf olt, %min3A_463, %min3A_448 : vector<256x128xf32>
    %max3A_477 = arith.maximumf %min3A_463, %min3A_448 : vector<256x128xf32>
    %min3A_478 = arith.minimumf %min3A_463, %min3A_448 : vector<256x128xf32>
    %select_n3A_479 = arith.select %lt3A_476, %select_n3A_450, %select_n3A_465 : vector<256x128xi1>, vector<256x128xi32>
    %select_n3A_480 = arith.select %lt3A_476, %select_n3A_465, %select_n3A_450 : vector<256x128xi1>, vector<256x128xi32>
    %slice3A_481 = vector.extract_strided_slice %select_n3A {offsets = [0, 4096], sizes = [256, 128], strides = [1, 1]} : vector<256x8192xf32> to vector<256x128xf32>
    %slice3A_482 = vector.extract_strided_slice %select_n3A {offsets = [0, 4224], sizes = [256, 128], strides = [1, 1]} : vector<256x8192xf32> to vector<256x128xf32>
    %slice3A_483 = vector.extract_strided_slice %select_n3A {offsets = [0, 4352], sizes = [256, 128], strides = [1, 1]} : vector<256x8192xf32> to vector<256x128xf32>
    %slice3A_484 = vector.extract_strided_slice %select_n3A {offsets = [0, 4480], sizes = [256, 128], strides = [1, 1]} : vector<256x8192xf32> to vector<256x128xf32>
    %slice3A_485 = vector.extract_strided_slice %select_n3A {offsets = [0, 4608], sizes = [256, 128], strides = [1, 1]} : vector<256x8192xf32> to vector<256x128xf32>
    %slice3A_486 = vector.extract_strided_slice %select_n3A {offsets = [0, 4736], sizes = [256, 128], strides = [1, 1]} : vector<256x8192xf32> to vector<256x128xf32>
    %slice3A_487 = vector.extract_strided_slice %select_n3A {offsets = [0, 4864], sizes = [256, 128], strides = [1, 1]} : vector<256x8192xf32> to vector<256x128xf32>
    %slice3A_488 = vector.extract_strided_slice %select_n3A {offsets = [0, 4992], sizes = [256, 128], strides = [1, 1]} : vector<256x8192xf32> to vector<256x128xf32>
    %broadcast_in_dim3A_489 = arith.constant 32 : i32
    %broadcast_in_dim3A_490 = vector.broadcast %broadcast_in_dim3A_489 : i32 to vector<256x128xi32>
    %broadcast_in_dim3A_491 = arith.constant 33 : i32
    %broadcast_in_dim3A_492 = vector.broadcast %broadcast_in_dim3A_491 : i32 to vector<256x128xi32>
    %broadcast_in_dim3A_493 = arith.constant 34 : i32
    %broadcast_in_dim3A_494 = vector.broadcast %broadcast_in_dim3A_493 : i32 to vector<256x128xi32>
    %broadcast_in_dim3A_495 = arith.constant 35 : i32
    %broadcast_in_dim3A_496 = vector.broadcast %broadcast_in_dim3A_495 : i32 to vector<256x128xi32>
    %broadcast_in_dim3A_497 = arith.constant 36 : i32
    %broadcast_in_dim3A_498 = vector.broadcast %broadcast_in_dim3A_497 : i32 to vector<256x128xi32>
    %broadcast_in_dim3A_499 = arith.constant 37 : i32
    %broadcast_in_dim3A_500 = vector.broadcast %broadcast_in_dim3A_499 : i32 to vector<256x128xi32>
    %broadcast_in_dim3A_501 = arith.constant 38 : i32
    %broadcast_in_dim3A_502 = vector.broadcast %broadcast_in_dim3A_501 : i32 to vector<256x128xi32>
    %broadcast_in_dim3A_503 = arith.constant 39 : i32
    %broadcast_in_dim3A_504 = vector.broadcast %broadcast_in_dim3A_503 : i32 to vector<256x128xi32>
    %lt3A_505 = arith.cmpf olt, %slice3A_481, %slice3A_482 : vector<256x128xf32>
    %max3A_506 = arith.maximumf %slice3A_481, %slice3A_482 : vector<256x128xf32>
    %min3A_507 = arith.minimumf %slice3A_481, %slice3A_482 : vector<256x128xf32>
    %select_n3A_508 = arith.select %lt3A_505, %broadcast_in_dim3A_492, %broadcast_in_dim3A_490 : vector<256x128xi1>, vector<256x128xi32>
    %select_n3A_509 = arith.select %lt3A_505, %broadcast_in_dim3A_490, %broadcast_in_dim3A_492 : vector<256x128xi1>, vector<256x128xi32>
    %lt3A_510 = arith.cmpf olt, %slice3A_483, %slice3A_484 : vector<256x128xf32>
    %max3A_511 = arith.maximumf %slice3A_483, %slice3A_484 : vector<256x128xf32>
    %min3A_512 = arith.minimumf %slice3A_483, %slice3A_484 : vector<256x128xf32>
    %select_n3A_513 = arith.select %lt3A_510, %broadcast_in_dim3A_496, %broadcast_in_dim3A_494 : vector<256x128xi1>, vector<256x128xi32>
    %select_n3A_514 = arith.select %lt3A_510, %broadcast_in_dim3A_494, %broadcast_in_dim3A_496 : vector<256x128xi1>, vector<256x128xi32>
    %lt3A_515 = arith.cmpf olt, %slice3A_485, %slice3A_486 : vector<256x128xf32>
    %max3A_516 = arith.maximumf %slice3A_485, %slice3A_486 : vector<256x128xf32>
    %min3A_517 = arith.minimumf %slice3A_485, %slice3A_486 : vector<256x128xf32>
    %select_n3A_518 = arith.select %lt3A_515, %broadcast_in_dim3A_500, %broadcast_in_dim3A_498 : vector<256x128xi1>, vector<256x128xi32>
    %select_n3A_519 = arith.select %lt3A_515, %broadcast_in_dim3A_498, %broadcast_in_dim3A_500 : vector<256x128xi1>, vector<256x128xi32>
    %lt3A_520 = arith.cmpf olt, %slice3A_487, %slice3A_488 : vector<256x128xf32>
    %max3A_521 = arith.maximumf %slice3A_487, %slice3A_488 : vector<256x128xf32>
    %min3A_522 = arith.minimumf %slice3A_487, %slice3A_488 : vector<256x128xf32>
    %select_n3A_523 = arith.select %lt3A_520, %broadcast_in_dim3A_504, %broadcast_in_dim3A_502 : vector<256x128xi1>, vector<256x128xi32>
    %select_n3A_524 = arith.select %lt3A_520, %broadcast_in_dim3A_502, %broadcast_in_dim3A_504 : vector<256x128xi1>, vector<256x128xi32>
    %lt3A_525 = arith.cmpf olt, %max3A_506, %max3A_511 : vector<256x128xf32>
    %max3A_526 = arith.maximumf %max3A_506, %max3A_511 : vector<256x128xf32>
    %min3A_527 = arith.minimumf %max3A_506, %max3A_511 : vector<256x128xf32>
    %select_n3A_528 = arith.select %lt3A_525, %select_n3A_513, %select_n3A_508 : vector<256x128xi1>, vector<256x128xi32>
    %select_n3A_529 = arith.select %lt3A_525, %select_n3A_508, %select_n3A_513 : vector<256x128xi1>, vector<256x128xi32>
    %lt3A_530 = arith.cmpf olt, %min3A_507, %min3A_512 : vector<256x128xf32>
    %max3A_531 = arith.maximumf %min3A_507, %min3A_512 : vector<256x128xf32>
    %min3A_532 = arith.minimumf %min3A_507, %min3A_512 : vector<256x128xf32>
    %select_n3A_533 = arith.select %lt3A_530, %select_n3A_514, %select_n3A_509 : vector<256x128xi1>, vector<256x128xi32>
    %select_n3A_534 = arith.select %lt3A_530, %select_n3A_509, %select_n3A_514 : vector<256x128xi1>, vector<256x128xi32>
    %lt3A_535 = arith.cmpf olt, %max3A_516, %max3A_521 : vector<256x128xf32>
    %max3A_536 = arith.maximumf %max3A_516, %max3A_521 : vector<256x128xf32>
    %min3A_537 = arith.minimumf %max3A_516, %max3A_521 : vector<256x128xf32>
    %select_n3A_538 = arith.select %lt3A_535, %select_n3A_523, %select_n3A_518 : vector<256x128xi1>, vector<256x128xi32>
    %select_n3A_539 = arith.select %lt3A_535, %select_n3A_518, %select_n3A_523 : vector<256x128xi1>, vector<256x128xi32>
    %lt3A_540 = arith.cmpf olt, %min3A_517, %min3A_522 : vector<256x128xf32>
    %max3A_541 = arith.maximumf %min3A_517, %min3A_522 : vector<256x128xf32>
    %min3A_542 = arith.minimumf %min3A_517, %min3A_522 : vector<256x128xf32>
    %select_n3A_543 = arith.select %lt3A_540, %select_n3A_524, %select_n3A_519 : vector<256x128xi1>, vector<256x128xi32>
    %select_n3A_544 = arith.select %lt3A_540, %select_n3A_519, %select_n3A_524 : vector<256x128xi1>, vector<256x128xi32>
    %lt3A_545 = arith.cmpf olt, %max3A_531, %min3A_527 : vector<256x128xf32>
    %max3A_546 = arith.maximumf %max3A_531, %min3A_527 : vector<256x128xf32>
    %min3A_547 = arith.minimumf %max3A_531, %min3A_527 : vector<256x128xf32>
    %select_n3A_548 = arith.select %lt3A_545, %select_n3A_529, %select_n3A_533 : vector<256x128xi1>, vector<256x128xi32>
    %select_n3A_549 = arith.select %lt3A_545, %select_n3A_533, %select_n3A_529 : vector<256x128xi1>, vector<256x128xi32>
    %lt3A_550 = arith.cmpf olt, %max3A_541, %min3A_537 : vector<256x128xf32>
    %max3A_551 = arith.maximumf %max3A_541, %min3A_537 : vector<256x128xf32>
    %min3A_552 = arith.minimumf %max3A_541, %min3A_537 : vector<256x128xf32>
    %select_n3A_553 = arith.select %lt3A_550, %select_n3A_539, %select_n3A_543 : vector<256x128xi1>, vector<256x128xi32>
    %select_n3A_554 = arith.select %lt3A_550, %select_n3A_543, %select_n3A_539 : vector<256x128xi1>, vector<256x128xi32>
    %lt3A_555 = arith.cmpf olt, %max3A_526, %max3A_536 : vector<256x128xf32>
    %max3A_556 = arith.maximumf %max3A_526, %max3A_536 : vector<256x128xf32>
    %min3A_557 = arith.minimumf %max3A_526, %max3A_536 : vector<256x128xf32>
    %select_n3A_558 = arith.select %lt3A_555, %select_n3A_538, %select_n3A_528 : vector<256x128xi1>, vector<256x128xi32>
    %select_n3A_559 = arith.select %lt3A_555, %select_n3A_528, %select_n3A_538 : vector<256x128xi1>, vector<256x128xi32>
    %lt3A_560 = arith.cmpf olt, %max3A_546, %max3A_551 : vector<256x128xf32>
    %max3A_561 = arith.maximumf %max3A_546, %max3A_551 : vector<256x128xf32>
    %min3A_562 = arith.minimumf %max3A_546, %max3A_551 : vector<256x128xf32>
    %select_n3A_563 = arith.select %lt3A_560, %select_n3A_553, %select_n3A_548 : vector<256x128xi1>, vector<256x128xi32>
    %select_n3A_564 = arith.select %lt3A_560, %select_n3A_548, %select_n3A_553 : vector<256x128xi1>, vector<256x128xi32>
    %lt3A_565 = arith.cmpf olt, %min3A_547, %min3A_552 : vector<256x128xf32>
    %max3A_566 = arith.maximumf %min3A_547, %min3A_552 : vector<256x128xf32>
    %min3A_567 = arith.minimumf %min3A_547, %min3A_552 : vector<256x128xf32>
    %select_n3A_568 = arith.select %lt3A_565, %select_n3A_554, %select_n3A_549 : vector<256x128xi1>, vector<256x128xi32>
    %select_n3A_569 = arith.select %lt3A_565, %select_n3A_549, %select_n3A_554 : vector<256x128xi1>, vector<256x128xi32>
    %lt3A_570 = arith.cmpf olt, %min3A_532, %min3A_542 : vector<256x128xf32>
    %max3A_571 = arith.maximumf %min3A_532, %min3A_542 : vector<256x128xf32>
    %min3A_572 = arith.minimumf %min3A_532, %min3A_542 : vector<256x128xf32>
    %select_n3A_573 = arith.select %lt3A_570, %select_n3A_544, %select_n3A_534 : vector<256x128xi1>, vector<256x128xi32>
    %select_n3A_574 = arith.select %lt3A_570, %select_n3A_534, %select_n3A_544 : vector<256x128xi1>, vector<256x128xi32>
    %lt3A_575 = arith.cmpf olt, %max3A_566, %min3A_557 : vector<256x128xf32>
    %max3A_576 = arith.maximumf %max3A_566, %min3A_557 : vector<256x128xf32>
    %min3A_577 = arith.minimumf %max3A_566, %min3A_557 : vector<256x128xf32>
    %select_n3A_578 = arith.select %lt3A_575, %select_n3A_559, %select_n3A_568 : vector<256x128xi1>, vector<256x128xi32>
    %select_n3A_579 = arith.select %lt3A_575, %select_n3A_568, %select_n3A_559 : vector<256x128xi1>, vector<256x128xi32>
    %lt3A_580 = arith.cmpf olt, %max3A_571, %min3A_562 : vector<256x128xf32>
    %max3A_581 = arith.maximumf %max3A_571, %min3A_562 : vector<256x128xf32>
    %min3A_582 = arith.minimumf %max3A_571, %min3A_562 : vector<256x128xf32>
    %select_n3A_583 = arith.select %lt3A_580, %select_n3A_564, %select_n3A_573 : vector<256x128xi1>, vector<256x128xi32>
    %select_n3A_584 = arith.select %lt3A_580, %select_n3A_573, %select_n3A_564 : vector<256x128xi1>, vector<256x128xi32>
    %lt3A_585 = arith.cmpf olt, %max3A_561, %max3A_576 : vector<256x128xf32>
    %max3A_586 = arith.maximumf %max3A_561, %max3A_576 : vector<256x128xf32>
    %min3A_587 = arith.minimumf %max3A_561, %max3A_576 : vector<256x128xf32>
    %select_n3A_588 = arith.select %lt3A_585, %select_n3A_578, %select_n3A_563 : vector<256x128xi1>, vector<256x128xi32>
    %select_n3A_589 = arith.select %lt3A_585, %select_n3A_563, %select_n3A_578 : vector<256x128xi1>, vector<256x128xi32>
    %lt3A_590 = arith.cmpf olt, %max3A_581, %min3A_577 : vector<256x128xf32>
    %max3A_591 = arith.maximumf %max3A_581, %min3A_577 : vector<256x128xf32>
    %min3A_592 = arith.minimumf %max3A_581, %min3A_577 : vector<256x128xf32>
    %select_n3A_593 = arith.select %lt3A_590, %select_n3A_579, %select_n3A_583 : vector<256x128xi1>, vector<256x128xi32>
    %select_n3A_594 = arith.select %lt3A_590, %select_n3A_583, %select_n3A_579 : vector<256x128xi1>, vector<256x128xi32>
    %lt3A_595 = arith.cmpf olt, %min3A_582, %min3A_567 : vector<256x128xf32>
    %max3A_596 = arith.maximumf %min3A_582, %min3A_567 : vector<256x128xf32>
    %min3A_597 = arith.minimumf %min3A_582, %min3A_567 : vector<256x128xf32>
    %select_n3A_598 = arith.select %lt3A_595, %select_n3A_569, %select_n3A_584 : vector<256x128xi1>, vector<256x128xi32>
    %select_n3A_599 = arith.select %lt3A_595, %select_n3A_584, %select_n3A_569 : vector<256x128xi1>, vector<256x128xi32>
    %slice3A_600 = vector.extract_strided_slice %select_n3A {offsets = [0, 5120], sizes = [256, 128], strides = [1, 1]} : vector<256x8192xf32> to vector<256x128xf32>
    %slice3A_601 = vector.extract_strided_slice %select_n3A {offsets = [0, 5248], sizes = [256, 128], strides = [1, 1]} : vector<256x8192xf32> to vector<256x128xf32>
    %slice3A_602 = vector.extract_strided_slice %select_n3A {offsets = [0, 5376], sizes = [256, 128], strides = [1, 1]} : vector<256x8192xf32> to vector<256x128xf32>
    %slice3A_603 = vector.extract_strided_slice %select_n3A {offsets = [0, 5504], sizes = [256, 128], strides = [1, 1]} : vector<256x8192xf32> to vector<256x128xf32>
    %slice3A_604 = vector.extract_strided_slice %select_n3A {offsets = [0, 5632], sizes = [256, 128], strides = [1, 1]} : vector<256x8192xf32> to vector<256x128xf32>
    %slice3A_605 = vector.extract_strided_slice %select_n3A {offsets = [0, 5760], sizes = [256, 128], strides = [1, 1]} : vector<256x8192xf32> to vector<256x128xf32>
    %slice3A_606 = vector.extract_strided_slice %select_n3A {offsets = [0, 5888], sizes = [256, 128], strides = [1, 1]} : vector<256x8192xf32> to vector<256x128xf32>
    %slice3A_607 = vector.extract_strided_slice %select_n3A {offsets = [0, 6016], sizes = [256, 128], strides = [1, 1]} : vector<256x8192xf32> to vector<256x128xf32>
    %broadcast_in_dim3A_608 = arith.constant 40 : i32
    %broadcast_in_dim3A_609 = vector.broadcast %broadcast_in_dim3A_608 : i32 to vector<256x128xi32>
    %broadcast_in_dim3A_610 = arith.constant 41 : i32
    %broadcast_in_dim3A_611 = vector.broadcast %broadcast_in_dim3A_610 : i32 to vector<256x128xi32>
    %broadcast_in_dim3A_612 = arith.constant 42 : i32
    %broadcast_in_dim3A_613 = vector.broadcast %broadcast_in_dim3A_612 : i32 to vector<256x128xi32>
    %broadcast_in_dim3A_614 = arith.constant 43 : i32
    %broadcast_in_dim3A_615 = vector.broadcast %broadcast_in_dim3A_614 : i32 to vector<256x128xi32>
    %broadcast_in_dim3A_616 = arith.constant 44 : i32
    %broadcast_in_dim3A_617 = vector.broadcast %broadcast_in_dim3A_616 : i32 to vector<256x128xi32>
    %broadcast_in_dim3A_618 = arith.constant 45 : i32
    %broadcast_in_dim3A_619 = vector.broadcast %broadcast_in_dim3A_618 : i32 to vector<256x128xi32>
    %broadcast_in_dim3A_620 = arith.constant 46 : i32
    %broadcast_in_dim3A_621 = vector.broadcast %broadcast_in_dim3A_620 : i32 to vector<256x128xi32>
    %broadcast_in_dim3A_622 = arith.constant 47 : i32
    %broadcast_in_dim3A_623 = vector.broadcast %broadcast_in_dim3A_622 : i32 to vector<256x128xi32>
    %lt3A_624 = arith.cmpf olt, %slice3A_600, %slice3A_601 : vector<256x128xf32>
    %max3A_625 = arith.maximumf %slice3A_600, %slice3A_601 : vector<256x128xf32>
    %min3A_626 = arith.minimumf %slice3A_600, %slice3A_601 : vector<256x128xf32>
    %select_n3A_627 = arith.select %lt3A_624, %broadcast_in_dim3A_611, %broadcast_in_dim3A_609 : vector<256x128xi1>, vector<256x128xi32>
    %select_n3A_628 = arith.select %lt3A_624, %broadcast_in_dim3A_609, %broadcast_in_dim3A_611 : vector<256x128xi1>, vector<256x128xi32>
    %lt3A_629 = arith.cmpf olt, %slice3A_602, %slice3A_603 : vector<256x128xf32>
    %max3A_630 = arith.maximumf %slice3A_602, %slice3A_603 : vector<256x128xf32>
    %min3A_631 = arith.minimumf %slice3A_602, %slice3A_603 : vector<256x128xf32>
    %select_n3A_632 = arith.select %lt3A_629, %broadcast_in_dim3A_615, %broadcast_in_dim3A_613 : vector<256x128xi1>, vector<256x128xi32>
    %select_n3A_633 = arith.select %lt3A_629, %broadcast_in_dim3A_613, %broadcast_in_dim3A_615 : vector<256x128xi1>, vector<256x128xi32>
    %lt3A_634 = arith.cmpf olt, %slice3A_604, %slice3A_605 : vector<256x128xf32>
    %max3A_635 = arith.maximumf %slice3A_604, %slice3A_605 : vector<256x128xf32>
    %min3A_636 = arith.minimumf %slice3A_604, %slice3A_605 : vector<256x128xf32>
    %select_n3A_637 = arith.select %lt3A_634, %broadcast_in_dim3A_619, %broadcast_in_dim3A_617 : vector<256x128xi1>, vector<256x128xi32>
    %select_n3A_638 = arith.select %lt3A_634, %broadcast_in_dim3A_617, %broadcast_in_dim3A_619 : vector<256x128xi1>, vector<256x128xi32>
    %lt3A_639 = arith.cmpf olt, %slice3A_606, %slice3A_607 : vector<256x128xf32>
    %max3A_640 = arith.maximumf %slice3A_606, %slice3A_607 : vector<256x128xf32>
    %min3A_641 = arith.minimumf %slice3A_606, %slice3A_607 : vector<256x128xf32>
    %select_n3A_642 = arith.select %lt3A_639, %broadcast_in_dim3A_623, %broadcast_in_dim3A_621 : vector<256x128xi1>, vector<256x128xi32>
    %select_n3A_643 = arith.select %lt3A_639, %broadcast_in_dim3A_621, %broadcast_in_dim3A_623 : vector<256x128xi1>, vector<256x128xi32>
    %lt3A_644 = arith.cmpf olt, %max3A_625, %max3A_630 : vector<256x128xf32>
    %max3A_645 = arith.maximumf %max3A_625, %max3A_630 : vector<256x128xf32>
    %min3A_646 = arith.minimumf %max3A_625, %max3A_630 : vector<256x128xf32>
    %select_n3A_647 = arith.select %lt3A_644, %select_n3A_632, %select_n3A_627 : vector<256x128xi1>, vector<256x128xi32>
    %select_n3A_648 = arith.select %lt3A_644, %select_n3A_627, %select_n3A_632 : vector<256x128xi1>, vector<256x128xi32>
    %lt3A_649 = arith.cmpf olt, %min3A_626, %min3A_631 : vector<256x128xf32>
    %max3A_650 = arith.maximumf %min3A_626, %min3A_631 : vector<256x128xf32>
    %min3A_651 = arith.minimumf %min3A_626, %min3A_631 : vector<256x128xf32>
    %select_n3A_652 = arith.select %lt3A_649, %select_n3A_633, %select_n3A_628 : vector<256x128xi1>, vector<256x128xi32>
    %select_n3A_653 = arith.select %lt3A_649, %select_n3A_628, %select_n3A_633 : vector<256x128xi1>, vector<256x128xi32>
    %lt3A_654 = arith.cmpf olt, %max3A_635, %max3A_640 : vector<256x128xf32>
    %max3A_655 = arith.maximumf %max3A_635, %max3A_640 : vector<256x128xf32>
    %min3A_656 = arith.minimumf %max3A_635, %max3A_640 : vector<256x128xf32>
    %select_n3A_657 = arith.select %lt3A_654, %select_n3A_642, %select_n3A_637 : vector<256x128xi1>, vector<256x128xi32>
    %select_n3A_658 = arith.select %lt3A_654, %select_n3A_637, %select_n3A_642 : vector<256x128xi1>, vector<256x128xi32>
    %lt3A_659 = arith.cmpf olt, %min3A_636, %min3A_641 : vector<256x128xf32>
    %max3A_660 = arith.maximumf %min3A_636, %min3A_641 : vector<256x128xf32>
    %min3A_661 = arith.minimumf %min3A_636, %min3A_641 : vector<256x128xf32>
    %select_n3A_662 = arith.select %lt3A_659, %select_n3A_643, %select_n3A_638 : vector<256x128xi1>, vector<256x128xi32>
    %select_n3A_663 = arith.select %lt3A_659, %select_n3A_638, %select_n3A_643 : vector<256x128xi1>, vector<256x128xi32>
    %lt3A_664 = arith.cmpf olt, %max3A_650, %min3A_646 : vector<256x128xf32>
    %max3A_665 = arith.maximumf %max3A_650, %min3A_646 : vector<256x128xf32>
    %min3A_666 = arith.minimumf %max3A_650, %min3A_646 : vector<256x128xf32>
    %select_n3A_667 = arith.select %lt3A_664, %select_n3A_648, %select_n3A_652 : vector<256x128xi1>, vector<256x128xi32>
    %select_n3A_668 = arith.select %lt3A_664, %select_n3A_652, %select_n3A_648 : vector<256x128xi1>, vector<256x128xi32>
    %lt3A_669 = arith.cmpf olt, %max3A_660, %min3A_656 : vector<256x128xf32>
    %max3A_670 = arith.maximumf %max3A_660, %min3A_656 : vector<256x128xf32>
    %min3A_671 = arith.minimumf %max3A_660, %min3A_656 : vector<256x128xf32>
    %select_n3A_672 = arith.select %lt3A_669, %select_n3A_658, %select_n3A_662 : vector<256x128xi1>, vector<256x128xi32>
    %select_n3A_673 = arith.select %lt3A_669, %select_n3A_662, %select_n3A_658 : vector<256x128xi1>, vector<256x128xi32>
    %lt3A_674 = arith.cmpf olt, %max3A_645, %max3A_655 : vector<256x128xf32>
    %max3A_675 = arith.maximumf %max3A_645, %max3A_655 : vector<256x128xf32>
    %min3A_676 = arith.minimumf %max3A_645, %max3A_655 : vector<256x128xf32>
    %select_n3A_677 = arith.select %lt3A_674, %select_n3A_657, %select_n3A_647 : vector<256x128xi1>, vector<256x128xi32>
    %select_n3A_678 = arith.select %lt3A_674, %select_n3A_647, %select_n3A_657 : vector<256x128xi1>, vector<256x128xi32>
    %lt3A_679 = arith.cmpf olt, %max3A_665, %max3A_670 : vector<256x128xf32>
    %max3A_680 = arith.maximumf %max3A_665, %max3A_670 : vector<256x128xf32>
    %min3A_681 = arith.minimumf %max3A_665, %max3A_670 : vector<256x128xf32>
    %select_n3A_682 = arith.select %lt3A_679, %select_n3A_672, %select_n3A_667 : vector<256x128xi1>, vector<256x128xi32>
    %select_n3A_683 = arith.select %lt3A_679, %select_n3A_667, %select_n3A_672 : vector<256x128xi1>, vector<256x128xi32>
    %lt3A_684 = arith.cmpf olt, %min3A_666, %min3A_671 : vector<256x128xf32>
    %max3A_685 = arith.maximumf %min3A_666, %min3A_671 : vector<256x128xf32>
    %min3A_686 = arith.minimumf %min3A_666, %min3A_671 : vector<256x128xf32>
    %select_n3A_687 = arith.select %lt3A_684, %select_n3A_673, %select_n3A_668 : vector<256x128xi1>, vector<256x128xi32>
    %select_n3A_688 = arith.select %lt3A_684, %select_n3A_668, %select_n3A_673 : vector<256x128xi1>, vector<256x128xi32>
    %lt3A_689 = arith.cmpf olt, %min3A_651, %min3A_661 : vector<256x128xf32>
    %max3A_690 = arith.maximumf %min3A_651, %min3A_661 : vector<256x128xf32>
    %min3A_691 = arith.minimumf %min3A_651, %min3A_661 : vector<256x128xf32>
    %select_n3A_692 = arith.select %lt3A_689, %select_n3A_663, %select_n3A_653 : vector<256x128xi1>, vector<256x128xi32>
    %select_n3A_693 = arith.select %lt3A_689, %select_n3A_653, %select_n3A_663 : vector<256x128xi1>, vector<256x128xi32>
    %lt3A_694 = arith.cmpf olt, %max3A_685, %min3A_676 : vector<256x128xf32>
    %max3A_695 = arith.maximumf %max3A_685, %min3A_676 : vector<256x128xf32>
    %min3A_696 = arith.minimumf %max3A_685, %min3A_676 : vector<256x128xf32>
    %select_n3A_697 = arith.select %lt3A_694, %select_n3A_678, %select_n3A_687 : vector<256x128xi1>, vector<256x128xi32>
    %select_n3A_698 = arith.select %lt3A_694, %select_n3A_687, %select_n3A_678 : vector<256x128xi1>, vector<256x128xi32>
    %lt3A_699 = arith.cmpf olt, %max3A_690, %min3A_681 : vector<256x128xf32>
    %max3A_700 = arith.maximumf %max3A_690, %min3A_681 : vector<256x128xf32>
    %min3A_701 = arith.minimumf %max3A_690, %min3A_681 : vector<256x128xf32>
    %select_n3A_702 = arith.select %lt3A_699, %select_n3A_683, %select_n3A_692 : vector<256x128xi1>, vector<256x128xi32>
    %select_n3A_703 = arith.select %lt3A_699, %select_n3A_692, %select_n3A_683 : vector<256x128xi1>, vector<256x128xi32>
    %lt3A_704 = arith.cmpf olt, %max3A_680, %max3A_695 : vector<256x128xf32>
    %max3A_705 = arith.maximumf %max3A_680, %max3A_695 : vector<256x128xf32>
    %min3A_706 = arith.minimumf %max3A_680, %max3A_695 : vector<256x128xf32>
    %select_n3A_707 = arith.select %lt3A_704, %select_n3A_697, %select_n3A_682 : vector<256x128xi1>, vector<256x128xi32>
    %select_n3A_708 = arith.select %lt3A_704, %select_n3A_682, %select_n3A_697 : vector<256x128xi1>, vector<256x128xi32>
    %lt3A_709 = arith.cmpf olt, %max3A_700, %min3A_696 : vector<256x128xf32>
    %max3A_710 = arith.maximumf %max3A_700, %min3A_696 : vector<256x128xf32>
    %min3A_711 = arith.minimumf %max3A_700, %min3A_696 : vector<256x128xf32>
    %select_n3A_712 = arith.select %lt3A_709, %select_n3A_698, %select_n3A_702 : vector<256x128xi1>, vector<256x128xi32>
    %select_n3A_713 = arith.select %lt3A_709, %select_n3A_702, %select_n3A_698 : vector<256x128xi1>, vector<256x128xi32>
    %lt3A_714 = arith.cmpf olt, %min3A_701, %min3A_686 : vector<256x128xf32>
    %max3A_715 = arith.maximumf %min3A_701, %min3A_686 : vector<256x128xf32>
    %min3A_716 = arith.minimumf %min3A_701, %min3A_686 : vector<256x128xf32>
    %select_n3A_717 = arith.select %lt3A_714, %select_n3A_688, %select_n3A_703 : vector<256x128xi1>, vector<256x128xi32>
    %select_n3A_718 = arith.select %lt3A_714, %select_n3A_703, %select_n3A_688 : vector<256x128xi1>, vector<256x128xi32>
    %slice3A_719 = vector.extract_strided_slice %select_n3A {offsets = [0, 6144], sizes = [256, 128], strides = [1, 1]} : vector<256x8192xf32> to vector<256x128xf32>
    %slice3A_720 = vector.extract_strided_slice %select_n3A {offsets = [0, 6272], sizes = [256, 128], strides = [1, 1]} : vector<256x8192xf32> to vector<256x128xf32>
    %slice3A_721 = vector.extract_strided_slice %select_n3A {offsets = [0, 6400], sizes = [256, 128], strides = [1, 1]} : vector<256x8192xf32> to vector<256x128xf32>
    %slice3A_722 = vector.extract_strided_slice %select_n3A {offsets = [0, 6528], sizes = [256, 128], strides = [1, 1]} : vector<256x8192xf32> to vector<256x128xf32>
    %slice3A_723 = vector.extract_strided_slice %select_n3A {offsets = [0, 6656], sizes = [256, 128], strides = [1, 1]} : vector<256x8192xf32> to vector<256x128xf32>
    %slice3A_724 = vector.extract_strided_slice %select_n3A {offsets = [0, 6784], sizes = [256, 128], strides = [1, 1]} : vector<256x8192xf32> to vector<256x128xf32>
    %slice3A_725 = vector.extract_strided_slice %select_n3A {offsets = [0, 6912], sizes = [256, 128], strides = [1, 1]} : vector<256x8192xf32> to vector<256x128xf32>
    %slice3A_726 = vector.extract_strided_slice %select_n3A {offsets = [0, 7040], sizes = [256, 128], strides = [1, 1]} : vector<256x8192xf32> to vector<256x128xf32>
    %broadcast_in_dim3A_727 = arith.constant 48 : i32
    %broadcast_in_dim3A_728 = vector.broadcast %broadcast_in_dim3A_727 : i32 to vector<256x128xi32>
    %broadcast_in_dim3A_729 = arith.constant 49 : i32
    %broadcast_in_dim3A_730 = vector.broadcast %broadcast_in_dim3A_729 : i32 to vector<256x128xi32>
    %broadcast_in_dim3A_731 = arith.constant 50 : i32
    %broadcast_in_dim3A_732 = vector.broadcast %broadcast_in_dim3A_731 : i32 to vector<256x128xi32>
    %broadcast_in_dim3A_733 = arith.constant 51 : i32
    %broadcast_in_dim3A_734 = vector.broadcast %broadcast_in_dim3A_733 : i32 to vector<256x128xi32>
    %broadcast_in_dim3A_735 = arith.constant 52 : i32
    %broadcast_in_dim3A_736 = vector.broadcast %broadcast_in_dim3A_735 : i32 to vector<256x128xi32>
    %broadcast_in_dim3A_737 = arith.constant 53 : i32
    %broadcast_in_dim3A_738 = vector.broadcast %broadcast_in_dim3A_737 : i32 to vector<256x128xi32>
    %broadcast_in_dim3A_739 = arith.constant 54 : i32
    %broadcast_in_dim3A_740 = vector.broadcast %broadcast_in_dim3A_739 : i32 to vector<256x128xi32>
    %broadcast_in_dim3A_741 = arith.constant 55 : i32
    %broadcast_in_dim3A_742 = vector.broadcast %broadcast_in_dim3A_741 : i32 to vector<256x128xi32>
    %lt3A_743 = arith.cmpf olt, %slice3A_719, %slice3A_720 : vector<256x128xf32>
    %max3A_744 = arith.maximumf %slice3A_719, %slice3A_720 : vector<256x128xf32>
    %min3A_745 = arith.minimumf %slice3A_719, %slice3A_720 : vector<256x128xf32>
    %select_n3A_746 = arith.select %lt3A_743, %broadcast_in_dim3A_730, %broadcast_in_dim3A_728 : vector<256x128xi1>, vector<256x128xi32>
    %select_n3A_747 = arith.select %lt3A_743, %broadcast_in_dim3A_728, %broadcast_in_dim3A_730 : vector<256x128xi1>, vector<256x128xi32>
    %lt3A_748 = arith.cmpf olt, %slice3A_721, %slice3A_722 : vector<256x128xf32>
    %max3A_749 = arith.maximumf %slice3A_721, %slice3A_722 : vector<256x128xf32>
    %min3A_750 = arith.minimumf %slice3A_721, %slice3A_722 : vector<256x128xf32>
    %select_n3A_751 = arith.select %lt3A_748, %broadcast_in_dim3A_734, %broadcast_in_dim3A_732 : vector<256x128xi1>, vector<256x128xi32>
    %select_n3A_752 = arith.select %lt3A_748, %broadcast_in_dim3A_732, %broadcast_in_dim3A_734 : vector<256x128xi1>, vector<256x128xi32>
    %lt3A_753 = arith.cmpf olt, %slice3A_723, %slice3A_724 : vector<256x128xf32>
    %max3A_754 = arith.maximumf %slice3A_723, %slice3A_724 : vector<256x128xf32>
    %min3A_755 = arith.minimumf %slice3A_723, %slice3A_724 : vector<256x128xf32>
    %select_n3A_756 = arith.select %lt3A_753, %broadcast_in_dim3A_738, %broadcast_in_dim3A_736 : vector<256x128xi1>, vector<256x128xi32>
    %select_n3A_757 = arith.select %lt3A_753, %broadcast_in_dim3A_736, %broadcast_in_dim3A_738 : vector<256x128xi1>, vector<256x128xi32>
    %lt3A_758 = arith.cmpf olt, %slice3A_725, %slice3A_726 : vector<256x128xf32>
    %max3A_759 = arith.maximumf %slice3A_725, %slice3A_726 : vector<256x128xf32>
    %min3A_760 = arith.minimumf %slice3A_725, %slice3A_726 : vector<256x128xf32>
    %select_n3A_761 = arith.select %lt3A_758, %broadcast_in_dim3A_742, %broadcast_in_dim3A_740 : vector<256x128xi1>, vector<256x128xi32>
    %select_n3A_762 = arith.select %lt3A_758, %broadcast_in_dim3A_740, %broadcast_in_dim3A_742 : vector<256x128xi1>, vector<256x128xi32>
    %lt3A_763 = arith.cmpf olt, %max3A_744, %max3A_749 : vector<256x128xf32>
    %max3A_764 = arith.maximumf %max3A_744, %max3A_749 : vector<256x128xf32>
    %min3A_765 = arith.minimumf %max3A_744, %max3A_749 : vector<256x128xf32>
    %select_n3A_766 = arith.select %lt3A_763, %select_n3A_751, %select_n3A_746 : vector<256x128xi1>, vector<256x128xi32>
    %select_n3A_767 = arith.select %lt3A_763, %select_n3A_746, %select_n3A_751 : vector<256x128xi1>, vector<256x128xi32>
    %lt3A_768 = arith.cmpf olt, %min3A_745, %min3A_750 : vector<256x128xf32>
    %max3A_769 = arith.maximumf %min3A_745, %min3A_750 : vector<256x128xf32>
    %min3A_770 = arith.minimumf %min3A_745, %min3A_750 : vector<256x128xf32>
    %select_n3A_771 = arith.select %lt3A_768, %select_n3A_752, %select_n3A_747 : vector<256x128xi1>, vector<256x128xi32>
    %select_n3A_772 = arith.select %lt3A_768, %select_n3A_747, %select_n3A_752 : vector<256x128xi1>, vector<256x128xi32>
    %lt3A_773 = arith.cmpf olt, %max3A_754, %max3A_759 : vector<256x128xf32>
    %max3A_774 = arith.maximumf %max3A_754, %max3A_759 : vector<256x128xf32>
    %min3A_775 = arith.minimumf %max3A_754, %max3A_759 : vector<256x128xf32>
    %select_n3A_776 = arith.select %lt3A_773, %select_n3A_761, %select_n3A_756 : vector<256x128xi1>, vector<256x128xi32>
    %select_n3A_777 = arith.select %lt3A_773, %select_n3A_756, %select_n3A_761 : vector<256x128xi1>, vector<256x128xi32>
    %lt3A_778 = arith.cmpf olt, %min3A_755, %min3A_760 : vector<256x128xf32>
    %max3A_779 = arith.maximumf %min3A_755, %min3A_760 : vector<256x128xf32>
    %min3A_780 = arith.minimumf %min3A_755, %min3A_760 : vector<256x128xf32>
    %select_n3A_781 = arith.select %lt3A_778, %select_n3A_762, %select_n3A_757 : vector<256x128xi1>, vector<256x128xi32>
    %select_n3A_782 = arith.select %lt3A_778, %select_n3A_757, %select_n3A_762 : vector<256x128xi1>, vector<256x128xi32>
    %lt3A_783 = arith.cmpf olt, %max3A_769, %min3A_765 : vector<256x128xf32>
    %max3A_784 = arith.maximumf %max3A_769, %min3A_765 : vector<256x128xf32>
    %min3A_785 = arith.minimumf %max3A_769, %min3A_765 : vector<256x128xf32>
    %select_n3A_786 = arith.select %lt3A_783, %select_n3A_767, %select_n3A_771 : vector<256x128xi1>, vector<256x128xi32>
    %select_n3A_787 = arith.select %lt3A_783, %select_n3A_771, %select_n3A_767 : vector<256x128xi1>, vector<256x128xi32>
    %lt3A_788 = arith.cmpf olt, %max3A_779, %min3A_775 : vector<256x128xf32>
    %max3A_789 = arith.maximumf %max3A_779, %min3A_775 : vector<256x128xf32>
    %min3A_790 = arith.minimumf %max3A_779, %min3A_775 : vector<256x128xf32>
    %select_n3A_791 = arith.select %lt3A_788, %select_n3A_777, %select_n3A_781 : vector<256x128xi1>, vector<256x128xi32>
    %select_n3A_792 = arith.select %lt3A_788, %select_n3A_781, %select_n3A_777 : vector<256x128xi1>, vector<256x128xi32>
    %lt3A_793 = arith.cmpf olt, %max3A_764, %max3A_774 : vector<256x128xf32>
    %max3A_794 = arith.maximumf %max3A_764, %max3A_774 : vector<256x128xf32>
    %min3A_795 = arith.minimumf %max3A_764, %max3A_774 : vector<256x128xf32>
    %select_n3A_796 = arith.select %lt3A_793, %select_n3A_776, %select_n3A_766 : vector<256x128xi1>, vector<256x128xi32>
    %select_n3A_797 = arith.select %lt3A_793, %select_n3A_766, %select_n3A_776 : vector<256x128xi1>, vector<256x128xi32>
    %lt3A_798 = arith.cmpf olt, %max3A_784, %max3A_789 : vector<256x128xf32>
    %max3A_799 = arith.maximumf %max3A_784, %max3A_789 : vector<256x128xf32>
    %min3A_800 = arith.minimumf %max3A_784, %max3A_789 : vector<256x128xf32>
    %select_n3A_801 = arith.select %lt3A_798, %select_n3A_791, %select_n3A_786 : vector<256x128xi1>, vector<256x128xi32>
    %select_n3A_802 = arith.select %lt3A_798, %select_n3A_786, %select_n3A_791 : vector<256x128xi1>, vector<256x128xi32>
    %lt3A_803 = arith.cmpf olt, %min3A_785, %min3A_790 : vector<256x128xf32>
    %max3A_804 = arith.maximumf %min3A_785, %min3A_790 : vector<256x128xf32>
    %min3A_805 = arith.minimumf %min3A_785, %min3A_790 : vector<256x128xf32>
    %select_n3A_806 = arith.select %lt3A_803, %select_n3A_792, %select_n3A_787 : vector<256x128xi1>, vector<256x128xi32>
    %select_n3A_807 = arith.select %lt3A_803, %select_n3A_787, %select_n3A_792 : vector<256x128xi1>, vector<256x128xi32>
    %lt3A_808 = arith.cmpf olt, %min3A_770, %min3A_780 : vector<256x128xf32>
    %max3A_809 = arith.maximumf %min3A_770, %min3A_780 : vector<256x128xf32>
    %min3A_810 = arith.minimumf %min3A_770, %min3A_780 : vector<256x128xf32>
    %select_n3A_811 = arith.select %lt3A_808, %select_n3A_782, %select_n3A_772 : vector<256x128xi1>, vector<256x128xi32>
    %select_n3A_812 = arith.select %lt3A_808, %select_n3A_772, %select_n3A_782 : vector<256x128xi1>, vector<256x128xi32>
    %lt3A_813 = arith.cmpf olt, %max3A_804, %min3A_795 : vector<256x128xf32>
    %max3A_814 = arith.maximumf %max3A_804, %min3A_795 : vector<256x128xf32>
    %min3A_815 = arith.minimumf %max3A_804, %min3A_795 : vector<256x128xf32>
    %select_n3A_816 = arith.select %lt3A_813, %select_n3A_797, %select_n3A_806 : vector<256x128xi1>, vector<256x128xi32>
    %select_n3A_817 = arith.select %lt3A_813, %select_n3A_806, %select_n3A_797 : vector<256x128xi1>, vector<256x128xi32>
    %lt3A_818 = arith.cmpf olt, %max3A_809, %min3A_800 : vector<256x128xf32>
    %max3A_819 = arith.maximumf %max3A_809, %min3A_800 : vector<256x128xf32>
    %min3A_820 = arith.minimumf %max3A_809, %min3A_800 : vector<256x128xf32>
    %select_n3A_821 = arith.select %lt3A_818, %select_n3A_802, %select_n3A_811 : vector<256x128xi1>, vector<256x128xi32>
    %select_n3A_822 = arith.select %lt3A_818, %select_n3A_811, %select_n3A_802 : vector<256x128xi1>, vector<256x128xi32>
    %lt3A_823 = arith.cmpf olt, %max3A_799, %max3A_814 : vector<256x128xf32>
    %max3A_824 = arith.maximumf %max3A_799, %max3A_814 : vector<256x128xf32>
    %min3A_825 = arith.minimumf %max3A_799, %max3A_814 : vector<256x128xf32>
    %select_n3A_826 = arith.select %lt3A_823, %select_n3A_816, %select_n3A_801 : vector<256x128xi1>, vector<256x128xi32>
    %select_n3A_827 = arith.select %lt3A_823, %select_n3A_801, %select_n3A_816 : vector<256x128xi1>, vector<256x128xi32>
    %lt3A_828 = arith.cmpf olt, %max3A_819, %min3A_815 : vector<256x128xf32>
    %max3A_829 = arith.maximumf %max3A_819, %min3A_815 : vector<256x128xf32>
    %min3A_830 = arith.minimumf %max3A_819, %min3A_815 : vector<256x128xf32>
    %select_n3A_831 = arith.select %lt3A_828, %select_n3A_817, %select_n3A_821 : vector<256x128xi1>, vector<256x128xi32>
    %select_n3A_832 = arith.select %lt3A_828, %select_n3A_821, %select_n3A_817 : vector<256x128xi1>, vector<256x128xi32>
    %lt3A_833 = arith.cmpf olt, %min3A_820, %min3A_805 : vector<256x128xf32>
    %max3A_834 = arith.maximumf %min3A_820, %min3A_805 : vector<256x128xf32>
    %min3A_835 = arith.minimumf %min3A_820, %min3A_805 : vector<256x128xf32>
    %select_n3A_836 = arith.select %lt3A_833, %select_n3A_807, %select_n3A_822 : vector<256x128xi1>, vector<256x128xi32>
    %select_n3A_837 = arith.select %lt3A_833, %select_n3A_822, %select_n3A_807 : vector<256x128xi1>, vector<256x128xi32>
    %slice3A_838 = vector.extract_strided_slice %select_n3A {offsets = [0, 7168], sizes = [256, 128], strides = [1, 1]} : vector<256x8192xf32> to vector<256x128xf32>
    %slice3A_839 = vector.extract_strided_slice %select_n3A {offsets = [0, 7296], sizes = [256, 128], strides = [1, 1]} : vector<256x8192xf32> to vector<256x128xf32>
    %slice3A_840 = vector.extract_strided_slice %select_n3A {offsets = [0, 7424], sizes = [256, 128], strides = [1, 1]} : vector<256x8192xf32> to vector<256x128xf32>
    %slice3A_841 = vector.extract_strided_slice %select_n3A {offsets = [0, 7552], sizes = [256, 128], strides = [1, 1]} : vector<256x8192xf32> to vector<256x128xf32>
    %slice3A_842 = vector.extract_strided_slice %select_n3A {offsets = [0, 7680], sizes = [256, 128], strides = [1, 1]} : vector<256x8192xf32> to vector<256x128xf32>
    %slice3A_843 = vector.extract_strided_slice %select_n3A {offsets = [0, 7808], sizes = [256, 128], strides = [1, 1]} : vector<256x8192xf32> to vector<256x128xf32>
    %slice3A_844 = vector.extract_strided_slice %select_n3A {offsets = [0, 7936], sizes = [256, 128], strides = [1, 1]} : vector<256x8192xf32> to vector<256x128xf32>
    %slice3A_845 = vector.extract_strided_slice %select_n3A {offsets = [0, 8064], sizes = [256, 128], strides = [1, 1]} : vector<256x8192xf32> to vector<256x128xf32>
    %broadcast_in_dim3A_846 = arith.constant 56 : i32
    %broadcast_in_dim3A_847 = vector.broadcast %broadcast_in_dim3A_846 : i32 to vector<256x128xi32>
    %broadcast_in_dim3A_848 = arith.constant 57 : i32
    %broadcast_in_dim3A_849 = vector.broadcast %broadcast_in_dim3A_848 : i32 to vector<256x128xi32>
    %broadcast_in_dim3A_850 = arith.constant 58 : i32
    %broadcast_in_dim3A_851 = vector.broadcast %broadcast_in_dim3A_850 : i32 to vector<256x128xi32>
    %broadcast_in_dim3A_852 = arith.constant 59 : i32
    %broadcast_in_dim3A_853 = vector.broadcast %broadcast_in_dim3A_852 : i32 to vector<256x128xi32>
    %broadcast_in_dim3A_854 = arith.constant 60 : i32
    %broadcast_in_dim3A_855 = vector.broadcast %broadcast_in_dim3A_854 : i32 to vector<256x128xi32>
    %broadcast_in_dim3A_856 = arith.constant 61 : i32
    %broadcast_in_dim3A_857 = vector.broadcast %broadcast_in_dim3A_856 : i32 to vector<256x128xi32>
    %broadcast_in_dim3A_858 = arith.constant 62 : i32
    %broadcast_in_dim3A_859 = vector.broadcast %broadcast_in_dim3A_858 : i32 to vector<256x128xi32>
    %broadcast_in_dim3A_860 = arith.constant 63 : i32
    %broadcast_in_dim3A_861 = vector.broadcast %broadcast_in_dim3A_860 : i32 to vector<256x128xi32>
    %lt3A_862 = arith.cmpf olt, %slice3A_838, %slice3A_839 : vector<256x128xf32>
    %max3A_863 = arith.maximumf %slice3A_838, %slice3A_839 : vector<256x128xf32>
    %min3A_864 = arith.minimumf %slice3A_838, %slice3A_839 : vector<256x128xf32>
    %select_n3A_865 = arith.select %lt3A_862, %broadcast_in_dim3A_849, %broadcast_in_dim3A_847 : vector<256x128xi1>, vector<256x128xi32>
    %select_n3A_866 = arith.select %lt3A_862, %broadcast_in_dim3A_847, %broadcast_in_dim3A_849 : vector<256x128xi1>, vector<256x128xi32>
    %lt3A_867 = arith.cmpf olt, %slice3A_840, %slice3A_841 : vector<256x128xf32>
    %max3A_868 = arith.maximumf %slice3A_840, %slice3A_841 : vector<256x128xf32>
    %min3A_869 = arith.minimumf %slice3A_840, %slice3A_841 : vector<256x128xf32>
    %select_n3A_870 = arith.select %lt3A_867, %broadcast_in_dim3A_853, %broadcast_in_dim3A_851 : vector<256x128xi1>, vector<256x128xi32>
    %select_n3A_871 = arith.select %lt3A_867, %broadcast_in_dim3A_851, %broadcast_in_dim3A_853 : vector<256x128xi1>, vector<256x128xi32>
    %lt3A_872 = arith.cmpf olt, %slice3A_842, %slice3A_843 : vector<256x128xf32>
    %max3A_873 = arith.maximumf %slice3A_842, %slice3A_843 : vector<256x128xf32>
    %min3A_874 = arith.minimumf %slice3A_842, %slice3A_843 : vector<256x128xf32>
    %select_n3A_875 = arith.select %lt3A_872, %broadcast_in_dim3A_857, %broadcast_in_dim3A_855 : vector<256x128xi1>, vector<256x128xi32>
    %select_n3A_876 = arith.select %lt3A_872, %broadcast_in_dim3A_855, %broadcast_in_dim3A_857 : vector<256x128xi1>, vector<256x128xi32>
    %lt3A_877 = arith.cmpf olt, %slice3A_844, %slice3A_845 : vector<256x128xf32>
    %max3A_878 = arith.maximumf %slice3A_844, %slice3A_845 : vector<256x128xf32>
    %min3A_879 = arith.minimumf %slice3A_844, %slice3A_845 : vector<256x128xf32>
    %select_n3A_880 = arith.select %lt3A_877, %broadcast_in_dim3A_861, %broadcast_in_dim3A_859 : vector<256x128xi1>, vector<256x128xi32>
    %select_n3A_881 = arith.select %lt3A_877, %broadcast_in_dim3A_859, %broadcast_in_dim3A_861 : vector<256x128xi1>, vector<256x128xi32>
    %lt3A_882 = arith.cmpf olt, %max3A_863, %max3A_868 : vector<256x128xf32>
    %max3A_883 = arith.maximumf %max3A_863, %max3A_868 : vector<256x128xf32>
    %min3A_884 = arith.minimumf %max3A_863, %max3A_868 : vector<256x128xf32>
    %select_n3A_885 = arith.select %lt3A_882, %select_n3A_870, %select_n3A_865 : vector<256x128xi1>, vector<256x128xi32>
    %select_n3A_886 = arith.select %lt3A_882, %select_n3A_865, %select_n3A_870 : vector<256x128xi1>, vector<256x128xi32>
    %lt3A_887 = arith.cmpf olt, %min3A_864, %min3A_869 : vector<256x128xf32>
    %max3A_888 = arith.maximumf %min3A_864, %min3A_869 : vector<256x128xf32>
    %min3A_889 = arith.minimumf %min3A_864, %min3A_869 : vector<256x128xf32>
    %select_n3A_890 = arith.select %lt3A_887, %select_n3A_871, %select_n3A_866 : vector<256x128xi1>, vector<256x128xi32>
    %select_n3A_891 = arith.select %lt3A_887, %select_n3A_866, %select_n3A_871 : vector<256x128xi1>, vector<256x128xi32>
    %lt3A_892 = arith.cmpf olt, %max3A_873, %max3A_878 : vector<256x128xf32>
    %max3A_893 = arith.maximumf %max3A_873, %max3A_878 : vector<256x128xf32>
    %min3A_894 = arith.minimumf %max3A_873, %max3A_878 : vector<256x128xf32>
    %select_n3A_895 = arith.select %lt3A_892, %select_n3A_880, %select_n3A_875 : vector<256x128xi1>, vector<256x128xi32>
    %select_n3A_896 = arith.select %lt3A_892, %select_n3A_875, %select_n3A_880 : vector<256x128xi1>, vector<256x128xi32>
    %lt3A_897 = arith.cmpf olt, %min3A_874, %min3A_879 : vector<256x128xf32>
    %max3A_898 = arith.maximumf %min3A_874, %min3A_879 : vector<256x128xf32>
    %min3A_899 = arith.minimumf %min3A_874, %min3A_879 : vector<256x128xf32>
    %select_n3A_900 = arith.select %lt3A_897, %select_n3A_881, %select_n3A_876 : vector<256x128xi1>, vector<256x128xi32>
    %select_n3A_901 = arith.select %lt3A_897, %select_n3A_876, %select_n3A_881 : vector<256x128xi1>, vector<256x128xi32>
    %lt3A_902 = arith.cmpf olt, %max3A_888, %min3A_884 : vector<256x128xf32>
    %max3A_903 = arith.maximumf %max3A_888, %min3A_884 : vector<256x128xf32>
    %min3A_904 = arith.minimumf %max3A_888, %min3A_884 : vector<256x128xf32>
    %select_n3A_905 = arith.select %lt3A_902, %select_n3A_886, %select_n3A_890 : vector<256x128xi1>, vector<256x128xi32>
    %select_n3A_906 = arith.select %lt3A_902, %select_n3A_890, %select_n3A_886 : vector<256x128xi1>, vector<256x128xi32>
    %lt3A_907 = arith.cmpf olt, %max3A_898, %min3A_894 : vector<256x128xf32>
    %max3A_908 = arith.maximumf %max3A_898, %min3A_894 : vector<256x128xf32>
    %min3A_909 = arith.minimumf %max3A_898, %min3A_894 : vector<256x128xf32>
    %select_n3A_910 = arith.select %lt3A_907, %select_n3A_896, %select_n3A_900 : vector<256x128xi1>, vector<256x128xi32>
    %select_n3A_911 = arith.select %lt3A_907, %select_n3A_900, %select_n3A_896 : vector<256x128xi1>, vector<256x128xi32>
    %lt3A_912 = arith.cmpf olt, %max3A_883, %max3A_893 : vector<256x128xf32>
    %max3A_913 = arith.maximumf %max3A_883, %max3A_893 : vector<256x128xf32>
    %min3A_914 = arith.minimumf %max3A_883, %max3A_893 : vector<256x128xf32>
    %select_n3A_915 = arith.select %lt3A_912, %select_n3A_895, %select_n3A_885 : vector<256x128xi1>, vector<256x128xi32>
    %select_n3A_916 = arith.select %lt3A_912, %select_n3A_885, %select_n3A_895 : vector<256x128xi1>, vector<256x128xi32>
    %lt3A_917 = arith.cmpf olt, %max3A_903, %max3A_908 : vector<256x128xf32>
    %max3A_918 = arith.maximumf %max3A_903, %max3A_908 : vector<256x128xf32>
    %min3A_919 = arith.minimumf %max3A_903, %max3A_908 : vector<256x128xf32>
    %select_n3A_920 = arith.select %lt3A_917, %select_n3A_910, %select_n3A_905 : vector<256x128xi1>, vector<256x128xi32>
    %select_n3A_921 = arith.select %lt3A_917, %select_n3A_905, %select_n3A_910 : vector<256x128xi1>, vector<256x128xi32>
    %lt3A_922 = arith.cmpf olt, %min3A_904, %min3A_909 : vector<256x128xf32>
    %max3A_923 = arith.maximumf %min3A_904, %min3A_909 : vector<256x128xf32>
    %min3A_924 = arith.minimumf %min3A_904, %min3A_909 : vector<256x128xf32>
    %select_n3A_925 = arith.select %lt3A_922, %select_n3A_911, %select_n3A_906 : vector<256x128xi1>, vector<256x128xi32>
    %select_n3A_926 = arith.select %lt3A_922, %select_n3A_906, %select_n3A_911 : vector<256x128xi1>, vector<256x128xi32>
    %lt3A_927 = arith.cmpf olt, %min3A_889, %min3A_899 : vector<256x128xf32>
    %max3A_928 = arith.maximumf %min3A_889, %min3A_899 : vector<256x128xf32>
    %min3A_929 = arith.minimumf %min3A_889, %min3A_899 : vector<256x128xf32>
    %select_n3A_930 = arith.select %lt3A_927, %select_n3A_901, %select_n3A_891 : vector<256x128xi1>, vector<256x128xi32>
    %select_n3A_931 = arith.select %lt3A_927, %select_n3A_891, %select_n3A_901 : vector<256x128xi1>, vector<256x128xi32>
    %lt3A_932 = arith.cmpf olt, %max3A_923, %min3A_914 : vector<256x128xf32>
    %max3A_933 = arith.maximumf %max3A_923, %min3A_914 : vector<256x128xf32>
    %min3A_934 = arith.minimumf %max3A_923, %min3A_914 : vector<256x128xf32>
    %select_n3A_935 = arith.select %lt3A_932, %select_n3A_916, %select_n3A_925 : vector<256x128xi1>, vector<256x128xi32>
    %select_n3A_936 = arith.select %lt3A_932, %select_n3A_925, %select_n3A_916 : vector<256x128xi1>, vector<256x128xi32>
    %lt3A_937 = arith.cmpf olt, %max3A_928, %min3A_919 : vector<256x128xf32>
    %max3A_938 = arith.maximumf %max3A_928, %min3A_919 : vector<256x128xf32>
    %min3A_939 = arith.minimumf %max3A_928, %min3A_919 : vector<256x128xf32>
    %select_n3A_940 = arith.select %lt3A_937, %select_n3A_921, %select_n3A_930 : vector<256x128xi1>, vector<256x128xi32>
    %select_n3A_941 = arith.select %lt3A_937, %select_n3A_930, %select_n3A_921 : vector<256x128xi1>, vector<256x128xi32>
    %lt3A_942 = arith.cmpf olt, %max3A_918, %max3A_933 : vector<256x128xf32>
    %max3A_943 = arith.maximumf %max3A_918, %max3A_933 : vector<256x128xf32>
    %min3A_944 = arith.minimumf %max3A_918, %max3A_933 : vector<256x128xf32>
    %select_n3A_945 = arith.select %lt3A_942, %select_n3A_935, %select_n3A_920 : vector<256x128xi1>, vector<256x128xi32>
    %select_n3A_946 = arith.select %lt3A_942, %select_n3A_920, %select_n3A_935 : vector<256x128xi1>, vector<256x128xi32>
    %lt3A_947 = arith.cmpf olt, %max3A_938, %min3A_934 : vector<256x128xf32>
    %max3A_948 = arith.maximumf %max3A_938, %min3A_934 : vector<256x128xf32>
    %min3A_949 = arith.minimumf %max3A_938, %min3A_934 : vector<256x128xf32>
    %select_n3A_950 = arith.select %lt3A_947, %select_n3A_936, %select_n3A_940 : vector<256x128xi1>, vector<256x128xi32>
    %select_n3A_951 = arith.select %lt3A_947, %select_n3A_940, %select_n3A_936 : vector<256x128xi1>, vector<256x128xi32>
    %lt3A_952 = arith.cmpf olt, %min3A_939, %min3A_924 : vector<256x128xf32>
    %max3A_953 = arith.maximumf %min3A_939, %min3A_924 : vector<256x128xf32>
    %min3A_954 = arith.minimumf %min3A_939, %min3A_924 : vector<256x128xf32>
    %select_n3A_955 = arith.select %lt3A_952, %select_n3A_926, %select_n3A_941 : vector<256x128xi1>, vector<256x128xi32>
    %select_n3A_956 = arith.select %lt3A_952, %select_n3A_941, %select_n3A_926 : vector<256x128xi1>, vector<256x128xi32>
    %lt3A_957 = arith.cmpf olt, %max3A_80, %min3A_215 : vector<256x128xf32>
    %max3A_958 = arith.maximumf %max3A_80, %min3A_215 : vector<256x128xf32>
    %select_n3A_959 = arith.select %lt3A_957, %select_n3A_217, %select_n3A_82 : vector<256x128xi1>, vector<256x128xi32>
    %lt3A_960 = arith.cmpf olt, %max3A_110, %min3A_240 : vector<256x128xf32>
    %max3A_961 = arith.maximumf %max3A_110, %min3A_240 : vector<256x128xf32>
    %select_n3A_962 = arith.select %lt3A_960, %select_n3A_242, %select_n3A_112 : vector<256x128xi1>, vector<256x128xi32>
    %lt3A_963 = arith.cmpf olt, %min3A_111, %max3A_239 : vector<256x128xf32>
    %max3A_964 = arith.maximumf %min3A_111, %max3A_239 : vector<256x128xf32>
    %select_n3A_965 = arith.select %lt3A_963, %select_n3A_241, %select_n3A_113 : vector<256x128xi1>, vector<256x128xi32>
    %lt3A_966 = arith.cmpf olt, %max3A_115, %min3A_235 : vector<256x128xf32>
    %max3A_967 = arith.maximumf %max3A_115, %min3A_235 : vector<256x128xf32>
    %select_n3A_968 = arith.select %lt3A_966, %select_n3A_237, %select_n3A_117 : vector<256x128xi1>, vector<256x128xi32>
    %lt3A_969 = arith.cmpf olt, %min3A_116, %max3A_234 : vector<256x128xf32>
    %max3A_970 = arith.maximumf %min3A_116, %max3A_234 : vector<256x128xf32>
    %select_n3A_971 = arith.select %lt3A_969, %select_n3A_236, %select_n3A_118 : vector<256x128xi1>, vector<256x128xi32>
    %lt3A_972 = arith.cmpf olt, %max3A_120, %min3A_230 : vector<256x128xf32>
    %max3A_973 = arith.maximumf %max3A_120, %min3A_230 : vector<256x128xf32>
    %select_n3A_974 = arith.select %lt3A_972, %select_n3A_232, %select_n3A_122 : vector<256x128xi1>, vector<256x128xi32>
    %lt3A_975 = arith.cmpf olt, %min3A_121, %max3A_229 : vector<256x128xf32>
    %max3A_976 = arith.maximumf %min3A_121, %max3A_229 : vector<256x128xf32>
    %select_n3A_977 = arith.select %lt3A_975, %select_n3A_231, %select_n3A_123 : vector<256x128xi1>, vector<256x128xi32>
    %lt3A_978 = arith.cmpf olt, %min3A_96, %max3A_199 : vector<256x128xf32>
    %max3A_979 = arith.maximumf %min3A_96, %max3A_199 : vector<256x128xf32>
    %select_n3A_980 = arith.select %lt3A_978, %select_n3A_201, %select_n3A_98 : vector<256x128xi1>, vector<256x128xi32>
    %lt3A_981 = arith.cmpf olt, %max3A_958, %max3A_970 : vector<256x128xf32>
    %max3A_982 = arith.maximumf %max3A_958, %max3A_970 : vector<256x128xf32>
    %min3A_983 = arith.minimumf %max3A_958, %max3A_970 : vector<256x128xf32>
    %select_n3A_984 = arith.select %lt3A_981, %select_n3A_971, %select_n3A_959 : vector<256x128xi1>, vector<256x128xi32>
    %select_n3A_985 = arith.select %lt3A_981, %select_n3A_959, %select_n3A_971 : vector<256x128xi1>, vector<256x128xi32>
    %lt3A_986 = arith.cmpf olt, %max3A_961, %max3A_973 : vector<256x128xf32>
    %max3A_987 = arith.maximumf %max3A_961, %max3A_973 : vector<256x128xf32>
    %min3A_988 = arith.minimumf %max3A_961, %max3A_973 : vector<256x128xf32>
    %select_n3A_989 = arith.select %lt3A_986, %select_n3A_974, %select_n3A_962 : vector<256x128xi1>, vector<256x128xi32>
    %select_n3A_990 = arith.select %lt3A_986, %select_n3A_962, %select_n3A_974 : vector<256x128xi1>, vector<256x128xi32>
    %lt3A_991 = arith.cmpf olt, %max3A_964, %max3A_976 : vector<256x128xf32>
    %max3A_992 = arith.maximumf %max3A_964, %max3A_976 : vector<256x128xf32>
    %min3A_993 = arith.minimumf %max3A_964, %max3A_976 : vector<256x128xf32>
    %select_n3A_994 = arith.select %lt3A_991, %select_n3A_977, %select_n3A_965 : vector<256x128xi1>, vector<256x128xi32>
    %select_n3A_995 = arith.select %lt3A_991, %select_n3A_965, %select_n3A_977 : vector<256x128xi1>, vector<256x128xi32>
    %lt3A_996 = arith.cmpf olt, %max3A_967, %max3A_979 : vector<256x128xf32>
    %max3A_997 = arith.maximumf %max3A_967, %max3A_979 : vector<256x128xf32>
    %min3A_998 = arith.minimumf %max3A_967, %max3A_979 : vector<256x128xf32>
    %select_n3A_999 = arith.select %lt3A_996, %select_n3A_980, %select_n3A_968 : vector<256x128xi1>, vector<256x128xi32>
    %select_n3A_1000 = arith.select %lt3A_996, %select_n3A_968, %select_n3A_980 : vector<256x128xi1>, vector<256x128xi32>
    %lt3A_1001 = arith.cmpf olt, %max3A_982, %max3A_992 : vector<256x128xf32>
    %max3A_1002 = arith.maximumf %max3A_982, %max3A_992 : vector<256x128xf32>
    %min3A_1003 = arith.minimumf %max3A_982, %max3A_992 : vector<256x128xf32>
    %select_n3A_1004 = arith.select %lt3A_1001, %select_n3A_994, %select_n3A_984 : vector<256x128xi1>, vector<256x128xi32>
    %select_n3A_1005 = arith.select %lt3A_1001, %select_n3A_984, %select_n3A_994 : vector<256x128xi1>, vector<256x128xi32>
    %lt3A_1006 = arith.cmpf olt, %max3A_987, %max3A_997 : vector<256x128xf32>
    %max3A_1007 = arith.maximumf %max3A_987, %max3A_997 : vector<256x128xf32>
    %min3A_1008 = arith.minimumf %max3A_987, %max3A_997 : vector<256x128xf32>
    %select_n3A_1009 = arith.select %lt3A_1006, %select_n3A_999, %select_n3A_989 : vector<256x128xi1>, vector<256x128xi32>
    %select_n3A_1010 = arith.select %lt3A_1006, %select_n3A_989, %select_n3A_999 : vector<256x128xi1>, vector<256x128xi32>
    %lt3A_1011 = arith.cmpf olt, %min3A_983, %min3A_993 : vector<256x128xf32>
    %max3A_1012 = arith.maximumf %min3A_983, %min3A_993 : vector<256x128xf32>
    %min3A_1013 = arith.minimumf %min3A_983, %min3A_993 : vector<256x128xf32>
    %select_n3A_1014 = arith.select %lt3A_1011, %select_n3A_995, %select_n3A_985 : vector<256x128xi1>, vector<256x128xi32>
    %select_n3A_1015 = arith.select %lt3A_1011, %select_n3A_985, %select_n3A_995 : vector<256x128xi1>, vector<256x128xi32>
    %lt3A_1016 = arith.cmpf olt, %min3A_988, %min3A_998 : vector<256x128xf32>
    %max3A_1017 = arith.maximumf %min3A_988, %min3A_998 : vector<256x128xf32>
    %min3A_1018 = arith.minimumf %min3A_988, %min3A_998 : vector<256x128xf32>
    %select_n3A_1019 = arith.select %lt3A_1016, %select_n3A_1000, %select_n3A_990 : vector<256x128xi1>, vector<256x128xi32>
    %select_n3A_1020 = arith.select %lt3A_1016, %select_n3A_990, %select_n3A_1000 : vector<256x128xi1>, vector<256x128xi32>
    %lt3A_1021 = arith.cmpf olt, %max3A_1002, %max3A_1007 : vector<256x128xf32>
    %max3A_1022 = arith.maximumf %max3A_1002, %max3A_1007 : vector<256x128xf32>
    %min3A_1023 = arith.minimumf %max3A_1002, %max3A_1007 : vector<256x128xf32>
    %select_n3A_1024 = arith.select %lt3A_1021, %select_n3A_1009, %select_n3A_1004 : vector<256x128xi1>, vector<256x128xi32>
    %select_n3A_1025 = arith.select %lt3A_1021, %select_n3A_1004, %select_n3A_1009 : vector<256x128xi1>, vector<256x128xi32>
    %lt3A_1026 = arith.cmpf olt, %min3A_1003, %min3A_1008 : vector<256x128xf32>
    %max3A_1027 = arith.maximumf %min3A_1003, %min3A_1008 : vector<256x128xf32>
    %min3A_1028 = arith.minimumf %min3A_1003, %min3A_1008 : vector<256x128xf32>
    %select_n3A_1029 = arith.select %lt3A_1026, %select_n3A_1010, %select_n3A_1005 : vector<256x128xi1>, vector<256x128xi32>
    %select_n3A_1030 = arith.select %lt3A_1026, %select_n3A_1005, %select_n3A_1010 : vector<256x128xi1>, vector<256x128xi32>
    %lt3A_1031 = arith.cmpf olt, %max3A_1012, %max3A_1017 : vector<256x128xf32>
    %max3A_1032 = arith.maximumf %max3A_1012, %max3A_1017 : vector<256x128xf32>
    %min3A_1033 = arith.minimumf %max3A_1012, %max3A_1017 : vector<256x128xf32>
    %select_n3A_1034 = arith.select %lt3A_1031, %select_n3A_1019, %select_n3A_1014 : vector<256x128xi1>, vector<256x128xi32>
    %select_n3A_1035 = arith.select %lt3A_1031, %select_n3A_1014, %select_n3A_1019 : vector<256x128xi1>, vector<256x128xi32>
    %lt3A_1036 = arith.cmpf olt, %min3A_1013, %min3A_1018 : vector<256x128xf32>
    %max3A_1037 = arith.maximumf %min3A_1013, %min3A_1018 : vector<256x128xf32>
    %min3A_1038 = arith.minimumf %min3A_1013, %min3A_1018 : vector<256x128xf32>
    %select_n3A_1039 = arith.select %lt3A_1036, %select_n3A_1020, %select_n3A_1015 : vector<256x128xi1>, vector<256x128xi32>
    %select_n3A_1040 = arith.select %lt3A_1036, %select_n3A_1015, %select_n3A_1020 : vector<256x128xi1>, vector<256x128xi32>
    %lt3A_1041 = arith.cmpf olt, %max3A_318, %min3A_453 : vector<256x128xf32>
    %max3A_1042 = arith.maximumf %max3A_318, %min3A_453 : vector<256x128xf32>
    %select_n3A_1043 = arith.select %lt3A_1041, %select_n3A_455, %select_n3A_320 : vector<256x128xi1>, vector<256x128xi32>
    %lt3A_1044 = arith.cmpf olt, %max3A_348, %min3A_478 : vector<256x128xf32>
    %max3A_1045 = arith.maximumf %max3A_348, %min3A_478 : vector<256x128xf32>
    %select_n3A_1046 = arith.select %lt3A_1044, %select_n3A_480, %select_n3A_350 : vector<256x128xi1>, vector<256x128xi32>
    %lt3A_1047 = arith.cmpf olt, %min3A_349, %max3A_477 : vector<256x128xf32>
    %max3A_1048 = arith.maximumf %min3A_349, %max3A_477 : vector<256x128xf32>
    %select_n3A_1049 = arith.select %lt3A_1047, %select_n3A_479, %select_n3A_351 : vector<256x128xi1>, vector<256x128xi32>
    %lt3A_1050 = arith.cmpf olt, %max3A_353, %min3A_473 : vector<256x128xf32>
    %max3A_1051 = arith.maximumf %max3A_353, %min3A_473 : vector<256x128xf32>
    %select_n3A_1052 = arith.select %lt3A_1050, %select_n3A_475, %select_n3A_355 : vector<256x128xi1>, vector<256x128xi32>
    %lt3A_1053 = arith.cmpf olt, %min3A_354, %max3A_472 : vector<256x128xf32>
    %max3A_1054 = arith.maximumf %min3A_354, %max3A_472 : vector<256x128xf32>
    %select_n3A_1055 = arith.select %lt3A_1053, %select_n3A_474, %select_n3A_356 : vector<256x128xi1>, vector<256x128xi32>
    %lt3A_1056 = arith.cmpf olt, %max3A_358, %min3A_468 : vector<256x128xf32>
    %max3A_1057 = arith.maximumf %max3A_358, %min3A_468 : vector<256x128xf32>
    %select_n3A_1058 = arith.select %lt3A_1056, %select_n3A_470, %select_n3A_360 : vector<256x128xi1>, vector<256x128xi32>
    %lt3A_1059 = arith.cmpf olt, %min3A_359, %max3A_467 : vector<256x128xf32>
    %max3A_1060 = arith.maximumf %min3A_359, %max3A_467 : vector<256x128xf32>
    %select_n3A_1061 = arith.select %lt3A_1059, %select_n3A_469, %select_n3A_361 : vector<256x128xi1>, vector<256x128xi32>
    %lt3A_1062 = arith.cmpf olt, %min3A_334, %max3A_437 : vector<256x128xf32>
    %max3A_1063 = arith.maximumf %min3A_334, %max3A_437 : vector<256x128xf32>
    %select_n3A_1064 = arith.select %lt3A_1062, %select_n3A_439, %select_n3A_336 : vector<256x128xi1>, vector<256x128xi32>
    %lt3A_1065 = arith.cmpf olt, %max3A_1042, %max3A_1054 : vector<256x128xf32>
    %max3A_1066 = arith.maximumf %max3A_1042, %max3A_1054 : vector<256x128xf32>
    %min3A_1067 = arith.minimumf %max3A_1042, %max3A_1054 : vector<256x128xf32>
    %select_n3A_1068 = arith.select %lt3A_1065, %select_n3A_1055, %select_n3A_1043 : vector<256x128xi1>, vector<256x128xi32>
    %select_n3A_1069 = arith.select %lt3A_1065, %select_n3A_1043, %select_n3A_1055 : vector<256x128xi1>, vector<256x128xi32>
    %lt3A_1070 = arith.cmpf olt, %max3A_1045, %max3A_1057 : vector<256x128xf32>
    %max3A_1071 = arith.maximumf %max3A_1045, %max3A_1057 : vector<256x128xf32>
    %min3A_1072 = arith.minimumf %max3A_1045, %max3A_1057 : vector<256x128xf32>
    %select_n3A_1073 = arith.select %lt3A_1070, %select_n3A_1058, %select_n3A_1046 : vector<256x128xi1>, vector<256x128xi32>
    %select_n3A_1074 = arith.select %lt3A_1070, %select_n3A_1046, %select_n3A_1058 : vector<256x128xi1>, vector<256x128xi32>
    %lt3A_1075 = arith.cmpf olt, %max3A_1048, %max3A_1060 : vector<256x128xf32>
    %max3A_1076 = arith.maximumf %max3A_1048, %max3A_1060 : vector<256x128xf32>
    %min3A_1077 = arith.minimumf %max3A_1048, %max3A_1060 : vector<256x128xf32>
    %select_n3A_1078 = arith.select %lt3A_1075, %select_n3A_1061, %select_n3A_1049 : vector<256x128xi1>, vector<256x128xi32>
    %select_n3A_1079 = arith.select %lt3A_1075, %select_n3A_1049, %select_n3A_1061 : vector<256x128xi1>, vector<256x128xi32>
    %lt3A_1080 = arith.cmpf olt, %max3A_1051, %max3A_1063 : vector<256x128xf32>
    %max3A_1081 = arith.maximumf %max3A_1051, %max3A_1063 : vector<256x128xf32>
    %min3A_1082 = arith.minimumf %max3A_1051, %max3A_1063 : vector<256x128xf32>
    %select_n3A_1083 = arith.select %lt3A_1080, %select_n3A_1064, %select_n3A_1052 : vector<256x128xi1>, vector<256x128xi32>
    %select_n3A_1084 = arith.select %lt3A_1080, %select_n3A_1052, %select_n3A_1064 : vector<256x128xi1>, vector<256x128xi32>
    %lt3A_1085 = arith.cmpf olt, %max3A_1066, %max3A_1076 : vector<256x128xf32>
    %max3A_1086 = arith.maximumf %max3A_1066, %max3A_1076 : vector<256x128xf32>
    %min3A_1087 = arith.minimumf %max3A_1066, %max3A_1076 : vector<256x128xf32>
    %select_n3A_1088 = arith.select %lt3A_1085, %select_n3A_1078, %select_n3A_1068 : vector<256x128xi1>, vector<256x128xi32>
    %select_n3A_1089 = arith.select %lt3A_1085, %select_n3A_1068, %select_n3A_1078 : vector<256x128xi1>, vector<256x128xi32>
    %lt3A_1090 = arith.cmpf olt, %max3A_1071, %max3A_1081 : vector<256x128xf32>
    %max3A_1091 = arith.maximumf %max3A_1071, %max3A_1081 : vector<256x128xf32>
    %min3A_1092 = arith.minimumf %max3A_1071, %max3A_1081 : vector<256x128xf32>
    %select_n3A_1093 = arith.select %lt3A_1090, %select_n3A_1083, %select_n3A_1073 : vector<256x128xi1>, vector<256x128xi32>
    %select_n3A_1094 = arith.select %lt3A_1090, %select_n3A_1073, %select_n3A_1083 : vector<256x128xi1>, vector<256x128xi32>
    %lt3A_1095 = arith.cmpf olt, %min3A_1067, %min3A_1077 : vector<256x128xf32>
    %max3A_1096 = arith.maximumf %min3A_1067, %min3A_1077 : vector<256x128xf32>
    %min3A_1097 = arith.minimumf %min3A_1067, %min3A_1077 : vector<256x128xf32>
    %select_n3A_1098 = arith.select %lt3A_1095, %select_n3A_1079, %select_n3A_1069 : vector<256x128xi1>, vector<256x128xi32>
    %select_n3A_1099 = arith.select %lt3A_1095, %select_n3A_1069, %select_n3A_1079 : vector<256x128xi1>, vector<256x128xi32>
    %lt3A_1100 = arith.cmpf olt, %min3A_1072, %min3A_1082 : vector<256x128xf32>
    %max3A_1101 = arith.maximumf %min3A_1072, %min3A_1082 : vector<256x128xf32>
    %min3A_1102 = arith.minimumf %min3A_1072, %min3A_1082 : vector<256x128xf32>
    %select_n3A_1103 = arith.select %lt3A_1100, %select_n3A_1084, %select_n3A_1074 : vector<256x128xi1>, vector<256x128xi32>
    %select_n3A_1104 = arith.select %lt3A_1100, %select_n3A_1074, %select_n3A_1084 : vector<256x128xi1>, vector<256x128xi32>
    %lt3A_1105 = arith.cmpf olt, %max3A_1086, %max3A_1091 : vector<256x128xf32>
    %max3A_1106 = arith.maximumf %max3A_1086, %max3A_1091 : vector<256x128xf32>
    %min3A_1107 = arith.minimumf %max3A_1086, %max3A_1091 : vector<256x128xf32>
    %select_n3A_1108 = arith.select %lt3A_1105, %select_n3A_1093, %select_n3A_1088 : vector<256x128xi1>, vector<256x128xi32>
    %select_n3A_1109 = arith.select %lt3A_1105, %select_n3A_1088, %select_n3A_1093 : vector<256x128xi1>, vector<256x128xi32>
    %lt3A_1110 = arith.cmpf olt, %min3A_1087, %min3A_1092 : vector<256x128xf32>
    %max3A_1111 = arith.maximumf %min3A_1087, %min3A_1092 : vector<256x128xf32>
    %min3A_1112 = arith.minimumf %min3A_1087, %min3A_1092 : vector<256x128xf32>
    %select_n3A_1113 = arith.select %lt3A_1110, %select_n3A_1094, %select_n3A_1089 : vector<256x128xi1>, vector<256x128xi32>
    %select_n3A_1114 = arith.select %lt3A_1110, %select_n3A_1089, %select_n3A_1094 : vector<256x128xi1>, vector<256x128xi32>
    %lt3A_1115 = arith.cmpf olt, %max3A_1096, %max3A_1101 : vector<256x128xf32>
    %max3A_1116 = arith.maximumf %max3A_1096, %max3A_1101 : vector<256x128xf32>
    %min3A_1117 = arith.minimumf %max3A_1096, %max3A_1101 : vector<256x128xf32>
    %select_n3A_1118 = arith.select %lt3A_1115, %select_n3A_1103, %select_n3A_1098 : vector<256x128xi1>, vector<256x128xi32>
    %select_n3A_1119 = arith.select %lt3A_1115, %select_n3A_1098, %select_n3A_1103 : vector<256x128xi1>, vector<256x128xi32>
    %lt3A_1120 = arith.cmpf olt, %min3A_1097, %min3A_1102 : vector<256x128xf32>
    %max3A_1121 = arith.maximumf %min3A_1097, %min3A_1102 : vector<256x128xf32>
    %min3A_1122 = arith.minimumf %min3A_1097, %min3A_1102 : vector<256x128xf32>
    %select_n3A_1123 = arith.select %lt3A_1120, %select_n3A_1104, %select_n3A_1099 : vector<256x128xi1>, vector<256x128xi32>
    %select_n3A_1124 = arith.select %lt3A_1120, %select_n3A_1099, %select_n3A_1104 : vector<256x128xi1>, vector<256x128xi32>
    %lt3A_1125 = arith.cmpf olt, %max3A_556, %min3A_691 : vector<256x128xf32>
    %max3A_1126 = arith.maximumf %max3A_556, %min3A_691 : vector<256x128xf32>
    %select_n3A_1127 = arith.select %lt3A_1125, %select_n3A_693, %select_n3A_558 : vector<256x128xi1>, vector<256x128xi32>
    %lt3A_1128 = arith.cmpf olt, %max3A_586, %min3A_716 : vector<256x128xf32>
    %max3A_1129 = arith.maximumf %max3A_586, %min3A_716 : vector<256x128xf32>
    %select_n3A_1130 = arith.select %lt3A_1128, %select_n3A_718, %select_n3A_588 : vector<256x128xi1>, vector<256x128xi32>
    %lt3A_1131 = arith.cmpf olt, %min3A_587, %max3A_715 : vector<256x128xf32>
    %max3A_1132 = arith.maximumf %min3A_587, %max3A_715 : vector<256x128xf32>
    %select_n3A_1133 = arith.select %lt3A_1131, %select_n3A_717, %select_n3A_589 : vector<256x128xi1>, vector<256x128xi32>
    %lt3A_1134 = arith.cmpf olt, %max3A_591, %min3A_711 : vector<256x128xf32>
    %max3A_1135 = arith.maximumf %max3A_591, %min3A_711 : vector<256x128xf32>
    %select_n3A_1136 = arith.select %lt3A_1134, %select_n3A_713, %select_n3A_593 : vector<256x128xi1>, vector<256x128xi32>
    %lt3A_1137 = arith.cmpf olt, %min3A_592, %max3A_710 : vector<256x128xf32>
    %max3A_1138 = arith.maximumf %min3A_592, %max3A_710 : vector<256x128xf32>
    %select_n3A_1139 = arith.select %lt3A_1137, %select_n3A_712, %select_n3A_594 : vector<256x128xi1>, vector<256x128xi32>
    %lt3A_1140 = arith.cmpf olt, %max3A_596, %min3A_706 : vector<256x128xf32>
    %max3A_1141 = arith.maximumf %max3A_596, %min3A_706 : vector<256x128xf32>
    %select_n3A_1142 = arith.select %lt3A_1140, %select_n3A_708, %select_n3A_598 : vector<256x128xi1>, vector<256x128xi32>
    %lt3A_1143 = arith.cmpf olt, %min3A_597, %max3A_705 : vector<256x128xf32>
    %max3A_1144 = arith.maximumf %min3A_597, %max3A_705 : vector<256x128xf32>
    %select_n3A_1145 = arith.select %lt3A_1143, %select_n3A_707, %select_n3A_599 : vector<256x128xi1>, vector<256x128xi32>
    %lt3A_1146 = arith.cmpf olt, %min3A_572, %max3A_675 : vector<256x128xf32>
    %max3A_1147 = arith.maximumf %min3A_572, %max3A_675 : vector<256x128xf32>
    %select_n3A_1148 = arith.select %lt3A_1146, %select_n3A_677, %select_n3A_574 : vector<256x128xi1>, vector<256x128xi32>
    %lt3A_1149 = arith.cmpf olt, %max3A_1126, %max3A_1138 : vector<256x128xf32>
    %max3A_1150 = arith.maximumf %max3A_1126, %max3A_1138 : vector<256x128xf32>
    %min3A_1151 = arith.minimumf %max3A_1126, %max3A_1138 : vector<256x128xf32>
    %select_n3A_1152 = arith.select %lt3A_1149, %select_n3A_1139, %select_n3A_1127 : vector<256x128xi1>, vector<256x128xi32>
    %select_n3A_1153 = arith.select %lt3A_1149, %select_n3A_1127, %select_n3A_1139 : vector<256x128xi1>, vector<256x128xi32>
    %lt3A_1154 = arith.cmpf olt, %max3A_1129, %max3A_1141 : vector<256x128xf32>
    %max3A_1155 = arith.maximumf %max3A_1129, %max3A_1141 : vector<256x128xf32>
    %min3A_1156 = arith.minimumf %max3A_1129, %max3A_1141 : vector<256x128xf32>
    %select_n3A_1157 = arith.select %lt3A_1154, %select_n3A_1142, %select_n3A_1130 : vector<256x128xi1>, vector<256x128xi32>
    %select_n3A_1158 = arith.select %lt3A_1154, %select_n3A_1130, %select_n3A_1142 : vector<256x128xi1>, vector<256x128xi32>
    %lt3A_1159 = arith.cmpf olt, %max3A_1132, %max3A_1144 : vector<256x128xf32>
    %max3A_1160 = arith.maximumf %max3A_1132, %max3A_1144 : vector<256x128xf32>
    %min3A_1161 = arith.minimumf %max3A_1132, %max3A_1144 : vector<256x128xf32>
    %select_n3A_1162 = arith.select %lt3A_1159, %select_n3A_1145, %select_n3A_1133 : vector<256x128xi1>, vector<256x128xi32>
    %select_n3A_1163 = arith.select %lt3A_1159, %select_n3A_1133, %select_n3A_1145 : vector<256x128xi1>, vector<256x128xi32>
    %lt3A_1164 = arith.cmpf olt, %max3A_1135, %max3A_1147 : vector<256x128xf32>
    %max3A_1165 = arith.maximumf %max3A_1135, %max3A_1147 : vector<256x128xf32>
    %min3A_1166 = arith.minimumf %max3A_1135, %max3A_1147 : vector<256x128xf32>
    %select_n3A_1167 = arith.select %lt3A_1164, %select_n3A_1148, %select_n3A_1136 : vector<256x128xi1>, vector<256x128xi32>
    %select_n3A_1168 = arith.select %lt3A_1164, %select_n3A_1136, %select_n3A_1148 : vector<256x128xi1>, vector<256x128xi32>
    %lt3A_1169 = arith.cmpf olt, %max3A_1150, %max3A_1160 : vector<256x128xf32>
    %max3A_1170 = arith.maximumf %max3A_1150, %max3A_1160 : vector<256x128xf32>
    %min3A_1171 = arith.minimumf %max3A_1150, %max3A_1160 : vector<256x128xf32>
    %select_n3A_1172 = arith.select %lt3A_1169, %select_n3A_1162, %select_n3A_1152 : vector<256x128xi1>, vector<256x128xi32>
    %select_n3A_1173 = arith.select %lt3A_1169, %select_n3A_1152, %select_n3A_1162 : vector<256x128xi1>, vector<256x128xi32>
    %lt3A_1174 = arith.cmpf olt, %max3A_1155, %max3A_1165 : vector<256x128xf32>
    %max3A_1175 = arith.maximumf %max3A_1155, %max3A_1165 : vector<256x128xf32>
    %min3A_1176 = arith.minimumf %max3A_1155, %max3A_1165 : vector<256x128xf32>
    %select_n3A_1177 = arith.select %lt3A_1174, %select_n3A_1167, %select_n3A_1157 : vector<256x128xi1>, vector<256x128xi32>
    %select_n3A_1178 = arith.select %lt3A_1174, %select_n3A_1157, %select_n3A_1167 : vector<256x128xi1>, vector<256x128xi32>
    %lt3A_1179 = arith.cmpf olt, %min3A_1151, %min3A_1161 : vector<256x128xf32>
    %max3A_1180 = arith.maximumf %min3A_1151, %min3A_1161 : vector<256x128xf32>
    %min3A_1181 = arith.minimumf %min3A_1151, %min3A_1161 : vector<256x128xf32>
    %select_n3A_1182 = arith.select %lt3A_1179, %select_n3A_1163, %select_n3A_1153 : vector<256x128xi1>, vector<256x128xi32>
    %select_n3A_1183 = arith.select %lt3A_1179, %select_n3A_1153, %select_n3A_1163 : vector<256x128xi1>, vector<256x128xi32>
    %lt3A_1184 = arith.cmpf olt, %min3A_1156, %min3A_1166 : vector<256x128xf32>
    %max3A_1185 = arith.maximumf %min3A_1156, %min3A_1166 : vector<256x128xf32>
    %min3A_1186 = arith.minimumf %min3A_1156, %min3A_1166 : vector<256x128xf32>
    %select_n3A_1187 = arith.select %lt3A_1184, %select_n3A_1168, %select_n3A_1158 : vector<256x128xi1>, vector<256x128xi32>
    %select_n3A_1188 = arith.select %lt3A_1184, %select_n3A_1158, %select_n3A_1168 : vector<256x128xi1>, vector<256x128xi32>
    %lt3A_1189 = arith.cmpf olt, %max3A_1170, %max3A_1175 : vector<256x128xf32>
    %max3A_1190 = arith.maximumf %max3A_1170, %max3A_1175 : vector<256x128xf32>
    %min3A_1191 = arith.minimumf %max3A_1170, %max3A_1175 : vector<256x128xf32>
    %select_n3A_1192 = arith.select %lt3A_1189, %select_n3A_1177, %select_n3A_1172 : vector<256x128xi1>, vector<256x128xi32>
    %select_n3A_1193 = arith.select %lt3A_1189, %select_n3A_1172, %select_n3A_1177 : vector<256x128xi1>, vector<256x128xi32>
    %lt3A_1194 = arith.cmpf olt, %min3A_1171, %min3A_1176 : vector<256x128xf32>
    %max3A_1195 = arith.maximumf %min3A_1171, %min3A_1176 : vector<256x128xf32>
    %min3A_1196 = arith.minimumf %min3A_1171, %min3A_1176 : vector<256x128xf32>
    %select_n3A_1197 = arith.select %lt3A_1194, %select_n3A_1178, %select_n3A_1173 : vector<256x128xi1>, vector<256x128xi32>
    %select_n3A_1198 = arith.select %lt3A_1194, %select_n3A_1173, %select_n3A_1178 : vector<256x128xi1>, vector<256x128xi32>
    %lt3A_1199 = arith.cmpf olt, %max3A_1180, %max3A_1185 : vector<256x128xf32>
    %max3A_1200 = arith.maximumf %max3A_1180, %max3A_1185 : vector<256x128xf32>
    %min3A_1201 = arith.minimumf %max3A_1180, %max3A_1185 : vector<256x128xf32>
    %select_n3A_1202 = arith.select %lt3A_1199, %select_n3A_1187, %select_n3A_1182 : vector<256x128xi1>, vector<256x128xi32>
    %select_n3A_1203 = arith.select %lt3A_1199, %select_n3A_1182, %select_n3A_1187 : vector<256x128xi1>, vector<256x128xi32>
    %lt3A_1204 = arith.cmpf olt, %min3A_1181, %min3A_1186 : vector<256x128xf32>
    %max3A_1205 = arith.maximumf %min3A_1181, %min3A_1186 : vector<256x128xf32>
    %min3A_1206 = arith.minimumf %min3A_1181, %min3A_1186 : vector<256x128xf32>
    %select_n3A_1207 = arith.select %lt3A_1204, %select_n3A_1188, %select_n3A_1183 : vector<256x128xi1>, vector<256x128xi32>
    %select_n3A_1208 = arith.select %lt3A_1204, %select_n3A_1183, %select_n3A_1188 : vector<256x128xi1>, vector<256x128xi32>
    %lt3A_1209 = arith.cmpf olt, %max3A_794, %min3A_929 : vector<256x128xf32>
    %max3A_1210 = arith.maximumf %max3A_794, %min3A_929 : vector<256x128xf32>
    %select_n3A_1211 = arith.select %lt3A_1209, %select_n3A_931, %select_n3A_796 : vector<256x128xi1>, vector<256x128xi32>
    %lt3A_1212 = arith.cmpf olt, %max3A_824, %min3A_954 : vector<256x128xf32>
    %max3A_1213 = arith.maximumf %max3A_824, %min3A_954 : vector<256x128xf32>
    %select_n3A_1214 = arith.select %lt3A_1212, %select_n3A_956, %select_n3A_826 : vector<256x128xi1>, vector<256x128xi32>
    %lt3A_1215 = arith.cmpf olt, %min3A_825, %max3A_953 : vector<256x128xf32>
    %max3A_1216 = arith.maximumf %min3A_825, %max3A_953 : vector<256x128xf32>
    %select_n3A_1217 = arith.select %lt3A_1215, %select_n3A_955, %select_n3A_827 : vector<256x128xi1>, vector<256x128xi32>
    %lt3A_1218 = arith.cmpf olt, %max3A_829, %min3A_949 : vector<256x128xf32>
    %max3A_1219 = arith.maximumf %max3A_829, %min3A_949 : vector<256x128xf32>
    %select_n3A_1220 = arith.select %lt3A_1218, %select_n3A_951, %select_n3A_831 : vector<256x128xi1>, vector<256x128xi32>
    %lt3A_1221 = arith.cmpf olt, %min3A_830, %max3A_948 : vector<256x128xf32>
    %max3A_1222 = arith.maximumf %min3A_830, %max3A_948 : vector<256x128xf32>
    %select_n3A_1223 = arith.select %lt3A_1221, %select_n3A_950, %select_n3A_832 : vector<256x128xi1>, vector<256x128xi32>
    %lt3A_1224 = arith.cmpf olt, %max3A_834, %min3A_944 : vector<256x128xf32>
    %max3A_1225 = arith.maximumf %max3A_834, %min3A_944 : vector<256x128xf32>
    %select_n3A_1226 = arith.select %lt3A_1224, %select_n3A_946, %select_n3A_836 : vector<256x128xi1>, vector<256x128xi32>
    %lt3A_1227 = arith.cmpf olt, %min3A_835, %max3A_943 : vector<256x128xf32>
    %max3A_1228 = arith.maximumf %min3A_835, %max3A_943 : vector<256x128xf32>
    %select_n3A_1229 = arith.select %lt3A_1227, %select_n3A_945, %select_n3A_837 : vector<256x128xi1>, vector<256x128xi32>
    %lt3A_1230 = arith.cmpf olt, %min3A_810, %max3A_913 : vector<256x128xf32>
    %max3A_1231 = arith.maximumf %min3A_810, %max3A_913 : vector<256x128xf32>
    %select_n3A_1232 = arith.select %lt3A_1230, %select_n3A_915, %select_n3A_812 : vector<256x128xi1>, vector<256x128xi32>
    %lt3A_1233 = arith.cmpf olt, %max3A_1210, %max3A_1222 : vector<256x128xf32>
    %max3A_1234 = arith.maximumf %max3A_1210, %max3A_1222 : vector<256x128xf32>
    %min3A_1235 = arith.minimumf %max3A_1210, %max3A_1222 : vector<256x128xf32>
    %select_n3A_1236 = arith.select %lt3A_1233, %select_n3A_1223, %select_n3A_1211 : vector<256x128xi1>, vector<256x128xi32>
    %select_n3A_1237 = arith.select %lt3A_1233, %select_n3A_1211, %select_n3A_1223 : vector<256x128xi1>, vector<256x128xi32>
    %lt3A_1238 = arith.cmpf olt, %max3A_1213, %max3A_1225 : vector<256x128xf32>
    %max3A_1239 = arith.maximumf %max3A_1213, %max3A_1225 : vector<256x128xf32>
    %min3A_1240 = arith.minimumf %max3A_1213, %max3A_1225 : vector<256x128xf32>
    %select_n3A_1241 = arith.select %lt3A_1238, %select_n3A_1226, %select_n3A_1214 : vector<256x128xi1>, vector<256x128xi32>
    %select_n3A_1242 = arith.select %lt3A_1238, %select_n3A_1214, %select_n3A_1226 : vector<256x128xi1>, vector<256x128xi32>
    %lt3A_1243 = arith.cmpf olt, %max3A_1216, %max3A_1228 : vector<256x128xf32>
    %max3A_1244 = arith.maximumf %max3A_1216, %max3A_1228 : vector<256x128xf32>
    %min3A_1245 = arith.minimumf %max3A_1216, %max3A_1228 : vector<256x128xf32>
    %select_n3A_1246 = arith.select %lt3A_1243, %select_n3A_1229, %select_n3A_1217 : vector<256x128xi1>, vector<256x128xi32>
    %select_n3A_1247 = arith.select %lt3A_1243, %select_n3A_1217, %select_n3A_1229 : vector<256x128xi1>, vector<256x128xi32>
    %lt3A_1248 = arith.cmpf olt, %max3A_1219, %max3A_1231 : vector<256x128xf32>
    %max3A_1249 = arith.maximumf %max3A_1219, %max3A_1231 : vector<256x128xf32>
    %min3A_1250 = arith.minimumf %max3A_1219, %max3A_1231 : vector<256x128xf32>
    %select_n3A_1251 = arith.select %lt3A_1248, %select_n3A_1232, %select_n3A_1220 : vector<256x128xi1>, vector<256x128xi32>
    %select_n3A_1252 = arith.select %lt3A_1248, %select_n3A_1220, %select_n3A_1232 : vector<256x128xi1>, vector<256x128xi32>
    %lt3A_1253 = arith.cmpf olt, %max3A_1234, %max3A_1244 : vector<256x128xf32>
    %max3A_1254 = arith.maximumf %max3A_1234, %max3A_1244 : vector<256x128xf32>
    %min3A_1255 = arith.minimumf %max3A_1234, %max3A_1244 : vector<256x128xf32>
    %select_n3A_1256 = arith.select %lt3A_1253, %select_n3A_1246, %select_n3A_1236 : vector<256x128xi1>, vector<256x128xi32>
    %select_n3A_1257 = arith.select %lt3A_1253, %select_n3A_1236, %select_n3A_1246 : vector<256x128xi1>, vector<256x128xi32>
    %lt3A_1258 = arith.cmpf olt, %max3A_1239, %max3A_1249 : vector<256x128xf32>
    %max3A_1259 = arith.maximumf %max3A_1239, %max3A_1249 : vector<256x128xf32>
    %min3A_1260 = arith.minimumf %max3A_1239, %max3A_1249 : vector<256x128xf32>
    %select_n3A_1261 = arith.select %lt3A_1258, %select_n3A_1251, %select_n3A_1241 : vector<256x128xi1>, vector<256x128xi32>
    %select_n3A_1262 = arith.select %lt3A_1258, %select_n3A_1241, %select_n3A_1251 : vector<256x128xi1>, vector<256x128xi32>
    %lt3A_1263 = arith.cmpf olt, %min3A_1235, %min3A_1245 : vector<256x128xf32>
    %max3A_1264 = arith.maximumf %min3A_1235, %min3A_1245 : vector<256x128xf32>
    %min3A_1265 = arith.minimumf %min3A_1235, %min3A_1245 : vector<256x128xf32>
    %select_n3A_1266 = arith.select %lt3A_1263, %select_n3A_1247, %select_n3A_1237 : vector<256x128xi1>, vector<256x128xi32>
    %select_n3A_1267 = arith.select %lt3A_1263, %select_n3A_1237, %select_n3A_1247 : vector<256x128xi1>, vector<256x128xi32>
    %lt3A_1268 = arith.cmpf olt, %min3A_1240, %min3A_1250 : vector<256x128xf32>
    %max3A_1269 = arith.maximumf %min3A_1240, %min3A_1250 : vector<256x128xf32>
    %min3A_1270 = arith.minimumf %min3A_1240, %min3A_1250 : vector<256x128xf32>
    %select_n3A_1271 = arith.select %lt3A_1268, %select_n3A_1252, %select_n3A_1242 : vector<256x128xi1>, vector<256x128xi32>
    %select_n3A_1272 = arith.select %lt3A_1268, %select_n3A_1242, %select_n3A_1252 : vector<256x128xi1>, vector<256x128xi32>
    %lt3A_1273 = arith.cmpf olt, %max3A_1254, %max3A_1259 : vector<256x128xf32>
    %max3A_1274 = arith.maximumf %max3A_1254, %max3A_1259 : vector<256x128xf32>
    %min3A_1275 = arith.minimumf %max3A_1254, %max3A_1259 : vector<256x128xf32>
    %select_n3A_1276 = arith.select %lt3A_1273, %select_n3A_1261, %select_n3A_1256 : vector<256x128xi1>, vector<256x128xi32>
    %select_n3A_1277 = arith.select %lt3A_1273, %select_n3A_1256, %select_n3A_1261 : vector<256x128xi1>, vector<256x128xi32>
    %lt3A_1278 = arith.cmpf olt, %min3A_1255, %min3A_1260 : vector<256x128xf32>
    %max3A_1279 = arith.maximumf %min3A_1255, %min3A_1260 : vector<256x128xf32>
    %min3A_1280 = arith.minimumf %min3A_1255, %min3A_1260 : vector<256x128xf32>
    %select_n3A_1281 = arith.select %lt3A_1278, %select_n3A_1262, %select_n3A_1257 : vector<256x128xi1>, vector<256x128xi32>
    %select_n3A_1282 = arith.select %lt3A_1278, %select_n3A_1257, %select_n3A_1262 : vector<256x128xi1>, vector<256x128xi32>
    %lt3A_1283 = arith.cmpf olt, %max3A_1264, %max3A_1269 : vector<256x128xf32>
    %max3A_1284 = arith.maximumf %max3A_1264, %max3A_1269 : vector<256x128xf32>
    %min3A_1285 = arith.minimumf %max3A_1264, %max3A_1269 : vector<256x128xf32>
    %select_n3A_1286 = arith.select %lt3A_1283, %select_n3A_1271, %select_n3A_1266 : vector<256x128xi1>, vector<256x128xi32>
    %select_n3A_1287 = arith.select %lt3A_1283, %select_n3A_1266, %select_n3A_1271 : vector<256x128xi1>, vector<256x128xi32>
    %lt3A_1288 = arith.cmpf olt, %min3A_1265, %min3A_1270 : vector<256x128xf32>
    %max3A_1289 = arith.maximumf %min3A_1265, %min3A_1270 : vector<256x128xf32>
    %min3A_1290 = arith.minimumf %min3A_1265, %min3A_1270 : vector<256x128xf32>
    %select_n3A_1291 = arith.select %lt3A_1288, %select_n3A_1272, %select_n3A_1267 : vector<256x128xi1>, vector<256x128xi32>
    %select_n3A_1292 = arith.select %lt3A_1288, %select_n3A_1267, %select_n3A_1272 : vector<256x128xi1>, vector<256x128xi32>
    %lt3A_1293 = arith.cmpf olt, %max3A_1022, %min3A_1122 : vector<256x128xf32>
    %max3A_1294 = arith.maximumf %max3A_1022, %min3A_1122 : vector<256x128xf32>
    %select_n3A_1295 = arith.select %lt3A_1293, %select_n3A_1124, %select_n3A_1024 : vector<256x128xi1>, vector<256x128xi32>
    %lt3A_1296 = arith.cmpf olt, %min3A_1023, %max3A_1121 : vector<256x128xf32>
    %max3A_1297 = arith.maximumf %min3A_1023, %max3A_1121 : vector<256x128xf32>
    %select_n3A_1298 = arith.select %lt3A_1296, %select_n3A_1123, %select_n3A_1025 : vector<256x128xi1>, vector<256x128xi32>
    %lt3A_1299 = arith.cmpf olt, %max3A_1027, %min3A_1117 : vector<256x128xf32>
    %max3A_1300 = arith.maximumf %max3A_1027, %min3A_1117 : vector<256x128xf32>
    %select_n3A_1301 = arith.select %lt3A_1299, %select_n3A_1119, %select_n3A_1029 : vector<256x128xi1>, vector<256x128xi32>
    %lt3A_1302 = arith.cmpf olt, %min3A_1028, %max3A_1116 : vector<256x128xf32>
    %max3A_1303 = arith.maximumf %min3A_1028, %max3A_1116 : vector<256x128xf32>
    %select_n3A_1304 = arith.select %lt3A_1302, %select_n3A_1118, %select_n3A_1030 : vector<256x128xi1>, vector<256x128xi32>
    %lt3A_1305 = arith.cmpf olt, %max3A_1032, %min3A_1112 : vector<256x128xf32>
    %max3A_1306 = arith.maximumf %max3A_1032, %min3A_1112 : vector<256x128xf32>
    %select_n3A_1307 = arith.select %lt3A_1305, %select_n3A_1114, %select_n3A_1034 : vector<256x128xi1>, vector<256x128xi32>
    %lt3A_1308 = arith.cmpf olt, %min3A_1033, %max3A_1111 : vector<256x128xf32>
    %max3A_1309 = arith.maximumf %min3A_1033, %max3A_1111 : vector<256x128xf32>
    %select_n3A_1310 = arith.select %lt3A_1308, %select_n3A_1113, %select_n3A_1035 : vector<256x128xi1>, vector<256x128xi32>
    %lt3A_1311 = arith.cmpf olt, %max3A_1037, %min3A_1107 : vector<256x128xf32>
    %max3A_1312 = arith.maximumf %max3A_1037, %min3A_1107 : vector<256x128xf32>
    %select_n3A_1313 = arith.select %lt3A_1311, %select_n3A_1109, %select_n3A_1039 : vector<256x128xi1>, vector<256x128xi32>
    %lt3A_1314 = arith.cmpf olt, %min3A_1038, %max3A_1106 : vector<256x128xf32>
    %max3A_1315 = arith.maximumf %min3A_1038, %max3A_1106 : vector<256x128xf32>
    %select_n3A_1316 = arith.select %lt3A_1314, %select_n3A_1108, %select_n3A_1040 : vector<256x128xi1>, vector<256x128xi32>
    %lt3A_1317 = arith.cmpf olt, %max3A_1294, %max3A_1306 : vector<256x128xf32>
    %max3A_1318 = arith.maximumf %max3A_1294, %max3A_1306 : vector<256x128xf32>
    %min3A_1319 = arith.minimumf %max3A_1294, %max3A_1306 : vector<256x128xf32>
    %select_n3A_1320 = arith.select %lt3A_1317, %select_n3A_1307, %select_n3A_1295 : vector<256x128xi1>, vector<256x128xi32>
    %select_n3A_1321 = arith.select %lt3A_1317, %select_n3A_1295, %select_n3A_1307 : vector<256x128xi1>, vector<256x128xi32>
    %lt3A_1322 = arith.cmpf olt, %max3A_1297, %max3A_1309 : vector<256x128xf32>
    %max3A_1323 = arith.maximumf %max3A_1297, %max3A_1309 : vector<256x128xf32>
    %min3A_1324 = arith.minimumf %max3A_1297, %max3A_1309 : vector<256x128xf32>
    %select_n3A_1325 = arith.select %lt3A_1322, %select_n3A_1310, %select_n3A_1298 : vector<256x128xi1>, vector<256x128xi32>
    %select_n3A_1326 = arith.select %lt3A_1322, %select_n3A_1298, %select_n3A_1310 : vector<256x128xi1>, vector<256x128xi32>
    %lt3A_1327 = arith.cmpf olt, %max3A_1300, %max3A_1312 : vector<256x128xf32>
    %max3A_1328 = arith.maximumf %max3A_1300, %max3A_1312 : vector<256x128xf32>
    %min3A_1329 = arith.minimumf %max3A_1300, %max3A_1312 : vector<256x128xf32>
    %select_n3A_1330 = arith.select %lt3A_1327, %select_n3A_1313, %select_n3A_1301 : vector<256x128xi1>, vector<256x128xi32>
    %select_n3A_1331 = arith.select %lt3A_1327, %select_n3A_1301, %select_n3A_1313 : vector<256x128xi1>, vector<256x128xi32>
    %lt3A_1332 = arith.cmpf olt, %max3A_1303, %max3A_1315 : vector<256x128xf32>
    %max3A_1333 = arith.maximumf %max3A_1303, %max3A_1315 : vector<256x128xf32>
    %min3A_1334 = arith.minimumf %max3A_1303, %max3A_1315 : vector<256x128xf32>
    %select_n3A_1335 = arith.select %lt3A_1332, %select_n3A_1316, %select_n3A_1304 : vector<256x128xi1>, vector<256x128xi32>
    %select_n3A_1336 = arith.select %lt3A_1332, %select_n3A_1304, %select_n3A_1316 : vector<256x128xi1>, vector<256x128xi32>
    %lt3A_1337 = arith.cmpf olt, %max3A_1318, %max3A_1328 : vector<256x128xf32>
    %max3A_1338 = arith.maximumf %max3A_1318, %max3A_1328 : vector<256x128xf32>
    %min3A_1339 = arith.minimumf %max3A_1318, %max3A_1328 : vector<256x128xf32>
    %select_n3A_1340 = arith.select %lt3A_1337, %select_n3A_1330, %select_n3A_1320 : vector<256x128xi1>, vector<256x128xi32>
    %select_n3A_1341 = arith.select %lt3A_1337, %select_n3A_1320, %select_n3A_1330 : vector<256x128xi1>, vector<256x128xi32>
    %lt3A_1342 = arith.cmpf olt, %max3A_1323, %max3A_1333 : vector<256x128xf32>
    %max3A_1343 = arith.maximumf %max3A_1323, %max3A_1333 : vector<256x128xf32>
    %min3A_1344 = arith.minimumf %max3A_1323, %max3A_1333 : vector<256x128xf32>
    %select_n3A_1345 = arith.select %lt3A_1342, %select_n3A_1335, %select_n3A_1325 : vector<256x128xi1>, vector<256x128xi32>
    %select_n3A_1346 = arith.select %lt3A_1342, %select_n3A_1325, %select_n3A_1335 : vector<256x128xi1>, vector<256x128xi32>
    %lt3A_1347 = arith.cmpf olt, %min3A_1319, %min3A_1329 : vector<256x128xf32>
    %max3A_1348 = arith.maximumf %min3A_1319, %min3A_1329 : vector<256x128xf32>
    %min3A_1349 = arith.minimumf %min3A_1319, %min3A_1329 : vector<256x128xf32>
    %select_n3A_1350 = arith.select %lt3A_1347, %select_n3A_1331, %select_n3A_1321 : vector<256x128xi1>, vector<256x128xi32>
    %select_n3A_1351 = arith.select %lt3A_1347, %select_n3A_1321, %select_n3A_1331 : vector<256x128xi1>, vector<256x128xi32>
    %lt3A_1352 = arith.cmpf olt, %min3A_1324, %min3A_1334 : vector<256x128xf32>
    %max3A_1353 = arith.maximumf %min3A_1324, %min3A_1334 : vector<256x128xf32>
    %min3A_1354 = arith.minimumf %min3A_1324, %min3A_1334 : vector<256x128xf32>
    %select_n3A_1355 = arith.select %lt3A_1352, %select_n3A_1336, %select_n3A_1326 : vector<256x128xi1>, vector<256x128xi32>
    %select_n3A_1356 = arith.select %lt3A_1352, %select_n3A_1326, %select_n3A_1336 : vector<256x128xi1>, vector<256x128xi32>
    %lt3A_1357 = arith.cmpf olt, %max3A_1338, %max3A_1343 : vector<256x128xf32>
    %max3A_1358 = arith.maximumf %max3A_1338, %max3A_1343 : vector<256x128xf32>
    %min3A_1359 = arith.minimumf %max3A_1338, %max3A_1343 : vector<256x128xf32>
    %select_n3A_1360 = arith.select %lt3A_1357, %select_n3A_1345, %select_n3A_1340 : vector<256x128xi1>, vector<256x128xi32>
    %select_n3A_1361 = arith.select %lt3A_1357, %select_n3A_1340, %select_n3A_1345 : vector<256x128xi1>, vector<256x128xi32>
    %lt3A_1362 = arith.cmpf olt, %min3A_1339, %min3A_1344 : vector<256x128xf32>
    %max3A_1363 = arith.maximumf %min3A_1339, %min3A_1344 : vector<256x128xf32>
    %min3A_1364 = arith.minimumf %min3A_1339, %min3A_1344 : vector<256x128xf32>
    %select_n3A_1365 = arith.select %lt3A_1362, %select_n3A_1346, %select_n3A_1341 : vector<256x128xi1>, vector<256x128xi32>
    %select_n3A_1366 = arith.select %lt3A_1362, %select_n3A_1341, %select_n3A_1346 : vector<256x128xi1>, vector<256x128xi32>
    %lt3A_1367 = arith.cmpf olt, %max3A_1348, %max3A_1353 : vector<256x128xf32>
    %max3A_1368 = arith.maximumf %max3A_1348, %max3A_1353 : vector<256x128xf32>
    %min3A_1369 = arith.minimumf %max3A_1348, %max3A_1353 : vector<256x128xf32>
    %select_n3A_1370 = arith.select %lt3A_1367, %select_n3A_1355, %select_n3A_1350 : vector<256x128xi1>, vector<256x128xi32>
    %select_n3A_1371 = arith.select %lt3A_1367, %select_n3A_1350, %select_n3A_1355 : vector<256x128xi1>, vector<256x128xi32>
    %lt3A_1372 = arith.cmpf olt, %min3A_1349, %min3A_1354 : vector<256x128xf32>
    %max3A_1373 = arith.maximumf %min3A_1349, %min3A_1354 : vector<256x128xf32>
    %min3A_1374 = arith.minimumf %min3A_1349, %min3A_1354 : vector<256x128xf32>
    %select_n3A_1375 = arith.select %lt3A_1372, %select_n3A_1356, %select_n3A_1351 : vector<256x128xi1>, vector<256x128xi32>
    %select_n3A_1376 = arith.select %lt3A_1372, %select_n3A_1351, %select_n3A_1356 : vector<256x128xi1>, vector<256x128xi32>
    %lt3A_1377 = arith.cmpf olt, %max3A_1190, %min3A_1290 : vector<256x128xf32>
    %max3A_1378 = arith.maximumf %max3A_1190, %min3A_1290 : vector<256x128xf32>
    %select_n3A_1379 = arith.select %lt3A_1377, %select_n3A_1292, %select_n3A_1192 : vector<256x128xi1>, vector<256x128xi32>
    %lt3A_1380 = arith.cmpf olt, %min3A_1191, %max3A_1289 : vector<256x128xf32>
    %max3A_1381 = arith.maximumf %min3A_1191, %max3A_1289 : vector<256x128xf32>
    %select_n3A_1382 = arith.select %lt3A_1380, %select_n3A_1291, %select_n3A_1193 : vector<256x128xi1>, vector<256x128xi32>
    %lt3A_1383 = arith.cmpf olt, %max3A_1195, %min3A_1285 : vector<256x128xf32>
    %max3A_1384 = arith.maximumf %max3A_1195, %min3A_1285 : vector<256x128xf32>
    %select_n3A_1385 = arith.select %lt3A_1383, %select_n3A_1287, %select_n3A_1197 : vector<256x128xi1>, vector<256x128xi32>
    %lt3A_1386 = arith.cmpf olt, %min3A_1196, %max3A_1284 : vector<256x128xf32>
    %max3A_1387 = arith.maximumf %min3A_1196, %max3A_1284 : vector<256x128xf32>
    %select_n3A_1388 = arith.select %lt3A_1386, %select_n3A_1286, %select_n3A_1198 : vector<256x128xi1>, vector<256x128xi32>
    %lt3A_1389 = arith.cmpf olt, %max3A_1200, %min3A_1280 : vector<256x128xf32>
    %max3A_1390 = arith.maximumf %max3A_1200, %min3A_1280 : vector<256x128xf32>
    %select_n3A_1391 = arith.select %lt3A_1389, %select_n3A_1282, %select_n3A_1202 : vector<256x128xi1>, vector<256x128xi32>
    %lt3A_1392 = arith.cmpf olt, %min3A_1201, %max3A_1279 : vector<256x128xf32>
    %max3A_1393 = arith.maximumf %min3A_1201, %max3A_1279 : vector<256x128xf32>
    %select_n3A_1394 = arith.select %lt3A_1392, %select_n3A_1281, %select_n3A_1203 : vector<256x128xi1>, vector<256x128xi32>
    %lt3A_1395 = arith.cmpf olt, %max3A_1205, %min3A_1275 : vector<256x128xf32>
    %max3A_1396 = arith.maximumf %max3A_1205, %min3A_1275 : vector<256x128xf32>
    %select_n3A_1397 = arith.select %lt3A_1395, %select_n3A_1277, %select_n3A_1207 : vector<256x128xi1>, vector<256x128xi32>
    %lt3A_1398 = arith.cmpf olt, %min3A_1206, %max3A_1274 : vector<256x128xf32>
    %max3A_1399 = arith.maximumf %min3A_1206, %max3A_1274 : vector<256x128xf32>
    %select_n3A_1400 = arith.select %lt3A_1398, %select_n3A_1276, %select_n3A_1208 : vector<256x128xi1>, vector<256x128xi32>
    %lt3A_1401 = arith.cmpf olt, %max3A_1378, %max3A_1390 : vector<256x128xf32>
    %max3A_1402 = arith.maximumf %max3A_1378, %max3A_1390 : vector<256x128xf32>
    %min3A_1403 = arith.minimumf %max3A_1378, %max3A_1390 : vector<256x128xf32>
    %select_n3A_1404 = arith.select %lt3A_1401, %select_n3A_1391, %select_n3A_1379 : vector<256x128xi1>, vector<256x128xi32>
    %select_n3A_1405 = arith.select %lt3A_1401, %select_n3A_1379, %select_n3A_1391 : vector<256x128xi1>, vector<256x128xi32>
    %lt3A_1406 = arith.cmpf olt, %max3A_1381, %max3A_1393 : vector<256x128xf32>
    %max3A_1407 = arith.maximumf %max3A_1381, %max3A_1393 : vector<256x128xf32>
    %min3A_1408 = arith.minimumf %max3A_1381, %max3A_1393 : vector<256x128xf32>
    %select_n3A_1409 = arith.select %lt3A_1406, %select_n3A_1394, %select_n3A_1382 : vector<256x128xi1>, vector<256x128xi32>
    %select_n3A_1410 = arith.select %lt3A_1406, %select_n3A_1382, %select_n3A_1394 : vector<256x128xi1>, vector<256x128xi32>
    %lt3A_1411 = arith.cmpf olt, %max3A_1384, %max3A_1396 : vector<256x128xf32>
    %max3A_1412 = arith.maximumf %max3A_1384, %max3A_1396 : vector<256x128xf32>
    %min3A_1413 = arith.minimumf %max3A_1384, %max3A_1396 : vector<256x128xf32>
    %select_n3A_1414 = arith.select %lt3A_1411, %select_n3A_1397, %select_n3A_1385 : vector<256x128xi1>, vector<256x128xi32>
    %select_n3A_1415 = arith.select %lt3A_1411, %select_n3A_1385, %select_n3A_1397 : vector<256x128xi1>, vector<256x128xi32>
    %lt3A_1416 = arith.cmpf olt, %max3A_1387, %max3A_1399 : vector<256x128xf32>
    %max3A_1417 = arith.maximumf %max3A_1387, %max3A_1399 : vector<256x128xf32>
    %min3A_1418 = arith.minimumf %max3A_1387, %max3A_1399 : vector<256x128xf32>
    %select_n3A_1419 = arith.select %lt3A_1416, %select_n3A_1400, %select_n3A_1388 : vector<256x128xi1>, vector<256x128xi32>
    %select_n3A_1420 = arith.select %lt3A_1416, %select_n3A_1388, %select_n3A_1400 : vector<256x128xi1>, vector<256x128xi32>
    %lt3A_1421 = arith.cmpf olt, %max3A_1402, %max3A_1412 : vector<256x128xf32>
    %max3A_1422 = arith.maximumf %max3A_1402, %max3A_1412 : vector<256x128xf32>
    %min3A_1423 = arith.minimumf %max3A_1402, %max3A_1412 : vector<256x128xf32>
    %select_n3A_1424 = arith.select %lt3A_1421, %select_n3A_1414, %select_n3A_1404 : vector<256x128xi1>, vector<256x128xi32>
    %select_n3A_1425 = arith.select %lt3A_1421, %select_n3A_1404, %select_n3A_1414 : vector<256x128xi1>, vector<256x128xi32>
    %lt3A_1426 = arith.cmpf olt, %max3A_1407, %max3A_1417 : vector<256x128xf32>
    %max3A_1427 = arith.maximumf %max3A_1407, %max3A_1417 : vector<256x128xf32>
    %min3A_1428 = arith.minimumf %max3A_1407, %max3A_1417 : vector<256x128xf32>
    %select_n3A_1429 = arith.select %lt3A_1426, %select_n3A_1419, %select_n3A_1409 : vector<256x128xi1>, vector<256x128xi32>
    %select_n3A_1430 = arith.select %lt3A_1426, %select_n3A_1409, %select_n3A_1419 : vector<256x128xi1>, vector<256x128xi32>
    %lt3A_1431 = arith.cmpf olt, %min3A_1403, %min3A_1413 : vector<256x128xf32>
    %max3A_1432 = arith.maximumf %min3A_1403, %min3A_1413 : vector<256x128xf32>
    %min3A_1433 = arith.minimumf %min3A_1403, %min3A_1413 : vector<256x128xf32>
    %select_n3A_1434 = arith.select %lt3A_1431, %select_n3A_1415, %select_n3A_1405 : vector<256x128xi1>, vector<256x128xi32>
    %select_n3A_1435 = arith.select %lt3A_1431, %select_n3A_1405, %select_n3A_1415 : vector<256x128xi1>, vector<256x128xi32>
    %lt3A_1436 = arith.cmpf olt, %min3A_1408, %min3A_1418 : vector<256x128xf32>
    %max3A_1437 = arith.maximumf %min3A_1408, %min3A_1418 : vector<256x128xf32>
    %min3A_1438 = arith.minimumf %min3A_1408, %min3A_1418 : vector<256x128xf32>
    %select_n3A_1439 = arith.select %lt3A_1436, %select_n3A_1420, %select_n3A_1410 : vector<256x128xi1>, vector<256x128xi32>
    %select_n3A_1440 = arith.select %lt3A_1436, %select_n3A_1410, %select_n3A_1420 : vector<256x128xi1>, vector<256x128xi32>
    %lt3A_1441 = arith.cmpf olt, %max3A_1422, %max3A_1427 : vector<256x128xf32>
    %max3A_1442 = arith.maximumf %max3A_1422, %max3A_1427 : vector<256x128xf32>
    %min3A_1443 = arith.minimumf %max3A_1422, %max3A_1427 : vector<256x128xf32>
    %select_n3A_1444 = arith.select %lt3A_1441, %select_n3A_1429, %select_n3A_1424 : vector<256x128xi1>, vector<256x128xi32>
    %select_n3A_1445 = arith.select %lt3A_1441, %select_n3A_1424, %select_n3A_1429 : vector<256x128xi1>, vector<256x128xi32>
    %lt3A_1446 = arith.cmpf olt, %min3A_1423, %min3A_1428 : vector<256x128xf32>
    %max3A_1447 = arith.maximumf %min3A_1423, %min3A_1428 : vector<256x128xf32>
    %min3A_1448 = arith.minimumf %min3A_1423, %min3A_1428 : vector<256x128xf32>
    %select_n3A_1449 = arith.select %lt3A_1446, %select_n3A_1430, %select_n3A_1425 : vector<256x128xi1>, vector<256x128xi32>
    %select_n3A_1450 = arith.select %lt3A_1446, %select_n3A_1425, %select_n3A_1430 : vector<256x128xi1>, vector<256x128xi32>
    %lt3A_1451 = arith.cmpf olt, %max3A_1432, %max3A_1437 : vector<256x128xf32>
    %max3A_1452 = arith.maximumf %max3A_1432, %max3A_1437 : vector<256x128xf32>
    %min3A_1453 = arith.minimumf %max3A_1432, %max3A_1437 : vector<256x128xf32>
    %select_n3A_1454 = arith.select %lt3A_1451, %select_n3A_1439, %select_n3A_1434 : vector<256x128xi1>, vector<256x128xi32>
    %select_n3A_1455 = arith.select %lt3A_1451, %select_n3A_1434, %select_n3A_1439 : vector<256x128xi1>, vector<256x128xi32>
    %lt3A_1456 = arith.cmpf olt, %min3A_1433, %min3A_1438 : vector<256x128xf32>
    %max3A_1457 = arith.maximumf %min3A_1433, %min3A_1438 : vector<256x128xf32>
    %min3A_1458 = arith.minimumf %min3A_1433, %min3A_1438 : vector<256x128xf32>
    %select_n3A_1459 = arith.select %lt3A_1456, %select_n3A_1440, %select_n3A_1435 : vector<256x128xi1>, vector<256x128xi32>
    %select_n3A_1460 = arith.select %lt3A_1456, %select_n3A_1435, %select_n3A_1440 : vector<256x128xi1>, vector<256x128xi32>
    %lt3A_1461 = arith.cmpf olt, %max3A_1358, %min3A_1458 : vector<256x128xf32>
    %max3A_1462 = arith.maximumf %max3A_1358, %min3A_1458 : vector<256x128xf32>
    %select_n3A_1463 = arith.select %lt3A_1461, %select_n3A_1460, %select_n3A_1360 : vector<256x128xi1>, vector<256x128xi32>
    %lt3A_1464 = arith.cmpf olt, %min3A_1359, %max3A_1457 : vector<256x128xf32>
    %max3A_1465 = arith.maximumf %min3A_1359, %max3A_1457 : vector<256x128xf32>
    %select_n3A_1466 = arith.select %lt3A_1464, %select_n3A_1459, %select_n3A_1361 : vector<256x128xi1>, vector<256x128xi32>
    %lt3A_1467 = arith.cmpf olt, %max3A_1363, %min3A_1453 : vector<256x128xf32>
    %max3A_1468 = arith.maximumf %max3A_1363, %min3A_1453 : vector<256x128xf32>
    %select_n3A_1469 = arith.select %lt3A_1467, %select_n3A_1455, %select_n3A_1365 : vector<256x128xi1>, vector<256x128xi32>
    %lt3A_1470 = arith.cmpf olt, %min3A_1364, %max3A_1452 : vector<256x128xf32>
    %max3A_1471 = arith.maximumf %min3A_1364, %max3A_1452 : vector<256x128xf32>
    %select_n3A_1472 = arith.select %lt3A_1470, %select_n3A_1454, %select_n3A_1366 : vector<256x128xi1>, vector<256x128xi32>
    %lt3A_1473 = arith.cmpf olt, %max3A_1368, %min3A_1448 : vector<256x128xf32>
    %max3A_1474 = arith.maximumf %max3A_1368, %min3A_1448 : vector<256x128xf32>
    %select_n3A_1475 = arith.select %lt3A_1473, %select_n3A_1450, %select_n3A_1370 : vector<256x128xi1>, vector<256x128xi32>
    %lt3A_1476 = arith.cmpf olt, %min3A_1369, %max3A_1447 : vector<256x128xf32>
    %max3A_1477 = arith.maximumf %min3A_1369, %max3A_1447 : vector<256x128xf32>
    %select_n3A_1478 = arith.select %lt3A_1476, %select_n3A_1449, %select_n3A_1371 : vector<256x128xi1>, vector<256x128xi32>
    %lt3A_1479 = arith.cmpf olt, %max3A_1373, %min3A_1443 : vector<256x128xf32>
    %max3A_1480 = arith.maximumf %max3A_1373, %min3A_1443 : vector<256x128xf32>
    %select_n3A_1481 = arith.select %lt3A_1479, %select_n3A_1445, %select_n3A_1375 : vector<256x128xi1>, vector<256x128xi32>
    %lt3A_1482 = arith.cmpf olt, %min3A_1374, %max3A_1442 : vector<256x128xf32>
    %max3A_1483 = arith.maximumf %min3A_1374, %max3A_1442 : vector<256x128xf32>
    %select_n3A_1484 = arith.select %lt3A_1482, %select_n3A_1444, %select_n3A_1376 : vector<256x128xi1>, vector<256x128xi32>
    %lt3A_1485 = arith.cmpf olt, %max3A_1462, %max3A_1474 : vector<256x128xf32>
    %max3A_1486 = arith.maximumf %max3A_1462, %max3A_1474 : vector<256x128xf32>
    %min3A_1487 = arith.minimumf %max3A_1462, %max3A_1474 : vector<256x128xf32>
    %select_n3A_1488 = arith.select %lt3A_1485, %select_n3A_1475, %select_n3A_1463 : vector<256x128xi1>, vector<256x128xi32>
    %select_n3A_1489 = arith.select %lt3A_1485, %select_n3A_1463, %select_n3A_1475 : vector<256x128xi1>, vector<256x128xi32>
    %lt3A_1490 = arith.cmpf olt, %max3A_1465, %max3A_1477 : vector<256x128xf32>
    %max3A_1491 = arith.maximumf %max3A_1465, %max3A_1477 : vector<256x128xf32>
    %min3A_1492 = arith.minimumf %max3A_1465, %max3A_1477 : vector<256x128xf32>
    %select_n3A_1493 = arith.select %lt3A_1490, %select_n3A_1478, %select_n3A_1466 : vector<256x128xi1>, vector<256x128xi32>
    %select_n3A_1494 = arith.select %lt3A_1490, %select_n3A_1466, %select_n3A_1478 : vector<256x128xi1>, vector<256x128xi32>
    %lt3A_1495 = arith.cmpf olt, %max3A_1468, %max3A_1480 : vector<256x128xf32>
    %max3A_1496 = arith.maximumf %max3A_1468, %max3A_1480 : vector<256x128xf32>
    %min3A_1497 = arith.minimumf %max3A_1468, %max3A_1480 : vector<256x128xf32>
    %select_n3A_1498 = arith.select %lt3A_1495, %select_n3A_1481, %select_n3A_1469 : vector<256x128xi1>, vector<256x128xi32>
    %select_n3A_1499 = arith.select %lt3A_1495, %select_n3A_1469, %select_n3A_1481 : vector<256x128xi1>, vector<256x128xi32>
    %lt3A_1500 = arith.cmpf olt, %max3A_1471, %max3A_1483 : vector<256x128xf32>
    %max3A_1501 = arith.maximumf %max3A_1471, %max3A_1483 : vector<256x128xf32>
    %min3A_1502 = arith.minimumf %max3A_1471, %max3A_1483 : vector<256x128xf32>
    %select_n3A_1503 = arith.select %lt3A_1500, %select_n3A_1484, %select_n3A_1472 : vector<256x128xi1>, vector<256x128xi32>
    %select_n3A_1504 = arith.select %lt3A_1500, %select_n3A_1472, %select_n3A_1484 : vector<256x128xi1>, vector<256x128xi32>
    %lt3A_1505 = arith.cmpf olt, %max3A_1486, %max3A_1496 : vector<256x128xf32>
    %max3A_1506 = arith.maximumf %max3A_1486, %max3A_1496 : vector<256x128xf32>
    %min3A_1507 = arith.minimumf %max3A_1486, %max3A_1496 : vector<256x128xf32>
    %select_n3A_1508 = arith.select %lt3A_1505, %select_n3A_1498, %select_n3A_1488 : vector<256x128xi1>, vector<256x128xi32>
    %select_n3A_1509 = arith.select %lt3A_1505, %select_n3A_1488, %select_n3A_1498 : vector<256x128xi1>, vector<256x128xi32>
    %lt3A_1510 = arith.cmpf olt, %max3A_1491, %max3A_1501 : vector<256x128xf32>
    %max3A_1511 = arith.maximumf %max3A_1491, %max3A_1501 : vector<256x128xf32>
    %min3A_1512 = arith.minimumf %max3A_1491, %max3A_1501 : vector<256x128xf32>
    %select_n3A_1513 = arith.select %lt3A_1510, %select_n3A_1503, %select_n3A_1493 : vector<256x128xi1>, vector<256x128xi32>
    %select_n3A_1514 = arith.select %lt3A_1510, %select_n3A_1493, %select_n3A_1503 : vector<256x128xi1>, vector<256x128xi32>
    %lt3A_1515 = arith.cmpf olt, %min3A_1487, %min3A_1497 : vector<256x128xf32>
    %max3A_1516 = arith.maximumf %min3A_1487, %min3A_1497 : vector<256x128xf32>
    %min3A_1517 = arith.minimumf %min3A_1487, %min3A_1497 : vector<256x128xf32>
    %select_n3A_1518 = arith.select %lt3A_1515, %select_n3A_1499, %select_n3A_1489 : vector<256x128xi1>, vector<256x128xi32>
    %select_n3A_1519 = arith.select %lt3A_1515, %select_n3A_1489, %select_n3A_1499 : vector<256x128xi1>, vector<256x128xi32>
    %lt3A_1520 = arith.cmpf olt, %min3A_1492, %min3A_1502 : vector<256x128xf32>
    %max3A_1521 = arith.maximumf %min3A_1492, %min3A_1502 : vector<256x128xf32>
    %min3A_1522 = arith.minimumf %min3A_1492, %min3A_1502 : vector<256x128xf32>
    %select_n3A_1523 = arith.select %lt3A_1520, %select_n3A_1504, %select_n3A_1494 : vector<256x128xi1>, vector<256x128xi32>
    %select_n3A_1524 = arith.select %lt3A_1520, %select_n3A_1494, %select_n3A_1504 : vector<256x128xi1>, vector<256x128xi32>
    %lt3A_1525 = arith.cmpf olt, %max3A_1506, %max3A_1511 : vector<256x128xf32>
    %max3A_1526 = arith.maximumf %max3A_1506, %max3A_1511 : vector<256x128xf32>
    %min3A_1527 = arith.minimumf %max3A_1506, %max3A_1511 : vector<256x128xf32>
    %select_n3A_1528 = arith.select %lt3A_1525, %select_n3A_1513, %select_n3A_1508 : vector<256x128xi1>, vector<256x128xi32>
    %select_n3A_1529 = arith.select %lt3A_1525, %select_n3A_1508, %select_n3A_1513 : vector<256x128xi1>, vector<256x128xi32>
    %lt3A_1530 = arith.cmpf olt, %min3A_1507, %min3A_1512 : vector<256x128xf32>
    %max3A_1531 = arith.maximumf %min3A_1507, %min3A_1512 : vector<256x128xf32>
    %min3A_1532 = arith.minimumf %min3A_1507, %min3A_1512 : vector<256x128xf32>
    %select_n3A_1533 = arith.select %lt3A_1530, %select_n3A_1514, %select_n3A_1509 : vector<256x128xi1>, vector<256x128xi32>
    %select_n3A_1534 = arith.select %lt3A_1530, %select_n3A_1509, %select_n3A_1514 : vector<256x128xi1>, vector<256x128xi32>
    %lt3A_1535 = arith.cmpf olt, %max3A_1516, %max3A_1521 : vector<256x128xf32>
    %max3A_1536 = arith.maximumf %max3A_1516, %max3A_1521 : vector<256x128xf32>
    %min3A_1537 = arith.minimumf %max3A_1516, %max3A_1521 : vector<256x128xf32>
    %select_n3A_1538 = arith.select %lt3A_1535, %select_n3A_1523, %select_n3A_1518 : vector<256x128xi1>, vector<256x128xi32>
    %select_n3A_1539 = arith.select %lt3A_1535, %select_n3A_1518, %select_n3A_1523 : vector<256x128xi1>, vector<256x128xi32>
    %lt3A_1540 = arith.cmpf olt, %min3A_1517, %min3A_1522 : vector<256x128xf32>
    %max3A_1541 = arith.maximumf %min3A_1517, %min3A_1522 : vector<256x128xf32>
    %min3A_1542 = arith.minimumf %min3A_1517, %min3A_1522 : vector<256x128xf32>
    %select_n3A_1543 = arith.select %lt3A_1540, %select_n3A_1524, %select_n3A_1519 : vector<256x128xi1>, vector<256x128xi32>
    %select_n3A_1544 = arith.select %lt3A_1540, %select_n3A_1519, %select_n3A_1524 : vector<256x128xi1>, vector<256x128xi32>
    %iota3A_1545 = tpu.iota {dimensions = array<i32: 1>} : vector<256x128xi32>
    %mul3A_1546 = arith.constant 128 : i32
    %mul3A_1547 = vector.broadcast %mul3A_1546 : i32 to vector<256x128xi32>
    %mul3A_1548 = arith.muli %select_n3A_1528, %mul3A_1547 : vector<256x128xi32>
    %add3A_1549 = arith.addi %mul3A_1548, %iota3A_1545 : vector<256x128xi32>
    %mul3A_1550 = arith.constant 128 : i32
    %mul3A_1551 = vector.broadcast %mul3A_1550 : i32 to vector<256x128xi32>
    %mul3A_1552 = arith.muli %select_n3A_1529, %mul3A_1551 : vector<256x128xi32>
    %add3A_1553 = arith.addi %mul3A_1552, %iota3A_1545 : vector<256x128xi32>
    %mul3A_1554 = arith.constant 128 : i32
    %mul3A_1555 = vector.broadcast %mul3A_1554 : i32 to vector<256x128xi32>
    %mul3A_1556 = arith.muli %select_n3A_1533, %mul3A_1555 : vector<256x128xi32>
    %add3A_1557 = arith.addi %mul3A_1556, %iota3A_1545 : vector<256x128xi32>
    %mul3A_1558 = arith.constant 128 : i32
    %mul3A_1559 = vector.broadcast %mul3A_1558 : i32 to vector<256x128xi32>
    %mul3A_1560 = arith.muli %select_n3A_1534, %mul3A_1559 : vector<256x128xi32>
    %add3A_1561 = arith.addi %mul3A_1560, %iota3A_1545 : vector<256x128xi32>
    %mul3A_1562 = arith.constant 128 : i32
    %mul3A_1563 = vector.broadcast %mul3A_1562 : i32 to vector<256x128xi32>
    %mul3A_1564 = arith.muli %select_n3A_1538, %mul3A_1563 : vector<256x128xi32>
    %add3A_1565 = arith.addi %mul3A_1564, %iota3A_1545 : vector<256x128xi32>
    %mul3A_1566 = arith.constant 128 : i32
    %mul3A_1567 = vector.broadcast %mul3A_1566 : i32 to vector<256x128xi32>
    %mul3A_1568 = arith.muli %select_n3A_1539, %mul3A_1567 : vector<256x128xi32>
    %add3A_1569 = arith.addi %mul3A_1568, %iota3A_1545 : vector<256x128xi32>
    %mul3A_1570 = arith.constant 128 : i32
    %mul3A_1571 = vector.broadcast %mul3A_1570 : i32 to vector<256x128xi32>
    %mul3A_1572 = arith.muli %select_n3A_1543, %mul3A_1571 : vector<256x128xi32>
    %add3A_1573 = arith.addi %mul3A_1572, %iota3A_1545 : vector<256x128xi32>
    %mul3A_1574 = arith.constant 128 : i32
    %mul3A_1575 = vector.broadcast %mul3A_1574 : i32 to vector<256x128xi32>
    %mul3A_1576 = arith.muli %select_n3A_1544, %mul3A_1575 : vector<256x128xi32>
    %add3A_1577 = arith.addi %mul3A_1576, %iota3A_1545 : vector<256x128xi32>
    %max3A_1578 = arith.maximumf %max3A_1526, %min3A_1527 : vector<256x128xf32>
    %max3A_1579 = arith.maximumf %max3A_1578, %max3A_1531 : vector<256x128xf32>
    %max3A_1580 = arith.maximumf %max3A_1579, %min3A_1532 : vector<256x128xf32>
    %max3A_1581 = arith.maximumf %max3A_1580, %max3A_1536 : vector<256x128xf32>
    %max3A_1582 = arith.maximumf %max3A_1581, %min3A_1537 : vector<256x128xf32>
    %max3A_1583 = arith.maximumf %max3A_1582, %max3A_1541 : vector<256x128xf32>
    %max3A_1584 = arith.maximumf %max3A_1583, %min3A_1542 : vector<256x128xf32>
    %reduce_max3A = arith.constant dense<0xFF800000> : vector<256xf32>
    %reduce_max3A_1585 = vector.multi_reduction <maximumf>, %max3A_1584, %reduce_max3A [1] : vector<256x128xf32> to vector<256xf32>
    %broadcast_in_dim3A_1586 = vector.shape_cast %reduce_max3A_1585 : vector<256xf32> to vector<256x1xf32>
    %broadcast_in_dim3A_1587 = arith.constant 8192 : i32
    %broadcast_in_dim3A_1588 = vector.broadcast %broadcast_in_dim3A_1587 : i32 to vector<256x128xi32>
    %eq3A_1589 = vector.broadcast %broadcast_in_dim3A_1586 : vector<256x1xf32> to vector<256x128xf32>
    %eq3A_1590 = arith.cmpf oeq, %max3A_1526, %eq3A_1589 : vector<256x128xf32>
    %jit3A_1591 = arith.constant 8192 : i32
    %broadcast_in_dim3A_1592 = vector.broadcast %jit3A_1591 : i32 to vector<256x128xi32>
    %select_n3A_1593 = arith.select %eq3A_1590, %add3A_1549, %broadcast_in_dim3A_1592 : vector<256x128xi1>, vector<256x128xi32>
    %min3A_1594 = arith.minsi %broadcast_in_dim3A_1588, %select_n3A_1593 : vector<256x128xi32>
    %eq3A_1595 = vector.broadcast %broadcast_in_dim3A_1586 : vector<256x1xf32> to vector<256x128xf32>
    %eq3A_1596 = arith.cmpf oeq, %min3A_1527, %eq3A_1595 : vector<256x128xf32>
    %jit3A_1597 = arith.constant 8192 : i32
    %broadcast_in_dim3A_1598 = vector.broadcast %jit3A_1597 : i32 to vector<256x128xi32>
    %select_n3A_1599 = arith.select %eq3A_1596, %add3A_1553, %broadcast_in_dim3A_1598 : vector<256x128xi1>, vector<256x128xi32>
    %min3A_1600 = arith.minsi %min3A_1594, %select_n3A_1599 : vector<256x128xi32>
    %eq3A_1601 = vector.broadcast %broadcast_in_dim3A_1586 : vector<256x1xf32> to vector<256x128xf32>
    %eq3A_1602 = arith.cmpf oeq, %max3A_1531, %eq3A_1601 : vector<256x128xf32>
    %jit3A_1603 = arith.constant 8192 : i32
    %broadcast_in_dim3A_1604 = vector.broadcast %jit3A_1603 : i32 to vector<256x128xi32>
    %select_n3A_1605 = arith.select %eq3A_1602, %add3A_1557, %broadcast_in_dim3A_1604 : vector<256x128xi1>, vector<256x128xi32>
    %min3A_1606 = arith.minsi %min3A_1600, %select_n3A_1605 : vector<256x128xi32>
    %eq3A_1607 = vector.broadcast %broadcast_in_dim3A_1586 : vector<256x1xf32> to vector<256x128xf32>
    %eq3A_1608 = arith.cmpf oeq, %min3A_1532, %eq3A_1607 : vector<256x128xf32>
    %jit3A_1609 = arith.constant 8192 : i32
    %broadcast_in_dim3A_1610 = vector.broadcast %jit3A_1609 : i32 to vector<256x128xi32>
    %select_n3A_1611 = arith.select %eq3A_1608, %add3A_1561, %broadcast_in_dim3A_1610 : vector<256x128xi1>, vector<256x128xi32>
    %min3A_1612 = arith.minsi %min3A_1606, %select_n3A_1611 : vector<256x128xi32>
    %eq3A_1613 = vector.broadcast %broadcast_in_dim3A_1586 : vector<256x1xf32> to vector<256x128xf32>
    %eq3A_1614 = arith.cmpf oeq, %max3A_1536, %eq3A_1613 : vector<256x128xf32>
    %jit3A_1615 = arith.constant 8192 : i32
    %broadcast_in_dim3A_1616 = vector.broadcast %jit3A_1615 : i32 to vector<256x128xi32>
    %select_n3A_1617 = arith.select %eq3A_1614, %add3A_1565, %broadcast_in_dim3A_1616 : vector<256x128xi1>, vector<256x128xi32>
    %min3A_1618 = arith.minsi %min3A_1612, %select_n3A_1617 : vector<256x128xi32>
    %eq3A_1619 = vector.broadcast %broadcast_in_dim3A_1586 : vector<256x1xf32> to vector<256x128xf32>
    %eq3A_1620 = arith.cmpf oeq, %min3A_1537, %eq3A_1619 : vector<256x128xf32>
    %jit3A_1621 = arith.constant 8192 : i32
    %broadcast_in_dim3A_1622 = vector.broadcast %jit3A_1621 : i32 to vector<256x128xi32>
    %select_n3A_1623 = arith.select %eq3A_1620, %add3A_1569, %broadcast_in_dim3A_1622 : vector<256x128xi1>, vector<256x128xi32>
    %min3A_1624 = arith.minsi %min3A_1618, %select_n3A_1623 : vector<256x128xi32>
    %eq3A_1625 = vector.broadcast %broadcast_in_dim3A_1586 : vector<256x1xf32> to vector<256x128xf32>
    %eq3A_1626 = arith.cmpf oeq, %max3A_1541, %eq3A_1625 : vector<256x128xf32>
    %jit3A_1627 = arith.constant 8192 : i32
    %broadcast_in_dim3A_1628 = vector.broadcast %jit3A_1627 : i32 to vector<256x128xi32>
    %select_n3A_1629 = arith.select %eq3A_1626, %add3A_1573, %broadcast_in_dim3A_1628 : vector<256x128xi1>, vector<256x128xi32>
    %min3A_1630 = arith.minsi %min3A_1624, %select_n3A_1629 : vector<256x128xi32>
    %eq3A_1631 = vector.broadcast %broadcast_in_dim3A_1586 : vector<256x1xf32> to vector<256x128xf32>
    %eq3A_1632 = arith.cmpf oeq, %min3A_1542, %eq3A_1631 : vector<256x128xf32>
    %jit3A_1633 = arith.constant 8192 : i32
    %broadcast_in_dim3A_1634 = vector.broadcast %jit3A_1633 : i32 to vector<256x128xi32>
    %select_n3A_1635 = arith.select %eq3A_1632, %add3A_1577, %broadcast_in_dim3A_1634 : vector<256x128xi1>, vector<256x128xi32>
    %min3A_1636 = arith.minsi %min3A_1630, %select_n3A_1635 : vector<256x128xi32>
    %reduce_min3A = arith.constant dense<2147483647> : vector<256xi32>
    %reduce_min3A_1637 = vector.multi_reduction <minsi>, %min3A_1636, %reduce_min3A [1] : vector<256x128xi32> to vector<256xi32>
    %broadcast_in_dim3A_1638 = vector.shape_cast %reduce_min3A_1637 : vector<256xi32> to vector<256x1xi32>
    %eq3A_1639 = vector.broadcast %broadcast_in_dim3A_1638 : vector<256x1xi32> to vector<256x128xi32>
    %eq3A_1640 = arith.cmpi eq, %add3A_1549, %eq3A_1639 : vector<256x128xi32>
    %jit3A_1641 = arith.constant 0xFF800000 : f32
    %broadcast_in_dim3A_1642 = vector.broadcast %jit3A_1641 : f32 to vector<256x128xf32>
    %select_n3A_1643 = arith.select %eq3A_1640, %broadcast_in_dim3A_1642, %max3A_1526 : vector<256x128xi1>, vector<256x128xf32>
    %eq3A_1644 = vector.broadcast %broadcast_in_dim3A_1638 : vector<256x1xi32> to vector<256x128xi32>
    %eq3A_1645 = arith.cmpi eq, %add3A_1553, %eq3A_1644 : vector<256x128xi32>
    %jit3A_1646 = arith.constant 0xFF800000 : f32
    %broadcast_in_dim3A_1647 = vector.broadcast %jit3A_1646 : f32 to vector<256x128xf32>
    %select_n3A_1648 = arith.select %eq3A_1645, %broadcast_in_dim3A_1647, %min3A_1527 : vector<256x128xi1>, vector<256x128xf32>
    %eq3A_1649 = vector.broadcast %broadcast_in_dim3A_1638 : vector<256x1xi32> to vector<256x128xi32>
    %eq3A_1650 = arith.cmpi eq, %add3A_1557, %eq3A_1649 : vector<256x128xi32>
    %jit3A_1651 = arith.constant 0xFF800000 : f32
    %broadcast_in_dim3A_1652 = vector.broadcast %jit3A_1651 : f32 to vector<256x128xf32>
    %select_n3A_1653 = arith.select %eq3A_1650, %broadcast_in_dim3A_1652, %max3A_1531 : vector<256x128xi1>, vector<256x128xf32>
    %eq3A_1654 = vector.broadcast %broadcast_in_dim3A_1638 : vector<256x1xi32> to vector<256x128xi32>
    %eq3A_1655 = arith.cmpi eq, %add3A_1561, %eq3A_1654 : vector<256x128xi32>
    %jit3A_1656 = arith.constant 0xFF800000 : f32
    %broadcast_in_dim3A_1657 = vector.broadcast %jit3A_1656 : f32 to vector<256x128xf32>
    %select_n3A_1658 = arith.select %eq3A_1655, %broadcast_in_dim3A_1657, %min3A_1532 : vector<256x128xi1>, vector<256x128xf32>
    %eq3A_1659 = vector.broadcast %broadcast_in_dim3A_1638 : vector<256x1xi32> to vector<256x128xi32>
    %eq3A_1660 = arith.cmpi eq, %add3A_1565, %eq3A_1659 : vector<256x128xi32>
    %jit3A_1661 = arith.constant 0xFF800000 : f32
    %broadcast_in_dim3A_1662 = vector.broadcast %jit3A_1661 : f32 to vector<256x128xf32>
    %select_n3A_1663 = arith.select %eq3A_1660, %broadcast_in_dim3A_1662, %max3A_1536 : vector<256x128xi1>, vector<256x128xf32>
    %eq3A_1664 = vector.broadcast %broadcast_in_dim3A_1638 : vector<256x1xi32> to vector<256x128xi32>
    %eq3A_1665 = arith.cmpi eq, %add3A_1569, %eq3A_1664 : vector<256x128xi32>
    %jit3A_1666 = arith.constant 0xFF800000 : f32
    %broadcast_in_dim3A_1667 = vector.broadcast %jit3A_1666 : f32 to vector<256x128xf32>
    %select_n3A_1668 = arith.select %eq3A_1665, %broadcast_in_dim3A_1667, %min3A_1537 : vector<256x128xi1>, vector<256x128xf32>
    %eq3A_1669 = vector.broadcast %broadcast_in_dim3A_1638 : vector<256x1xi32> to vector<256x128xi32>
    %eq3A_1670 = arith.cmpi eq, %add3A_1573, %eq3A_1669 : vector<256x128xi32>
    %jit3A_1671 = arith.constant 0xFF800000 : f32
    %broadcast_in_dim3A_1672 = vector.broadcast %jit3A_1671 : f32 to vector<256x128xf32>
    %select_n3A_1673 = arith.select %eq3A_1670, %broadcast_in_dim3A_1672, %max3A_1541 : vector<256x128xi1>, vector<256x128xf32>
    %eq3A_1674 = vector.broadcast %broadcast_in_dim3A_1638 : vector<256x1xi32> to vector<256x128xi32>
    %eq3A_1675 = arith.cmpi eq, %add3A_1577, %eq3A_1674 : vector<256x128xi32>
    %jit3A_1676 = arith.constant 0xFF800000 : f32
    %broadcast_in_dim3A_1677 = vector.broadcast %jit3A_1676 : f32 to vector<256x128xf32>
    %select_n3A_1678 = arith.select %eq3A_1675, %broadcast_in_dim3A_1677, %min3A_1542 : vector<256x128xi1>, vector<256x128xf32>
    %max3A_1679 = arith.maximumf %select_n3A_1643, %select_n3A_1648 : vector<256x128xf32>
    %max3A_1680 = arith.maximumf %max3A_1679, %select_n3A_1653 : vector<256x128xf32>
    %max3A_1681 = arith.maximumf %max3A_1680, %select_n3A_1658 : vector<256x128xf32>
    %max3A_1682 = arith.maximumf %max3A_1681, %select_n3A_1663 : vector<256x128xf32>
    %max3A_1683 = arith.maximumf %max3A_1682, %select_n3A_1668 : vector<256x128xf32>
    %max3A_1684 = arith.maximumf %max3A_1683, %select_n3A_1673 : vector<256x128xf32>
    %max3A_1685 = arith.maximumf %max3A_1684, %select_n3A_1678 : vector<256x128xf32>
    %reduce_max3A_1686 = arith.constant dense<0xFF800000> : vector<256xf32>
    %reduce_max3A_1687 = vector.multi_reduction <maximumf>, %max3A_1685, %reduce_max3A_1686 [1] : vector<256x128xf32> to vector<256xf32>
    %broadcast_in_dim3A_1688 = vector.shape_cast %reduce_max3A_1687 : vector<256xf32> to vector<256x1xf32>
    %broadcast_in_dim3A_1689 = arith.constant 8192 : i32
    %broadcast_in_dim3A_1690 = vector.broadcast %broadcast_in_dim3A_1689 : i32 to vector<256x128xi32>
    %eq3A_1691 = vector.broadcast %broadcast_in_dim3A_1688 : vector<256x1xf32> to vector<256x128xf32>
    %eq3A_1692 = arith.cmpf oeq, %select_n3A_1643, %eq3A_1691 : vector<256x128xf32>
    %jit3A_1693 = arith.constant 8192 : i32
    %broadcast_in_dim3A_1694 = vector.broadcast %jit3A_1693 : i32 to vector<256x128xi32>
    %select_n3A_1695 = arith.select %eq3A_1692, %add3A_1549, %broadcast_in_dim3A_1694 : vector<256x128xi1>, vector<256x128xi32>
    %min3A_1696 = arith.minsi %broadcast_in_dim3A_1690, %select_n3A_1695 : vector<256x128xi32>
    %eq3A_1697 = vector.broadcast %broadcast_in_dim3A_1688 : vector<256x1xf32> to vector<256x128xf32>
    %eq3A_1698 = arith.cmpf oeq, %select_n3A_1648, %eq3A_1697 : vector<256x128xf32>
    %jit3A_1699 = arith.constant 8192 : i32
    %broadcast_in_dim3A_1700 = vector.broadcast %jit3A_1699 : i32 to vector<256x128xi32>
    %select_n3A_1701 = arith.select %eq3A_1698, %add3A_1553, %broadcast_in_dim3A_1700 : vector<256x128xi1>, vector<256x128xi32>
    %min3A_1702 = arith.minsi %min3A_1696, %select_n3A_1701 : vector<256x128xi32>
    %eq3A_1703 = vector.broadcast %broadcast_in_dim3A_1688 : vector<256x1xf32> to vector<256x128xf32>
    %eq3A_1704 = arith.cmpf oeq, %select_n3A_1653, %eq3A_1703 : vector<256x128xf32>
    %jit3A_1705 = arith.constant 8192 : i32
    %broadcast_in_dim3A_1706 = vector.broadcast %jit3A_1705 : i32 to vector<256x128xi32>
    %select_n3A_1707 = arith.select %eq3A_1704, %add3A_1557, %broadcast_in_dim3A_1706 : vector<256x128xi1>, vector<256x128xi32>
    %min3A_1708 = arith.minsi %min3A_1702, %select_n3A_1707 : vector<256x128xi32>
    %eq3A_1709 = vector.broadcast %broadcast_in_dim3A_1688 : vector<256x1xf32> to vector<256x128xf32>
    %eq3A_1710 = arith.cmpf oeq, %select_n3A_1658, %eq3A_1709 : vector<256x128xf32>
    %jit3A_1711 = arith.constant 8192 : i32
    %broadcast_in_dim3A_1712 = vector.broadcast %jit3A_1711 : i32 to vector<256x128xi32>
    %select_n3A_1713 = arith.select %eq3A_1710, %add3A_1561, %broadcast_in_dim3A_1712 : vector<256x128xi1>, vector<256x128xi32>
    %min3A_1714 = arith.minsi %min3A_1708, %select_n3A_1713 : vector<256x128xi32>
    %eq3A_1715 = vector.broadcast %broadcast_in_dim3A_1688 : vector<256x1xf32> to vector<256x128xf32>
    %eq3A_1716 = arith.cmpf oeq, %select_n3A_1663, %eq3A_1715 : vector<256x128xf32>
    %jit3A_1717 = arith.constant 8192 : i32
    %broadcast_in_dim3A_1718 = vector.broadcast %jit3A_1717 : i32 to vector<256x128xi32>
    %select_n3A_1719 = arith.select %eq3A_1716, %add3A_1565, %broadcast_in_dim3A_1718 : vector<256x128xi1>, vector<256x128xi32>
    %min3A_1720 = arith.minsi %min3A_1714, %select_n3A_1719 : vector<256x128xi32>
    %eq3A_1721 = vector.broadcast %broadcast_in_dim3A_1688 : vector<256x1xf32> to vector<256x128xf32>
    %eq3A_1722 = arith.cmpf oeq, %select_n3A_1668, %eq3A_1721 : vector<256x128xf32>
    %jit3A_1723 = arith.constant 8192 : i32
    %broadcast_in_dim3A_1724 = vector.broadcast %jit3A_1723 : i32 to vector<256x128xi32>
    %select_n3A_1725 = arith.select %eq3A_1722, %add3A_1569, %broadcast_in_dim3A_1724 : vector<256x128xi1>, vector<256x128xi32>
    %min3A_1726 = arith.minsi %min3A_1720, %select_n3A_1725 : vector<256x128xi32>
    %eq3A_1727 = vector.broadcast %broadcast_in_dim3A_1688 : vector<256x1xf32> to vector<256x128xf32>
    %eq3A_1728 = arith.cmpf oeq, %select_n3A_1673, %eq3A_1727 : vector<256x128xf32>
    %jit3A_1729 = arith.constant 8192 : i32
    %broadcast_in_dim3A_1730 = vector.broadcast %jit3A_1729 : i32 to vector<256x128xi32>
    %select_n3A_1731 = arith.select %eq3A_1728, %add3A_1573, %broadcast_in_dim3A_1730 : vector<256x128xi1>, vector<256x128xi32>
    %min3A_1732 = arith.minsi %min3A_1726, %select_n3A_1731 : vector<256x128xi32>
    %eq3A_1733 = vector.broadcast %broadcast_in_dim3A_1688 : vector<256x1xf32> to vector<256x128xf32>
    %eq3A_1734 = arith.cmpf oeq, %select_n3A_1678, %eq3A_1733 : vector<256x128xf32>
    %jit3A_1735 = arith.constant 8192 : i32
    %broadcast_in_dim3A_1736 = vector.broadcast %jit3A_1735 : i32 to vector<256x128xi32>
    %select_n3A_1737 = arith.select %eq3A_1734, %add3A_1577, %broadcast_in_dim3A_1736 : vector<256x128xi1>, vector<256x128xi32>
    %min3A_1738 = arith.minsi %min3A_1732, %select_n3A_1737 : vector<256x128xi32>
    %reduce_min3A_1739 = arith.constant dense<2147483647> : vector<256xi32>
    %reduce_min3A_1740 = vector.multi_reduction <minsi>, %min3A_1738, %reduce_min3A_1739 [1] : vector<256x128xi32> to vector<256xi32>
    %broadcast_in_dim3A_1741 = vector.shape_cast %reduce_min3A_1740 : vector<256xi32> to vector<256x1xi32>
    %eq3A_1742 = vector.broadcast %broadcast_in_dim3A_1741 : vector<256x1xi32> to vector<256x128xi32>
    %eq3A_1743 = arith.cmpi eq, %add3A_1549, %eq3A_1742 : vector<256x128xi32>
    %jit3A_1744 = arith.constant 0xFF800000 : f32
    %broadcast_in_dim3A_1745 = vector.broadcast %jit3A_1744 : f32 to vector<256x128xf32>
    %select_n3A_1746 = arith.select %eq3A_1743, %broadcast_in_dim3A_1745, %select_n3A_1643 : vector<256x128xi1>, vector<256x128xf32>
    %eq3A_1747 = vector.broadcast %broadcast_in_dim3A_1741 : vector<256x1xi32> to vector<256x128xi32>
    %eq3A_1748 = arith.cmpi eq, %add3A_1553, %eq3A_1747 : vector<256x128xi32>
    %jit3A_1749 = arith.constant 0xFF800000 : f32
    %broadcast_in_dim3A_1750 = vector.broadcast %jit3A_1749 : f32 to vector<256x128xf32>
    %select_n3A_1751 = arith.select %eq3A_1748, %broadcast_in_dim3A_1750, %select_n3A_1648 : vector<256x128xi1>, vector<256x128xf32>
    %eq3A_1752 = vector.broadcast %broadcast_in_dim3A_1741 : vector<256x1xi32> to vector<256x128xi32>
    %eq3A_1753 = arith.cmpi eq, %add3A_1557, %eq3A_1752 : vector<256x128xi32>
    %jit3A_1754 = arith.constant 0xFF800000 : f32
    %broadcast_in_dim3A_1755 = vector.broadcast %jit3A_1754 : f32 to vector<256x128xf32>
    %select_n3A_1756 = arith.select %eq3A_1753, %broadcast_in_dim3A_1755, %select_n3A_1653 : vector<256x128xi1>, vector<256x128xf32>
    %eq3A_1757 = vector.broadcast %broadcast_in_dim3A_1741 : vector<256x1xi32> to vector<256x128xi32>
    %eq3A_1758 = arith.cmpi eq, %add3A_1561, %eq3A_1757 : vector<256x128xi32>
    %jit3A_1759 = arith.constant 0xFF800000 : f32
    %broadcast_in_dim3A_1760 = vector.broadcast %jit3A_1759 : f32 to vector<256x128xf32>
    %select_n3A_1761 = arith.select %eq3A_1758, %broadcast_in_dim3A_1760, %select_n3A_1658 : vector<256x128xi1>, vector<256x128xf32>
    %eq3A_1762 = vector.broadcast %broadcast_in_dim3A_1741 : vector<256x1xi32> to vector<256x128xi32>
    %eq3A_1763 = arith.cmpi eq, %add3A_1565, %eq3A_1762 : vector<256x128xi32>
    %jit3A_1764 = arith.constant 0xFF800000 : f32
    %broadcast_in_dim3A_1765 = vector.broadcast %jit3A_1764 : f32 to vector<256x128xf32>
    %select_n3A_1766 = arith.select %eq3A_1763, %broadcast_in_dim3A_1765, %select_n3A_1663 : vector<256x128xi1>, vector<256x128xf32>
    %eq3A_1767 = vector.broadcast %broadcast_in_dim3A_1741 : vector<256x1xi32> to vector<256x128xi32>
    %eq3A_1768 = arith.cmpi eq, %add3A_1569, %eq3A_1767 : vector<256x128xi32>
    %jit3A_1769 = arith.constant 0xFF800000 : f32
    %broadcast_in_dim3A_1770 = vector.broadcast %jit3A_1769 : f32 to vector<256x128xf32>
    %select_n3A_1771 = arith.select %eq3A_1768, %broadcast_in_dim3A_1770, %select_n3A_1668 : vector<256x128xi1>, vector<256x128xf32>
    %eq3A_1772 = vector.broadcast %broadcast_in_dim3A_1741 : vector<256x1xi32> to vector<256x128xi32>
    %eq3A_1773 = arith.cmpi eq, %add3A_1573, %eq3A_1772 : vector<256x128xi32>
    %jit3A_1774 = arith.constant 0xFF800000 : f32
    %broadcast_in_dim3A_1775 = vector.broadcast %jit3A_1774 : f32 to vector<256x128xf32>
    %select_n3A_1776 = arith.select %eq3A_1773, %broadcast_in_dim3A_1775, %select_n3A_1673 : vector<256x128xi1>, vector<256x128xf32>
    %eq3A_1777 = vector.broadcast %broadcast_in_dim3A_1741 : vector<256x1xi32> to vector<256x128xi32>
    %eq3A_1778 = arith.cmpi eq, %add3A_1577, %eq3A_1777 : vector<256x128xi32>
    %jit3A_1779 = arith.constant 0xFF800000 : f32
    %broadcast_in_dim3A_1780 = vector.broadcast %jit3A_1779 : f32 to vector<256x128xf32>
    %select_n3A_1781 = arith.select %eq3A_1778, %broadcast_in_dim3A_1780, %select_n3A_1678 : vector<256x128xi1>, vector<256x128xf32>
    %max3A_1782 = arith.maximumf %select_n3A_1746, %select_n3A_1751 : vector<256x128xf32>
    %max3A_1783 = arith.maximumf %max3A_1782, %select_n3A_1756 : vector<256x128xf32>
    %max3A_1784 = arith.maximumf %max3A_1783, %select_n3A_1761 : vector<256x128xf32>
    %max3A_1785 = arith.maximumf %max3A_1784, %select_n3A_1766 : vector<256x128xf32>
    %max3A_1786 = arith.maximumf %max3A_1785, %select_n3A_1771 : vector<256x128xf32>
    %max3A_1787 = arith.maximumf %max3A_1786, %select_n3A_1776 : vector<256x128xf32>
    %max3A_1788 = arith.maximumf %max3A_1787, %select_n3A_1781 : vector<256x128xf32>
    %reduce_max3A_1789 = arith.constant dense<0xFF800000> : vector<256xf32>
    %reduce_max3A_1790 = vector.multi_reduction <maximumf>, %max3A_1788, %reduce_max3A_1789 [1] : vector<256x128xf32> to vector<256xf32>
    %broadcast_in_dim3A_1791 = vector.shape_cast %reduce_max3A_1790 : vector<256xf32> to vector<256x1xf32>
    %broadcast_in_dim3A_1792 = arith.constant 8192 : i32
    %broadcast_in_dim3A_1793 = vector.broadcast %broadcast_in_dim3A_1792 : i32 to vector<256x128xi32>
    %eq3A_1794 = vector.broadcast %broadcast_in_dim3A_1791 : vector<256x1xf32> to vector<256x128xf32>
    %eq3A_1795 = arith.cmpf oeq, %select_n3A_1746, %eq3A_1794 : vector<256x128xf32>
    %jit3A_1796 = arith.constant 8192 : i32
    %broadcast_in_dim3A_1797 = vector.broadcast %jit3A_1796 : i32 to vector<256x128xi32>
    %select_n3A_1798 = arith.select %eq3A_1795, %add3A_1549, %broadcast_in_dim3A_1797 : vector<256x128xi1>, vector<256x128xi32>
    %min3A_1799 = arith.minsi %broadcast_in_dim3A_1793, %select_n3A_1798 : vector<256x128xi32>
    %eq3A_1800 = vector.broadcast %broadcast_in_dim3A_1791 : vector<256x1xf32> to vector<256x128xf32>
    %eq3A_1801 = arith.cmpf oeq, %select_n3A_1751, %eq3A_1800 : vector<256x128xf32>
    %jit3A_1802 = arith.constant 8192 : i32
    %broadcast_in_dim3A_1803 = vector.broadcast %jit3A_1802 : i32 to vector<256x128xi32>
    %select_n3A_1804 = arith.select %eq3A_1801, %add3A_1553, %broadcast_in_dim3A_1803 : vector<256x128xi1>, vector<256x128xi32>
    %min3A_1805 = arith.minsi %min3A_1799, %select_n3A_1804 : vector<256x128xi32>
    %eq3A_1806 = vector.broadcast %broadcast_in_dim3A_1791 : vector<256x1xf32> to vector<256x128xf32>
    %eq3A_1807 = arith.cmpf oeq, %select_n3A_1756, %eq3A_1806 : vector<256x128xf32>
    %jit3A_1808 = arith.constant 8192 : i32
    %broadcast_in_dim3A_1809 = vector.broadcast %jit3A_1808 : i32 to vector<256x128xi32>
    %select_n3A_1810 = arith.select %eq3A_1807, %add3A_1557, %broadcast_in_dim3A_1809 : vector<256x128xi1>, vector<256x128xi32>
    %min3A_1811 = arith.minsi %min3A_1805, %select_n3A_1810 : vector<256x128xi32>
    %eq3A_1812 = vector.broadcast %broadcast_in_dim3A_1791 : vector<256x1xf32> to vector<256x128xf32>
    %eq3A_1813 = arith.cmpf oeq, %select_n3A_1761, %eq3A_1812 : vector<256x128xf32>
    %jit3A_1814 = arith.constant 8192 : i32
    %broadcast_in_dim3A_1815 = vector.broadcast %jit3A_1814 : i32 to vector<256x128xi32>
    %select_n3A_1816 = arith.select %eq3A_1813, %add3A_1561, %broadcast_in_dim3A_1815 : vector<256x128xi1>, vector<256x128xi32>
    %min3A_1817 = arith.minsi %min3A_1811, %select_n3A_1816 : vector<256x128xi32>
    %eq3A_1818 = vector.broadcast %broadcast_in_dim3A_1791 : vector<256x1xf32> to vector<256x128xf32>
    %eq3A_1819 = arith.cmpf oeq, %select_n3A_1766, %eq3A_1818 : vector<256x128xf32>
    %jit3A_1820 = arith.constant 8192 : i32
    %broadcast_in_dim3A_1821 = vector.broadcast %jit3A_1820 : i32 to vector<256x128xi32>
    %select_n3A_1822 = arith.select %eq3A_1819, %add3A_1565, %broadcast_in_dim3A_1821 : vector<256x128xi1>, vector<256x128xi32>
    %min3A_1823 = arith.minsi %min3A_1817, %select_n3A_1822 : vector<256x128xi32>
    %eq3A_1824 = vector.broadcast %broadcast_in_dim3A_1791 : vector<256x1xf32> to vector<256x128xf32>
    %eq3A_1825 = arith.cmpf oeq, %select_n3A_1771, %eq3A_1824 : vector<256x128xf32>
    %jit3A_1826 = arith.constant 8192 : i32
    %broadcast_in_dim3A_1827 = vector.broadcast %jit3A_1826 : i32 to vector<256x128xi32>
    %select_n3A_1828 = arith.select %eq3A_1825, %add3A_1569, %broadcast_in_dim3A_1827 : vector<256x128xi1>, vector<256x128xi32>
    %min3A_1829 = arith.minsi %min3A_1823, %select_n3A_1828 : vector<256x128xi32>
    %eq3A_1830 = vector.broadcast %broadcast_in_dim3A_1791 : vector<256x1xf32> to vector<256x128xf32>
    %eq3A_1831 = arith.cmpf oeq, %select_n3A_1776, %eq3A_1830 : vector<256x128xf32>
    %jit3A_1832 = arith.constant 8192 : i32
    %broadcast_in_dim3A_1833 = vector.broadcast %jit3A_1832 : i32 to vector<256x128xi32>
    %select_n3A_1834 = arith.select %eq3A_1831, %add3A_1573, %broadcast_in_dim3A_1833 : vector<256x128xi1>, vector<256x128xi32>
    %min3A_1835 = arith.minsi %min3A_1829, %select_n3A_1834 : vector<256x128xi32>
    %eq3A_1836 = vector.broadcast %broadcast_in_dim3A_1791 : vector<256x1xf32> to vector<256x128xf32>
    %eq3A_1837 = arith.cmpf oeq, %select_n3A_1781, %eq3A_1836 : vector<256x128xf32>
    %jit3A_1838 = arith.constant 8192 : i32
    %broadcast_in_dim3A_1839 = vector.broadcast %jit3A_1838 : i32 to vector<256x128xi32>
    %select_n3A_1840 = arith.select %eq3A_1837, %add3A_1577, %broadcast_in_dim3A_1839 : vector<256x128xi1>, vector<256x128xi32>
    %min3A_1841 = arith.minsi %min3A_1835, %select_n3A_1840 : vector<256x128xi32>
    %reduce_min3A_1842 = arith.constant dense<2147483647> : vector<256xi32>
    %reduce_min3A_1843 = vector.multi_reduction <minsi>, %min3A_1841, %reduce_min3A_1842 [1] : vector<256x128xi32> to vector<256xi32>
    %broadcast_in_dim3A_1844 = vector.shape_cast %reduce_min3A_1843 : vector<256xi32> to vector<256x1xi32>
    %eq3A_1845 = vector.broadcast %broadcast_in_dim3A_1844 : vector<256x1xi32> to vector<256x128xi32>
    %eq3A_1846 = arith.cmpi eq, %add3A_1549, %eq3A_1845 : vector<256x128xi32>
    %jit3A_1847 = arith.constant 0xFF800000 : f32
    %broadcast_in_dim3A_1848 = vector.broadcast %jit3A_1847 : f32 to vector<256x128xf32>
    %select_n3A_1849 = arith.select %eq3A_1846, %broadcast_in_dim3A_1848, %select_n3A_1746 : vector<256x128xi1>, vector<256x128xf32>
    %eq3A_1850 = vector.broadcast %broadcast_in_dim3A_1844 : vector<256x1xi32> to vector<256x128xi32>
    %eq3A_1851 = arith.cmpi eq, %add3A_1553, %eq3A_1850 : vector<256x128xi32>
    %jit3A_1852 = arith.constant 0xFF800000 : f32
    %broadcast_in_dim3A_1853 = vector.broadcast %jit3A_1852 : f32 to vector<256x128xf32>
    %select_n3A_1854 = arith.select %eq3A_1851, %broadcast_in_dim3A_1853, %select_n3A_1751 : vector<256x128xi1>, vector<256x128xf32>
    %eq3A_1855 = vector.broadcast %broadcast_in_dim3A_1844 : vector<256x1xi32> to vector<256x128xi32>
    %eq3A_1856 = arith.cmpi eq, %add3A_1557, %eq3A_1855 : vector<256x128xi32>
    %jit3A_1857 = arith.constant 0xFF800000 : f32
    %broadcast_in_dim3A_1858 = vector.broadcast %jit3A_1857 : f32 to vector<256x128xf32>
    %select_n3A_1859 = arith.select %eq3A_1856, %broadcast_in_dim3A_1858, %select_n3A_1756 : vector<256x128xi1>, vector<256x128xf32>
    %eq3A_1860 = vector.broadcast %broadcast_in_dim3A_1844 : vector<256x1xi32> to vector<256x128xi32>
    %eq3A_1861 = arith.cmpi eq, %add3A_1561, %eq3A_1860 : vector<256x128xi32>
    %jit3A_1862 = arith.constant 0xFF800000 : f32
    %broadcast_in_dim3A_1863 = vector.broadcast %jit3A_1862 : f32 to vector<256x128xf32>
    %select_n3A_1864 = arith.select %eq3A_1861, %broadcast_in_dim3A_1863, %select_n3A_1761 : vector<256x128xi1>, vector<256x128xf32>
    %eq3A_1865 = vector.broadcast %broadcast_in_dim3A_1844 : vector<256x1xi32> to vector<256x128xi32>
    %eq3A_1866 = arith.cmpi eq, %add3A_1565, %eq3A_1865 : vector<256x128xi32>
    %jit3A_1867 = arith.constant 0xFF800000 : f32
    %broadcast_in_dim3A_1868 = vector.broadcast %jit3A_1867 : f32 to vector<256x128xf32>
    %select_n3A_1869 = arith.select %eq3A_1866, %broadcast_in_dim3A_1868, %select_n3A_1766 : vector<256x128xi1>, vector<256x128xf32>
    %eq3A_1870 = vector.broadcast %broadcast_in_dim3A_1844 : vector<256x1xi32> to vector<256x128xi32>
    %eq3A_1871 = arith.cmpi eq, %add3A_1569, %eq3A_1870 : vector<256x128xi32>
    %jit3A_1872 = arith.constant 0xFF800000 : f32
    %broadcast_in_dim3A_1873 = vector.broadcast %jit3A_1872 : f32 to vector<256x128xf32>
    %select_n3A_1874 = arith.select %eq3A_1871, %broadcast_in_dim3A_1873, %select_n3A_1771 : vector<256x128xi1>, vector<256x128xf32>
    %eq3A_1875 = vector.broadcast %broadcast_in_dim3A_1844 : vector<256x1xi32> to vector<256x128xi32>
    %eq3A_1876 = arith.cmpi eq, %add3A_1573, %eq3A_1875 : vector<256x128xi32>
    %jit3A_1877 = arith.constant 0xFF800000 : f32
    %broadcast_in_dim3A_1878 = vector.broadcast %jit3A_1877 : f32 to vector<256x128xf32>
    %select_n3A_1879 = arith.select %eq3A_1876, %broadcast_in_dim3A_1878, %select_n3A_1776 : vector<256x128xi1>, vector<256x128xf32>
    %eq3A_1880 = vector.broadcast %broadcast_in_dim3A_1844 : vector<256x1xi32> to vector<256x128xi32>
    %eq3A_1881 = arith.cmpi eq, %add3A_1577, %eq3A_1880 : vector<256x128xi32>
    %jit3A_1882 = arith.constant 0xFF800000 : f32
    %broadcast_in_dim3A_1883 = vector.broadcast %jit3A_1882 : f32 to vector<256x128xf32>
    %select_n3A_1884 = arith.select %eq3A_1881, %broadcast_in_dim3A_1883, %select_n3A_1781 : vector<256x128xi1>, vector<256x128xf32>
    %max3A_1885 = arith.maximumf %select_n3A_1849, %select_n3A_1854 : vector<256x128xf32>
    %max3A_1886 = arith.maximumf %max3A_1885, %select_n3A_1859 : vector<256x128xf32>
    %max3A_1887 = arith.maximumf %max3A_1886, %select_n3A_1864 : vector<256x128xf32>
    %max3A_1888 = arith.maximumf %max3A_1887, %select_n3A_1869 : vector<256x128xf32>
    %max3A_1889 = arith.maximumf %max3A_1888, %select_n3A_1874 : vector<256x128xf32>
    %max3A_1890 = arith.maximumf %max3A_1889, %select_n3A_1879 : vector<256x128xf32>
    %max3A_1891 = arith.maximumf %max3A_1890, %select_n3A_1884 : vector<256x128xf32>
    %reduce_max3A_1892 = arith.constant dense<0xFF800000> : vector<256xf32>
    %reduce_max3A_1893 = vector.multi_reduction <maximumf>, %max3A_1891, %reduce_max3A_1892 [1] : vector<256x128xf32> to vector<256xf32>
    %broadcast_in_dim3A_1894 = vector.shape_cast %reduce_max3A_1893 : vector<256xf32> to vector<256x1xf32>
    %broadcast_in_dim3A_1895 = arith.constant 8192 : i32
    %broadcast_in_dim3A_1896 = vector.broadcast %broadcast_in_dim3A_1895 : i32 to vector<256x128xi32>
    %eq3A_1897 = vector.broadcast %broadcast_in_dim3A_1894 : vector<256x1xf32> to vector<256x128xf32>
    %eq3A_1898 = arith.cmpf oeq, %select_n3A_1849, %eq3A_1897 : vector<256x128xf32>
    %jit3A_1899 = arith.constant 8192 : i32
    %broadcast_in_dim3A_1900 = vector.broadcast %jit3A_1899 : i32 to vector<256x128xi32>
    %select_n3A_1901 = arith.select %eq3A_1898, %add3A_1549, %broadcast_in_dim3A_1900 : vector<256x128xi1>, vector<256x128xi32>
    %min3A_1902 = arith.minsi %broadcast_in_dim3A_1896, %select_n3A_1901 : vector<256x128xi32>
    %eq3A_1903 = vector.broadcast %broadcast_in_dim3A_1894 : vector<256x1xf32> to vector<256x128xf32>
    %eq3A_1904 = arith.cmpf oeq, %select_n3A_1854, %eq3A_1903 : vector<256x128xf32>
    %jit3A_1905 = arith.constant 8192 : i32
    %broadcast_in_dim3A_1906 = vector.broadcast %jit3A_1905 : i32 to vector<256x128xi32>
    %select_n3A_1907 = arith.select %eq3A_1904, %add3A_1553, %broadcast_in_dim3A_1906 : vector<256x128xi1>, vector<256x128xi32>
    %min3A_1908 = arith.minsi %min3A_1902, %select_n3A_1907 : vector<256x128xi32>
    %eq3A_1909 = vector.broadcast %broadcast_in_dim3A_1894 : vector<256x1xf32> to vector<256x128xf32>
    %eq3A_1910 = arith.cmpf oeq, %select_n3A_1859, %eq3A_1909 : vector<256x128xf32>
    %jit3A_1911 = arith.constant 8192 : i32
    %broadcast_in_dim3A_1912 = vector.broadcast %jit3A_1911 : i32 to vector<256x128xi32>
    %select_n3A_1913 = arith.select %eq3A_1910, %add3A_1557, %broadcast_in_dim3A_1912 : vector<256x128xi1>, vector<256x128xi32>
    %min3A_1914 = arith.minsi %min3A_1908, %select_n3A_1913 : vector<256x128xi32>
    %eq3A_1915 = vector.broadcast %broadcast_in_dim3A_1894 : vector<256x1xf32> to vector<256x128xf32>
    %eq3A_1916 = arith.cmpf oeq, %select_n3A_1864, %eq3A_1915 : vector<256x128xf32>
    %jit3A_1917 = arith.constant 8192 : i32
    %broadcast_in_dim3A_1918 = vector.broadcast %jit3A_1917 : i32 to vector<256x128xi32>
    %select_n3A_1919 = arith.select %eq3A_1916, %add3A_1561, %broadcast_in_dim3A_1918 : vector<256x128xi1>, vector<256x128xi32>
    %min3A_1920 = arith.minsi %min3A_1914, %select_n3A_1919 : vector<256x128xi32>
    %eq3A_1921 = vector.broadcast %broadcast_in_dim3A_1894 : vector<256x1xf32> to vector<256x128xf32>
    %eq3A_1922 = arith.cmpf oeq, %select_n3A_1869, %eq3A_1921 : vector<256x128xf32>
    %jit3A_1923 = arith.constant 8192 : i32
    %broadcast_in_dim3A_1924 = vector.broadcast %jit3A_1923 : i32 to vector<256x128xi32>
    %select_n3A_1925 = arith.select %eq3A_1922, %add3A_1565, %broadcast_in_dim3A_1924 : vector<256x128xi1>, vector<256x128xi32>
    %min3A_1926 = arith.minsi %min3A_1920, %select_n3A_1925 : vector<256x128xi32>
    %eq3A_1927 = vector.broadcast %broadcast_in_dim3A_1894 : vector<256x1xf32> to vector<256x128xf32>
    %eq3A_1928 = arith.cmpf oeq, %select_n3A_1874, %eq3A_1927 : vector<256x128xf32>
    %jit3A_1929 = arith.constant 8192 : i32
    %broadcast_in_dim3A_1930 = vector.broadcast %jit3A_1929 : i32 to vector<256x128xi32>
    %select_n3A_1931 = arith.select %eq3A_1928, %add3A_1569, %broadcast_in_dim3A_1930 : vector<256x128xi1>, vector<256x128xi32>
    %min3A_1932 = arith.minsi %min3A_1926, %select_n3A_1931 : vector<256x128xi32>
    %eq3A_1933 = vector.broadcast %broadcast_in_dim3A_1894 : vector<256x1xf32> to vector<256x128xf32>
    %eq3A_1934 = arith.cmpf oeq, %select_n3A_1879, %eq3A_1933 : vector<256x128xf32>
    %jit3A_1935 = arith.constant 8192 : i32
    %broadcast_in_dim3A_1936 = vector.broadcast %jit3A_1935 : i32 to vector<256x128xi32>
    %select_n3A_1937 = arith.select %eq3A_1934, %add3A_1573, %broadcast_in_dim3A_1936 : vector<256x128xi1>, vector<256x128xi32>
    %min3A_1938 = arith.minsi %min3A_1932, %select_n3A_1937 : vector<256x128xi32>
    %eq3A_1939 = vector.broadcast %broadcast_in_dim3A_1894 : vector<256x1xf32> to vector<256x128xf32>
    %eq3A_1940 = arith.cmpf oeq, %select_n3A_1884, %eq3A_1939 : vector<256x128xf32>
    %jit3A_1941 = arith.constant 8192 : i32
    %broadcast_in_dim3A_1942 = vector.broadcast %jit3A_1941 : i32 to vector<256x128xi32>
    %select_n3A_1943 = arith.select %eq3A_1940, %add3A_1577, %broadcast_in_dim3A_1942 : vector<256x128xi1>, vector<256x128xi32>
    %min3A_1944 = arith.minsi %min3A_1938, %select_n3A_1943 : vector<256x128xi32>
    %reduce_min3A_1945 = arith.constant dense<2147483647> : vector<256xi32>
    %reduce_min3A_1946 = vector.multi_reduction <minsi>, %min3A_1944, %reduce_min3A_1945 [1] : vector<256x128xi32> to vector<256xi32>
    %broadcast_in_dim3A_1947 = vector.shape_cast %reduce_min3A_1946 : vector<256xi32> to vector<256x1xi32>
    %eq3A_1948 = vector.broadcast %broadcast_in_dim3A_1947 : vector<256x1xi32> to vector<256x128xi32>
    %eq3A_1949 = arith.cmpi eq, %add3A_1549, %eq3A_1948 : vector<256x128xi32>
    %jit3A_1950 = arith.constant 0xFF800000 : f32
    %broadcast_in_dim3A_1951 = vector.broadcast %jit3A_1950 : f32 to vector<256x128xf32>
    %select_n3A_1952 = arith.select %eq3A_1949, %broadcast_in_dim3A_1951, %select_n3A_1849 : vector<256x128xi1>, vector<256x128xf32>
    %eq3A_1953 = vector.broadcast %broadcast_in_dim3A_1947 : vector<256x1xi32> to vector<256x128xi32>
    %eq3A_1954 = arith.cmpi eq, %add3A_1553, %eq3A_1953 : vector<256x128xi32>
    %jit3A_1955 = arith.constant 0xFF800000 : f32
    %broadcast_in_dim3A_1956 = vector.broadcast %jit3A_1955 : f32 to vector<256x128xf32>
    %select_n3A_1957 = arith.select %eq3A_1954, %broadcast_in_dim3A_1956, %select_n3A_1854 : vector<256x128xi1>, vector<256x128xf32>
    %eq3A_1958 = vector.broadcast %broadcast_in_dim3A_1947 : vector<256x1xi32> to vector<256x128xi32>
    %eq3A_1959 = arith.cmpi eq, %add3A_1557, %eq3A_1958 : vector<256x128xi32>
    %jit3A_1960 = arith.constant 0xFF800000 : f32
    %broadcast_in_dim3A_1961 = vector.broadcast %jit3A_1960 : f32 to vector<256x128xf32>
    %select_n3A_1962 = arith.select %eq3A_1959, %broadcast_in_dim3A_1961, %select_n3A_1859 : vector<256x128xi1>, vector<256x128xf32>
    %eq3A_1963 = vector.broadcast %broadcast_in_dim3A_1947 : vector<256x1xi32> to vector<256x128xi32>
    %eq3A_1964 = arith.cmpi eq, %add3A_1561, %eq3A_1963 : vector<256x128xi32>
    %jit3A_1965 = arith.constant 0xFF800000 : f32
    %broadcast_in_dim3A_1966 = vector.broadcast %jit3A_1965 : f32 to vector<256x128xf32>
    %select_n3A_1967 = arith.select %eq3A_1964, %broadcast_in_dim3A_1966, %select_n3A_1864 : vector<256x128xi1>, vector<256x128xf32>
    %eq3A_1968 = vector.broadcast %broadcast_in_dim3A_1947 : vector<256x1xi32> to vector<256x128xi32>
    %eq3A_1969 = arith.cmpi eq, %add3A_1565, %eq3A_1968 : vector<256x128xi32>
    %jit3A_1970 = arith.constant 0xFF800000 : f32
    %broadcast_in_dim3A_1971 = vector.broadcast %jit3A_1970 : f32 to vector<256x128xf32>
    %select_n3A_1972 = arith.select %eq3A_1969, %broadcast_in_dim3A_1971, %select_n3A_1869 : vector<256x128xi1>, vector<256x128xf32>
    %eq3A_1973 = vector.broadcast %broadcast_in_dim3A_1947 : vector<256x1xi32> to vector<256x128xi32>
    %eq3A_1974 = arith.cmpi eq, %add3A_1569, %eq3A_1973 : vector<256x128xi32>
    %jit3A_1975 = arith.constant 0xFF800000 : f32
    %broadcast_in_dim3A_1976 = vector.broadcast %jit3A_1975 : f32 to vector<256x128xf32>
    %select_n3A_1977 = arith.select %eq3A_1974, %broadcast_in_dim3A_1976, %select_n3A_1874 : vector<256x128xi1>, vector<256x128xf32>
    %eq3A_1978 = vector.broadcast %broadcast_in_dim3A_1947 : vector<256x1xi32> to vector<256x128xi32>
    %eq3A_1979 = arith.cmpi eq, %add3A_1573, %eq3A_1978 : vector<256x128xi32>
    %jit3A_1980 = arith.constant 0xFF800000 : f32
    %broadcast_in_dim3A_1981 = vector.broadcast %jit3A_1980 : f32 to vector<256x128xf32>
    %select_n3A_1982 = arith.select %eq3A_1979, %broadcast_in_dim3A_1981, %select_n3A_1879 : vector<256x128xi1>, vector<256x128xf32>
    %eq3A_1983 = vector.broadcast %broadcast_in_dim3A_1947 : vector<256x1xi32> to vector<256x128xi32>
    %eq3A_1984 = arith.cmpi eq, %add3A_1577, %eq3A_1983 : vector<256x128xi32>
    %jit3A_1985 = arith.constant 0xFF800000 : f32
    %broadcast_in_dim3A_1986 = vector.broadcast %jit3A_1985 : f32 to vector<256x128xf32>
    %select_n3A_1987 = arith.select %eq3A_1984, %broadcast_in_dim3A_1986, %select_n3A_1884 : vector<256x128xi1>, vector<256x128xf32>
    %max3A_1988 = arith.maximumf %select_n3A_1952, %select_n3A_1957 : vector<256x128xf32>
    %max3A_1989 = arith.maximumf %max3A_1988, %select_n3A_1962 : vector<256x128xf32>
    %max3A_1990 = arith.maximumf %max3A_1989, %select_n3A_1967 : vector<256x128xf32>
    %max3A_1991 = arith.maximumf %max3A_1990, %select_n3A_1972 : vector<256x128xf32>
    %max3A_1992 = arith.maximumf %max3A_1991, %select_n3A_1977 : vector<256x128xf32>
    %max3A_1993 = arith.maximumf %max3A_1992, %select_n3A_1982 : vector<256x128xf32>
    %max3A_1994 = arith.maximumf %max3A_1993, %select_n3A_1987 : vector<256x128xf32>
    %reduce_max3A_1995 = arith.constant dense<0xFF800000> : vector<256xf32>
    %reduce_max3A_1996 = vector.multi_reduction <maximumf>, %max3A_1994, %reduce_max3A_1995 [1] : vector<256x128xf32> to vector<256xf32>
    %broadcast_in_dim3A_1997 = vector.shape_cast %reduce_max3A_1996 : vector<256xf32> to vector<256x1xf32>
    %broadcast_in_dim3A_1998 = arith.constant 8192 : i32
    %broadcast_in_dim3A_1999 = vector.broadcast %broadcast_in_dim3A_1998 : i32 to vector<256x128xi32>
    %eq3A_2000 = vector.broadcast %broadcast_in_dim3A_1997 : vector<256x1xf32> to vector<256x128xf32>
    %eq3A_2001 = arith.cmpf oeq, %select_n3A_1952, %eq3A_2000 : vector<256x128xf32>
    %jit3A_2002 = arith.constant 8192 : i32
    %broadcast_in_dim3A_2003 = vector.broadcast %jit3A_2002 : i32 to vector<256x128xi32>
    %select_n3A_2004 = arith.select %eq3A_2001, %add3A_1549, %broadcast_in_dim3A_2003 : vector<256x128xi1>, vector<256x128xi32>
    %min3A_2005 = arith.minsi %broadcast_in_dim3A_1999, %select_n3A_2004 : vector<256x128xi32>
    %eq3A_2006 = vector.broadcast %broadcast_in_dim3A_1997 : vector<256x1xf32> to vector<256x128xf32>
    %eq3A_2007 = arith.cmpf oeq, %select_n3A_1957, %eq3A_2006 : vector<256x128xf32>
    %jit3A_2008 = arith.constant 8192 : i32
    %broadcast_in_dim3A_2009 = vector.broadcast %jit3A_2008 : i32 to vector<256x128xi32>
    %select_n3A_2010 = arith.select %eq3A_2007, %add3A_1553, %broadcast_in_dim3A_2009 : vector<256x128xi1>, vector<256x128xi32>
    %min3A_2011 = arith.minsi %min3A_2005, %select_n3A_2010 : vector<256x128xi32>
    %eq3A_2012 = vector.broadcast %broadcast_in_dim3A_1997 : vector<256x1xf32> to vector<256x128xf32>
    %eq3A_2013 = arith.cmpf oeq, %select_n3A_1962, %eq3A_2012 : vector<256x128xf32>
    %jit3A_2014 = arith.constant 8192 : i32
    %broadcast_in_dim3A_2015 = vector.broadcast %jit3A_2014 : i32 to vector<256x128xi32>
    %select_n3A_2016 = arith.select %eq3A_2013, %add3A_1557, %broadcast_in_dim3A_2015 : vector<256x128xi1>, vector<256x128xi32>
    %min3A_2017 = arith.minsi %min3A_2011, %select_n3A_2016 : vector<256x128xi32>
    %eq3A_2018 = vector.broadcast %broadcast_in_dim3A_1997 : vector<256x1xf32> to vector<256x128xf32>
    %eq3A_2019 = arith.cmpf oeq, %select_n3A_1967, %eq3A_2018 : vector<256x128xf32>
    %jit3A_2020 = arith.constant 8192 : i32
    %broadcast_in_dim3A_2021 = vector.broadcast %jit3A_2020 : i32 to vector<256x128xi32>
    %select_n3A_2022 = arith.select %eq3A_2019, %add3A_1561, %broadcast_in_dim3A_2021 : vector<256x128xi1>, vector<256x128xi32>
    %min3A_2023 = arith.minsi %min3A_2017, %select_n3A_2022 : vector<256x128xi32>
    %eq3A_2024 = vector.broadcast %broadcast_in_dim3A_1997 : vector<256x1xf32> to vector<256x128xf32>
    %eq3A_2025 = arith.cmpf oeq, %select_n3A_1972, %eq3A_2024 : vector<256x128xf32>
    %jit3A_2026 = arith.constant 8192 : i32
    %broadcast_in_dim3A_2027 = vector.broadcast %jit3A_2026 : i32 to vector<256x128xi32>
    %select_n3A_2028 = arith.select %eq3A_2025, %add3A_1565, %broadcast_in_dim3A_2027 : vector<256x128xi1>, vector<256x128xi32>
    %min3A_2029 = arith.minsi %min3A_2023, %select_n3A_2028 : vector<256x128xi32>
    %eq3A_2030 = vector.broadcast %broadcast_in_dim3A_1997 : vector<256x1xf32> to vector<256x128xf32>
    %eq3A_2031 = arith.cmpf oeq, %select_n3A_1977, %eq3A_2030 : vector<256x128xf32>
    %jit3A_2032 = arith.constant 8192 : i32
    %broadcast_in_dim3A_2033 = vector.broadcast %jit3A_2032 : i32 to vector<256x128xi32>
    %select_n3A_2034 = arith.select %eq3A_2031, %add3A_1569, %broadcast_in_dim3A_2033 : vector<256x128xi1>, vector<256x128xi32>
    %min3A_2035 = arith.minsi %min3A_2029, %select_n3A_2034 : vector<256x128xi32>
    %eq3A_2036 = vector.broadcast %broadcast_in_dim3A_1997 : vector<256x1xf32> to vector<256x128xf32>
    %eq3A_2037 = arith.cmpf oeq, %select_n3A_1982, %eq3A_2036 : vector<256x128xf32>
    %jit3A_2038 = arith.constant 8192 : i32
    %broadcast_in_dim3A_2039 = vector.broadcast %jit3A_2038 : i32 to vector<256x128xi32>
    %select_n3A_2040 = arith.select %eq3A_2037, %add3A_1573, %broadcast_in_dim3A_2039 : vector<256x128xi1>, vector<256x128xi32>
    %min3A_2041 = arith.minsi %min3A_2035, %select_n3A_2040 : vector<256x128xi32>
    %eq3A_2042 = vector.broadcast %broadcast_in_dim3A_1997 : vector<256x1xf32> to vector<256x128xf32>
    %eq3A_2043 = arith.cmpf oeq, %select_n3A_1987, %eq3A_2042 : vector<256x128xf32>
    %jit3A_2044 = arith.constant 8192 : i32
    %broadcast_in_dim3A_2045 = vector.broadcast %jit3A_2044 : i32 to vector<256x128xi32>
    %select_n3A_2046 = arith.select %eq3A_2043, %add3A_1577, %broadcast_in_dim3A_2045 : vector<256x128xi1>, vector<256x128xi32>
    %min3A_2047 = arith.minsi %min3A_2041, %select_n3A_2046 : vector<256x128xi32>
    %reduce_min3A_2048 = arith.constant dense<2147483647> : vector<256xi32>
    %reduce_min3A_2049 = vector.multi_reduction <minsi>, %min3A_2047, %reduce_min3A_2048 [1] : vector<256x128xi32> to vector<256xi32>
    %broadcast_in_dim3A_2050 = vector.shape_cast %reduce_min3A_2049 : vector<256xi32> to vector<256x1xi32>
    %eq3A_2051 = vector.broadcast %broadcast_in_dim3A_2050 : vector<256x1xi32> to vector<256x128xi32>
    %eq3A_2052 = arith.cmpi eq, %add3A_1549, %eq3A_2051 : vector<256x128xi32>
    %jit3A_2053 = arith.constant 0xFF800000 : f32
    %broadcast_in_dim3A_2054 = vector.broadcast %jit3A_2053 : f32 to vector<256x128xf32>
    %select_n3A_2055 = arith.select %eq3A_2052, %broadcast_in_dim3A_2054, %select_n3A_1952 : vector<256x128xi1>, vector<256x128xf32>
    %eq3A_2056 = vector.broadcast %broadcast_in_dim3A_2050 : vector<256x1xi32> to vector<256x128xi32>
    %eq3A_2057 = arith.cmpi eq, %add3A_1553, %eq3A_2056 : vector<256x128xi32>
    %jit3A_2058 = arith.constant 0xFF800000 : f32
    %broadcast_in_dim3A_2059 = vector.broadcast %jit3A_2058 : f32 to vector<256x128xf32>
    %select_n3A_2060 = arith.select %eq3A_2057, %broadcast_in_dim3A_2059, %select_n3A_1957 : vector<256x128xi1>, vector<256x128xf32>
    %eq3A_2061 = vector.broadcast %broadcast_in_dim3A_2050 : vector<256x1xi32> to vector<256x128xi32>
    %eq3A_2062 = arith.cmpi eq, %add3A_1557, %eq3A_2061 : vector<256x128xi32>
    %jit3A_2063 = arith.constant 0xFF800000 : f32
    %broadcast_in_dim3A_2064 = vector.broadcast %jit3A_2063 : f32 to vector<256x128xf32>
    %select_n3A_2065 = arith.select %eq3A_2062, %broadcast_in_dim3A_2064, %select_n3A_1962 : vector<256x128xi1>, vector<256x128xf32>
    %eq3A_2066 = vector.broadcast %broadcast_in_dim3A_2050 : vector<256x1xi32> to vector<256x128xi32>
    %eq3A_2067 = arith.cmpi eq, %add3A_1561, %eq3A_2066 : vector<256x128xi32>
    %jit3A_2068 = arith.constant 0xFF800000 : f32
    %broadcast_in_dim3A_2069 = vector.broadcast %jit3A_2068 : f32 to vector<256x128xf32>
    %select_n3A_2070 = arith.select %eq3A_2067, %broadcast_in_dim3A_2069, %select_n3A_1967 : vector<256x128xi1>, vector<256x128xf32>
    %eq3A_2071 = vector.broadcast %broadcast_in_dim3A_2050 : vector<256x1xi32> to vector<256x128xi32>
    %eq3A_2072 = arith.cmpi eq, %add3A_1565, %eq3A_2071 : vector<256x128xi32>
    %jit3A_2073 = arith.constant 0xFF800000 : f32
    %broadcast_in_dim3A_2074 = vector.broadcast %jit3A_2073 : f32 to vector<256x128xf32>
    %select_n3A_2075 = arith.select %eq3A_2072, %broadcast_in_dim3A_2074, %select_n3A_1972 : vector<256x128xi1>, vector<256x128xf32>
    %eq3A_2076 = vector.broadcast %broadcast_in_dim3A_2050 : vector<256x1xi32> to vector<256x128xi32>
    %eq3A_2077 = arith.cmpi eq, %add3A_1569, %eq3A_2076 : vector<256x128xi32>
    %jit3A_2078 = arith.constant 0xFF800000 : f32
    %broadcast_in_dim3A_2079 = vector.broadcast %jit3A_2078 : f32 to vector<256x128xf32>
    %select_n3A_2080 = arith.select %eq3A_2077, %broadcast_in_dim3A_2079, %select_n3A_1977 : vector<256x128xi1>, vector<256x128xf32>
    %eq3A_2081 = vector.broadcast %broadcast_in_dim3A_2050 : vector<256x1xi32> to vector<256x128xi32>
    %eq3A_2082 = arith.cmpi eq, %add3A_1573, %eq3A_2081 : vector<256x128xi32>
    %jit3A_2083 = arith.constant 0xFF800000 : f32
    %broadcast_in_dim3A_2084 = vector.broadcast %jit3A_2083 : f32 to vector<256x128xf32>
    %select_n3A_2085 = arith.select %eq3A_2082, %broadcast_in_dim3A_2084, %select_n3A_1982 : vector<256x128xi1>, vector<256x128xf32>
    %eq3A_2086 = vector.broadcast %broadcast_in_dim3A_2050 : vector<256x1xi32> to vector<256x128xi32>
    %eq3A_2087 = arith.cmpi eq, %add3A_1577, %eq3A_2086 : vector<256x128xi32>
    %jit3A_2088 = arith.constant 0xFF800000 : f32
    %broadcast_in_dim3A_2089 = vector.broadcast %jit3A_2088 : f32 to vector<256x128xf32>
    %select_n3A_2090 = arith.select %eq3A_2087, %broadcast_in_dim3A_2089, %select_n3A_1987 : vector<256x128xi1>, vector<256x128xf32>
    %max3A_2091 = arith.maximumf %select_n3A_2055, %select_n3A_2060 : vector<256x128xf32>
    %max3A_2092 = arith.maximumf %max3A_2091, %select_n3A_2065 : vector<256x128xf32>
    %max3A_2093 = arith.maximumf %max3A_2092, %select_n3A_2070 : vector<256x128xf32>
    %max3A_2094 = arith.maximumf %max3A_2093, %select_n3A_2075 : vector<256x128xf32>
    %max3A_2095 = arith.maximumf %max3A_2094, %select_n3A_2080 : vector<256x128xf32>
    %max3A_2096 = arith.maximumf %max3A_2095, %select_n3A_2085 : vector<256x128xf32>
    %max3A_2097 = arith.maximumf %max3A_2096, %select_n3A_2090 : vector<256x128xf32>
    %reduce_max3A_2098 = arith.constant dense<0xFF800000> : vector<256xf32>
    %reduce_max3A_2099 = vector.multi_reduction <maximumf>, %max3A_2097, %reduce_max3A_2098 [1] : vector<256x128xf32> to vector<256xf32>
    %broadcast_in_dim3A_2100 = vector.shape_cast %reduce_max3A_2099 : vector<256xf32> to vector<256x1xf32>
    %broadcast_in_dim3A_2101 = arith.constant 8192 : i32
    %broadcast_in_dim3A_2102 = vector.broadcast %broadcast_in_dim3A_2101 : i32 to vector<256x128xi32>
    %eq3A_2103 = vector.broadcast %broadcast_in_dim3A_2100 : vector<256x1xf32> to vector<256x128xf32>
    %eq3A_2104 = arith.cmpf oeq, %select_n3A_2055, %eq3A_2103 : vector<256x128xf32>
    %jit3A_2105 = arith.constant 8192 : i32
    %broadcast_in_dim3A_2106 = vector.broadcast %jit3A_2105 : i32 to vector<256x128xi32>
    %select_n3A_2107 = arith.select %eq3A_2104, %add3A_1549, %broadcast_in_dim3A_2106 : vector<256x128xi1>, vector<256x128xi32>
    %min3A_2108 = arith.minsi %broadcast_in_dim3A_2102, %select_n3A_2107 : vector<256x128xi32>
    %eq3A_2109 = vector.broadcast %broadcast_in_dim3A_2100 : vector<256x1xf32> to vector<256x128xf32>
    %eq3A_2110 = arith.cmpf oeq, %select_n3A_2060, %eq3A_2109 : vector<256x128xf32>
    %jit3A_2111 = arith.constant 8192 : i32
    %broadcast_in_dim3A_2112 = vector.broadcast %jit3A_2111 : i32 to vector<256x128xi32>
    %select_n3A_2113 = arith.select %eq3A_2110, %add3A_1553, %broadcast_in_dim3A_2112 : vector<256x128xi1>, vector<256x128xi32>
    %min3A_2114 = arith.minsi %min3A_2108, %select_n3A_2113 : vector<256x128xi32>
    %eq3A_2115 = vector.broadcast %broadcast_in_dim3A_2100 : vector<256x1xf32> to vector<256x128xf32>
    %eq3A_2116 = arith.cmpf oeq, %select_n3A_2065, %eq3A_2115 : vector<256x128xf32>
    %jit3A_2117 = arith.constant 8192 : i32
    %broadcast_in_dim3A_2118 = vector.broadcast %jit3A_2117 : i32 to vector<256x128xi32>
    %select_n3A_2119 = arith.select %eq3A_2116, %add3A_1557, %broadcast_in_dim3A_2118 : vector<256x128xi1>, vector<256x128xi32>
    %min3A_2120 = arith.minsi %min3A_2114, %select_n3A_2119 : vector<256x128xi32>
    %eq3A_2121 = vector.broadcast %broadcast_in_dim3A_2100 : vector<256x1xf32> to vector<256x128xf32>
    %eq3A_2122 = arith.cmpf oeq, %select_n3A_2070, %eq3A_2121 : vector<256x128xf32>
    %jit3A_2123 = arith.constant 8192 : i32
    %broadcast_in_dim3A_2124 = vector.broadcast %jit3A_2123 : i32 to vector<256x128xi32>
    %select_n3A_2125 = arith.select %eq3A_2122, %add3A_1561, %broadcast_in_dim3A_2124 : vector<256x128xi1>, vector<256x128xi32>
    %min3A_2126 = arith.minsi %min3A_2120, %select_n3A_2125 : vector<256x128xi32>
    %eq3A_2127 = vector.broadcast %broadcast_in_dim3A_2100 : vector<256x1xf32> to vector<256x128xf32>
    %eq3A_2128 = arith.cmpf oeq, %select_n3A_2075, %eq3A_2127 : vector<256x128xf32>
    %jit3A_2129 = arith.constant 8192 : i32
    %broadcast_in_dim3A_2130 = vector.broadcast %jit3A_2129 : i32 to vector<256x128xi32>
    %select_n3A_2131 = arith.select %eq3A_2128, %add3A_1565, %broadcast_in_dim3A_2130 : vector<256x128xi1>, vector<256x128xi32>
    %min3A_2132 = arith.minsi %min3A_2126, %select_n3A_2131 : vector<256x128xi32>
    %eq3A_2133 = vector.broadcast %broadcast_in_dim3A_2100 : vector<256x1xf32> to vector<256x128xf32>
    %eq3A_2134 = arith.cmpf oeq, %select_n3A_2080, %eq3A_2133 : vector<256x128xf32>
    %jit3A_2135 = arith.constant 8192 : i32
    %broadcast_in_dim3A_2136 = vector.broadcast %jit3A_2135 : i32 to vector<256x128xi32>
    %select_n3A_2137 = arith.select %eq3A_2134, %add3A_1569, %broadcast_in_dim3A_2136 : vector<256x128xi1>, vector<256x128xi32>
    %min3A_2138 = arith.minsi %min3A_2132, %select_n3A_2137 : vector<256x128xi32>
    %eq3A_2139 = vector.broadcast %broadcast_in_dim3A_2100 : vector<256x1xf32> to vector<256x128xf32>
    %eq3A_2140 = arith.cmpf oeq, %select_n3A_2085, %eq3A_2139 : vector<256x128xf32>
    %jit3A_2141 = arith.constant 8192 : i32
    %broadcast_in_dim3A_2142 = vector.broadcast %jit3A_2141 : i32 to vector<256x128xi32>
    %select_n3A_2143 = arith.select %eq3A_2140, %add3A_1573, %broadcast_in_dim3A_2142 : vector<256x128xi1>, vector<256x128xi32>
    %min3A_2144 = arith.minsi %min3A_2138, %select_n3A_2143 : vector<256x128xi32>
    %eq3A_2145 = vector.broadcast %broadcast_in_dim3A_2100 : vector<256x1xf32> to vector<256x128xf32>
    %eq3A_2146 = arith.cmpf oeq, %select_n3A_2090, %eq3A_2145 : vector<256x128xf32>
    %jit3A_2147 = arith.constant 8192 : i32
    %broadcast_in_dim3A_2148 = vector.broadcast %jit3A_2147 : i32 to vector<256x128xi32>
    %select_n3A_2149 = arith.select %eq3A_2146, %add3A_1577, %broadcast_in_dim3A_2148 : vector<256x128xi1>, vector<256x128xi32>
    %min3A_2150 = arith.minsi %min3A_2144, %select_n3A_2149 : vector<256x128xi32>
    %reduce_min3A_2151 = arith.constant dense<2147483647> : vector<256xi32>
    %reduce_min3A_2152 = vector.multi_reduction <minsi>, %min3A_2150, %reduce_min3A_2151 [1] : vector<256x128xi32> to vector<256xi32>
    %broadcast_in_dim3A_2153 = vector.shape_cast %reduce_min3A_2152 : vector<256xi32> to vector<256x1xi32>
    %eq3A_2154 = vector.broadcast %broadcast_in_dim3A_2153 : vector<256x1xi32> to vector<256x128xi32>
    %eq3A_2155 = arith.cmpi eq, %add3A_1549, %eq3A_2154 : vector<256x128xi32>
    %jit3A_2156 = arith.constant 0xFF800000 : f32
    %broadcast_in_dim3A_2157 = vector.broadcast %jit3A_2156 : f32 to vector<256x128xf32>
    %select_n3A_2158 = arith.select %eq3A_2155, %broadcast_in_dim3A_2157, %select_n3A_2055 : vector<256x128xi1>, vector<256x128xf32>
    %eq3A_2159 = vector.broadcast %broadcast_in_dim3A_2153 : vector<256x1xi32> to vector<256x128xi32>
    %eq3A_2160 = arith.cmpi eq, %add3A_1553, %eq3A_2159 : vector<256x128xi32>
    %jit3A_2161 = arith.constant 0xFF800000 : f32
    %broadcast_in_dim3A_2162 = vector.broadcast %jit3A_2161 : f32 to vector<256x128xf32>
    %select_n3A_2163 = arith.select %eq3A_2160, %broadcast_in_dim3A_2162, %select_n3A_2060 : vector<256x128xi1>, vector<256x128xf32>
    %eq3A_2164 = vector.broadcast %broadcast_in_dim3A_2153 : vector<256x1xi32> to vector<256x128xi32>
    %eq3A_2165 = arith.cmpi eq, %add3A_1557, %eq3A_2164 : vector<256x128xi32>
    %jit3A_2166 = arith.constant 0xFF800000 : f32
    %broadcast_in_dim3A_2167 = vector.broadcast %jit3A_2166 : f32 to vector<256x128xf32>
    %select_n3A_2168 = arith.select %eq3A_2165, %broadcast_in_dim3A_2167, %select_n3A_2065 : vector<256x128xi1>, vector<256x128xf32>
    %eq3A_2169 = vector.broadcast %broadcast_in_dim3A_2153 : vector<256x1xi32> to vector<256x128xi32>
    %eq3A_2170 = arith.cmpi eq, %add3A_1561, %eq3A_2169 : vector<256x128xi32>
    %jit3A_2171 = arith.constant 0xFF800000 : f32
    %broadcast_in_dim3A_2172 = vector.broadcast %jit3A_2171 : f32 to vector<256x128xf32>
    %select_n3A_2173 = arith.select %eq3A_2170, %broadcast_in_dim3A_2172, %select_n3A_2070 : vector<256x128xi1>, vector<256x128xf32>
    %eq3A_2174 = vector.broadcast %broadcast_in_dim3A_2153 : vector<256x1xi32> to vector<256x128xi32>
    %eq3A_2175 = arith.cmpi eq, %add3A_1565, %eq3A_2174 : vector<256x128xi32>
    %jit3A_2176 = arith.constant 0xFF800000 : f32
    %broadcast_in_dim3A_2177 = vector.broadcast %jit3A_2176 : f32 to vector<256x128xf32>
    %select_n3A_2178 = arith.select %eq3A_2175, %broadcast_in_dim3A_2177, %select_n3A_2075 : vector<256x128xi1>, vector<256x128xf32>
    %eq3A_2179 = vector.broadcast %broadcast_in_dim3A_2153 : vector<256x1xi32> to vector<256x128xi32>
    %eq3A_2180 = arith.cmpi eq, %add3A_1569, %eq3A_2179 : vector<256x128xi32>
    %jit3A_2181 = arith.constant 0xFF800000 : f32
    %broadcast_in_dim3A_2182 = vector.broadcast %jit3A_2181 : f32 to vector<256x128xf32>
    %select_n3A_2183 = arith.select %eq3A_2180, %broadcast_in_dim3A_2182, %select_n3A_2080 : vector<256x128xi1>, vector<256x128xf32>
    %eq3A_2184 = vector.broadcast %broadcast_in_dim3A_2153 : vector<256x1xi32> to vector<256x128xi32>
    %eq3A_2185 = arith.cmpi eq, %add3A_1573, %eq3A_2184 : vector<256x128xi32>
    %jit3A_2186 = arith.constant 0xFF800000 : f32
    %broadcast_in_dim3A_2187 = vector.broadcast %jit3A_2186 : f32 to vector<256x128xf32>
    %select_n3A_2188 = arith.select %eq3A_2185, %broadcast_in_dim3A_2187, %select_n3A_2085 : vector<256x128xi1>, vector<256x128xf32>
    %eq3A_2189 = vector.broadcast %broadcast_in_dim3A_2153 : vector<256x1xi32> to vector<256x128xi32>
    %eq3A_2190 = arith.cmpi eq, %add3A_1577, %eq3A_2189 : vector<256x128xi32>
    %jit3A_2191 = arith.constant 0xFF800000 : f32
    %broadcast_in_dim3A_2192 = vector.broadcast %jit3A_2191 : f32 to vector<256x128xf32>
    %select_n3A_2193 = arith.select %eq3A_2190, %broadcast_in_dim3A_2192, %select_n3A_2090 : vector<256x128xi1>, vector<256x128xf32>
    %max3A_2194 = arith.maximumf %select_n3A_2158, %select_n3A_2163 : vector<256x128xf32>
    %max3A_2195 = arith.maximumf %max3A_2194, %select_n3A_2168 : vector<256x128xf32>
    %max3A_2196 = arith.maximumf %max3A_2195, %select_n3A_2173 : vector<256x128xf32>
    %max3A_2197 = arith.maximumf %max3A_2196, %select_n3A_2178 : vector<256x128xf32>
    %max3A_2198 = arith.maximumf %max3A_2197, %select_n3A_2183 : vector<256x128xf32>
    %max3A_2199 = arith.maximumf %max3A_2198, %select_n3A_2188 : vector<256x128xf32>
    %max3A_2200 = arith.maximumf %max3A_2199, %select_n3A_2193 : vector<256x128xf32>
    %reduce_max3A_2201 = arith.constant dense<0xFF800000> : vector<256xf32>
    %reduce_max3A_2202 = vector.multi_reduction <maximumf>, %max3A_2200, %reduce_max3A_2201 [1] : vector<256x128xf32> to vector<256xf32>
    %broadcast_in_dim3A_2203 = vector.shape_cast %reduce_max3A_2202 : vector<256xf32> to vector<256x1xf32>
    %broadcast_in_dim3A_2204 = arith.constant 8192 : i32
    %broadcast_in_dim3A_2205 = vector.broadcast %broadcast_in_dim3A_2204 : i32 to vector<256x128xi32>
    %eq3A_2206 = vector.broadcast %broadcast_in_dim3A_2203 : vector<256x1xf32> to vector<256x128xf32>
    %eq3A_2207 = arith.cmpf oeq, %select_n3A_2158, %eq3A_2206 : vector<256x128xf32>
    %jit3A_2208 = arith.constant 8192 : i32
    %broadcast_in_dim3A_2209 = vector.broadcast %jit3A_2208 : i32 to vector<256x128xi32>
    %select_n3A_2210 = arith.select %eq3A_2207, %add3A_1549, %broadcast_in_dim3A_2209 : vector<256x128xi1>, vector<256x128xi32>
    %min3A_2211 = arith.minsi %broadcast_in_dim3A_2205, %select_n3A_2210 : vector<256x128xi32>
    %eq3A_2212 = vector.broadcast %broadcast_in_dim3A_2203 : vector<256x1xf32> to vector<256x128xf32>
    %eq3A_2213 = arith.cmpf oeq, %select_n3A_2163, %eq3A_2212 : vector<256x128xf32>
    %jit3A_2214 = arith.constant 8192 : i32
    %broadcast_in_dim3A_2215 = vector.broadcast %jit3A_2214 : i32 to vector<256x128xi32>
    %select_n3A_2216 = arith.select %eq3A_2213, %add3A_1553, %broadcast_in_dim3A_2215 : vector<256x128xi1>, vector<256x128xi32>
    %min3A_2217 = arith.minsi %min3A_2211, %select_n3A_2216 : vector<256x128xi32>
    %eq3A_2218 = vector.broadcast %broadcast_in_dim3A_2203 : vector<256x1xf32> to vector<256x128xf32>
    %eq3A_2219 = arith.cmpf oeq, %select_n3A_2168, %eq3A_2218 : vector<256x128xf32>
    %jit3A_2220 = arith.constant 8192 : i32
    %broadcast_in_dim3A_2221 = vector.broadcast %jit3A_2220 : i32 to vector<256x128xi32>
    %select_n3A_2222 = arith.select %eq3A_2219, %add3A_1557, %broadcast_in_dim3A_2221 : vector<256x128xi1>, vector<256x128xi32>
    %min3A_2223 = arith.minsi %min3A_2217, %select_n3A_2222 : vector<256x128xi32>
    %eq3A_2224 = vector.broadcast %broadcast_in_dim3A_2203 : vector<256x1xf32> to vector<256x128xf32>
    %eq3A_2225 = arith.cmpf oeq, %select_n3A_2173, %eq3A_2224 : vector<256x128xf32>
    %jit3A_2226 = arith.constant 8192 : i32
    %broadcast_in_dim3A_2227 = vector.broadcast %jit3A_2226 : i32 to vector<256x128xi32>
    %select_n3A_2228 = arith.select %eq3A_2225, %add3A_1561, %broadcast_in_dim3A_2227 : vector<256x128xi1>, vector<256x128xi32>
    %min3A_2229 = arith.minsi %min3A_2223, %select_n3A_2228 : vector<256x128xi32>
    %eq3A_2230 = vector.broadcast %broadcast_in_dim3A_2203 : vector<256x1xf32> to vector<256x128xf32>
    %eq3A_2231 = arith.cmpf oeq, %select_n3A_2178, %eq3A_2230 : vector<256x128xf32>
    %jit3A_2232 = arith.constant 8192 : i32
    %broadcast_in_dim3A_2233 = vector.broadcast %jit3A_2232 : i32 to vector<256x128xi32>
    %select_n3A_2234 = arith.select %eq3A_2231, %add3A_1565, %broadcast_in_dim3A_2233 : vector<256x128xi1>, vector<256x128xi32>
    %min3A_2235 = arith.minsi %min3A_2229, %select_n3A_2234 : vector<256x128xi32>
    %eq3A_2236 = vector.broadcast %broadcast_in_dim3A_2203 : vector<256x1xf32> to vector<256x128xf32>
    %eq3A_2237 = arith.cmpf oeq, %select_n3A_2183, %eq3A_2236 : vector<256x128xf32>
    %jit3A_2238 = arith.constant 8192 : i32
    %broadcast_in_dim3A_2239 = vector.broadcast %jit3A_2238 : i32 to vector<256x128xi32>
    %select_n3A_2240 = arith.select %eq3A_2237, %add3A_1569, %broadcast_in_dim3A_2239 : vector<256x128xi1>, vector<256x128xi32>
    %min3A_2241 = arith.minsi %min3A_2235, %select_n3A_2240 : vector<256x128xi32>
    %eq3A_2242 = vector.broadcast %broadcast_in_dim3A_2203 : vector<256x1xf32> to vector<256x128xf32>
    %eq3A_2243 = arith.cmpf oeq, %select_n3A_2188, %eq3A_2242 : vector<256x128xf32>
    %jit3A_2244 = arith.constant 8192 : i32
    %broadcast_in_dim3A_2245 = vector.broadcast %jit3A_2244 : i32 to vector<256x128xi32>
    %select_n3A_2246 = arith.select %eq3A_2243, %add3A_1573, %broadcast_in_dim3A_2245 : vector<256x128xi1>, vector<256x128xi32>
    %min3A_2247 = arith.minsi %min3A_2241, %select_n3A_2246 : vector<256x128xi32>
    %eq3A_2248 = vector.broadcast %broadcast_in_dim3A_2203 : vector<256x1xf32> to vector<256x128xf32>
    %eq3A_2249 = arith.cmpf oeq, %select_n3A_2193, %eq3A_2248 : vector<256x128xf32>
    %jit3A_2250 = arith.constant 8192 : i32
    %broadcast_in_dim3A_2251 = vector.broadcast %jit3A_2250 : i32 to vector<256x128xi32>
    %select_n3A_2252 = arith.select %eq3A_2249, %add3A_1577, %broadcast_in_dim3A_2251 : vector<256x128xi1>, vector<256x128xi32>
    %min3A_2253 = arith.minsi %min3A_2247, %select_n3A_2252 : vector<256x128xi32>
    %reduce_min3A_2254 = arith.constant dense<2147483647> : vector<256xi32>
    %reduce_min3A_2255 = vector.multi_reduction <minsi>, %min3A_2253, %reduce_min3A_2254 [1] : vector<256x128xi32> to vector<256xi32>
    %broadcast_in_dim3A_2256 = vector.shape_cast %reduce_min3A_2255 : vector<256xi32> to vector<256x1xi32>
    %eq3A_2257 = vector.broadcast %broadcast_in_dim3A_2256 : vector<256x1xi32> to vector<256x128xi32>
    %eq3A_2258 = arith.cmpi eq, %add3A_1549, %eq3A_2257 : vector<256x128xi32>
    %jit3A_2259 = arith.constant 0xFF800000 : f32
    %broadcast_in_dim3A_2260 = vector.broadcast %jit3A_2259 : f32 to vector<256x128xf32>
    %select_n3A_2261 = arith.select %eq3A_2258, %broadcast_in_dim3A_2260, %select_n3A_2158 : vector<256x128xi1>, vector<256x128xf32>
    %eq3A_2262 = vector.broadcast %broadcast_in_dim3A_2256 : vector<256x1xi32> to vector<256x128xi32>
    %eq3A_2263 = arith.cmpi eq, %add3A_1553, %eq3A_2262 : vector<256x128xi32>
    %jit3A_2264 = arith.constant 0xFF800000 : f32
    %broadcast_in_dim3A_2265 = vector.broadcast %jit3A_2264 : f32 to vector<256x128xf32>
    %select_n3A_2266 = arith.select %eq3A_2263, %broadcast_in_dim3A_2265, %select_n3A_2163 : vector<256x128xi1>, vector<256x128xf32>
    %eq3A_2267 = vector.broadcast %broadcast_in_dim3A_2256 : vector<256x1xi32> to vector<256x128xi32>
    %eq3A_2268 = arith.cmpi eq, %add3A_1557, %eq3A_2267 : vector<256x128xi32>
    %jit3A_2269 = arith.constant 0xFF800000 : f32
    %broadcast_in_dim3A_2270 = vector.broadcast %jit3A_2269 : f32 to vector<256x128xf32>
    %select_n3A_2271 = arith.select %eq3A_2268, %broadcast_in_dim3A_2270, %select_n3A_2168 : vector<256x128xi1>, vector<256x128xf32>
    %eq3A_2272 = vector.broadcast %broadcast_in_dim3A_2256 : vector<256x1xi32> to vector<256x128xi32>
    %eq3A_2273 = arith.cmpi eq, %add3A_1561, %eq3A_2272 : vector<256x128xi32>
    %jit3A_2274 = arith.constant 0xFF800000 : f32
    %broadcast_in_dim3A_2275 = vector.broadcast %jit3A_2274 : f32 to vector<256x128xf32>
    %select_n3A_2276 = arith.select %eq3A_2273, %broadcast_in_dim3A_2275, %select_n3A_2173 : vector<256x128xi1>, vector<256x128xf32>
    %eq3A_2277 = vector.broadcast %broadcast_in_dim3A_2256 : vector<256x1xi32> to vector<256x128xi32>
    %eq3A_2278 = arith.cmpi eq, %add3A_1565, %eq3A_2277 : vector<256x128xi32>
    %jit3A_2279 = arith.constant 0xFF800000 : f32
    %broadcast_in_dim3A_2280 = vector.broadcast %jit3A_2279 : f32 to vector<256x128xf32>
    %select_n3A_2281 = arith.select %eq3A_2278, %broadcast_in_dim3A_2280, %select_n3A_2178 : vector<256x128xi1>, vector<256x128xf32>
    %eq3A_2282 = vector.broadcast %broadcast_in_dim3A_2256 : vector<256x1xi32> to vector<256x128xi32>
    %eq3A_2283 = arith.cmpi eq, %add3A_1569, %eq3A_2282 : vector<256x128xi32>
    %jit3A_2284 = arith.constant 0xFF800000 : f32
    %broadcast_in_dim3A_2285 = vector.broadcast %jit3A_2284 : f32 to vector<256x128xf32>
    %select_n3A_2286 = arith.select %eq3A_2283, %broadcast_in_dim3A_2285, %select_n3A_2183 : vector<256x128xi1>, vector<256x128xf32>
    %eq3A_2287 = vector.broadcast %broadcast_in_dim3A_2256 : vector<256x1xi32> to vector<256x128xi32>
    %eq3A_2288 = arith.cmpi eq, %add3A_1573, %eq3A_2287 : vector<256x128xi32>
    %jit3A_2289 = arith.constant 0xFF800000 : f32
    %broadcast_in_dim3A_2290 = vector.broadcast %jit3A_2289 : f32 to vector<256x128xf32>
    %select_n3A_2291 = arith.select %eq3A_2288, %broadcast_in_dim3A_2290, %select_n3A_2188 : vector<256x128xi1>, vector<256x128xf32>
    %eq3A_2292 = vector.broadcast %broadcast_in_dim3A_2256 : vector<256x1xi32> to vector<256x128xi32>
    %eq3A_2293 = arith.cmpi eq, %add3A_1577, %eq3A_2292 : vector<256x128xi32>
    %jit3A_2294 = arith.constant 0xFF800000 : f32
    %broadcast_in_dim3A_2295 = vector.broadcast %jit3A_2294 : f32 to vector<256x128xf32>
    %select_n3A_2296 = arith.select %eq3A_2293, %broadcast_in_dim3A_2295, %select_n3A_2193 : vector<256x128xi1>, vector<256x128xf32>
    %max3A_2297 = arith.maximumf %select_n3A_2261, %select_n3A_2266 : vector<256x128xf32>
    %max3A_2298 = arith.maximumf %max3A_2297, %select_n3A_2271 : vector<256x128xf32>
    %max3A_2299 = arith.maximumf %max3A_2298, %select_n3A_2276 : vector<256x128xf32>
    %max3A_2300 = arith.maximumf %max3A_2299, %select_n3A_2281 : vector<256x128xf32>
    %max3A_2301 = arith.maximumf %max3A_2300, %select_n3A_2286 : vector<256x128xf32>
    %max3A_2302 = arith.maximumf %max3A_2301, %select_n3A_2291 : vector<256x128xf32>
    %max3A_2303 = arith.maximumf %max3A_2302, %select_n3A_2296 : vector<256x128xf32>
    %reduce_max3A_2304 = arith.constant dense<0xFF800000> : vector<256xf32>
    %reduce_max3A_2305 = vector.multi_reduction <maximumf>, %max3A_2303, %reduce_max3A_2304 [1] : vector<256x128xf32> to vector<256xf32>
    %broadcast_in_dim3A_2306 = vector.shape_cast %reduce_max3A_2305 : vector<256xf32> to vector<256x1xf32>
    %broadcast_in_dim3A_2307 = arith.constant 8192 : i32
    %broadcast_in_dim3A_2308 = vector.broadcast %broadcast_in_dim3A_2307 : i32 to vector<256x128xi32>
    %eq3A_2309 = vector.broadcast %broadcast_in_dim3A_2306 : vector<256x1xf32> to vector<256x128xf32>
    %eq3A_2310 = arith.cmpf oeq, %select_n3A_2261, %eq3A_2309 : vector<256x128xf32>
    %jit3A_2311 = arith.constant 8192 : i32
    %broadcast_in_dim3A_2312 = vector.broadcast %jit3A_2311 : i32 to vector<256x128xi32>
    %select_n3A_2313 = arith.select %eq3A_2310, %add3A_1549, %broadcast_in_dim3A_2312 : vector<256x128xi1>, vector<256x128xi32>
    %min3A_2314 = arith.minsi %broadcast_in_dim3A_2308, %select_n3A_2313 : vector<256x128xi32>
    %eq3A_2315 = vector.broadcast %broadcast_in_dim3A_2306 : vector<256x1xf32> to vector<256x128xf32>
    %eq3A_2316 = arith.cmpf oeq, %select_n3A_2266, %eq3A_2315 : vector<256x128xf32>
    %jit3A_2317 = arith.constant 8192 : i32
    %broadcast_in_dim3A_2318 = vector.broadcast %jit3A_2317 : i32 to vector<256x128xi32>
    %select_n3A_2319 = arith.select %eq3A_2316, %add3A_1553, %broadcast_in_dim3A_2318 : vector<256x128xi1>, vector<256x128xi32>
    %min3A_2320 = arith.minsi %min3A_2314, %select_n3A_2319 : vector<256x128xi32>
    %eq3A_2321 = vector.broadcast %broadcast_in_dim3A_2306 : vector<256x1xf32> to vector<256x128xf32>
    %eq3A_2322 = arith.cmpf oeq, %select_n3A_2271, %eq3A_2321 : vector<256x128xf32>
    %jit3A_2323 = arith.constant 8192 : i32
    %broadcast_in_dim3A_2324 = vector.broadcast %jit3A_2323 : i32 to vector<256x128xi32>
    %select_n3A_2325 = arith.select %eq3A_2322, %add3A_1557, %broadcast_in_dim3A_2324 : vector<256x128xi1>, vector<256x128xi32>
    %min3A_2326 = arith.minsi %min3A_2320, %select_n3A_2325 : vector<256x128xi32>
    %eq3A_2327 = vector.broadcast %broadcast_in_dim3A_2306 : vector<256x1xf32> to vector<256x128xf32>
    %eq3A_2328 = arith.cmpf oeq, %select_n3A_2276, %eq3A_2327 : vector<256x128xf32>
    %jit3A_2329 = arith.constant 8192 : i32
    %broadcast_in_dim3A_2330 = vector.broadcast %jit3A_2329 : i32 to vector<256x128xi32>
    %select_n3A_2331 = arith.select %eq3A_2328, %add3A_1561, %broadcast_in_dim3A_2330 : vector<256x128xi1>, vector<256x128xi32>
    %min3A_2332 = arith.minsi %min3A_2326, %select_n3A_2331 : vector<256x128xi32>
    %eq3A_2333 = vector.broadcast %broadcast_in_dim3A_2306 : vector<256x1xf32> to vector<256x128xf32>
    %eq3A_2334 = arith.cmpf oeq, %select_n3A_2281, %eq3A_2333 : vector<256x128xf32>
    %jit3A_2335 = arith.constant 8192 : i32
    %broadcast_in_dim3A_2336 = vector.broadcast %jit3A_2335 : i32 to vector<256x128xi32>
    %select_n3A_2337 = arith.select %eq3A_2334, %add3A_1565, %broadcast_in_dim3A_2336 : vector<256x128xi1>, vector<256x128xi32>
    %min3A_2338 = arith.minsi %min3A_2332, %select_n3A_2337 : vector<256x128xi32>
    %eq3A_2339 = vector.broadcast %broadcast_in_dim3A_2306 : vector<256x1xf32> to vector<256x128xf32>
    %eq3A_2340 = arith.cmpf oeq, %select_n3A_2286, %eq3A_2339 : vector<256x128xf32>
    %jit3A_2341 = arith.constant 8192 : i32
    %broadcast_in_dim3A_2342 = vector.broadcast %jit3A_2341 : i32 to vector<256x128xi32>
    %select_n3A_2343 = arith.select %eq3A_2340, %add3A_1569, %broadcast_in_dim3A_2342 : vector<256x128xi1>, vector<256x128xi32>
    %min3A_2344 = arith.minsi %min3A_2338, %select_n3A_2343 : vector<256x128xi32>
    %eq3A_2345 = vector.broadcast %broadcast_in_dim3A_2306 : vector<256x1xf32> to vector<256x128xf32>
    %eq3A_2346 = arith.cmpf oeq, %select_n3A_2291, %eq3A_2345 : vector<256x128xf32>
    %jit3A_2347 = arith.constant 8192 : i32
    %broadcast_in_dim3A_2348 = vector.broadcast %jit3A_2347 : i32 to vector<256x128xi32>
    %select_n3A_2349 = arith.select %eq3A_2346, %add3A_1573, %broadcast_in_dim3A_2348 : vector<256x128xi1>, vector<256x128xi32>
    %min3A_2350 = arith.minsi %min3A_2344, %select_n3A_2349 : vector<256x128xi32>
    %eq3A_2351 = vector.broadcast %broadcast_in_dim3A_2306 : vector<256x1xf32> to vector<256x128xf32>
    %eq3A_2352 = arith.cmpf oeq, %select_n3A_2296, %eq3A_2351 : vector<256x128xf32>
    %jit3A_2353 = arith.constant 8192 : i32
    %broadcast_in_dim3A_2354 = vector.broadcast %jit3A_2353 : i32 to vector<256x128xi32>
    %select_n3A_2355 = arith.select %eq3A_2352, %add3A_1577, %broadcast_in_dim3A_2354 : vector<256x128xi1>, vector<256x128xi32>
    %min3A_2356 = arith.minsi %min3A_2350, %select_n3A_2355 : vector<256x128xi32>
    %reduce_min3A_2357 = arith.constant dense<2147483647> : vector<256xi32>
    %reduce_min3A_2358 = vector.multi_reduction <minsi>, %min3A_2356, %reduce_min3A_2357 [1] : vector<256x128xi32> to vector<256xi32>
    %broadcast_in_dim3A_2359 = vector.shape_cast %reduce_min3A_2358 : vector<256xi32> to vector<256x1xi32>
    %concatenate3A = tpu.concatenate %broadcast_in_dim3A_1638, %broadcast_in_dim3A_1741, %broadcast_in_dim3A_1844, %broadcast_in_dim3A_1947, %broadcast_in_dim3A_2050, %broadcast_in_dim3A_2153, %broadcast_in_dim3A_2256, %broadcast_in_dim3A_2359 in 1 : vector<256x1xi32>, vector<256x1xi32>, vector<256x1xi32>, vector<256x1xi32>, vector<256x1xi32>, vector<256x1xi32>, vector<256x1xi32>, vector<256x1xi32> -> vector<256x8xi32>
    %swap3A = arith.constant 0 : index
    %swap3A_2360 = arith.constant 0 : index
    %swap3A_2361 = vector.load %arg3[%swap3A, %swap3A_2360] : memref<256x8xi32, #tpu.memory_space<vmem>>, vector<256x8xi32>
    tpu.vector_store %arg3[%swap3A, %swap3A_2360], %concatenate3A {strides = array<i32>} : memref<256x8xi32, #tpu.memory_space<vmem>>, vector<256x8xi32>,
    return
  }
  func.func @transform_0(%arg0: i32) -> (i32, i32) {
    %c0_i32 = arith.constant 0 : i32
    %c0_i32_0 = arith.constant 0 : i32
    return %arg0, %c0_i32 : i32, i32
  }
  func.func @transform_1(%arg0: i32) -> (i32, i32) {
    %c0_i32 = arith.constant 0 : i32
    %c0_i32_0 = arith.constant 0 : i32
    %c0_i32_1 = arith.constant 0 : i32
    return %c0_i32, %c0_i32_0 : i32, i32
  }
  func.func @transform_2(%arg0: i32) -> (i32, i32) {
    %c0_i32 = arith.constant 0 : i32
    %c0_i32_0 = arith.constant 0 : i32
    return %arg0, %c0_i32 : i32, i32
  }
}

</mosaic_0001>

<sc_bundles>
// kernel: kernel.5.cloned.1.call-start
scs
__scs_entry_jumppad:
0x0: {  	(pc) =	sbr.rel $0x88, $3  }
0x1: {  	(tag) =	ssettag $0x0;
	lr =	simm.s32 $0x1  }
0x2: {  	[smem:$0x3FA0] =	sst lr;
	_ =	strace $0xD0000000  }
0x3: {  	_ = 	snop  }
0x4: {  	_ = 	snop  }
0x5: {  	_ = 	snop  }
0x6: {  	_ = 	snop  }
0x7: {  	_ = 	snop  }
__scs_overlays_trampoline_lowered:
0x8: {  	[smem:$0x3FAF] =	sst s0  }
0x9: {  	[smem:$0x3FB0] =	sst s1  }
0xa: {  	[smem:$0x3FB1] =	sst s2  }
0xb: {  	[smem:$0x3FB2] =	sst s3  }
0xc: {  	[smem:$0x3FB3] =	sst s4  }
0xd: {  	[smem:$0x3FB4] =	sst s5  }
0xe: {  	[smem:$0x3FB5] =	sst s6  }
0xf: {  	[smem:$0x3FB6] =	sst s7  }
0x10: {  	[smem:$0x3FB7] =	sst s8  }
0x11: {  	[smem:$0x3FB8] =	sst s9;
	s0 =	simm.s32 @!p0 $0x0  }
0x12: {  	s1 =	sld [smem:$0x3F9E];
	s0 =	simm.s32 @p0 $0x1  }
0x13: {  	[smem:$0x3FB9] =	sst s0;
	s0 =	simm.s32 @!p1 $0x0  }
0x14: {  	s2 =	sld [smem:$0x3F9D];
	s0 =	simm.s32 @p1 $0x1  }
0x15: {  	[smem:$0x3FBA] =	sst s0;
	s0 =	simm.s32 @!p2 $0x0  }
0x16: {  	s3 =	sld [smem:$0x3FDB];
	s0 =	simm.s32 @p2 $0x1  }
0x17: {  	s4 =	simm.s32 $0x1BF5;
	[smem:$0x3FBC] =	sst s0  }
0x18: {  	s0 =	sld [smem:$0x3F9F];
	_ =	swait.ge [sflag:s4], $0x0  }
0x19: {  	s7 =	sld [smem:$0x3FA0]  }
0x1a: {  	s8 =	sadd.s32 $0xFFFFE003, lr  }
0x1b: {  	s9 =	sadd.s32 $0xFFFFFEF7, lr;
	s5 =	simm.s32 $0xFFFFFFFF;
	p2 =	slt.u32 s8, $0xFFFFF086  }
0x1c: {  	p1 =	slt.u32 s9, $0xF7A;
	s5 =	simm.s32 @!p2 $0x0  }
0x1d: {  	s5 =	simm.s32 @p1 $0x1;
	p0 =	seq.s32 s7, s2  }
0x1e: {  	s7 =	smul.u32 @!p0 $0xF7A, s2;
	p2 =	seq.s32 @!p0 s5, $0x0  }
0x1f: {  	s9 =	smul.u32 $0xF7A, s1;
	s8 =	simm.s32 @!p0 $0x1BF5;
	p2 =	por !p2, p0  }
0x20: {  	[sflag:s8] =	ssyncset.s32 @!p0 $0xFFFFF086;
	s6 =	sadd.s32 @!p0 s3, s7;
	s7 =	simm.s32 @!p0 $0x108  }
0x21: {  	s3 =	sadd.s32 s3, s9;
	s6 =	sadd.s32 @!p0 $0x88, s6;
	s7 =	simm.s32 @p2 $0x1082  }
0x22: {  	[simem:s7], [sflag:s8] =	dma.local @!p0 [hbm:s6], $0xF7A  }
0x23: {  	s9 =	sor.u32 $0xD0000000, s2;
	s6 =	simm.s32 $0x108;
	_ =	swait.ge @!p0 [sflag:s8], $0x0  }
0x24: {  	s3 =	sadd.s32 $0x88, s3;
	s6 =	simm.s32 @!p1 $0x1082;
	[sflag:s4] =	ssyncset.s32 $0xFFFFF086  }
0x25: {  	[simem:s6], [sflag:s4] =	dma.local [hbm:s3], $0xF7A  }
0x26: {  	[smem:$0x3FA0] =	sst s1;
	(tag) =	ssettag s2;
	_ =	strace s9  }
0x27: {  	s1 =	sld [smem:$0x3FB0]  }
0x28: {  	s2 =	sld [smem:$0x3FB1]  }
0x29: {  	s4 =	sld [smem:$0x3FB3]  }
0x2a: {  	p0 =	seq.s32 s5, $0x0;
	s5 =	sld [smem:$0x3FB4]  }
0x2b: {  	s6 =	sld [smem:$0x3FB5]  }
0x2c: {  	s7 =	sld [smem:$0x3FB6]  }
0x2d: {  	s3 =	simm.s32 $0x108;
	s8 =	sld [smem:$0x3FB7]  }
0x2e: {  	s3 =	simm.s32 @!p0 $0x1082;
	s9 =	sld [smem:$0x3FB8]  }
0x2f: {  	lr =	sadd.s32 s0, s3;
	s0 =	sld [smem:$0x3FAF]  }
0x30: {  	s3 =	sld [smem:$0x3FB2]  }
0x31: {  	[smem:$0x3FBB] =	sst s10  }
0x32: {  	s10 =	sld [smem:$0x3FB9];
	_ =	sdelay $0x3  }
0x33: {  	p0 =	seq.s32 s10, $0x1;
	s10 =	sld [smem:$0x3FBB];
	_ =	sdelay $0x3  }
0x34: {  	[smem:$0x3FBB] =	sst s10  }
0x35: {  	s10 =	sld [smem:$0x3FBA];
	_ =	sdelay $0x3  }
0x36: {  	p1 =	seq.s32 s10, $0x1;
	s10 =	sld [smem:$0x3FBB];
	_ =	sdelay $0x3  }
0x37: {  	[smem:$0x3FBB] =	sst s10  }
0x38: {  	s10 =	sld [smem:$0x3FBC]  }
0x39: {  	_ = 	snop;
	(pc) =	sbr.ind lr, $3  }
0x3a: {  	_ = 	snop  }
0x3b: {  	_ = 	snop  }
0x3c: {  	p2 =	seq.s32 s10, $0x1;
	s10 =	sld [smem:$0x3FBB]  }
0x3d: {  	_ =	shalt  }
0x3e: {  	_ =	shalt  }
0x3f: {  	_ =	shalt  }
0x40: {  	_ =	shalt  }
0x41: {  	_ =	shalt  }
0x42: {  	_ =	shalt  }
0x43: {  	_ =	shalt  }
0x44: {  	_ =	shalt  }
0x45: {  	_ =	shalt  }
0x46: {  	_ =	shalt  }
0x47: {  	_ =	shalt  }
0x48: {  	_ =	shalt  }
0x49: {  	_ =	shalt  }
0x4a: {  	_ =	shalt  }
0x4b: {  	_ =	shalt  }
0x4c: {  	_ =	shalt  }
0x4d: {  	_ =	shalt  }
0x4e: {  	_ =	shalt  }
0x4f: {  	_ =	shalt  }
0x50: {  	_ =	shalt  }
0x51: {  	_ =	shalt  }
0x52: {  	_ =	shalt  }
0x53: {  	_ =	shalt  }
0x54: {  	_ =	shalt  }
0x55: {  	_ =	shalt  }
0x56: {  	_ =	shalt  }
0x57: {  	_ =	shalt  }
0x58: {  	_ =	shalt  }
0x59: {  	_ =	shalt  }
0x5a: {  	_ =	shalt  }
0x5b: {  	_ =	shalt  }
0x5c: {  	_ =	shalt  }
0x5d: {  	_ =	shalt  }
0x5e: {  	_ =	shalt  }
0x5f: {  	_ =	shalt  }
0x60: {  	_ =	shalt  }
0x61: {  	_ =	shalt  }
0x62: {  	_ =	shalt  }
0x63: {  	_ =	shalt  }
0x64: {  	_ =	shalt  }
0x65: {  	_ =	shalt  }
0x66: {  	_ =	shalt  }
0x67: {  	_ =	shalt  }
0x68: {  	_ =	shalt  }
0x69: {  	_ =	shalt  }
0x6a: {  	_ =	shalt  }
0x6b: {  	_ =	shalt  }
0x6c: {  	_ =	shalt  }
0x6d: {  	_ =	shalt  }
0x6e: {  	_ =	shalt  }
0x6f: {  	_ =	shalt  }
0x70: {  	_ =	shalt  }
0x71: {  	_ =	shalt  }
0x72: {  	_ =	shalt  }
0x73: {  	_ =	shalt  }
0x74: {  	_ =	shalt  }
0x75: {  	_ =	shalt  }
0x76: {  	_ =	shalt  }
0x77: {  	_ =	shalt  }
0x78: {  	_ =	shalt  }
0x79: {  	_ =	shalt  }
0x7a: {  	_ =	shalt  }
0x7b: {  	_ =	shalt  }
0x7c: {  	_ =	shalt  }
0x7d: {  	_ =	shalt  }
0x7e: {  	_ =	shalt  }
0x7f: {  	_ =	shalt  }
0x80: {  	_ =	shalt  }
0x81: {  	_ =	shalt  }
0x82: {  	_ =	shalt  }
0x83: {  	_ =	shalt  }
0x84: {  	_ =	shalt  }
0x85: {  	_ =	shalt  }
0x86: {  	_ =	shalt  }
0x87: {  	_ =	shalt  }
.Lfunc_end0:
.L_simem_size_0:
called_computation_lowered:
.L_overlay_start_0:
0x88: {  	s2 =	sld [smem:$0x3FD9]  }
0x89: {  	s3 =	sld [smem:$0x3FFE];
	_ =	sdelay $0x1  }
0x8a: {  	s1 =	srdreg.scid  }
0x8b: {  	s0 =	sand.u32 $0x1, s1  }
0x8c: {  	s14 =	sshll.u32 s0, $0xA;
	s2 =	sadd.s32 s3, s2  }
0x8d: {  	s2 =	sadd.s32 s2, s14  }
0x8e: {  	[smem:$0x3FC7] =	sst s2  }
0x8f: {  	_ = 	snop  }
0x90: {  	s2 =	sld [smem:$0x3FD0];
	_ =	sdelay $0x2  }
0x91: {  	s15 =	simm.s32 $0xA;
	s4 =	simm.s32 $0x10  }
0x92: {  	[smem:s4], [sflag:s15] =	dma.local [hbm:s2], $0x1  }
0x93: {  	_ =	swait.eq [sflag:s15], $0x1  }
0x94: {  	[sflag:s15] =	ssyncset.done $0x0  }
0x95: {  	[sflag:s15] =	ssyncadd.s32 $0xFFFFFFFF  }
0x96: {  	s16 =	sld [smem:$0x10];
	(tm) =	ssettm $0x1  }
0x97: {  	s17 =	sld [smem:$0x3FFB];
	_ =	sdelay $0x3  }
0x98: {  	_ =	strace s17  }
0x99: {  	s3 =	sld [smem:$0x3FFC];
	_ =	sdelay $0x3  }
0x9a: {  	_ =	strace s3  }
0x9b: {  	s3 =	sld [smem:$0x3FFD];
	_ =	sdelay $0x3  }
0x9c: {  	_ =	strace s3  }
0x9d: {  	_ =	strace $0x8FFFFFFF  }
0x9e: {  	s18 =	sld [smem:$0x3FDB];
	_ =	sdelay $0x1  }
0x9f: {  	s19 =	simm.s32 $_scs_section_size  }
0xa0: {  	s5 =	simm.s32 $_size__tile_overlayer_lowered;
	s6 =	simm.s32 $_tile_overlayer_lowered  }
0xa1: {  	s22 =	simm.s32 $0x1BFF;
	s21 =	sshll.u32 s6, $0x1;
	s3 =	sadd.s32 s19, s18  }
0xa2: {  	s7 =	simm.s32 $0x0;
	s20 =	sshll.u32 s5, $0x1;
	s5 =	sadd.s32 s21, s3  }
0xa3: {  	[timem:s7], [sflag:s22] =	dma.local [hbm:s5], s20  }
0xa4: {  	_ =	swait.ge [sflag:s22], s20  }
0xa5: {  	s4 =	ssub.s32 $0x0, s20;
	[sflag:s22] =	ssyncset.done $0x0  }
0xa6: {  	[sflag:s22] =	ssyncadd.s32 s4;
	_ =	sdelay $0x1  }
0xa7: {  	s23 =	simm.s32 $0x1B8B  }
0xa8: {  	_ =	swait.ge [sflag:s23], $0x1  }
0xa9: {  	[sflag:s23] =	ssyncset.done $0x0  }
0xaa: {  	s25 =	simm.s32 $0x1B8E;
	s24 =	sld [smem:$0x3FFE];
	[sflag:s23] =	ssyncadd.s32 $0xFFFFFFFF  }
0xab: {  	s26 =	simm.s32 $execute0_lowered;
	[smem:$0x3FD2] =	sst s25  }
0xac: {  	s5 =	sshll.u32 s26, $0x1;
	_ =	strace $0x80000046;
	[dreg:$0x1] =	wrdreg $0xFFFFFFFF  }
0xad: {  	s28 =	simm.s32 $_size_execute0_lowered;
	s3 =	sadd.s32 s3, s5;
	[dreg:$0x0] =	wrdreg $0x0  }
0xae: {  	s5 =	sshll.u32 s28, $0x1;
	[dreg:$0x2] =	wrdreg s3  }
0xaf: {  	[dreg:$0x3] =	wrdreg s5  }
0xb0: {  	[dreg:$0x4] =	wrdreg $0xC0  }
0xb1: {  	_ =	task [dreg:s7], $0x5FFFF  }
0xb2: {  	[dreg:$0x1] =	wrdreg $0xFFFFFFFF  }
0xb3: {  	[dreg:$0x0] =	wrdreg $0x60  }
0xb4: {  	[dreg:$0x2] =	wrdreg s16  }
0xb5: {  	[dreg:$0x3] =	wrdreg s24  }
0xb6: {  	[dreg:$0x4] =	wrdreg $0x9  }
0xb7: {  	_ =	task.clear_ibuf [dreg:s7], $0x5FFFF;
	_ =	strace $0x90000046  }
0xb8: {  	s29 =	simm.s32 $0x9;
	_ =	strace $0x80000048  }
0xb9: {  	_ =	swait.ge [sflag:s29], $0x1  }
0xba: {  	[sflag:s29] =	ssyncadd.s32 $0xFFFFFFFF  }
0xbb: {  	_ =	strace $0x90000048  }
0xbc: {  	_ =	sfence  }
0xbd: {  	s30 =	sld [smem:$0x0];
	_ =	sdelay $0x2  }
0xbe: {  	s31 =	sshll.u32 s1, $0xD;
	s1 =	sshrl.u32 s1, $0x2  }
0xbf: {  	s3 =	sand.u32 $0x4000, s31;
	s1 =	sadd.s32 s1, s30  }
0xc0: {  	s0 =	sor.u32 s3, s0;
	s1 =	sshll.u32 s1, $0x11  }
0xc1: {  	s0 =	sor.u32 s1, s0  }
0xc2: {  	s0 =	sadd.s32 $0x8F2B, s0  }
0xc3: {  	[sflag:s0] =	ssyncadd.remote.s32 $0x1  }
0xc4: {  	_ =	sfence.sel $0xFFFF  }
0xc5: {  	[dreg:$0x0] =	wrdreg $0xFFFFFFFF;
	(pc) =	sbr.abs _section_cstart, $3  }
0xc6: {  	[dreg:$0x1] =	wrdreg $0xFFFFFFFF  }
0xc7: {  	_ =	task.clear_ibuf [dreg:s7], $0x2FFFF;
	_ =	strace $0x9FFFFFFF  }
0xc8: {  	(tm) =	ssettm $0x7FFFFFFF  }
0xc9: {  	_ =	shalt  }
tec
execute0_lowered:
.L_overlay_start_1:
0x0: {  	(tag) =	ssettag $0x1  }
0x1: {  	s0 =	rddreg [dreg:$0x1];
	s3 =	simm.s32 $0x0;
	s1 =	srdreg.scid  }
0x2: {  	s11 =	stileid.u32;
	v1 =	vlaneseq.u32;
	s15 =	simm.s32 $0x14500;
	s16 =	simm.s32 $0x10580  }
0x3: {  	v12 =	vimm.f32 $8.000000000e+00;
	v13 =	vimm.s32 $0x0;
	vm0 =	vmmov $0x1;
	s17 =	simm.s32 $0x14580;
	s18 =	simm.s32 $0x10600;
	s1 =	sand.u32 $0x1, s1  }
0x4: {  	vm8 =	vcmask $0x2320;
	vm9 =	vcmask $0x2724;
	s19 =	simm.s32 $0x14600;
	vm10 =	vcmask $0x2B28;
	s4 =	sshll.u32 s11, $0x9;
	s5 =	sshll.u32 s1, $0x8  }
0x5: {  	s20 =	simm.s32 $0x10680;
	s21 =	simm.s32 $0x14680;
	vm11 =	vcmask $0x2F2C;
	vm12 =	vcmask $0x3330;
	vm13 =	vcmask $0x3734;
	s5 =	sor.u32 s5, s4  }
0x6: {  	s22 =	simm.s32 $0x10700;
	vm14 =	vcmask $0x3B38;
	vm15 =	vcmask $0x3F3C;
	s28 =	simm.s32 $0x0;
	v0 =	vmov s5;
	s25 =	sor.u32 $0x10, s5  }
0x7: {  	v10 =	vmul.u32 $0x2001, v1;
	s8 =	sor.u32 $0x30, s5;
	s26 =	sor.u32 $0x40, s5;
	s9 =	sor.u32 $0x50, s5;
	v3 =	vmul.u32 $0x2001, v0;
	v2 =	vmov s25  }
0x8: {  	[smem:$0x7FF] =	sst s3;
	s12 =	sor.u32 $0x60, s5;
	s13 =	sor.u32 $0x70, s5;
	v6 =	vmov s8;
	v7 =	vmov s26;
	v8 =	vmov s9  }
0x9: {  	s29 =	sshll.u32 s11, $0xE;
	s30 =	sshll.u32 s11, $0x13;
	s7 =	sor.u32 $0x20, s5;
	v9 =	vmov s12;
	v11 =	vmov s13;
	v4 =	vmul.u32 $0x2001, v2  }
0xa: {  	s11 =	simm.s32 $0x1;
	s2 =	ssub.s32 $0x2, s1;
	s10 =	sshll.u32 s1, $0xD;
	v2 =	vmov s7;
	v6 =	vmul.u32 $0x2001, v6;
	v7 =	vmul.u32 $0x2001, v7  }
0xb: {  	s1 =	sshll.u32 s1, $0x12;
	s6 =	sshrl.u32 s2, $0x1;
	s4 =	sadd.s32 $0x800, s0;
	v8 =	vmul.u32 $0x2001, v8;
	v9 =	vmul.u32 $0x2001, v9;
	v11 =	vmul.u32 $0x2001, v11  }
0xc: {  	s23 =	ssub.s32 s2, s6;
	s24 =	sadd.s32 $0x100, s5;
	s0 =	sadd.s32 s30, s4;
	v5 =	vmul.u32 $0x2001, v2;
	v4 =	vbroadcast v4, $0x0;
	v6 =	vbroadcast v6, $0x0  }
0xd: {  	_ =	strace $0x80000047;
	s5 =	smax.u32 s23, $0x1;
	s6 =	sadd.s32 s1, s0;
	v2 =	vmov s24;
	v7 =	vbroadcast v7, $0x0;
	v8 =	vbroadcast v8, $0x0  }
0xe: {  	s8 =	simm.s32 $0x18200;
	s9 =	simm.s32 $0x3;
	s12 =	simm.s32 $0x18100;
	v3 =	vadd.s32 v10, v3;
	v9 =	vbroadcast v9, $0x0;
	v11 =	vbroadcast v11, $0x0  }
0xf: {  	s13 =	simm.s32 $0x80;
	s23 =	simm.s32 $0x14700;
	s7 =	sor.u32 s10, s29;
	v5 =	vbroadcast v5, $0x0;
	v4 =	vadd.s32 v10, v4;
	v6 =	vadd.s32 v10, v6  }
0x10: {  	s25 =	simm.s32 $0x14780;
	s26 =	simm.s32 $0x2;
	s31 =	sor.u32 $0x100, s7;
	v7 =	vadd.s32 v10, v7;
	v8 =	vadd.s32 v10, v8;
	v9 =	vadd.s32 v10, v9  }
0x11: {  	s10 =	simm.s32 $0x18000;
	s24 =	simm.s32 $0x10780;
	s7 =	sshrl.u32 s31, $0x2;
	v5 =	vadd.s32 v10, v5;
	v10 =	vadd.s32 v10, v11;
	v11 =	vimm.f32 $0.0e+00  }
.LBB2_1:
0x12: {  	s0 =	simm.s32 $0x0  }
.LBB2_2:
0x13: {  	p0 =	sne.s32 s0, $0xFFC0  }
.Ltmp0:
0x14: {  	_ = 	snop;
	(pc) =	sbr.rel @p0 .LBB2_2-.Ltmp0, $3  }
0x15: {  	_ =	sdelay $0x1  }
0x16: {  	s1 =	sshra.s32 s0, $0x2  }
0x17: {  	s0 =	sadd.s32 $0x40, s0;
	[tilespmem:s1+$0x18200] =	vst v11  }
0x18: {  	s0 =	simm.s32 $0x800;
	s1 =	sadd.s32 $0x0, s6  }
.LBB2_4:
0x19: {  	[hbm4b:s1+s3] =	stream.linear.scatter [tilespmem:s8], [sflag:$0x1], $0x4000, $0x38;
	[tilespmem:$0x1C200] =	vst v63  }
0x1a: {  	s1 =	smov.u32 s0;
	p0 =	sne.s32 s0, $0x3F800  }
.Ltmp1:
0x1b: {  	s0 =	sadd.s32 $0x800, s0;
	(pc) =	sbr.rel @p0 .LBB2_4-.Ltmp1, $2  }
0x1c: {  	_ =	sdelay $0x2  }
0x1d: {  	s1 =	sadd.s32 s1, s6  }
0x1e: {  	[hbm4b:s1+s3] =	stream.linear.scatter [tilespmem:s8], [sflag:$0x1], $0x4000, $0x38;
	[tilespmem:$0x1C200] =	vst v63  }
0x1f: {  	s0 =	simm.s32 $0x0;
	s31 =	rddreg [dreg:$0x0]  }
0x20: {  	[tilespmem:s0], [sflag:$0x3] =	stream.linear.gather [hbm4b:s31+s0], $0x10000, $0x38;
	[tilespmem:$0x1C200] =	vst v63  }
0x21: {  	_ =	swait.ge [sflag:s9], $0x10000  }
0x22: {  	[sflag:s9] =	ssyncset.done $0x0  }
0x23: {  	[sflag:s9] =	ssyncadd.s32 $0xFFFF0000  }
0x24: {  	[tilespmem:$0x18000] =	vst v12  }
0x25: {  	[tilespmem:$0x18010] =	vst v12  }
0x26: {  	[tilespmem:$0x18020] =	vst v12  }
0x27: {  	[tilespmem:$0x18030] =	vst v12  }
0x28: {  	[tilespmem:$0x18040] =	vst v12  }
0x29: {  	[tilespmem:$0x18050] =	vst v12  }
0x2a: {  	[tilespmem:$0x18060] =	vst v12  }
0x2b: {  	[tilespmem:$0x18070] =	vst v12  }
0x2c: {  	[tilespmem:$0x18080] =	vst v12  }
0x2d: {  	[tilespmem:$0x18090] =	vst v12  }
0x2e: {  	[tilespmem:$0x180A0] =	vst v12  }
.Ltmp2:
0x2f: {  	[tilespmem:$0x180B0] =	vst v12;
	(pc) =	sbr.rel .LBB2_6-.Ltmp2, $4  }
0x30: {  	[tilespmem:$0x180C0] =	vst v12  }
0x31: {  	[tilespmem:$0x180D0] =	vst v12  }
0x32: {  	[tilespmem:$0x180E0] =	vst v12  }
0x33: {  	s1 =	simm.s32 $0x0;
	[tilespmem:$0x180F0] =	vst v12  }
.LBB2_8:
0x34: {  	s1 =	sadd.s32 $0x10, s1  }
0x35: {  	p0 =	sne.s32 s1, $0x10000  }
.Ltmp3:
0x36: {  	_ = 	snop;
	(pc) =	sbr.rel @!p0 .LBB2_9-.Ltmp3, $2  }
0x37: {  	_ =	sdelay $0x2  }
0x38: {  	s0 =	sadd.s32 $0x10, s0  }
.LBB2_6:
0x39: {  	v14 =	vld [tilespmem:s0+$0x0];
	_ =	sdelay $0x4  }
0x3a: {  	vm1 =	vge.s32 v14, v0;
	vm2 =	vlt.s32 v14, v2  }
0x3b: {  	vm1 =	vmand vm1, vm2  }
0x3c: {  	v15 =	vsel vm1, $0x1, v13  }
0x3d: {  	(xrf0) =	vadd.scan.msk.s32 $0xffff, v15;
	_ =	sdelay $0x5  }
0x3e: {  	v15, _, _ =	vpop (xrf0)  }
0x3f: {  	(v2sf) =	vpush v15, $0xF;
	_ =	sdelay $0xe  }
0x40: {  	s2 =	spop (v2sf)  }
0x41: {  	p0 =	slt.s32 s2, $0x1  }
.Ltmp4:
0x42: {  	_ = 	snop;
	(pc) =	sbr.rel @p0 .LBB2_8-.Ltmp4, $1  }
0x43: {  	_ =	sdelay $0x3  }
0x44: {  	v15 =	vshll.u32 v14, $0x3  }
0x45: {  	v16 =	vor.u32 $0x1, v15  }
0x46: {  	v17 =	vor.u32 $0x2, v15  }
0x47: {  	v18 =	vor.u32 $0x3, v15  }
0x48: {  	v19 =	vor.u32 $0x4, v15  }
0x49: {  	v21 =	vor.u32 $0x5, v15;
	v20 =	vld.idx.msk [tilespmem:v15+s3+$0x0], $0xffff  }
0x4a: {  	v22 =	vor.u32 $0x6, v15;
	v16 =	vld.idx.msk [tilespmem:v16+s3+$0x0], $0xffff  }
0x4b: {  	v17 =	vld.idx.msk [tilespmem:v17+s3+$0x0], $0xffff  }
0x4c: {  	v15 =	vor.u32 $0x7, v15;
	v18 =	vld.idx.msk [tilespmem:v18+s3+$0x0], $0xffff  }
0x4d: {  	v23 =	vor.u32 s1, v1;
	v19 =	vld.idx.msk [tilespmem:v19+s3+$0x0], $0xffff  }
0x4e: {  	v23 =	vshrl.u32 v23, $0x3;
	v21 =	vld.idx.msk [tilespmem:v21+s3+$0x0], $0xffff  }
0x4f: {  	v63 =	vld.idx.msk [tilespmem:v22+s3+$0x0], $0xffff;
	vm2 =	veq.s32 v20, v23;
	vm3 =	veq.s32 v16, v23  }
0x50: {  	vm4 =	veq.s32 v17, v23;
	vm2 =	vmor vm2, vm3  }
0x51: {  	v15 =	vld.idx.msk [tilespmem:v15+s3+$0x0], $0xffff;
	vm3 =	veq.s32 v18, v23;
	vm2 =	vmor vm2, vm4  }
0x52: {  	vm4 =	veq.s32 v19, v23;
	vm2 =	vmor vm2, vm3  }
0x53: {  	vm3 =	veq.s32 v21, v23;
	vm2 =	vmor vm2, vm4  }
0x54: {  	v14 =	vsub.s32 v14, v0;
	vm2 =	vmor vm2, vm3;
	vm3 =	veq.s32 v63, v23  }
0x55: {  	vm5 =	vcmask $0x704;
	vm2 =	vmor vm2, vm3;
	vm3 =	vmand vm1, vm0  }
0x56: {  	v14 =	vnsel vm1, $0x0, v14;
	vm5 =	vmand vm1, vm5;
	vm4 =	veq.s32 v15, v23  }
0x57: {  	vm2 =	vmor vm2, vm4;
	vm4 =	vcmask $0xB08  }
0x58: {  	vm6 =	vcmask $0xF0C;
	vm4 =	vmand vm1, vm4;
	vm2 =	vmneg vm2  }
0x59: {  	vm7 =	vcmask $0x1310;
	vm6 =	vmand vm1, vm6;
	vm2 =	vmand vm1, vm2  }
0x5a: {  	vm7 =	vmand vm1, vm7;
	v15 =	vsel vm2, $0x3F800000, v11;
	vm2 =	vcmask $0x1714  }
0x5b: {  	vm2 =	vmand vm1, vm2;
	[tilespmem:v14+s10+$0x0] =	vst.idx.add.f32.msk vm3, v15;
	vm3 =	vcmask $0x1B18  }
0x5c: {  	vm3 =	vmand vm1, vm3;
	[tilespmem:v14+s10+$0x0] =	vst.idx.add.f32.msk vm5, v15;
	vm5 =	vcmask $0x1F1C  }
0x5d: {  	vm5 =	vmand vm1, vm5  }
0x5e: {  	[tilespmem:v14+s10+$0x0] =	vst.idx.add.f32.msk vm4, v15;
	vm4 =	vmand vm1, vm8  }
0x5f: {  	[tilespmem:v14+s10+$0x0] =	vst.idx.add.f32.msk vm6, v15;
	vm6 =	vmand vm1, vm9  }
0x60: {  	[tilespmem:v14+s10+$0x0] =	vst.idx.add.f32.msk vm7, v15;
	vm7 =	vmand vm1, vm10  }
0x61: {  	[tilespmem:v14+s10+$0x0] =	vst.idx.add.f32.msk vm2, v15;
	vm2 =	vmand vm1, vm11  }
0x62: {  	[tilespmem:v14+s10+$0x0] =	vst.idx.add.f32.msk vm3, v15;
	vm3 =	vmand vm1, vm12  }
0x63: {  	[tilespmem:v14+s10+$0x0] =	vst.idx.add.f32.msk vm5, v15;
	vm5 =	vmand vm1, vm13  }
0x64: {  	[tilespmem:v14+s10+$0x0] =	vst.idx.add.f32.msk vm4, v15;
	vm4 =	vmand vm1, vm14  }
0x65: {  	vm1 =	vmand vm1, vm15;
	[tilespmem:v14+s10+$0x0] =	vst.idx.add.f32.msk vm6, v15  }
0x66: {  	[tilespmem:v14+s10+$0x0] =	vst.idx.add.f32.msk vm7, v15  }
.Ltmp5:
0x67: {  	[tilespmem:v14+s10+$0x0] =	vst.idx.add.f32.msk vm2, v15;
	(pc) =	sbr.rel .LBB2_8-.Ltmp5, $4  }
0x68: {  	[tilespmem:v14+s10+$0x0] =	vst.idx.add.f32.msk vm3, v15  }
0x69: {  	[tilespmem:v14+s10+$0x0] =	vst.idx.add.f32.msk vm5, v15  }
0x6a: {  	[tilespmem:v14+s10+$0x0] =	vst.idx.add.f32.msk vm4, v15  }
0x6b: {  	[tilespmem:v14+s10+$0x0] =	vst.idx.add.f32.msk vm1, v15  }
.LBB2_9:
0x6c: {  	v14 =	vld [tilespmem:$0x18000]  }
0x6d: {  	v15 =	vld [tilespmem:$0x18010]  }
0x6e: {  	v16 =	vld [tilespmem:$0x18020]  }
0x6f: {  	v17 =	vld [tilespmem:$0x18030]  }
0x70: {  	v18 =	vld [tilespmem:$0x18040]  }
0x71: {  	(erf) = vrcp.f32 v14;
	v14 =	vld [tilespmem:$0x18050]  }
0x72: {  	(erf) = vrcp.f32 v15;
	v15 =	vld [tilespmem:$0x18060]  }
0x73: {  	v56 =	vld [tilespmem:$0x18070];
	(erf) = vrcp.f32 v16  }
0x74: {  	v57 =	vld [tilespmem:$0x18080];
	(erf) = vrcp.f32 v17  }
0x75: {  	v58 =	vld [tilespmem:$0x18090];
	(erf) = vrcp.f32 v18  }
0x76: {  	(erf) = vrcp.f32 v14;
	v14 =	vld [tilespmem:$0x180A0]  }
0x77: {  	(erf) = vrcp.f32 v15;
	v15 =	vld [tilespmem:$0x180B0]  }
0x78: {  	v59 =	vld [tilespmem:$0x180C0];
	(erf) = vrcp.f32 v56  }
0x79: {  	v60 =	vld [tilespmem:$0x180D0];
	(erf) = vrcp.f32 v57  }
0x7a: {  	v61 =	vld [tilespmem:$0x180E0];
	v19 =	vpop (erf);
	(erf) = vrcp.f32 v58  }
0x7b: {  	[tilespmem:$0x18100] =	vst v19;
	v62 =	vpop (erf);
	(erf) = vrcp.f32 v14;
	v14 =	vld [tilespmem:$0x180F0]  }
0x7c: {  	[tilespmem:$0x18110] =	vst v62;
	v63 =	vpop (erf);
	(erf) = vrcp.f32 v15  }
0x7d: {  	[tilespmem:$0x18120] =	vst v63;
	v15 =	vpop (erf);
	(erf) = vrcp.f32 v59  }
0x7e: {  	[tilespmem:$0x18130] =	vst v15;
	v15 =	vpop (erf);
	(erf) = vrcp.f32 v60  }
0x7f: {  	[tilespmem:$0x18140] =	vst v15;
	v15 =	vpop (erf);
	(erf) = vrcp.f32 v61  }
0x80: {  	[tilespmem:$0x18150] =	vst v15;
	v15 =	vpop (erf);
	(erf) = vrcp.f32 v14  }
0x81: {  	v14 =	vpop (erf);
	[tilespmem:$0x18160] =	vst v15  }
0x82: {  	v15 =	vpop (erf);
	[tilespmem:$0x18170] =	vst v14  }
0x83: {  	v14 =	vpop (erf);
	[tilespmem:$0x18180] =	vst v15  }
0x84: {  	v15 =	vpop (erf);
	[tilespmem:$0x18190] =	vst v14  }
0x85: {  	v14 =	vpop (erf);
	[tilespmem:$0x181A0] =	vst v15  }
0x86: {  	v15 =	vpop (erf);
	[tilespmem:$0x181B0] =	vst v14  }
0x87: {  	v14 =	vpop (erf);
	[tilespmem:$0x181C0] =	vst v15  }
0x88: {  	v15 =	vpop (erf);
	[tilespmem:$0x181D0] =	vst v14  }
0x89: {  	[tilespmem:$0x181E0] =	vst v15;
	v14 =	vpop (erf)  }
0x8a: {  	s0 =	simm.s32 $0x80;
	[tilespmem:$0x181F0] =	vst v14  }
.LBB2_10:
0x8b: {  	p0 =	sne.s32 s0, $0x1  }
.Ltmp6:
0x8c: {  	_ = 	snop;
	(pc) =	sbr.rel @p0 .LBB2_10-.Ltmp6, $4  }
0x8d: {  	_ = 	snop  }
0x8e: {  	_ =	swait.ge [sflag:s11], $0x4000  }
0x8f: {  	[sflag:s11] =	ssyncset.done $0x0  }
0x90: {  	s0 =	sadd.s32 $0xFFFFFFFF, s0;
	[sflag:s11] =	ssyncadd.s32 $0xFFFFC000  }
0x91: {  	s0 =	simm.s32 $0x0  }
0x92: {  	v14 =	vmov s0;
	v15 =	vor.u32 s0, v1  }
0x93: {  	v16 =	vld [tilespmem:s7+$0xFFFFFFC0];
	v15 =	vshrl.u32 v15, $0x3;
	v14 =	vshrl.u32 v14, $0x3  }
0x94: {  	v17 =	vand.u32 $0x71, v15;
	v14 =	vand.u32 $0x80, v14  }
0x95: {  	v14 =	vor.u32 v14, v17  }
0x96: {  	v15 =	vadd.s32 v0, v15  }
0x97: {  	v15 =	vshll.u32 v15, $0xD  }
0x98: {  	s30 =	simm.s32 $0x10040;
	v15 =	vadd.s32 v15, v16  }
0x99: {  	[tilespmem:s30+$0xFFFFFFC0] =	vst v15  }
0x9a: {  	v14 =	vld.idx.msk [tilespmem:v14+s12+$0x0], $0xffff;
	_ =	sdelay $0x3  }
0x9b: {  	s29 =	simm.s32 $0x14040;
	s14 =	simm.s32 $0x10  }
0x9c: {  	v15 =	vor.u32 s14, v1;
	[tilespmem:s29+$0xFFFFFFC0] =	vst v14;
	v14 =	vmov s14  }
0x9d: {  	v15 =	vshrl.u32 v15, $0x3;
	v50 =	vld [tilespmem:s7+$0xFFFFFFD0];
	v14 =	vshrl.u32 v14, $0x3  }
0x9e: {  	v51 =	vand.u32 $0x73, v15;
	v14 =	vand.u32 $0x80, v14  }
0x9f: {  	v14 =	vor.u32 v14, v51  }
0xa0: {  	v15 =	vadd.s32 v0, v15  }
0xa1: {  	v15 =	vshll.u32 v15, $0xD  }
0xa2: {  	v15 =	vadd.s32 v15, v50  }
0xa3: {  	[tilespmem:s30+$0xFFFFFFD0] =	vst v15  }
0xa4: {  	v14 =	vld.idx.msk [tilespmem:v14+s12+$0x0], $0xffff;
	_ =	sdelay $0x3  }
0xa5: {  	s1 =	simm.s32 $0x20  }
0xa6: {  	v15 =	vor.u32 s1, v1;
	[tilespmem:s29+$0xFFFFFFD0] =	vst v14;
	v14 =	vmov s1  }
0xa7: {  	v15 =	vshrl.u32 v15, $0x3;
	v52 =	vld [tilespmem:s7+$0xFFFFFFE0];
	v14 =	vshrl.u32 v14, $0x3  }
0xa8: {  	v53 =	vand.u32 $0x75, v15;
	v14 =	vand.u32 $0x80, v14  }
0xa9: {  	v14 =	vor.u32 v14, v53  }
0xaa: {  	v15 =	vadd.s32 v0, v15  }
0xab: {  	v15 =	vshll.u32 v15, $0xD  }
0xac: {  	v15 =	vadd.s32 v15, v52  }
0xad: {  	[tilespmem:s30+$0xFFFFFFE0] =	vst v15  }
0xae: {  	v14 =	vld.idx.msk [tilespmem:v14+s12+$0x0], $0xffff;
	_ =	sdelay $0x3  }
0xaf: {  	s2 =	simm.s32 $0x30  }
0xb0: {  	v15 =	vor.u32 s2, v1;
	[tilespmem:s29+$0xFFFFFFE0] =	vst v14;
	v14 =	vmov s2  }
0xb1: {  	v15 =	vshrl.u32 v15, $0x3;
	v54 =	vld [tilespmem:s7+$0xFFFFFFF0];
	v14 =	vshrl.u32 v14, $0x3  }
0xb2: {  	v55 =	vand.u32 $0x77, v15;
	v14 =	vand.u32 $0x80, v14  }
0xb3: {  	v14 =	vor.u32 v14, v55  }
0xb4: {  	v15 =	vadd.s32 v0, v15  }
0xb5: {  	v15 =	vshll.u32 v15, $0xD  }
0xb6: {  	v15 =	vadd.s32 v15, v54  }
0xb7: {  	[tilespmem:s30+$0xFFFFFFF0] =	vst v15  }
0xb8: {  	v14 =	vld.idx.msk [tilespmem:v14+s12+$0x0], $0xffff;
	_ =	sdelay $0x3  }
0xb9: {  	s14 =	simm.s32 $0x40  }
0xba: {  	v15 =	vor.u32 s14, v1;
	[tilespmem:s29+$0xFFFFFFF0] =	vst v14;
	v14 =	vmov s14  }
0xbb: {  	v15 =	vshrl.u32 v15, $0x3;
	v56 =	vld [tilespmem:s7+$0x0];
	v14 =	vshrl.u32 v14, $0x3  }
0xbc: {  	v57 =	vand.u32 $0x79, v15;
	v14 =	vand.u32 $0x80, v14  }
0xbd: {  	v14 =	vor.u32 v14, v57  }
0xbe: {  	v15 =	vadd.s32 v0, v15  }
0xbf: {  	v15 =	vshll.u32 v15, $0xD  }
0xc0: {  	v15 =	vadd.s32 v15, v56  }
0xc1: {  	[tilespmem:s30+$0x0] =	vst v15  }
0xc2: {  	v14 =	vld.idx.msk [tilespmem:v14+s12+$0x0], $0xffff;
	_ =	sdelay $0x3  }
0xc3: {  	s1 =	simm.s32 $0x50  }
0xc4: {  	v15 =	vor.u32 s1, v1;
	[tilespmem:s29+$0x0] =	vst v14;
	v14 =	vmov s1  }
0xc5: {  	v15 =	vshrl.u32 v15, $0x3;
	v58 =	vld [tilespmem:s7+$0x10];
	v14 =	vshrl.u32 v14, $0x3  }
0xc6: {  	v59 =	vand.u32 $0x7B, v15;
	v14 =	vand.u32 $0x80, v14  }
0xc7: {  	v14 =	vor.u32 v14, v59  }
0xc8: {  	v15 =	vadd.s32 v0, v15  }
0xc9: {  	v15 =	vshll.u32 v15, $0xD  }
0xca: {  	v15 =	vadd.s32 v15, v58  }
0xcb: {  	[tilespmem:s30+$0x10] =	vst v15  }
0xcc: {  	v14 =	vld.idx.msk [tilespmem:v14+s12+$0x0], $0xffff;
	_ =	sdelay $0x3  }
0xcd: {  	s2 =	simm.s32 $0x60  }
0xce: {  	v15 =	vor.u32 s2, v1;
	[tilespmem:s29+$0x10] =	vst v14;
	v14 =	vmov s2  }
0xcf: {  	v15 =	vshrl.u32 v15, $0x3;
	v60 =	vld [tilespmem:s7+$0x20];
	v14 =	vshrl.u32 v14, $0x3  }
0xd0: {  	v61 =	vand.u32 $0x7D, v15;
	v14 =	vand.u32 $0x80, v14  }
0xd1: {  	v14 =	vor.u32 v14, v61  }
0xd2: {  	v15 =	vadd.s32 v0, v15  }
0xd3: {  	v15 =	vshll.u32 v15, $0xD  }
0xd4: {  	v15 =	vadd.s32 v15, v60  }
0xd5: {  	[tilespmem:s30+$0x20] =	vst v15  }
0xd6: {  	v14 =	vld.idx.msk [tilespmem:v14+s12+$0x0], $0xffff;
	_ =	sdelay $0x3  }
0xd7: {  	s14 =	simm.s32 $0x70  }
0xd8: {  	v15 =	vor.u32 s14, v1;
	[tilespmem:s29+$0x20] =	vst v14;
	v14 =	vmov s14  }
0xd9: {  	v15 =	vshrl.u32 v15, $0x3;
	v62 =	vld [tilespmem:s7+$0x30];
	v14 =	vshrl.u32 v14, $0x3  }
0xda: {  	v63 =	vand.u32 $0x7F, v15;
	v14 =	vand.u32 $0x80, v14  }
0xdb: {  	v14 =	vor.u32 v14, v63  }
0xdc: {  	v15 =	vadd.s32 v0, v15  }
0xdd: {  	v15 =	vshll.u32 v15, $0xD  }
0xde: {  	v15 =	vadd.s32 v15, v62  }
0xdf: {  	[tilespmem:s30+$0x30] =	vst v15  }
0xe0: {  	v14 =	vld.idx.msk [tilespmem:v14+s12+$0x0], $0xffff;
	_ =	sdelay $0x2  }
0xe1: {  	s31 =	simm.s32 $0xF0  }
0xe2: {  	s0 =	sadd.s32 $0x80, s7;
	s1 =	simm.s32 $0x80;
	s2 =	simm.s32 $0x170  }
.LBB2_12:
0xe3: {  	[tilespmem:s29+$0x30] =	vst v14;
	s29 =	sadd.s32 $0x80, s29  }
0xe4: {  	v15 =	vmov s1;
	v16 =	vor.u32 s1, v1;
	s30 =	sadd.s32 $0x80, s30;
	s1 =	smov.u32 s2;
	s14 =	sadd.s32 $0x80, s2  }
0xe5: {  	p0 =	sne.s32 s2, $0x7F0;
	v14 =	vld [tilespmem:s0+$0xFFFFFFC0];
	v16 =	vshrl.u32 v16, $0x3;
	v15 =	vshrl.u32 v15, $0x3  }
0xe6: {  	v17 =	vadd.s32 v0, v16;
	v16 =	vand.u32 $0x71, v16;
	v15 =	vand.u32 $0x80, v15  }
0xe7: {  	v15 =	vor.u32 v15, v16;
	_ =	sdelay $0x1  }
0xe8: {  	v16 =	vshll.u32 v17, $0xD  }
0xe9: {  	v14 =	vadd.s32 v16, v14  }
0xea: {  	[tilespmem:s30+$0xFFFFFFC0] =	vst v14  }
0xeb: {  	v14 =	vld.idx.msk [tilespmem:v15+s12+$0x0], $0xffff;
	_ =	sdelay $0x4  }
0xec: {  	s2 =	sadd.s32 $0xFFFFFFA0, s31  }
0xed: {  	v15 =	vor.u32 s2, v1;
	[tilespmem:s29+$0xFFFFFFC0] =	vst v14;
	v14 =	vmov s2  }
0xee: {  	v15 =	vshrl.u32 v15, $0x3;
	v16 =	vld [tilespmem:s0+$0xFFFFFFD0];
	v14 =	vshrl.u32 v14, $0x3  }
0xef: {  	v17 =	vadd.s32 v0, v15;
	v15 =	vand.u32 $0x73, v15;
	v14 =	vand.u32 $0x80, v14  }
0xf0: {  	v14 =	vor.u32 v14, v15;
	_ =	sdelay $0x1  }
0xf1: {  	v15 =	vshll.u32 v17, $0xD  }
0xf2: {  	v15 =	vadd.s32 v15, v16  }
0xf3: {  	[tilespmem:s30+$0xFFFFFFD0] =	vst v15  }
0xf4: {  	v14 =	vld.idx.msk [tilespmem:v14+s12+$0x0], $0xffff;
	_ =	sdelay $0x4  }
0xf5: {  	s2 =	sadd.s32 $0xFFFFFFB0, s31  }
0xf6: {  	v15 =	vor.u32 s2, v1;
	[tilespmem:s29+$0xFFFFFFD0] =	vst v14;
	v14 =	vmov s2  }
0xf7: {  	v15 =	vshrl.u32 v15, $0x3;
	v16 =	vld [tilespmem:s0+$0xFFFFFFE0];
	v14 =	vshrl.u32 v14, $0x3  }
0xf8: {  	v17 =	vadd.s32 v0, v15;
	v15 =	vand.u32 $0x75, v15;
	v14 =	vand.u32 $0x80, v14  }
0xf9: {  	v14 =	vor.u32 v14, v15;
	_ =	sdelay $0x1  }
0xfa: {  	v15 =	vshll.u32 v17, $0xD  }
0xfb: {  	v15 =	vadd.s32 v15, v16  }
0xfc: {  	[tilespmem:s30+$0xFFFFFFE0] =	vst v15  }
0xfd: {  	v14 =	vld.idx.msk [tilespmem:v14+s12+$0x0], $0xffff;
	_ =	sdelay $0x4  }
0xfe: {  	s2 =	sadd.s32 $0xFFFFFFC0, s31  }
0xff: {  	v15 =	vor.u32 s2, v1;
	[tilespmem:s29+$0xFFFFFFE0] =	vst v14;
	v14 =	vmov s2  }
0x100: {  	v15 =	vshrl.u32 v15, $0x3;
	v16 =	vld [tilespmem:s0+$0xFFFFFFF0];
	v14 =	vshrl.u32 v14, $0x3  }
0x101: {  	v17 =	vadd.s32 v0, v15;
	v15 =	vand.u32 $0x77, v15;
	v14 =	vand.u32 $0x80, v14  }
0x102: {  	v14 =	vor.u32 v14, v15;
	_ =	sdelay $0x1  }
0x103: {  	v15 =	vshll.u32 v17, $0xD  }
0x104: {  	v15 =	vadd.s32 v15, v16  }
0x105: {  	[tilespmem:s30+$0xFFFFFFF0] =	vst v15  }
0x106: {  	v14 =	vld.idx.msk [tilespmem:v14+s12+$0x0], $0xffff;
	_ =	sdelay $0x4  }
0x107: {  	s2 =	sadd.s32 $0xFFFFFFD0, s31  }
0x108: {  	v15 =	vor.u32 s2, v1;
	[tilespmem:s29+$0xFFFFFFF0] =	vst v14;
	v14 =	vmov s2  }
0x109: {  	v15 =	vshrl.u32 v15, $0x3;
	v16 =	vld [tilespmem:s0+$0x0];
	v14 =	vshrl.u32 v14, $0x3  }
0x10a: {  	v17 =	vadd.s32 v0, v15;
	v15 =	vand.u32 $0x79, v15;
	v14 =	vand.u32 $0x80, v14  }
0x10b: {  	v14 =	vor.u32 v14, v15;
	_ =	sdelay $0x1  }
0x10c: {  	v15 =	vshll.u32 v17, $0xD  }
0x10d: {  	v15 =	vadd.s32 v15, v16  }
0x10e: {  	[tilespmem:s30+$0x0] =	vst v15  }
0x10f: {  	v14 =	vld.idx.msk [tilespmem:v14+s12+$0x0], $0xffff;
	_ =	sdelay $0x4  }
0x110: {  	s2 =	sadd.s32 $0xFFFFFFE0, s31  }
0x111: {  	v15 =	vor.u32 s2, v1;
	[tilespmem:s29+$0x0] =	vst v14;
	v14 =	vmov s2  }
0x112: {  	v15 =	vshrl.u32 v15, $0x3;
	v16 =	vld [tilespmem:s0+$0x10];
	v14 =	vshrl.u32 v14, $0x3  }
0x113: {  	v17 =	vadd.s32 v0, v15;
	v15 =	vand.u32 $0x7B, v15;
	v14 =	vand.u32 $0x80, v14  }
0x114: {  	v14 =	vor.u32 v14, v15;
	_ =	sdelay $0x1  }
0x115: {  	v15 =	vshll.u32 v17, $0xD  }
0x116: {  	v15 =	vadd.s32 v15, v16  }
0x117: {  	[tilespmem:s30+$0x10] =	vst v15  }
0x118: {  	v14 =	vld.idx.msk [tilespmem:v14+s12+$0x0], $0xffff;
	_ =	sdelay $0x4  }
0x119: {  	s2 =	sadd.s32 $0xFFFFFFF0, s31  }
0x11a: {  	v15 =	vor.u32 s2, v1;
	[tilespmem:s29+$0x10] =	vst v14;
	v14 =	vmov s2  }
0x11b: {  	v15 =	vshrl.u32 v15, $0x3;
	v16 =	vld [tilespmem:s0+$0x20];
	v14 =	vshrl.u32 v14, $0x3  }
0x11c: {  	v17 =	vadd.s32 v0, v15;
	v15 =	vand.u32 $0x7D, v15;
	v14 =	vand.u32 $0x80, v14  }
0x11d: {  	v14 =	vor.u32 v14, v15;
	_ =	sdelay $0x1  }
0x11e: {  	v15 =	vshll.u32 v17, $0xD  }
0x11f: {  	v15 =	vadd.s32 v15, v16  }
0x120: {  	[tilespmem:s30+$0x20] =	vst v15  }
0x121: {  	v14 =	vld.idx.msk [tilespmem:v14+s12+$0x0], $0xffff;
	_ =	sdelay $0x5  }
0x122: {  	v15 =	vor.u32 s31, v1;
	[tilespmem:s29+$0x20] =	vst v14;
	v14 =	vmov s31;
	s31 =	smov.u32 s1  }
0x123: {  	v15 =	vshrl.u32 v15, $0x3;
	v16 =	vld [tilespmem:s0+$0x30];
	v14 =	vshrl.u32 v14, $0x3  }
0x124: {  	v17 =	vadd.s32 v0, v15;
	v15 =	vand.u32 $0x7F, v15;
	v14 =	vand.u32 $0x80, v14  }
0x125: {  	v14 =	vor.u32 v14, v15;
	_ =	sdelay $0x1  }
0x126: {  	v15 =	vshll.u32 v17, $0xD  }
0x127: {  	v15 =	vadd.s32 v15, v16  }
0x128: {  	[tilespmem:s30+$0x30] =	vst v15  }
0x129: {  	v14 =	vld.idx.msk [tilespmem:v14+s12+$0x0], $0xffff  }
.Ltmp7:
0x12a: {  	(pc) =	sbr.rel @p0 .LBB2_12-.Ltmp7, $2  }
0x12b: {  	_ =	sdelay $0x2  }
0x12c: {  	s2 =	smov.u32 s14;
	s1 =	sadd.s32 $0xFFFFFF90, s31;
	s0 =	sadd.s32 $0x80, s0  }
0x12d: {  	v15 =	vmov s1;
	v16 =	vor.u32 s1, v1;
	[tilespmem:s29+$0x30] =	vst v14  }
0x12e: {  	v14 =	vld [tilespmem:s0+$0xFFFFFFC0];
	v16 =	vshrl.u32 v16, $0x3;
	v15 =	vshrl.u32 v15, $0x3  }
0x12f: {  	v17 =	vand.u32 $0x71, v16;
	v15 =	vand.u32 $0x80, v15  }
0x130: {  	v15 =	vor.u32 v15, v17  }
0x131: {  	v16 =	vadd.s32 v0, v16  }
0x132: {  	v16 =	vshll.u32 v16, $0xD  }
0x133: {  	s1 =	sadd.s32 $0x80, s30;
	v14 =	vadd.s32 v16, v14  }
0x134: {  	[tilespmem:s1+$0xFFFFFFC0] =	vst v14  }
0x135: {  	v14 =	vld.idx.msk [tilespmem:v15+s12+$0x0], $0xffff;
	_ =	sdelay $0x3  }
0x136: {  	s2 =	sadd.s32 $0x80, s29;
	s14 =	sadd.s32 $0xFFFFFFA0, s31  }
0x137: {  	v15 =	vor.u32 s14, v1;
	[tilespmem:s2+$0xFFFFFFC0] =	vst v14;
	v14 =	vmov s14  }
0x138: {  	v15 =	vshrl.u32 v15, $0x3;
	v50 =	vld [tilespmem:s0+$0xFFFFFFD0];
	v14 =	vshrl.u32 v14, $0x3  }
0x139: {  	v51 =	vand.u32 $0x73, v15;
	v14 =	vand.u32 $0x80, v14  }
0x13a: {  	v14 =	vor.u32 v14, v51  }
0x13b: {  	v15 =	vadd.s32 v0, v15  }
0x13c: {  	v15 =	vshll.u32 v15, $0xD  }
0x13d: {  	v15 =	vadd.s32 v15, v50  }
0x13e: {  	[tilespmem:s1+$0xFFFFFFD0] =	vst v15  }
0x13f: {  	v14 =	vld.idx.msk [tilespmem:v14+s12+$0x0], $0xffff;
	_ =	sdelay $0x3  }
0x140: {  	s30 =	sadd.s32 $0xFFFFFFB0, s31  }
0x141: {  	v15 =	vor.u32 s30, v1;
	[tilespmem:s2+$0xFFFFFFD0] =	vst v14;
	v14 =	vmov s30  }
0x142: {  	v15 =	vshrl.u32 v15, $0x3;
	v52 =	vld [tilespmem:s0+$0xFFFFFFE0];
	v14 =	vshrl.u32 v14, $0x3  }
0x143: {  	v53 =	vand.u32 $0x75, v15;
	v14 =	vand.u32 $0x80, v14  }
0x144: {  	v14 =	vor.u32 v14, v53  }
0x145: {  	v15 =	vadd.s32 v0, v15  }
0x146: {  	v15 =	vshll.u32 v15, $0xD  }
0x147: {  	v15 =	vadd.s32 v15, v52  }
0x148: {  	[tilespmem:s1+$0xFFFFFFE0] =	vst v15  }
0x149: {  	v14 =	vld.idx.msk [tilespmem:v14+s12+$0x0], $0xffff;
	_ =	sdelay $0x3  }
0x14a: {  	s30 =	sadd.s32 $0xFFFFFFC0, s31  }
0x14b: {  	v15 =	vor.u32 s30, v1;
	[tilespmem:s2+$0xFFFFFFE0] =	vst v14;
	v14 =	vmov s30  }
0x14c: {  	v15 =	vshrl.u32 v15, $0x3;
	v54 =	vld [tilespmem:s0+$0xFFFFFFF0];
	v14 =	vshrl.u32 v14, $0x3  }
0x14d: {  	v55 =	vand.u32 $0x77, v15;
	v14 =	vand.u32 $0x80, v14  }
0x14e: {  	v14 =	vor.u32 v14, v55  }
0x14f: {  	v15 =	vadd.s32 v0, v15  }
0x150: {  	v15 =	vshll.u32 v15, $0xD  }
0x151: {  	v15 =	vadd.s32 v15, v54  }
0x152: {  	[tilespmem:s1+$0xFFFFFFF0] =	vst v15  }
0x153: {  	v14 =	vld.idx.msk [tilespmem:v14+s12+$0x0], $0xffff;
	_ =	sdelay $0x3  }
0x154: {  	s30 =	sadd.s32 $0xFFFFFFD0, s31  }
0x155: {  	v15 =	vor.u32 s30, v1;
	[tilespmem:s2+$0xFFFFFFF0] =	vst v14;
	v14 =	vmov s30  }
0x156: {  	v15 =	vshrl.u32 v15, $0x3;
	v56 =	vld [tilespmem:s0+$0x0];
	v14 =	vshrl.u32 v14, $0x3  }
0x157: {  	v57 =	vand.u32 $0x79, v15;
	v14 =	vand.u32 $0x80, v14  }
0x158: {  	v14 =	vor.u32 v14, v57  }
0x159: {  	v15 =	vadd.s32 v0, v15  }
0x15a: {  	v15 =	vshll.u32 v15, $0xD  }
0x15b: {  	v15 =	vadd.s32 v15, v56  }
0x15c: {  	[tilespmem:s1+$0x0] =	vst v15  }
0x15d: {  	v14 =	vld.idx.msk [tilespmem:v14+s12+$0x0], $0xffff;
	_ =	sdelay $0x3  }
0x15e: {  	s30 =	sadd.s32 $0xFFFFFFE0, s31  }
0x15f: {  	v15 =	vor.u32 s30, v1;
	[tilespmem:s2+$0x0] =	vst v14;
	v14 =	vmov s30  }
0x160: {  	v15 =	vshrl.u32 v15, $0x3;
	v58 =	vld [tilespmem:s0+$0x10];
	v14 =	vshrl.u32 v14, $0x3  }
0x161: {  	v59 =	vand.u32 $0x7B, v15;
	v14 =	vand.u32 $0x80, v14  }
0x162: {  	v14 =	vor.u32 v14, v59  }
0x163: {  	v15 =	vadd.s32 v0, v15  }
0x164: {  	v15 =	vshll.u32 v15, $0xD  }
0x165: {  	v15 =	vadd.s32 v15, v58  }
0x166: {  	[tilespmem:s1+$0x10] =	vst v15  }
0x167: {  	v14 =	vld.idx.msk [tilespmem:v14+s12+$0x0], $0xffff;
	_ =	sdelay $0x3  }
0x168: {  	s30 =	sadd.s32 $0xFFFFFFF0, s31  }
0x169: {  	v60 =	vor.u32 s30, v1;
	v15 =	vmov s30;
	[tilespmem:s2+$0x10] =	vst v14  }
0x16a: {  	v16 =	vshrl.u32 v60, $0x3;
	v15 =	vshrl.u32 v15, $0x3;
	v14 =	vld [tilespmem:s0+$0x20]  }
0x16b: {  	v61 =	vand.u32 $0x7D, v16;
	v15 =	vand.u32 $0x80, v15  }
0x16c: {  	v15 =	vor.u32 v15, v61  }
0x16d: {  	v16 =	vadd.s32 v0, v16  }
0x16e: {  	v16 =	vshll.u32 v16, $0xD  }
0x16f: {  	v14 =	vadd.s32 v16, v14  }
0x170: {  	[tilespmem:s1+$0x20] =	vst v14  }
0x171: {  	v14 =	vld.idx.msk [tilespmem:v15+s12+$0x0], $0xffff;
	_ =	sdelay $0x4  }
0x172: {  	v15 =	vor.u32 s31, v1;
	[tilespmem:s2+$0x20] =	vst v14;
	v14 =	vmov s31  }
0x173: {  	v15 =	vshrl.u32 v15, $0x3;
	v62 =	vld [tilespmem:s0+$0x30];
	v14 =	vshrl.u32 v14, $0x3  }
0x174: {  	v63 =	vand.u32 $0x7F, v15;
	v14 =	vand.u32 $0x80, v14  }
0x175: {  	v14 =	vor.u32 v14, v63  }
0x176: {  	v15 =	vadd.s32 v0, v15  }
0x177: {  	v15 =	vshll.u32 v15, $0xD  }
0x178: {  	v15 =	vadd.s32 v15, v62  }
0x179: {  	[tilespmem:s1+$0x30] =	vst v15  }
0x17a: {  	v14 =	vld.idx.msk [tilespmem:v14+s12+$0x0], $0xffff;
	_ =	sdelay $0x4  }
0x17b: {  	s14 =	simm.s32 $0x14000;
	[tilespmem:s2+$0x30] =	vst v14;
	s2 =	simm.s32 $0x10000  }
0x17c: {  	[hbm4b:s4+s13] =	stream.indirect.scatter [tilespmem:s14], [sflag:$0x2], $0x1, s2, s13, $0xb8;
	[tilespmem:$0x1C200] =	vst v63  }
0x17d: {  	s30 =	simm.s32 $0x10080;
	s31 =	simm.s32 $0x14080  }
0x17e: {  	[hbm4b:s4+s13] =	stream.indirect.scatter [tilespmem:s31], [sflag:$0x2], $0x1, s30, s13, $0xb8;
	[tilespmem:$0x1C200] =	vst v63  }
0x17f: {  	s2 =	simm.s32 $0x10100;
	s14 =	simm.s32 $0x14100  }
0x180: {  	[hbm4b:s4+s13] =	stream.indirect.scatter [tilespmem:s14], [sflag:$0x2], $0x1, s2, s13, $0xb8;
	[tilespmem:$0x1C200] =	vst v63  }
0x181: {  	s30 =	simm.s32 $0x10180;
	s31 =	simm.s32 $0x14180  }
0x182: {  	[hbm4b:s4+s13] =	stream.indirect.scatter [tilespmem:s31], [sflag:$0x2], $0x1, s30, s13, $0xb8;
	[tilespmem:$0x1C200] =	vst v63  }
0x183: {  	s2 =	simm.s32 $0x10200;
	s14 =	simm.s32 $0x14200  }
0x184: {  	[hbm4b:s4+s13] =	stream.indirect.scatter [tilespmem:s14], [sflag:$0x2], $0x1, s2, s13, $0xb8;
	[tilespmem:$0x1C200] =	vst v63  }
0x185: {  	s30 =	simm.s32 $0x10280;
	s31 =	simm.s32 $0x14280  }
0x186: {  	[hbm4b:s4+s13] =	stream.indirect.scatter [tilespmem:s31], [sflag:$0x2], $0x1, s30, s13, $0xb8;
	[tilespmem:$0x1C200] =	vst v63  }
0x187: {  	s2 =	simm.s32 $0x10300;
	s14 =	simm.s32 $0x14300  }
0x188: {  	[hbm4b:s4+s13] =	stream.indirect.scatter [tilespmem:s14], [sflag:$0x2], $0x1, s2, s13, $0xb8;
	[tilespmem:$0x1C200] =	vst v63  }
0x189: {  	s30 =	simm.s32 $0x10380;
	s31 =	simm.s32 $0x14380  }
0x18a: {  	[hbm4b:s4+s13] =	stream.indirect.scatter [tilespmem:s31], [sflag:$0x2], $0x1, s30, s13, $0xb8;
	[tilespmem:$0x1C200] =	vst v63  }
0x18b: {  	s1 =	simm.s32 $0x10400;
	s2 =	simm.s32 $0x14400  }
0x18c: {  	[hbm4b:s4+s13] =	stream.indirect.scatter [tilespmem:s2], [sflag:$0x2], $0x1, s1, s13, $0xb8;
	[tilespmem:$0x1C200] =	vst v63  }
0x18d: {  	s14 =	simm.s32 $0x10480;
	s30 =	simm.s32 $0x14480  }
0x18e: {  	[hbm4b:s4+s13] =	stream.indirect.scatter [tilespmem:s30], [sflag:$0x2], $0x1, s14, s13, $0xb8;
	[tilespmem:$0x1C200] =	vst v63  }
0x18f: {  	s31 =	simm.s32 $0x10500  }
0x190: {  	[hbm4b:s4+s13] =	stream.indirect.scatter [tilespmem:s15], [sflag:$0x2], $0x1, s31, s13, $0xb8;
	[tilespmem:$0x1C200] =	vst v63  }
0x191: {  	_ = 	snop  }
0x192: {  	[hbm4b:s4+s13] =	stream.indirect.scatter [tilespmem:s17], [sflag:$0x2], $0x1, s16, s13, $0xb8;
	[tilespmem:$0x1C200] =	vst v63  }
0x193: {  	_ = 	snop  }
0x194: {  	[hbm4b:s4+s13] =	stream.indirect.scatter [tilespmem:s19], [sflag:$0x2], $0x1, s18, s13, $0xb8;
	[tilespmem:$0x1C200] =	vst v63  }
0x195: {  	_ = 	snop  }
0x196: {  	[hbm4b:s4+s13] =	stream.indirect.scatter [tilespmem:s21], [sflag:$0x2], $0x1, s20, s13, $0xb8;
	[tilespmem:$0x1C200] =	vst v63  }
0x197: {  	_ = 	snop  }
0x198: {  	[hbm4b:s4+s13] =	stream.indirect.scatter [tilespmem:s23], [sflag:$0x2], $0x1, s22, s13, $0xb8;
	[tilespmem:$0x1C200] =	vst v63  }
0x199: {  	_ = 	snop  }
0x19a: {  	[hbm4b:s4+s13] =	stream.indirect.scatter [tilespmem:s25], [sflag:$0x2], $0x1, s24, s13, $0xb8;
	[tilespmem:$0x1C200] =	vst v63  }
0x19b: {  	_ =	swait.ge [sflag:s26], $0x80  }
0x19c: {  	[sflag:s26] =	ssyncset.done $0x0  }
0x19d: {  	[sflag:s26] =	ssyncadd.s32 $0xFFFFFF80  }
0x19e: {  	_ =	swait.ge [sflag:s26], $0x80  }
0x19f: {  	[sflag:s26] =	ssyncset.done $0x0  }
0x1a0: {  	[sflag:s26] =	ssyncadd.s32 $0xFFFFFF80  }
0x1a1: {  	_ =	swait.ge [sflag:s26], $0x80  }
0x1a2: {  	[sflag:s26] =	ssyncset.done $0x0  }
0x1a3: {  	[sflag:s26] =	ssyncadd.s32 $0xFFFFFF80  }
0x1a4: {  	_ =	swait.ge [sflag:s26], $0x80  }
0x1a5: {  	[sflag:s26] =	ssyncset.done $0x0  }
0x1a6: {  	[sflag:s26] =	ssyncadd.s32 $0xFFFFFF80  }
0x1a7: {  	_ =	swait.ge [sflag:s26], $0x80  }
0x1a8: {  	[sflag:s26] =	ssyncset.done $0x0  }
0x1a9: {  	[sflag:s26] =	ssyncadd.s32 $0xFFFFFF80  }
0x1aa: {  	_ =	swait.ge [sflag:s26], $0x80  }
0x1ab: {  	[sflag:s26] =	ssyncset.done $0x0  }
0x1ac: {  	[sflag:s26] =	ssyncadd.s32 $0xFFFFFF80  }
0x1ad: {  	_ =	swait.ge [sflag:s26], $0x80  }
0x1ae: {  	[sflag:s26] =	ssyncset.done $0x0  }
0x1af: {  	[sflag:s26] =	ssyncadd.s32 $0xFFFFFF80  }
0x1b0: {  	_ =	swait.ge [sflag:s26], $0x80  }
0x1b1: {  	[sflag:s26] =	ssyncset.done $0x0  }
0x1b2: {  	[sflag:s26] =	ssyncadd.s32 $0xFFFFFF80  }
0x1b3: {  	_ =	swait.ge [sflag:s26], $0x80  }
0x1b4: {  	[sflag:s26] =	ssyncset.done $0x0  }
0x1b5: {  	[sflag:s26] =	ssyncadd.s32 $0xFFFFFF80  }
0x1b6: {  	_ =	swait.ge [sflag:s26], $0x80  }
0x1b7: {  	[sflag:s26] =	ssyncset.done $0x0  }
0x1b8: {  	[sflag:s26] =	ssyncadd.s32 $0xFFFFFF80  }
0x1b9: {  	_ =	swait.ge [sflag:s26], $0x80  }
0x1ba: {  	[sflag:s26] =	ssyncset.done $0x0  }
0x1bb: {  	[sflag:s26] =	ssyncadd.s32 $0xFFFFFF80  }
0x1bc: {  	_ =	swait.ge [sflag:s26], $0x80  }
0x1bd: {  	[sflag:s26] =	ssyncset.done $0x0  }
0x1be: {  	[sflag:s26] =	ssyncadd.s32 $0xFFFFFF80  }
0x1bf: {  	_ =	swait.ge [sflag:s26], $0x80  }
0x1c0: {  	[sflag:s26] =	ssyncset.done $0x0  }
0x1c1: {  	[sflag:s26] =	ssyncadd.s32 $0xFFFFFF80  }
0x1c2: {  	_ =	swait.ge [sflag:s26], $0x80  }
0x1c3: {  	[sflag:s26] =	ssyncset.done $0x0  }
0x1c4: {  	[sflag:s26] =	ssyncadd.s32 $0xFFFFFF80  }
0x1c5: {  	_ =	swait.ge [sflag:s26], $0x80  }
0x1c6: {  	[sflag:s26] =	ssyncset.done $0x0  }
0x1c7: {  	[sflag:s26] =	ssyncadd.s32 $0xFFFFFF80  }
0x1c8: {  	_ =	swait.ge [sflag:s26], $0x80  }
0x1c9: {  	s29 =	simm.s32 $0x14040;
	s0 =	simm.s32 $0x70;
	[sflag:s26] =	ssyncset.done $0x0  }
0x1ca: {  	s1 =	simm.s32 $0x40;
	s2 =	simm.s32 $0x10040;
	[sflag:s26] =	ssyncadd.s32 $0xFFFFFF80  }
.LBB2_14:
0x1cb: {  	v14 =	vld [tilespmem:s1+$0xFFFFFFC0];
	_ =	sdelay $0x4  }
0x1cc: {  	vm1 =	vge.s32 v14, v0;
	vm2 =	vlt.s32 v14, v2  }
0x1cd: {  	v15 =	vsub.s32 v14, v0;
	vm1 =	vmand vm1, vm2  }
0x1ce: {  	v15 =	vnsel vm1, $0x0, v15;
	_ =	sdelay $0x4  }
0x1cf: {  	s14 =	sadd.s32 $0xFFFFFF90, s0;
	v15 =	vld.idx.msk [tilespmem:v15+s12+$0x0], $0xffff  }
0x1d0: {  	v16 =	vor.u32 s14, v1  }
0x1d1: {  	v16 =	vshrl.u32 v16, $0x3;
	v14 =	vshll.u32 v14, $0xD  }
0x1d2: {  	v14 =	vadd.s32 v16, v14  }
0x1d3: {  	v14 =	vsel vm1, v14, v3  }
0x1d4: {  	[tilespmem:s2+$0xFFFFFFC0] =	vst v14;
	v15 =	vnsel vm1, $0x0, v15  }
0x1d5: {  	[tilespmem:s29+$0xFFFFFFC0] =	vst v15  }
0x1d6: {  	v14 =	vld [tilespmem:s1+$0xFFFFFFD0];
	_ =	sdelay $0x4  }
0x1d7: {  	vm1 =	vge.s32 v14, v0;
	vm2 =	vlt.s32 v14, v2  }
0x1d8: {  	v15 =	vsub.s32 v14, v0;
	vm1 =	vmand vm1, vm2  }
0x1d9: {  	v15 =	vnsel vm1, $0x0, v15;
	_ =	sdelay $0x4  }
0x1da: {  	s30 =	sadd.s32 $0xFFFFFFA0, s0;
	v15 =	vld.idx.msk [tilespmem:v15+s12+$0x0], $0xffff  }
0x1db: {  	v57 =	vor.u32 s30, v1  }
0x1dc: {  	v16 =	vshrl.u32 v57, $0x3;
	v14 =	vshll.u32 v14, $0xD  }
0x1dd: {  	v14 =	vadd.s32 v16, v14  }
0x1de: {  	v14 =	vsel vm1, v14, v4  }
0x1df: {  	[tilespmem:s2+$0xFFFFFFD0] =	vst v14;
	v15 =	vnsel vm1, $0x0, v15  }
0x1e0: {  	[tilespmem:s29+$0xFFFFFFD0] =	vst v15  }
0x1e1: {  	v14 =	vld [tilespmem:s1+$0xFFFFFFE0];
	_ =	sdelay $0x4  }
0x1e2: {  	vm1 =	vge.s32 v14, v0;
	vm2 =	vlt.s32 v14, v2  }
0x1e3: {  	v15 =	vsub.s32 v14, v0;
	vm1 =	vmand vm1, vm2  }
0x1e4: {  	v15 =	vnsel vm1, $0x0, v15;
	_ =	sdelay $0x4  }
0x1e5: {  	s31 =	sadd.s32 $0xFFFFFFB0, s0;
	v15 =	vld.idx.msk [tilespmem:v15+s12+$0x0], $0xffff  }
0x1e6: {  	v58 =	vor.u32 s31, v1  }
0x1e7: {  	v16 =	vshrl.u32 v58, $0x3;
	v14 =	vshll.u32 v14, $0xD  }
0x1e8: {  	v14 =	vadd.s32 v16, v14  }
0x1e9: {  	v14 =	vsel vm1, v14, v5  }
0x1ea: {  	[tilespmem:s2+$0xFFFFFFE0] =	vst v14;
	v15 =	vnsel vm1, $0x0, v15  }
0x1eb: {  	[tilespmem:s29+$0xFFFFFFE0] =	vst v15  }
0x1ec: {  	v14 =	vld [tilespmem:s1+$0xFFFFFFF0];
	_ =	sdelay $0x4  }
0x1ed: {  	vm1 =	vge.s32 v14, v0;
	vm2 =	vlt.s32 v14, v2  }
0x1ee: {  	v15 =	vsub.s32 v14, v0;
	vm1 =	vmand vm1, vm2  }
0x1ef: {  	v15 =	vnsel vm1, $0x0, v15;
	_ =	sdelay $0x4  }
0x1f0: {  	s30 =	sadd.s32 $0xFFFFFFC0, s0;
	v15 =	vld.idx.msk [tilespmem:v15+s12+$0x0], $0xffff  }
0x1f1: {  	v59 =	vor.u32 s30, v1  }
0x1f2: {  	v16 =	vshrl.u32 v59, $0x3;
	v14 =	vshll.u32 v14, $0xD  }
0x1f3: {  	v14 =	vadd.s32 v16, v14  }
0x1f4: {  	v14 =	vsel vm1, v14, v6  }
0x1f5: {  	[tilespmem:s2+$0xFFFFFFF0] =	vst v14;
	v15 =	vnsel vm1, $0x0, v15  }
0x1f6: {  	[tilespmem:s29+$0xFFFFFFF0] =	vst v15  }
0x1f7: {  	v14 =	vld [tilespmem:s1+$0x0];
	_ =	sdelay $0x4  }
0x1f8: {  	vm1 =	vge.s32 v14, v0;
	vm2 =	vlt.s32 v14, v2  }
0x1f9: {  	v15 =	vsub.s32 v14, v0;
	vm1 =	vmand vm1, vm2  }
0x1fa: {  	v15 =	vnsel vm1, $0x0, v15;
	_ =	sdelay $0x4  }
0x1fb: {  	s31 =	sadd.s32 $0xFFFFFFD0, s0;
	v15 =	vld.idx.msk [tilespmem:v15+s12+$0x0], $0xffff  }
0x1fc: {  	v60 =	vor.u32 s31, v1  }
0x1fd: {  	v16 =	vshrl.u32 v60, $0x3;
	v14 =	vshll.u32 v14, $0xD  }
0x1fe: {  	v14 =	vadd.s32 v16, v14  }
0x1ff: {  	v14 =	vsel vm1, v14, v7  }
0x200: {  	[tilespmem:s2+$0x0] =	vst v14;
	v15 =	vnsel vm1, $0x0, v15  }
0x201: {  	[tilespmem:s29+$0x0] =	vst v15  }
0x202: {  	v14 =	vld [tilespmem:s1+$0x10];
	_ =	sdelay $0x4  }
0x203: {  	vm1 =	vge.s32 v14, v0;
	vm2 =	vlt.s32 v14, v2  }
0x204: {  	v15 =	vsub.s32 v14, v0;
	vm1 =	vmand vm1, vm2  }
0x205: {  	v15 =	vnsel vm1, $0x0, v15;
	_ =	sdelay $0x4  }
0x206: {  	s30 =	sadd.s32 $0xFFFFFFE0, s0;
	v15 =	vld.idx.msk [tilespmem:v15+s12+$0x0], $0xffff  }
0x207: {  	v61 =	vor.u32 s30, v1  }
0x208: {  	v16 =	vshrl.u32 v61, $0x3;
	v14 =	vshll.u32 v14, $0xD  }
0x209: {  	v14 =	vadd.s32 v16, v14  }
0x20a: {  	v14 =	vsel vm1, v14, v8  }
0x20b: {  	[tilespmem:s2+$0x10] =	vst v14;
	v15 =	vnsel vm1, $0x0, v15  }
0x20c: {  	[tilespmem:s29+$0x10] =	vst v15  }
0x20d: {  	v14 =	vld [tilespmem:s1+$0x20];
	_ =	sdelay $0x4  }
0x20e: {  	vm1 =	vge.s32 v14, v0;
	vm2 =	vlt.s32 v14, v2  }
0x20f: {  	v15 =	vsub.s32 v14, v0;
	vm1 =	vmand vm1, vm2  }
0x210: {  	v15 =	vnsel vm1, $0x0, v15;
	_ =	sdelay $0x4  }
0x211: {  	s31 =	sadd.s32 $0xFFFFFFF0, s0;
	v15 =	vld.idx.msk [tilespmem:v15+s12+$0x0], $0xffff  }
0x212: {  	v62 =	vor.u32 s31, v1  }
0x213: {  	v16 =	vshrl.u32 v62, $0x3;
	v14 =	vshll.u32 v14, $0xD  }
0x214: {  	v14 =	vadd.s32 v16, v14  }
0x215: {  	v14 =	vsel vm1, v14, v9  }
0x216: {  	[tilespmem:s2+$0x20] =	vst v14;
	v15 =	vnsel vm1, $0x0, v15  }
0x217: {  	[tilespmem:s29+$0x20] =	vst v15  }
0x218: {  	v14 =	vld [tilespmem:s1+$0x30];
	_ =	sdelay $0x4  }
0x219: {  	vm1 =	vge.s32 v14, v0;
	vm2 =	vlt.s32 v14, v2  }
0x21a: {  	v15 =	vsub.s32 v14, v0;
	vm1 =	vmand vm1, vm2  }
0x21b: {  	v15 =	vnsel vm1, $0x0, v15;
	_ =	sdelay $0x4  }
0x21c: {  	v15 =	vld.idx.msk [tilespmem:v15+s12+$0x0], $0xffff  }
0x21d: {  	v63 =	vor.u32 s0, v1;
	p0 =	sne.s32 s0, $0x3FF0  }
.Ltmp8:
0x21e: {  	v16 =	vshrl.u32 v63, $0x3;
	v14 =	vshll.u32 v14, $0xD;
	(pc) =	sbr.rel @p0 .LBB2_14-.Ltmp8, $4  }
0x21f: {  	v14 =	vadd.s32 v16, v14  }
0x220: {  	v14 =	vsel vm1, v14, v10  }
0x221: {  	s0 =	sadd.s32 $0x80, s0;
	[tilespmem:s2+$0x30] =	vst v14;
	v15 =	vnsel vm1, $0x0, v15  }
0x222: {  	s1 =	sadd.s32 $0x80, s1;
	s2 =	sadd.s32 $0x80, s2;
	[tilespmem:s29+$0x30] =	vst v15;
	s29 =	sadd.s32 $0x80, s29  }
0x223: {  	s1 =	simm.s32 $0x200  }
0x224: {  	s2 =	simm.s32 $0x14000;
	s14 =	simm.s32 $0x10000;
	s0 =	simm.s32 $0x80  }
.LBB2_16:
0x225: {  	[hbm4b:s4+s0] =	stream.indirect.scatter [tilespmem:s2], [sflag:$0x2], $0x1, s14, s0, $0xb8;
	[tilespmem:$0x1C200] =	vst v63  }
0x226: {  	s2 =	smov.u32 s1;
	p0 =	sne.s32 s1, $0xFE00  }
.Ltmp9:
0x227: {  	s1 =	sadd.s32 $0x200, s1;
	(pc) =	sbr.rel @p0 .LBB2_16-.Ltmp9, $3  }
0x228: {  	_ =	sdelay $0x1  }
0x229: {  	s14 =	sshra.s32 s2, $0x2  }
0x22a: {  	s2 =	sadd.s32 $0x14000, s14;
	s14 =	sadd.s32 $0x10000, s14  }
0x22b: {  	[hbm4b:s4+s0] =	stream.indirect.scatter [tilespmem:s2], [sflag:$0x2], $0x1, s14, s0, $0xb8;
	[tilespmem:$0x1C200] =	vst v63  }
.LBB2_18:
0x22c: {  	p0 =	sne.s32 s0, $0x1  }
.Ltmp10:
0x22d: {  	_ = 	snop;
	(pc) =	sbr.rel @p0 .LBB2_18-.Ltmp10, $4  }
0x22e: {  	_ = 	snop  }
0x22f: {  	_ =	swait.ge [sflag:s26], $0x80  }
0x230: {  	[sflag:s26] =	ssyncset.done $0x0  }
0x231: {  	s0 =	sadd.s32 $0xFFFFFFFF, s0;
	[sflag:s26] =	ssyncadd.s32 $0xFFFFFF80  }
0x232: {  	s0 =	simm.s32 $0x0  }
0x233: {  	v14 =	vld [tilespmem:s0+$0x4000];
	_ =	sdelay $0x4  }
0x234: {  	vm1 =	vge.s32 v14, v0;
	vm2 =	vlt.s32 v14, v2  }
0x235: {  	v15 =	vsub.s32 v14, v0;
	vm1 =	vmand vm1, vm2  }
0x236: {  	v16 =	vld [tilespmem:s0+$0x4010];
	v15 =	vnsel vm1, $0x0, v15  }
0x237: {  	s1 =	simm.s32 $0x4000  }
0x238: {  	v17 =	vor.u32 s1, v1  }
0x239: {  	v17 =	vshrl.u32 v17, $0x3;
	v14 =	vshll.u32 v14, $0xD  }
0x23a: {  	v14 =	vadd.s32 v17, v14  }
0x23b: {  	vm3 =	vlt.s32 v16, v2;
	vm2 =	vge.s32 v16, v0;
	v14 =	vsel vm1, v14, v3;
	v15 =	vld.idx.msk [tilespmem:v15+s12+$0x0], $0xffff  }
0x23c: {  	vm2 =	vmand vm2, vm3;
	[tilespmem:s0+$0x10000] =	vst v14;
	v14 =	vsub.s32 v16, v0  }
0x23d: {  	v17 =	vld [tilespmem:s0+$0x4020];
	v14 =	vnsel vm2, $0x0, v14  }
0x23e: {  	s2 =	simm.s32 $0x4010  }
0x23f: {  	v18 =	vor.u32 s2, v1  }
0x240: {  	v18 =	vshrl.u32 v18, $0x3;
	v16 =	vshll.u32 v16, $0xD;
	v15 =	vnsel vm1, $0x0, v15  }
0x241: {  	v16 =	vadd.s32 v18, v16;
	[tilespmem:s0+$0x14000] =	vst v15  }
0x242: {  	vm3 =	vlt.s32 v17, v2;
	vm1 =	vge.s32 v17, v0;
	v15 =	vsel vm2, v16, v4;
	v14 =	vld.idx.msk [tilespmem:v14+s12+$0x0], $0xffff  }
0x243: {  	vm1 =	vmand vm1, vm3;
	[tilespmem:s0+$0x10010] =	vst v15;
	v15 =	vsub.s32 v17, v0  }
0x244: {  	v16 =	vld [tilespmem:s0+$0x4030];
	v15 =	vnsel vm1, $0x0, v15;
	_ =	sdelay $0x2  }
0x245: {  	v14 =	vnsel vm2, $0x0, v14  }
0x246: {  	[tilespmem:s0+$0x14010] =	vst v14  }
0x247: {  	s14 =	simm.s32 $0x4020;
	vm3 =	vlt.s32 v16, v2;
	vm2 =	vge.s32 v16, v0;
	v14 =	vld.idx.msk [tilespmem:v15+s12+$0x0], $0xffff  }
0x248: {  	v18 =	vsub.s32 v16, v0;
	vm2 =	vmand vm2, vm3;
	v15 =	vor.u32 s14, v1  }
0x249: {  	v19 =	vld [tilespmem:s0+$0x4040];
	v17 =	vshll.u32 v17, $0xD;
	v18 =	vnsel vm2, $0x0, v18;
	v15 =	vshrl.u32 v15, $0x3  }
0x24a: {  	v15 =	vadd.s32 v15, v17  }
0x24b: {  	v15 =	vsel vm1, v15, v5  }
0x24c: {  	[tilespmem:s0+$0x10020] =	vst v15;
	v14 =	vnsel vm1, $0x0, v14  }
0x24d: {  	[tilespmem:s0+$0x14020] =	vst v14  }
0x24e: {  	s31 =	simm.s32 $0x4030;
	vm3 =	vlt.s32 v19, v2;
	vm1 =	vge.s32 v19, v0;
	v14 =	vld.idx.msk [tilespmem:v18+s12+$0x0], $0xffff  }
0x24f: {  	v17 =	vsub.s32 v19, v0;
	v15 =	vor.u32 s31, v1;
	vm1 =	vmand vm1, vm3  }
0x250: {  	v16 =	vshll.u32 v16, $0xD;
	v15 =	vshrl.u32 v15, $0x3;
	v17 =	vnsel vm1, $0x0, v17;
	v18 =	vld [tilespmem:s0+$0x4050]  }
0x251: {  	v15 =	vadd.s32 v15, v16  }
0x252: {  	v15 =	vsel vm2, v15, v6  }
0x253: {  	s2 =	simm.s32 $0x4040;
	[tilespmem:s0+$0x10030] =	vst v15;
	v14 =	vnsel vm2, $0x0, v14  }
0x254: {  	v15 =	vor.u32 s2, v1;
	[tilespmem:s0+$0x14030] =	vst v14  }
0x255: {  	v15 =	vshrl.u32 v15, $0x3;
	vm2 =	vge.s32 v18, v0;
	vm3 =	vlt.s32 v18, v2;
	v14 =	vld.idx.msk [tilespmem:v17+s12+$0x0], $0xffff  }
0x256: {  	v16 =	vsub.s32 v18, v0;
	vm2 =	vmand vm2, vm3;
	v17 =	vshll.u32 v19, $0xD  }
0x257: {  	v16 =	vnsel vm2, $0x0, v16;
	v15 =	vadd.s32 v15, v17;
	v17 =	vld [tilespmem:s0+$0x4060];
	_ =	sdelay $0x1  }
0x258: {  	v15 =	vsel vm1, v15, v7  }
0x259: {  	[tilespmem:s0+$0x10040] =	vst v15;
	v14 =	vnsel vm1, $0x0, v14  }
0x25a: {  	[tilespmem:s0+$0x14040] =	vst v14  }
0x25b: {  	s14 =	simm.s32 $0x4050;
	vm1 =	vge.s32 v17, v0;
	vm3 =	vlt.s32 v17, v2;
	v14 =	vld.idx.msk [tilespmem:v16+s12+$0x0], $0xffff  }
0x25c: {  	v15 =	vld [tilespmem:s0+$0x4070];
	v19 =	vsub.s32 v17, v0;
	v16 =	vor.u32 s14, v1;
	vm1 =	vmand vm1, vm3  }
0x25d: {  	v18 =	vshll.u32 v18, $0xD;
	v16 =	vshrl.u32 v16, $0x3;
	v19 =	vnsel vm1, $0x0, v19  }
0x25e: {  	v16 =	vadd.s32 v16, v18  }
0x25f: {  	v16 =	vsel vm2, v16, v8  }
0x260: {  	s30 =	simm.s32 $0x4070;
	[tilespmem:s0+$0x10050] =	vst v16;
	v20 =	vnsel vm2, $0x0, v14  }
0x261: {  	vm3 =	vlt.s32 v15, v2;
	v18 =	vor.u32 s30, v1;
	[tilespmem:s0+$0x14050] =	vst v20  }
0x262: {  	s31 =	simm.s32 $0x4060;
	v16 =	vshll.u32 v15, $0xD;
	vm2 =	vge.s32 v15, v0;
	v20 =	vsub.s32 v15, v0;
	v15 =	vld.idx.msk [tilespmem:v19+s12+$0x0], $0xffff  }
0x263: {  	v14 =	vshrl.u32 v18, $0x3;
	v18 =	vor.u32 s31, v1;
	vm2 =	vmand vm2, vm3  }
0x264: {  	s29 =	simm.s32 $0x200;
	s1 =	simm.s32 $0x400;
	s2 =	simm.s32 $0x80;
	v18 =	vshrl.u32 v18, $0x3;
	v19 =	vshll.u32 v17, $0xD;
	v17 =	vnsel vm2, $0x0, v20  }
.LBB2_20:
0x265: {  	p0 =	sne.s32 s1, $0xFE00;
	v20 =	vld [tilespmem:s2+$0x4000];
	v18 =	vadd.s32 v18, v19;
	v14 =	vadd.s32 v14, v16  }
0x266: {  	v16 =	vsel vm1, v18, v9;
	v14 =	vsel vm2, v14, v10  }
0x267: {  	v15 =	vnsel vm1, $0x0, v15;
	[tilespmem:s0+$0x10060] =	vst v16  }
0x268: {  	[tilespmem:s0+$0x14060] =	vst v15  }
0x269: {  	v15 =	vld.idx.msk [tilespmem:v17+s12+$0x0], $0xffff;
	[tilespmem:s0+$0x10070] =	vst v14  }
0x26a: {  	vm1 =	vge.s32 v20, v0;
	vm3 =	vlt.s32 v20, v2  }
0x26b: {  	s30 =	sadd.s32 $0x80, s30;
	v14 =	vsub.s32 v20, v0;
	vm1 =	vmand vm1, vm3  }
0x26c: {  	s14 =	sadd.s32 $0xFFFFFF90, s30;
	v14 =	vnsel vm1, $0x0, v14  }
0x26d: {  	v16 =	vor.u32 s14, v1;
	v17 =	vld [tilespmem:s2+$0x4010]  }
0x26e: {  	v16 =	vshrl.u32 v16, $0x3;
	v18 =	vshll.u32 v20, $0xD  }
0x26f: {  	v16 =	vadd.s32 v16, v18;
	v15 =	vnsel vm2, $0x0, v15  }
0x270: {  	v16 =	vsel vm1, v16, v3;
	[tilespmem:s0+$0x14070] =	vst v15;
	s0 =	smov.u32 s2  }
0x271: {  	v14 =	vld.idx.msk [tilespmem:v14+s12+$0x0], $0xffff;
	[tilespmem:s0+$0x10000] =	vst v16  }
0x272: {  	vm2 =	vge.s32 v17, v0;
	vm3 =	vlt.s32 v17, v2  }
0x273: {  	v15 =	vsub.s32 v17, v0;
	vm2 =	vmand vm2, vm3  }
0x274: {  	s2 =	sadd.s32 $0xFFFFFFA0, s30;
	v15 =	vnsel vm2, $0x0, v15  }
0x275: {  	v16 =	vor.u32 s2, v1;
	v18 =	vld [tilespmem:s0+$0x4020]  }
0x276: {  	v16 =	vshrl.u32 v16, $0x3;
	v17 =	vshll.u32 v17, $0xD  }
0x277: {  	v16 =	vadd.s32 v16, v17;
	v14 =	vnsel vm1, $0x0, v14  }
0x278: {  	[tilespmem:s0+$0x14000] =	vst v14;
	v14 =	vsel vm2, v16, v4  }
0x279: {  	v15 =	vld.idx.msk [tilespmem:v15+s12+$0x0], $0xffff;
	[tilespmem:s0+$0x10010] =	vst v14  }
0x27a: {  	vm1 =	vge.s32 v18, v0;
	vm3 =	vlt.s32 v18, v2  }
0x27b: {  	v14 =	vsub.s32 v18, v0;
	vm3 =	vmand vm1, vm3  }
0x27c: {  	v14 =	vnsel vm3, $0x0, v14  }
0x27d: {  	v16 =	vld [tilespmem:s0+$0x4030];
	_ =	sdelay $0x1  }
0x27e: {  	v15 =	vnsel vm2, $0x0, v15  }
0x27f: {  	[tilespmem:s0+$0x14010] =	vst v15  }
0x280: {  	v14 =	vld.idx.msk [tilespmem:v14+s12+$0x0], $0xffff  }
0x281: {  	s2 =	sadd.s32 $0xFFFFFFB0, s30;
	vm1 =	vge.s32 v16, v0;
	vm2 =	vlt.s32 v16, v2  }
0x282: {  	v15 =	vor.u32 s2, v1;
	v17 =	vsub.s32 v16, v0;
	vm1 =	vmand vm1, vm2  }
0x283: {  	v18 =	vshll.u32 v18, $0xD;
	v15 =	vshrl.u32 v15, $0x3;
	v17 =	vnsel vm1, $0x0, v17  }
0x284: {  	v15 =	vadd.s32 v15, v18;
	v18 =	vld [tilespmem:s0+$0x4040]  }
0x285: {  	v15 =	vsel vm3, v15, v5  }
0x286: {  	v14 =	vnsel vm3, $0x0, v14;
	[tilespmem:s0+$0x10020] =	vst v15  }
0x287: {  	[tilespmem:s0+$0x14020] =	vst v14  }
0x288: {  	v14 =	vld.idx.msk [tilespmem:v17+s12+$0x0], $0xffff  }
0x289: {  	s2 =	sadd.s32 $0xFFFFFFC0, s30;
	vm2 =	vge.s32 v18, v0;
	vm3 =	vlt.s32 v18, v2  }
0x28a: {  	v15 =	vor.u32 s2, v1;
	v17 =	vsub.s32 v18, v0;
	vm2 =	vmand vm2, vm3  }
0x28b: {  	v16 =	vshll.u32 v16, $0xD;
	v15 =	vshrl.u32 v15, $0x3;
	v17 =	vnsel vm2, $0x0, v17  }
0x28c: {  	v15 =	vadd.s32 v15, v16;
	v16 =	vld [tilespmem:s0+$0x4050]  }
0x28d: {  	v15 =	vsel vm1, v15, v6  }
0x28e: {  	v14 =	vnsel vm1, $0x0, v14;
	[tilespmem:s0+$0x10030] =	vst v15  }
0x28f: {  	[tilespmem:s0+$0x14030] =	vst v14  }
0x290: {  	v14 =	vld.idx.msk [tilespmem:v17+s12+$0x0], $0xffff  }
0x291: {  	s2 =	sadd.s32 $0xFFFFFFD0, s30;
	vm1 =	vge.s32 v16, v0;
	vm3 =	vlt.s32 v16, v2  }
0x292: {  	v15 =	vor.u32 s2, v1;
	v17 =	vsub.s32 v16, v0;
	vm3 =	vmand vm1, vm3  }
0x293: {  	v18 =	vshll.u32 v18, $0xD;
	v15 =	vshrl.u32 v15, $0x3;
	v17 =	vnsel vm3, $0x0, v17  }
0x294: {  	v15 =	vadd.s32 v15, v18;
	v19 =	vld [tilespmem:s0+$0x4060]  }
0x295: {  	v15 =	vsel vm2, v15, v7  }
0x296: {  	v14 =	vnsel vm2, $0x0, v14;
	[tilespmem:s0+$0x10040] =	vst v15  }
0x297: {  	[tilespmem:s0+$0x14040] =	vst v14  }
0x298: {  	v14 =	vld.idx.msk [tilespmem:v17+s12+$0x0], $0xffff  }
0x299: {  	s2 =	sadd.s32 $0xFFFFFFE0, s30;
	vm1 =	vge.s32 v19, v0;
	vm2 =	vlt.s32 v19, v2  }
0x29a: {  	v15 =	vor.u32 s2, v1;
	v17 =	vsub.s32 v19, v0;
	vm1 =	vmand vm1, vm2  }
0x29b: {  	v16 =	vshll.u32 v16, $0xD;
	v15 =	vshrl.u32 v15, $0x3;
	v17 =	vnsel vm1, $0x0, v17  }
0x29c: {  	v15 =	vadd.s32 v15, v16;
	v18 =	vld [tilespmem:s0+$0x4070]  }
0x29d: {  	v15 =	vsel vm3, v15, v8  }
0x29e: {  	v14 =	vnsel vm3, $0x0, v14;
	[tilespmem:s0+$0x10050] =	vst v15  }
.Ltmp11:
0x29f: {  	[tilespmem:s0+$0x14050] =	vst v14;
	v14 =	vor.u32 s30, v1;
	(pc) =	sbr.rel @p0 .LBB2_20-.Ltmp11, $4  }
0x2a0: {  	v15 =	vld.idx.msk [tilespmem:v17+s12+$0x0], $0xffff;
	v14 =	vshrl.u32 v14, $0x3  }
0x2a1: {  	s2 =	sadd.s32 $0xFFFFFFF0, s30;
	vm2 =	vge.s32 v18, v0;
	vm3 =	vlt.s32 v18, v2;
	v16 =	vshll.u32 v18, $0xD  }
0x2a2: {  	v17 =	vor.u32 s2, v1;
	v20 =	vsub.s32 v18, v0;
	vm2 =	vmand vm2, vm3  }
0x2a3: {  	v19 =	vshll.u32 v19, $0xD;
	s2 =	sshra.s32 s1, $0x2;
	s1 =	sadd.s32 $0x200, s1;
	v18 =	vshrl.u32 v17, $0x3;
	v17 =	vnsel vm2, $0x0, v20  }
0x2a4: {  	v20 =	vld [tilespmem:s2+$0x4000]  }
0x2a5: {  	v18 =	vadd.s32 v18, v19  }
0x2a6: {  	v18 =	vsel vm1, v18, v9  }
0x2a7: {  	v15 =	vnsel vm1, $0x0, v15;
	[tilespmem:s0+$0x10060] =	vst v18  }
0x2a8: {  	v14 =	vadd.s32 v14, v16;
	[tilespmem:s0+$0x14060] =	vst v15  }
0x2a9: {  	v14 =	vsel vm2, v14, v10;
	v15 =	vld.idx.msk [tilespmem:v17+s12+$0x0], $0xffff;
	vm1 =	vge.s32 v20, v0;
	vm3 =	vlt.s32 v20, v2  }
0x2aa: {  	[tilespmem:s0+$0x10070] =	vst v14;
	v14 =	vsub.s32 v20, v0;
	vm1 =	vmand vm1, vm3  }
0x2ab: {  	s1 =	sadd.s32 $0x80, s30;
	v45 =	vld [tilespmem:s2+$0x4010];
	v14 =	vnsel vm1, $0x0, v14  }
0x2ac: {  	s14 =	sadd.s32 $0xFFFFFF90, s1  }
0x2ad: {  	v46 =	vor.u32 s14, v1  }
0x2ae: {  	v17 =	vshrl.u32 v46, $0x3;
	v47 =	vshll.u32 v20, $0xD;
	v15 =	vnsel vm2, $0x0, v15  }
0x2af: {  	v17 =	vadd.s32 v17, v47;
	[tilespmem:s0+$0x14070] =	vst v15  }
0x2b0: {  	v15 =	vsel vm1, v17, v3;
	vm2 =	vge.s32 v45, v0;
	vm3 =	vlt.s32 v45, v2;
	v14 =	vld.idx.msk [tilespmem:v14+s12+$0x0], $0xffff  }
0x2b1: {  	vm2 =	vmand vm2, vm3;
	[tilespmem:s2+$0x10000] =	vst v15;
	v15 =	vsub.s32 v45, v0  }
0x2b2: {  	v48 =	vld [tilespmem:s2+$0x4020];
	v15 =	vnsel vm2, $0x0, v15  }
0x2b3: {  	s14 =	sadd.s32 $0xFFFFFFA0, s1  }
0x2b4: {  	v49 =	vor.u32 s14, v1  }
0x2b5: {  	v18 =	vshrl.u32 v49, $0x3;
	v16 =	vshll.u32 v45, $0xD;
	v14 =	vnsel vm1, $0x0, v14  }
0x2b6: {  	v16 =	vadd.s32 v18, v16;
	[tilespmem:s2+$0x14000] =	vst v14  }
0x2b7: {  	vm3 =	vlt.s32 v48, v2;
	vm1 =	vge.s32 v48, v0;
	v14 =	vsel vm2, v16, v4;
	v15 =	vld.idx.msk [tilespmem:v15+s12+$0x0], $0xffff  }
0x2b8: {  	vm1 =	vmand vm1, vm3;
	[tilespmem:s2+$0x10010] =	vst v14;
	v14 =	vsub.s32 v48, v0  }
0x2b9: {  	v50 =	vld [tilespmem:s2+$0x4030];
	v14 =	vnsel vm1, $0x0, v14;
	_ =	sdelay $0x2  }
0x2ba: {  	v15 =	vnsel vm2, $0x0, v15  }
0x2bb: {  	[tilespmem:s2+$0x14010] =	vst v15  }
0x2bc: {  	s30 =	sadd.s32 $0xFFFFFFB0, s1;
	vm3 =	vlt.s32 v50, v2;
	vm2 =	vge.s32 v50, v0;
	v14 =	vld.idx.msk [tilespmem:v14+s12+$0x0], $0xffff  }
0x2bd: {  	v51 =	vsub.s32 v50, v0;
	v15 =	vor.u32 s30, v1;
	vm2 =	vmand vm2, vm3  }
0x2be: {  	v52 =	vld [tilespmem:s2+$0x4040];
	v17 =	vshll.u32 v48, $0xD;
	v15 =	vshrl.u32 v15, $0x3;
	v18 =	vnsel vm2, $0x0, v51  }
0x2bf: {  	v15 =	vadd.s32 v15, v17  }
0x2c0: {  	v15 =	vsel vm1, v15, v5  }
0x2c1: {  	[tilespmem:s2+$0x10020] =	vst v15;
	v14 =	vnsel vm1, $0x0, v14  }
0x2c2: {  	[tilespmem:s2+$0x14020] =	vst v14  }
0x2c3: {  	s31 =	sadd.s32 $0xFFFFFFC0, s1;
	vm3 =	vlt.s32 v52, v2;
	vm1 =	vge.s32 v52, v0;
	v14 =	vld.idx.msk [tilespmem:v18+s12+$0x0], $0xffff  }
0x2c4: {  	v53 =	vsub.s32 v52, v0;
	v15 =	vor.u32 s31, v1;
	vm1 =	vmand vm1, vm3  }
0x2c5: {  	v54 =	vld [tilespmem:s2+$0x4050];
	v16 =	vshll.u32 v50, $0xD;
	v15 =	vshrl.u32 v15, $0x3;
	v17 =	vnsel vm1, $0x0, v53  }
0x2c6: {  	v15 =	vadd.s32 v15, v16  }
0x2c7: {  	v15 =	vsel vm2, v15, v6  }
0x2c8: {  	[tilespmem:s2+$0x10030] =	vst v15;
	v14 =	vnsel vm2, $0x0, v14  }
0x2c9: {  	[tilespmem:s2+$0x14030] =	vst v14  }
0x2ca: {  	s14 =	sadd.s32 $0xFFFFFFD0, s1;
	vm3 =	vlt.s32 v54, v2;
	vm2 =	vge.s32 v54, v0;
	v14 =	vld.idx.msk [tilespmem:v17+s12+$0x0], $0xffff  }
0x2cb: {  	v55 =	vsub.s32 v54, v0;
	v15 =	vor.u32 s14, v1;
	vm2 =	vmand vm2, vm3  }
0x2cc: {  	v57 =	vld [tilespmem:s2+$0x4060];
	v56 =	vshll.u32 v52, $0xD;
	v15 =	vshrl.u32 v15, $0x3;
	v16 =	vnsel vm2, $0x0, v55  }
0x2cd: {  	v15 =	vadd.s32 v15, v56  }
0x2ce: {  	v15 =	vsel vm1, v15, v7  }
0x2cf: {  	[tilespmem:s2+$0x10040] =	vst v15;
	v14 =	vnsel vm1, $0x0, v14  }
0x2d0: {  	[tilespmem:s2+$0x14040] =	vst v14  }
0x2d1: {  	s30 =	sadd.s32 $0xFFFFFFE0, s1;
	vm3 =	vlt.s32 v57, v2;
	vm1 =	vge.s32 v57, v0;
	v14 =	vld.idx.msk [tilespmem:v16+s12+$0x0], $0xffff  }
0x2d2: {  	v58 =	vsub.s32 v57, v0;
	v15 =	vor.u32 s30, v1;
	vm1 =	vmand vm1, vm3  }
0x2d3: {  	v60 =	vld [tilespmem:s2+$0x4070];
	v59 =	vshll.u32 v54, $0xD;
	v15 =	vshrl.u32 v15, $0x3;
	v16 =	vnsel vm1, $0x0, v58  }
0x2d4: {  	v15 =	vadd.s32 v15, v59  }
0x2d5: {  	v15 =	vsel vm2, v15, v8  }
0x2d6: {  	[tilespmem:s2+$0x10050] =	vst v15;
	v14 =	vnsel vm2, $0x0, v14  }
0x2d7: {  	[tilespmem:s2+$0x14050] =	vst v14  }
0x2d8: {  	s31 =	sadd.s32 $0xFFFFFFF0, s1;
	vm3 =	vlt.s32 v60, v2;
	vm2 =	vge.s32 v60, v0;
	v14 =	vld.idx.msk [tilespmem:v16+s12+$0x0], $0xffff  }
0x2d9: {  	v61 =	vsub.s32 v60, v0;
	v15 =	vor.u32 s31, v1;
	vm2 =	vmand vm2, vm3  }
0x2da: {  	v62 =	vshll.u32 v57, $0xD;
	v15 =	vshrl.u32 v15, $0x3;
	v16 =	vnsel vm2, $0x0, v61  }
0x2db: {  	v15 =	vadd.s32 v15, v62  }
0x2dc: {  	v15 =	vsel vm1, v15, v9  }
0x2dd: {  	[tilespmem:s2+$0x10060] =	vst v15;
	v14 =	vnsel vm1, $0x0, v14  }
0x2de: {  	[tilespmem:s2+$0x14060] =	vst v14  }
0x2df: {  	v14 =	vld.idx.msk [tilespmem:v16+s12+$0x0], $0xffff  }
0x2e0: {  	v15 =	vor.u32 s1, v1  }
0x2e1: {  	v63 =	vshll.u32 v60, $0xD;
	v15 =	vshrl.u32 v15, $0x3  }
0x2e2: {  	v15 =	vadd.s32 v15, v63  }
0x2e3: {  	v15 =	vsel vm2, v15, v10  }
0x2e4: {  	[tilespmem:s2+$0x10070] =	vst v15;
	v14 =	vnsel vm2, $0x0, v14  }
0x2e5: {  	s0 =	simm.s32 $0x80;
	s1 =	simm.s32 $0x14000;
	[tilespmem:s2+$0x14070] =	vst v14;
	s2 =	simm.s32 $0x10000  }
.LBB2_22:
0x2e6: {  	[hbm4b:s4+s0] =	stream.indirect.scatter [tilespmem:s1], [sflag:$0x2], $0x1, s2, s0, $0xb8;
	[tilespmem:$0x1C200] =	vst v63  }
0x2e7: {  	s1 =	smov.u32 s29;
	p0 =	sne.s32 s29, $0xFE00  }
.Ltmp12:
0x2e8: {  	s29 =	sadd.s32 $0x200, s29;
	(pc) =	sbr.rel @p0 .LBB2_22-.Ltmp12, $3  }
0x2e9: {  	_ =	sdelay $0x1  }
0x2ea: {  	s2 =	sshra.s32 s1, $0x2  }
0x2eb: {  	s1 =	sadd.s32 $0x14000, s2;
	s2 =	sadd.s32 $0x10000, s2  }
0x2ec: {  	[hbm4b:s4+s0] =	stream.indirect.scatter [tilespmem:s1], [sflag:$0x2], $0x1, s2, s0, $0xb8;
	[tilespmem:$0x1C200] =	vst v63  }
.LBB2_24:
0x2ed: {  	p0 =	sne.s32 s0, $0x1  }
.Ltmp13:
0x2ee: {  	_ = 	snop;
	(pc) =	sbr.rel @p0 .LBB2_24-.Ltmp13, $4  }
0x2ef: {  	_ = 	snop  }
0x2f0: {  	_ =	swait.ge [sflag:s26], $0x80  }
0x2f1: {  	[sflag:s26] =	ssyncset.done $0x0  }
0x2f2: {  	s0 =	sadd.s32 $0xFFFFFFFF, s0;
	[sflag:s26] =	ssyncadd.s32 $0xFFFFFF80  }
0x2f3: {  	s0 =	simm.s32 $0x0  }
0x2f4: {  	v14 =	vld [tilespmem:s0+$0x8000];
	_ =	sdelay $0x4  }
0x2f5: {  	vm1 =	vge.s32 v14, v0;
	vm2 =	vlt.s32 v14, v2  }
0x2f6: {  	v15 =	vsub.s32 v14, v0;
	vm1 =	vmand vm1, vm2  }
0x2f7: {  	v16 =	vld [tilespmem:s0+$0x8010];
	v15 =	vnsel vm1, $0x0, v15  }
0x2f8: {  	s1 =	simm.s32 $0x8000  }
0x2f9: {  	v17 =	vor.u32 s1, v1  }
0x2fa: {  	v17 =	vshrl.u32 v17, $0x3;
	v14 =	vshll.u32 v14, $0xD  }
0x2fb: {  	v14 =	vadd.s32 v17, v14  }
0x2fc: {  	vm3 =	vlt.s32 v16, v2;
	vm2 =	vge.s32 v16, v0;
	v14 =	vsel vm1, v14, v3;
	v15 =	vld.idx.msk [tilespmem:v15+s12+$0x0], $0xffff  }
0x2fd: {  	vm2 =	vmand vm2, vm3;
	[tilespmem:s0+$0x10000] =	vst v14;
	v14 =	vsub.s32 v16, v0  }
0x2fe: {  	v17 =	vld [tilespmem:s0+$0x8020];
	v14 =	vnsel vm2, $0x0, v14  }
0x2ff: {  	s2 =	simm.s32 $0x8010  }
0x300: {  	v18 =	vor.u32 s2, v1  }
0x301: {  	v18 =	vshrl.u32 v18, $0x3;
	v16 =	vshll.u32 v16, $0xD;
	v15 =	vnsel vm1, $0x0, v15  }
0x302: {  	v16 =	vadd.s32 v18, v16;
	[tilespmem:s0+$0x14000] =	vst v15  }
0x303: {  	vm3 =	vlt.s32 v17, v2;
	vm1 =	vge.s32 v17, v0;
	v15 =	vsel vm2, v16, v4;
	v14 =	vld.idx.msk [tilespmem:v14+s12+$0x0], $0xffff  }
0x304: {  	vm1 =	vmand vm1, vm3;
	[tilespmem:s0+$0x10010] =	vst v15;
	v15 =	vsub.s32 v17, v0  }
0x305: {  	v16 =	vld [tilespmem:s0+$0x8030];
	v15 =	vnsel vm1, $0x0, v15;
	_ =	sdelay $0x2  }
0x306: {  	v14 =	vnsel vm2, $0x0, v14  }
0x307: {  	[tilespmem:s0+$0x14010] =	vst v14  }
0x308: {  	s14 =	simm.s32 $0x8020;
	vm3 =	vlt.s32 v16, v2;
	vm2 =	vge.s32 v16, v0;
	v14 =	vld.idx.msk [tilespmem:v15+s12+$0x0], $0xffff  }
0x309: {  	v18 =	vsub.s32 v16, v0;
	vm2 =	vmand vm2, vm3;
	v15 =	vor.u32 s14, v1  }
0x30a: {  	v19 =	vld [tilespmem:s0+$0x8040];
	v17 =	vshll.u32 v17, $0xD;
	v18 =	vnsel vm2, $0x0, v18;
	v15 =	vshrl.u32 v15, $0x3  }
0x30b: {  	v15 =	vadd.s32 v15, v17  }
0x30c: {  	v15 =	vsel vm1, v15, v5  }
0x30d: {  	[tilespmem:s0+$0x10020] =	vst v15;
	v14 =	vnsel vm1, $0x0, v14  }
0x30e: {  	[tilespmem:s0+$0x14020] =	vst v14  }
0x30f: {  	s31 =	simm.s32 $0x8030;
	vm3 =	vlt.s32 v19, v2;
	vm1 =	vge.s32 v19, v0;
	v14 =	vld.idx.msk [tilespmem:v18+s12+$0x0], $0xffff  }
0x310: {  	v17 =	vsub.s32 v19, v0;
	v15 =	vor.u32 s31, v1;
	vm1 =	vmand vm1, vm3  }
0x311: {  	v16 =	vshll.u32 v16, $0xD;
	v15 =	vshrl.u32 v15, $0x3;
	v17 =	vnsel vm1, $0x0, v17;
	v18 =	vld [tilespmem:s0+$0x8050]  }
0x312: {  	v15 =	vadd.s32 v15, v16  }
0x313: {  	v15 =	vsel vm2, v15, v6  }
0x314: {  	s2 =	simm.s32 $0x8040;
	[tilespmem:s0+$0x10030] =	vst v15;
	v14 =	vnsel vm2, $0x0, v14  }
0x315: {  	v15 =	vor.u32 s2, v1;
	[tilespmem:s0+$0x14030] =	vst v14  }
0x316: {  	v15 =	vshrl.u32 v15, $0x3;
	vm2 =	vge.s32 v18, v0;
	vm3 =	vlt.s32 v18, v2;
	v14 =	vld.idx.msk [tilespmem:v17+s12+$0x0], $0xffff  }
0x317: {  	v16 =	vsub.s32 v18, v0;
	vm2 =	vmand vm2, vm3;
	v17 =	vshll.u32 v19, $0xD  }
0x318: {  	v16 =	vnsel vm2, $0x0, v16;
	v15 =	vadd.s32 v15, v17;
	v17 =	vld [tilespmem:s0+$0x8060];
	_ =	sdelay $0x1  }
0x319: {  	v15 =	vsel vm1, v15, v7  }
0x31a: {  	[tilespmem:s0+$0x10040] =	vst v15;
	v14 =	vnsel vm1, $0x0, v14  }
0x31b: {  	[tilespmem:s0+$0x14040] =	vst v14  }
0x31c: {  	s14 =	simm.s32 $0x8050;
	vm1 =	vge.s32 v17, v0;
	vm3 =	vlt.s32 v17, v2;
	v14 =	vld.idx.msk [tilespmem:v16+s12+$0x0], $0xffff  }
0x31d: {  	v15 =	vld [tilespmem:s0+$0x8070];
	v19 =	vsub.s32 v17, v0;
	v16 =	vor.u32 s14, v1;
	vm1 =	vmand vm1, vm3  }
0x31e: {  	v18 =	vshll.u32 v18, $0xD;
	v16 =	vshrl.u32 v16, $0x3;
	v19 =	vnsel vm1, $0x0, v19  }
0x31f: {  	v16 =	vadd.s32 v16, v18  }
0x320: {  	v16 =	vsel vm2, v16, v8  }
0x321: {  	s30 =	simm.s32 $0x8070;
	[tilespmem:s0+$0x10050] =	vst v16;
	v20 =	vnsel vm2, $0x0, v14  }
0x322: {  	vm3 =	vlt.s32 v15, v2;
	v18 =	vor.u32 s30, v1;
	[tilespmem:s0+$0x14050] =	vst v20  }
0x323: {  	s31 =	simm.s32 $0x8060;
	v16 =	vshll.u32 v15, $0xD;
	vm2 =	vge.s32 v15, v0;
	v20 =	vsub.s32 v15, v0;
	v15 =	vld.idx.msk [tilespmem:v19+s12+$0x0], $0xffff  }
0x324: {  	v14 =	vshrl.u32 v18, $0x3;
	v18 =	vor.u32 s31, v1;
	vm2 =	vmand vm2, vm3  }
0x325: {  	s29 =	simm.s32 $0x200;
	s1 =	simm.s32 $0x400;
	s2 =	simm.s32 $0x80;
	v18 =	vshrl.u32 v18, $0x3;
	v19 =	vshll.u32 v17, $0xD;
	v17 =	vnsel vm2, $0x0, v20  }
.LBB2_26:
0x326: {  	p0 =	sne.s32 s1, $0xFE00;
	v20 =	vld [tilespmem:s2+$0x8000];
	v18 =	vadd.s32 v18, v19;
	v14 =	vadd.s32 v14, v16  }
0x327: {  	v16 =	vsel vm1, v18, v9;
	v14 =	vsel vm2, v14, v10  }
0x328: {  	v15 =	vnsel vm1, $0x0, v15;
	[tilespmem:s0+$0x10060] =	vst v16  }
0x329: {  	[tilespmem:s0+$0x14060] =	vst v15  }
0x32a: {  	v15 =	vld.idx.msk [tilespmem:v17+s12+$0x0], $0xffff;
	[tilespmem:s0+$0x10070] =	vst v14  }
0x32b: {  	vm1 =	vge.s32 v20, v0;
	vm3 =	vlt.s32 v20, v2  }
0x32c: {  	s30 =	sadd.s32 $0x80, s30;
	v14 =	vsub.s32 v20, v0;
	vm1 =	vmand vm1, vm3  }
0x32d: {  	s14 =	sadd.s32 $0xFFFFFF90, s30;
	v14 =	vnsel vm1, $0x0, v14  }
0x32e: {  	v16 =	vor.u32 s14, v1;
	v17 =	vld [tilespmem:s2+$0x8010]  }
0x32f: {  	v16 =	vshrl.u32 v16, $0x3;
	v18 =	vshll.u32 v20, $0xD  }
0x330: {  	v16 =	vadd.s32 v16, v18;
	v15 =	vnsel vm2, $0x0, v15  }
0x331: {  	v16 =	vsel vm1, v16, v3;
	[tilespmem:s0+$0x14070] =	vst v15;
	s0 =	smov.u32 s2  }
0x332: {  	v14 =	vld.idx.msk [tilespmem:v14+s12+$0x0], $0xffff;
	[tilespmem:s0+$0x10000] =	vst v16  }
0x333: {  	vm2 =	vge.s32 v17, v0;
	vm3 =	vlt.s32 v17, v2  }
0x334: {  	v15 =	vsub.s32 v17, v0;
	vm2 =	vmand vm2, vm3  }
0x335: {  	s2 =	sadd.s32 $0xFFFFFFA0, s30;
	v15 =	vnsel vm2, $0x0, v15  }
0x336: {  	v16 =	vor.u32 s2, v1;
	v18 =	vld [tilespmem:s0+$0x8020]  }
0x337: {  	v16 =	vshrl.u32 v16, $0x3;
	v17 =	vshll.u32 v17, $0xD  }
0x338: {  	v16 =	vadd.s32 v16, v17;
	v14 =	vnsel vm1, $0x0, v14  }
0x339: {  	[tilespmem:s0+$0x14000] =	vst v14;
	v14 =	vsel vm2, v16, v4  }
0x33a: {  	v15 =	vld.idx.msk [tilespmem:v15+s12+$0x0], $0xffff;
	[tilespmem:s0+$0x10010] =	vst v14  }
0x33b: {  	vm1 =	vge.s32 v18, v0;
	vm3 =	vlt.s32 v18, v2  }
0x33c: {  	v14 =	vsub.s32 v18, v0;
	vm3 =	vmand vm1, vm3  }
0x33d: {  	v14 =	vnsel vm3, $0x0, v14  }
0x33e: {  	v16 =	vld [tilespmem:s0+$0x8030];
	_ =	sdelay $0x1  }
0x33f: {  	v15 =	vnsel vm2, $0x0, v15  }
0x340: {  	[tilespmem:s0+$0x14010] =	vst v15  }
0x341: {  	v14 =	vld.idx.msk [tilespmem:v14+s12+$0x0], $0xffff  }
0x342: {  	s2 =	sadd.s32 $0xFFFFFFB0, s30;
	vm1 =	vge.s32 v16, v0;
	vm2 =	vlt.s32 v16, v2  }
0x343: {  	v15 =	vor.u32 s2, v1;
	v17 =	vsub.s32 v16, v0;
	vm1 =	vmand vm1, vm2  }
0x344: {  	v18 =	vshll.u32 v18, $0xD;
	v15 =	vshrl.u32 v15, $0x3;
	v17 =	vnsel vm1, $0x0, v17  }
0x345: {  	v15 =	vadd.s32 v15, v18;
	v18 =	vld [tilespmem:s0+$0x8040]  }
0x346: {  	v15 =	vsel vm3, v15, v5  }
0x347: {  	v14 =	vnsel vm3, $0x0, v14;
	[tilespmem:s0+$0x10020] =	vst v15  }
0x348: {  	[tilespmem:s0+$0x14020] =	vst v14  }
0x349: {  	v14 =	vld.idx.msk [tilespmem:v17+s12+$0x0], $0xffff  }
0x34a: {  	s2 =	sadd.s32 $0xFFFFFFC0, s30;
	vm2 =	vge.s32 v18, v0;
	vm3 =	vlt.s32 v18, v2  }
0x34b: {  	v15 =	vor.u32 s2, v1;
	v17 =	vsub.s32 v18, v0;
	vm2 =	vmand vm2, vm3  }
0x34c: {  	v16 =	vshll.u32 v16, $0xD;
	v15 =	vshrl.u32 v15, $0x3;
	v17 =	vnsel vm2, $0x0, v17  }
0x34d: {  	v15 =	vadd.s32 v15, v16;
	v16 =	vld [tilespmem:s0+$0x8050]  }
0x34e: {  	v15 =	vsel vm1, v15, v6  }
0x34f: {  	v14 =	vnsel vm1, $0x0, v14;
	[tilespmem:s0+$0x10030] =	vst v15  }
0x350: {  	[tilespmem:s0+$0x14030] =	vst v14  }
0x351: {  	v14 =	vld.idx.msk [tilespmem:v17+s12+$0x0], $0xffff  }
0x352: {  	s2 =	sadd.s32 $0xFFFFFFD0, s30;
	vm1 =	vge.s32 v16, v0;
	vm3 =	vlt.s32 v16, v2  }
0x353: {  	v15 =	vor.u32 s2, v1;
	v17 =	vsub.s32 v16, v0;
	vm3 =	vmand vm1, vm3  }
0x354: {  	v18 =	vshll.u32 v18, $0xD;
	v15 =	vshrl.u32 v15, $0x3;
	v17 =	vnsel vm3, $0x0, v17  }
0x355: {  	v15 =	vadd.s32 v15, v18;
	v19 =	vld [tilespmem:s0+$0x8060]  }
0x356: {  	v15 =	vsel vm2, v15, v7  }
0x357: {  	v14 =	vnsel vm2, $0x0, v14;
	[tilespmem:s0+$0x10040] =	vst v15  }
0x358: {  	[tilespmem:s0+$0x14040] =	vst v14  }
0x359: {  	v14 =	vld.idx.msk [tilespmem:v17+s12+$0x0], $0xffff  }
0x35a: {  	s2 =	sadd.s32 $0xFFFFFFE0, s30;
	vm1 =	vge.s32 v19, v0;
	vm2 =	vlt.s32 v19, v2  }
0x35b: {  	v15 =	vor.u32 s2, v1;
	v17 =	vsub.s32 v19, v0;
	vm1 =	vmand vm1, vm2  }
0x35c: {  	v16 =	vshll.u32 v16, $0xD;
	v15 =	vshrl.u32 v15, $0x3;
	v17 =	vnsel vm1, $0x0, v17  }
0x35d: {  	v15 =	vadd.s32 v15, v16;
	v18 =	vld [tilespmem:s0+$0x8070]  }
0x35e: {  	v15 =	vsel vm3, v15, v8  }
0x35f: {  	v14 =	vnsel vm3, $0x0, v14;
	[tilespmem:s0+$0x10050] =	vst v15  }
.Ltmp14:
0x360: {  	[tilespmem:s0+$0x14050] =	vst v14;
	v14 =	vor.u32 s30, v1;
	(pc) =	sbr.rel @p0 .LBB2_26-.Ltmp14, $4  }
0x361: {  	v15 =	vld.idx.msk [tilespmem:v17+s12+$0x0], $0xffff;
	v14 =	vshrl.u32 v14, $0x3  }
0x362: {  	s2 =	sadd.s32 $0xFFFFFFF0, s30;
	vm2 =	vge.s32 v18, v0;
	vm3 =	vlt.s32 v18, v2;
	v16 =	vshll.u32 v18, $0xD  }
0x363: {  	v17 =	vor.u32 s2, v1;
	v20 =	vsub.s32 v18, v0;
	vm2 =	vmand vm2, vm3  }
0x364: {  	v19 =	vshll.u32 v19, $0xD;
	s2 =	sshra.s32 s1, $0x2;
	s1 =	sadd.s32 $0x200, s1;
	v18 =	vshrl.u32 v17, $0x3;
	v17 =	vnsel vm2, $0x0, v20  }
0x365: {  	v20 =	vld [tilespmem:s2+$0x8000]  }
0x366: {  	v18 =	vadd.s32 v18, v19  }
0x367: {  	v18 =	vsel vm1, v18, v9  }
0x368: {  	v15 =	vnsel vm1, $0x0, v15;
	[tilespmem:s0+$0x10060] =	vst v18  }
0x369: {  	v14 =	vadd.s32 v14, v16;
	[tilespmem:s0+$0x14060] =	vst v15  }
0x36a: {  	v14 =	vsel vm2, v14, v10;
	v15 =	vld.idx.msk [tilespmem:v17+s12+$0x0], $0xffff;
	vm1 =	vge.s32 v20, v0;
	vm3 =	vlt.s32 v20, v2  }
0x36b: {  	[tilespmem:s0+$0x10070] =	vst v14;
	v14 =	vsub.s32 v20, v0;
	vm1 =	vmand vm1, vm3  }
0x36c: {  	s1 =	sadd.s32 $0x80, s30;
	v45 =	vld [tilespmem:s2+$0x8010];
	v14 =	vnsel vm1, $0x0, v14  }
0x36d: {  	s14 =	sadd.s32 $0xFFFFFF90, s1  }
0x36e: {  	v46 =	vor.u32 s14, v1  }
0x36f: {  	v17 =	vshrl.u32 v46, $0x3;
	v47 =	vshll.u32 v20, $0xD;
	v15 =	vnsel vm2, $0x0, v15  }
0x370: {  	v17 =	vadd.s32 v17, v47;
	[tilespmem:s0+$0x14070] =	vst v15  }
0x371: {  	v15 =	vsel vm1, v17, v3;
	vm2 =	vge.s32 v45, v0;
	vm3 =	vlt.s32 v45, v2;
	v14 =	vld.idx.msk [tilespmem:v14+s12+$0x0], $0xffff  }
0x372: {  	vm2 =	vmand vm2, vm3;
	[tilespmem:s2+$0x10000] =	vst v15;
	v15 =	vsub.s32 v45, v0  }
0x373: {  	v48 =	vld [tilespmem:s2+$0x8020];
	v15 =	vnsel vm2, $0x0, v15  }
0x374: {  	s14 =	sadd.s32 $0xFFFFFFA0, s1  }
0x375: {  	v49 =	vor.u32 s14, v1  }
0x376: {  	v18 =	vshrl.u32 v49, $0x3;
	v16 =	vshll.u32 v45, $0xD;
	v14 =	vnsel vm1, $0x0, v14  }
0x377: {  	v16 =	vadd.s32 v18, v16;
	[tilespmem:s2+$0x14000] =	vst v14  }
0x378: {  	vm3 =	vlt.s32 v48, v2;
	vm1 =	vge.s32 v48, v0;
	v14 =	vsel vm2, v16, v4;
	v15 =	vld.idx.msk [tilespmem:v15+s12+$0x0], $0xffff  }
0x379: {  	vm1 =	vmand vm1, vm3;
	[tilespmem:s2+$0x10010] =	vst v14;
	v14 =	vsub.s32 v48, v0  }
0x37a: {  	v50 =	vld [tilespmem:s2+$0x8030];
	v14 =	vnsel vm1, $0x0, v14;
	_ =	sdelay $0x2  }
0x37b: {  	v15 =	vnsel vm2, $0x0, v15  }
0x37c: {  	[tilespmem:s2+$0x14010] =	vst v15  }
0x37d: {  	s30 =	sadd.s32 $0xFFFFFFB0, s1;
	vm3 =	vlt.s32 v50, v2;
	vm2 =	vge.s32 v50, v0;
	v14 =	vld.idx.msk [tilespmem:v14+s12+$0x0], $0xffff  }
0x37e: {  	v51 =	vsub.s32 v50, v0;
	v15 =	vor.u32 s30, v1;
	vm2 =	vmand vm2, vm3  }
0x37f: {  	v52 =	vld [tilespmem:s2+$0x8040];
	v17 =	vshll.u32 v48, $0xD;
	v15 =	vshrl.u32 v15, $0x3;
	v18 =	vnsel vm2, $0x0, v51  }
0x380: {  	v15 =	vadd.s32 v15, v17  }
0x381: {  	v15 =	vsel vm1, v15, v5  }
0x382: {  	[tilespmem:s2+$0x10020] =	vst v15;
	v14 =	vnsel vm1, $0x0, v14  }
0x383: {  	[tilespmem:s2+$0x14020] =	vst v14  }
0x384: {  	s31 =	sadd.s32 $0xFFFFFFC0, s1;
	vm3 =	vlt.s32 v52, v2;
	vm1 =	vge.s32 v52, v0;
	v14 =	vld.idx.msk [tilespmem:v18+s12+$0x0], $0xffff  }
0x385: {  	v53 =	vsub.s32 v52, v0;
	v15 =	vor.u32 s31, v1;
	vm1 =	vmand vm1, vm3  }
0x386: {  	v54 =	vld [tilespmem:s2+$0x8050];
	v16 =	vshll.u32 v50, $0xD;
	v15 =	vshrl.u32 v15, $0x3;
	v17 =	vnsel vm1, $0x0, v53  }
0x387: {  	v15 =	vadd.s32 v15, v16  }
0x388: {  	v15 =	vsel vm2, v15, v6  }
0x389: {  	[tilespmem:s2+$0x10030] =	vst v15;
	v14 =	vnsel vm2, $0x0, v14  }
0x38a: {  	[tilespmem:s2+$0x14030] =	vst v14  }
0x38b: {  	s14 =	sadd.s32 $0xFFFFFFD0, s1;
	vm3 =	vlt.s32 v54, v2;
	vm2 =	vge.s32 v54, v0;
	v14 =	vld.idx.msk [tilespmem:v17+s12+$0x0], $0xffff  }
0x38c: {  	v55 =	vsub.s32 v54, v0;
	v15 =	vor.u32 s14, v1;
	vm2 =	vmand vm2, vm3  }
0x38d: {  	v57 =	vld [tilespmem:s2+$0x8060];
	v56 =	vshll.u32 v52, $0xD;
	v15 =	vshrl.u32 v15, $0x3;
	v16 =	vnsel vm2, $0x0, v55  }
0x38e: {  	v15 =	vadd.s32 v15, v56  }
0x38f: {  	v15 =	vsel vm1, v15, v7  }
0x390: {  	[tilespmem:s2+$0x10040] =	vst v15;
	v14 =	vnsel vm1, $0x0, v14  }
0x391: {  	[tilespmem:s2+$0x14040] =	vst v14  }
0x392: {  	s30 =	sadd.s32 $0xFFFFFFE0, s1;
	vm3 =	vlt.s32 v57, v2;
	vm1 =	vge.s32 v57, v0;
	v14 =	vld.idx.msk [tilespmem:v16+s12+$0x0], $0xffff  }
0x393: {  	v58 =	vsub.s32 v57, v0;
	v15 =	vor.u32 s30, v1;
	vm1 =	vmand vm1, vm3  }
0x394: {  	v60 =	vld [tilespmem:s2+$0x8070];
	v59 =	vshll.u32 v54, $0xD;
	v15 =	vshrl.u32 v15, $0x3;
	v16 =	vnsel vm1, $0x0, v58  }
0x395: {  	v15 =	vadd.s32 v15, v59  }
0x396: {  	v15 =	vsel vm2, v15, v8  }
0x397: {  	[tilespmem:s2+$0x10050] =	vst v15;
	v14 =	vnsel vm2, $0x0, v14  }
0x398: {  	[tilespmem:s2+$0x14050] =	vst v14  }
0x399: {  	s31 =	sadd.s32 $0xFFFFFFF0, s1;
	vm3 =	vlt.s32 v60, v2;
	vm2 =	vge.s32 v60, v0;
	v14 =	vld.idx.msk [tilespmem:v16+s12+$0x0], $0xffff  }
0x39a: {  	v61 =	vsub.s32 v60, v0;
	v15 =	vor.u32 s31, v1;
	vm2 =	vmand vm2, vm3  }
0x39b: {  	v62 =	vshll.u32 v57, $0xD;
	v15 =	vshrl.u32 v15, $0x3;
	v16 =	vnsel vm2, $0x0, v61  }
0x39c: {  	v15 =	vadd.s32 v15, v62  }
0x39d: {  	v15 =	vsel vm1, v15, v9  }
0x39e: {  	[tilespmem:s2+$0x10060] =	vst v15;
	v14 =	vnsel vm1, $0x0, v14  }
0x39f: {  	[tilespmem:s2+$0x14060] =	vst v14  }
0x3a0: {  	v14 =	vld.idx.msk [tilespmem:v16+s12+$0x0], $0xffff  }
0x3a1: {  	v15 =	vor.u32 s1, v1  }
0x3a2: {  	v63 =	vshll.u32 v60, $0xD;
	v15 =	vshrl.u32 v15, $0x3  }
0x3a3: {  	v15 =	vadd.s32 v15, v63  }
0x3a4: {  	v15 =	vsel vm2, v15, v10  }
0x3a5: {  	[tilespmem:s2+$0x10070] =	vst v15;
	v14 =	vnsel vm2, $0x0, v14  }
0x3a6: {  	s0 =	simm.s32 $0x80;
	s1 =	simm.s32 $0x14000;
	[tilespmem:s2+$0x14070] =	vst v14;
	s2 =	simm.s32 $0x10000  }
.LBB2_28:
0x3a7: {  	[hbm4b:s4+s0] =	stream.indirect.scatter [tilespmem:s1], [sflag:$0x2], $0x1, s2, s0, $0xb8;
	[tilespmem:$0x1C200] =	vst v63  }
0x3a8: {  	s1 =	smov.u32 s29;
	p0 =	sne.s32 s29, $0xFE00  }
.Ltmp15:
0x3a9: {  	s29 =	sadd.s32 $0x200, s29;
	(pc) =	sbr.rel @p0 .LBB2_28-.Ltmp15, $3  }
0x3aa: {  	_ =	sdelay $0x1  }
0x3ab: {  	s2 =	sshra.s32 s1, $0x2  }
0x3ac: {  	s1 =	sadd.s32 $0x14000, s2;
	s2 =	sadd.s32 $0x10000, s2  }
0x3ad: {  	[hbm4b:s4+s0] =	stream.indirect.scatter [tilespmem:s1], [sflag:$0x2], $0x1, s2, s0, $0xb8;
	[tilespmem:$0x1C200] =	vst v63  }
.LBB2_30:
0x3ae: {  	p0 =	sne.s32 s0, $0x1  }
.Ltmp16:
0x3af: {  	_ = 	snop;
	(pc) =	sbr.rel @p0 .LBB2_30-.Ltmp16, $4  }
0x3b0: {  	_ = 	snop  }
0x3b1: {  	_ =	swait.ge [sflag:s26], $0x80  }
0x3b2: {  	[sflag:s26] =	ssyncset.done $0x0  }
0x3b3: {  	s0 =	sadd.s32 $0xFFFFFFFF, s0;
	[sflag:s26] =	ssyncadd.s32 $0xFFFFFF80  }
0x3b4: {  	s0 =	simm.s32 $0x0  }
0x3b5: {  	v14 =	vld [tilespmem:s0+$0xC000];
	_ =	sdelay $0x4  }
0x3b6: {  	vm1 =	vge.s32 v14, v0;
	vm2 =	vlt.s32 v14, v2  }
0x3b7: {  	v15 =	vsub.s32 v14, v0;
	vm1 =	vmand vm1, vm2  }
0x3b8: {  	v16 =	vld [tilespmem:s0+$0xC010];
	v15 =	vnsel vm1, $0x0, v15  }
0x3b9: {  	s1 =	simm.s32 $0xC000  }
0x3ba: {  	v17 =	vor.u32 s1, v1  }
0x3bb: {  	v17 =	vshrl.u32 v17, $0x3;
	v14 =	vshll.u32 v14, $0xD  }
0x3bc: {  	v14 =	vadd.s32 v17, v14  }
0x3bd: {  	vm3 =	vlt.s32 v16, v2;
	vm2 =	vge.s32 v16, v0;
	v14 =	vsel vm1, v14, v3;
	v15 =	vld.idx.msk [tilespmem:v15+s12+$0x0], $0xffff  }
0x3be: {  	vm2 =	vmand vm2, vm3;
	[tilespmem:s0+$0x10000] =	vst v14;
	v14 =	vsub.s32 v16, v0  }
0x3bf: {  	v17 =	vld [tilespmem:s0+$0xC020];
	v14 =	vnsel vm2, $0x0, v14  }
0x3c0: {  	s2 =	simm.s32 $0xC010  }
0x3c1: {  	v18 =	vor.u32 s2, v1  }
0x3c2: {  	v18 =	vshrl.u32 v18, $0x3;
	v16 =	vshll.u32 v16, $0xD;
	v15 =	vnsel vm1, $0x0, v15  }
0x3c3: {  	v16 =	vadd.s32 v18, v16;
	[tilespmem:s0+$0x14000] =	vst v15  }
0x3c4: {  	vm3 =	vlt.s32 v17, v2;
	vm1 =	vge.s32 v17, v0;
	v15 =	vsel vm2, v16, v4;
	v14 =	vld.idx.msk [tilespmem:v14+s12+$0x0], $0xffff  }
0x3c5: {  	vm1 =	vmand vm1, vm3;
	[tilespmem:s0+$0x10010] =	vst v15;
	v15 =	vsub.s32 v17, v0  }
0x3c6: {  	v16 =	vld [tilespmem:s0+$0xC030];
	v15 =	vnsel vm1, $0x0, v15;
	_ =	sdelay $0x2  }
0x3c7: {  	v14 =	vnsel vm2, $0x0, v14  }
0x3c8: {  	[tilespmem:s0+$0x14010] =	vst v14  }
0x3c9: {  	s14 =	simm.s32 $0xC020;
	vm3 =	vlt.s32 v16, v2;
	vm2 =	vge.s32 v16, v0;
	v14 =	vld.idx.msk [tilespmem:v15+s12+$0x0], $0xffff  }
0x3ca: {  	v18 =	vsub.s32 v16, v0;
	vm2 =	vmand vm2, vm3;
	v15 =	vor.u32 s14, v1  }
0x3cb: {  	v19 =	vld [tilespmem:s0+$0xC040];
	v17 =	vshll.u32 v17, $0xD;
	v18 =	vnsel vm2, $0x0, v18;
	v15 =	vshrl.u32 v15, $0x3  }
0x3cc: {  	v15 =	vadd.s32 v15, v17  }
0x3cd: {  	v15 =	vsel vm1, v15, v5  }
0x3ce: {  	[tilespmem:s0+$0x10020] =	vst v15;
	v14 =	vnsel vm1, $0x0, v14  }
0x3cf: {  	[tilespmem:s0+$0x14020] =	vst v14  }
0x3d0: {  	s31 =	simm.s32 $0xC030;
	vm3 =	vlt.s32 v19, v2;
	vm1 =	vge.s32 v19, v0;
	v14 =	vld.idx.msk [tilespmem:v18+s12+$0x0], $0xffff  }
0x3d1: {  	v17 =	vsub.s32 v19, v0;
	v15 =	vor.u32 s31, v1;
	vm1 =	vmand vm1, vm3  }
0x3d2: {  	v16 =	vshll.u32 v16, $0xD;
	v15 =	vshrl.u32 v15, $0x3;
	v17 =	vnsel vm1, $0x0, v17;
	v18 =	vld [tilespmem:s0+$0xC050]  }
0x3d3: {  	v15 =	vadd.s32 v15, v16  }
0x3d4: {  	v15 =	vsel vm2, v15, v6  }
0x3d5: {  	s2 =	simm.s32 $0xC040;
	[tilespmem:s0+$0x10030] =	vst v15;
	v14 =	vnsel vm2, $0x0, v14  }
0x3d6: {  	v15 =	vor.u32 s2, v1;
	[tilespmem:s0+$0x14030] =	vst v14  }
0x3d7: {  	v15 =	vshrl.u32 v15, $0x3;
	vm2 =	vge.s32 v18, v0;
	vm3 =	vlt.s32 v18, v2;
	v14 =	vld.idx.msk [tilespmem:v17+s12+$0x0], $0xffff  }
0x3d8: {  	v16 =	vsub.s32 v18, v0;
	vm2 =	vmand vm2, vm3;
	v17 =	vshll.u32 v19, $0xD  }
0x3d9: {  	v16 =	vnsel vm2, $0x0, v16;
	v15 =	vadd.s32 v15, v17;
	v17 =	vld [tilespmem:s0+$0xC060];
	_ =	sdelay $0x1  }
0x3da: {  	v15 =	vsel vm1, v15, v7  }
0x3db: {  	[tilespmem:s0+$0x10040] =	vst v15;
	v14 =	vnsel vm1, $0x0, v14  }
0x3dc: {  	[tilespmem:s0+$0x14040] =	vst v14  }
0x3dd: {  	s14 =	simm.s32 $0xC050;
	vm1 =	vge.s32 v17, v0;
	vm3 =	vlt.s32 v17, v2;
	v14 =	vld.idx.msk [tilespmem:v16+s12+$0x0], $0xffff  }
0x3de: {  	v15 =	vld [tilespmem:s0+$0xC070];
	v19 =	vsub.s32 v17, v0;
	v16 =	vor.u32 s14, v1;
	vm1 =	vmand vm1, vm3  }
0x3df: {  	v18 =	vshll.u32 v18, $0xD;
	v16 =	vshrl.u32 v16, $0x3;
	v19 =	vnsel vm1, $0x0, v19  }
0x3e0: {  	v16 =	vadd.s32 v16, v18  }
0x3e1: {  	v16 =	vsel vm2, v16, v8  }
0x3e2: {  	s30 =	simm.s32 $0xC070;
	[tilespmem:s0+$0x10050] =	vst v16;
	v20 =	vnsel vm2, $0x0, v14  }
0x3e3: {  	vm3 =	vlt.s32 v15, v2;
	v18 =	vor.u32 s30, v1;
	[tilespmem:s0+$0x14050] =	vst v20  }
0x3e4: {  	s31 =	simm.s32 $0xC060;
	v16 =	vshll.u32 v15, $0xD;
	vm2 =	vge.s32 v15, v0;
	v20 =	vsub.s32 v15, v0;
	v15 =	vld.idx.msk [tilespmem:v19+s12+$0x0], $0xffff  }
0x3e5: {  	v14 =	vshrl.u32 v18, $0x3;
	v18 =	vor.u32 s31, v1;
	vm2 =	vmand vm2, vm3  }
0x3e6: {  	s29 =	simm.s32 $0x200;
	s1 =	simm.s32 $0x400;
	s2 =	simm.s32 $0x80;
	v18 =	vshrl.u32 v18, $0x3;
	v19 =	vshll.u32 v17, $0xD;
	v17 =	vnsel vm2, $0x0, v20  }
.LBB2_32:
0x3e7: {  	p0 =	sne.s32 s1, $0xFE00;
	v20 =	vld [tilespmem:s2+$0xC000];
	v18 =	vadd.s32 v18, v19;
	v14 =	vadd.s32 v14, v16  }
0x3e8: {  	v16 =	vsel vm1, v18, v9;
	v14 =	vsel vm2, v14, v10  }
0x3e9: {  	v15 =	vnsel vm1, $0x0, v15;
	[tilespmem:s0+$0x10060] =	vst v16  }
0x3ea: {  	[tilespmem:s0+$0x14060] =	vst v15  }
0x3eb: {  	v15 =	vld.idx.msk [tilespmem:v17+s12+$0x0], $0xffff;
	[tilespmem:s0+$0x10070] =	vst v14  }
0x3ec: {  	vm1 =	vge.s32 v20, v0;
	vm3 =	vlt.s32 v20, v2  }
0x3ed: {  	s30 =	sadd.s32 $0x80, s30;
	v14 =	vsub.s32 v20, v0;
	vm1 =	vmand vm1, vm3  }
0x3ee: {  	s14 =	sadd.s32 $0xFFFFFF90, s30;
	v14 =	vnsel vm1, $0x0, v14  }
0x3ef: {  	v16 =	vor.u32 s14, v1;
	v17 =	vld [tilespmem:s2+$0xC010]  }
0x3f0: {  	v16 =	vshrl.u32 v16, $0x3;
	v18 =	vshll.u32 v20, $0xD  }
0x3f1: {  	v16 =	vadd.s32 v16, v18;
	v15 =	vnsel vm2, $0x0, v15  }
0x3f2: {  	v16 =	vsel vm1, v16, v3;
	[tilespmem:s0+$0x14070] =	vst v15;
	s0 =	smov.u32 s2  }
0x3f3: {  	v14 =	vld.idx.msk [tilespmem:v14+s12+$0x0], $0xffff;
	[tilespmem:s0+$0x10000] =	vst v16  }
0x3f4: {  	vm2 =	vge.s32 v17, v0;
	vm3 =	vlt.s32 v17, v2  }
0x3f5: {  	v15 =	vsub.s32 v17, v0;
	vm2 =	vmand vm2, vm3  }
0x3f6: {  	s2 =	sadd.s32 $0xFFFFFFA0, s30;
	v15 =	vnsel vm2, $0x0, v15  }
0x3f7: {  	v16 =	vor.u32 s2, v1;
	v18 =	vld [tilespmem:s0+$0xC020]  }
0x3f8: {  	v16 =	vshrl.u32 v16, $0x3;
	v17 =	vshll.u32 v17, $0xD  }
0x3f9: {  	v16 =	vadd.s32 v16, v17;
	v14 =	vnsel vm1, $0x0, v14  }
0x3fa: {  	[tilespmem:s0+$0x14000] =	vst v14;
	v14 =	vsel vm2, v16, v4  }
0x3fb: {  	v15 =	vld.idx.msk [tilespmem:v15+s12+$0x0], $0xffff;
	[tilespmem:s0+$0x10010] =	vst v14  }
0x3fc: {  	vm1 =	vge.s32 v18, v0;
	vm3 =	vlt.s32 v18, v2  }
0x3fd: {  	v14 =	vsub.s32 v18, v0;
	vm3 =	vmand vm1, vm3  }
0x3fe: {  	v14 =	vnsel vm3, $0x0, v14  }
0x3ff: {  	v16 =	vld [tilespmem:s0+$0xC030];
	_ =	sdelay $0x1  }
0x400: {  	v15 =	vnsel vm2, $0x0, v15  }
0x401: {  	[tilespmem:s0+$0x14010] =	vst v15  }
0x402: {  	v14 =	vld.idx.msk [tilespmem:v14+s12+$0x0], $0xffff  }
0x403: {  	s2 =	sadd.s32 $0xFFFFFFB0, s30;
	vm1 =	vge.s32 v16, v0;
	vm2 =	vlt.s32 v16, v2  }
0x404: {  	v15 =	vor.u32 s2, v1;
	v17 =	vsub.s32 v16, v0;
	vm1 =	vmand vm1, vm2  }
0x405: {  	v18 =	vshll.u32 v18, $0xD;
	v15 =	vshrl.u32 v15, $0x3;
	v17 =	vnsel vm1, $0x0, v17  }
0x406: {  	v15 =	vadd.s32 v15, v18;
	v18 =	vld [tilespmem:s0+$0xC040]  }
0x407: {  	v15 =	vsel vm3, v15, v5  }
0x408: {  	v14 =	vnsel vm3, $0x0, v14;
	[tilespmem:s0+$0x10020] =	vst v15  }
0x409: {  	[tilespmem:s0+$0x14020] =	vst v14  }
0x40a: {  	v14 =	vld.idx.msk [tilespmem:v17+s12+$0x0], $0xffff  }
0x40b: {  	s2 =	sadd.s32 $0xFFFFFFC0, s30;
	vm2 =	vge.s32 v18, v0;
	vm3 =	vlt.s32 v18, v2  }
0x40c: {  	v15 =	vor.u32 s2, v1;
	v17 =	vsub.s32 v18, v0;
	vm2 =	vmand vm2, vm3  }
0x40d: {  	v16 =	vshll.u32 v16, $0xD;
	v15 =	vshrl.u32 v15, $0x3;
	v17 =	vnsel vm2, $0x0, v17  }
0x40e: {  	v15 =	vadd.s32 v15, v16;
	v16 =	vld [tilespmem:s0+$0xC050]  }
0x40f: {  	v15 =	vsel vm1, v15, v6  }
0x410: {  	v14 =	vnsel vm1, $0x0, v14;
	[tilespmem:s0+$0x10030] =	vst v15  }
0x411: {  	[tilespmem:s0+$0x14030] =	vst v14  }
0x412: {  	v14 =	vld.idx.msk [tilespmem:v17+s12+$0x0], $0xffff  }
0x413: {  	s2 =	sadd.s32 $0xFFFFFFD0, s30;
	vm1 =	vge.s32 v16, v0;
	vm3 =	vlt.s32 v16, v2  }
0x414: {  	v15 =	vor.u32 s2, v1;
	v17 =	vsub.s32 v16, v0;
	vm3 =	vmand vm1, vm3  }
0x415: {  	v18 =	vshll.u32 v18, $0xD;
	v15 =	vshrl.u32 v15, $0x3;
	v17 =	vnsel vm3, $0x0, v17  }
0x416: {  	v15 =	vadd.s32 v15, v18;
	v19 =	vld [tilespmem:s0+$0xC060]  }
0x417: {  	v15 =	vsel vm2, v15, v7  }
0x418: {  	v14 =	vnsel vm2, $0x0, v14;
	[tilespmem:s0+$0x10040] =	vst v15  }
0x419: {  	[tilespmem:s0+$0x14040] =	vst v14  }
0x41a: {  	v14 =	vld.idx.msk [tilespmem:v17+s12+$0x0], $0xffff  }
0x41b: {  	s2 =	sadd.s32 $0xFFFFFFE0, s30;
	vm1 =	vge.s32 v19, v0;
	vm2 =	vlt.s32 v19, v2  }
0x41c: {  	v15 =	vor.u32 s2, v1;
	v17 =	vsub.s32 v19, v0;
	vm1 =	vmand vm1, vm2  }
0x41d: {  	v16 =	vshll.u32 v16, $0xD;
	v15 =	vshrl.u32 v15, $0x3;
	v17 =	vnsel vm1, $0x0, v17  }
0x41e: {  	v15 =	vadd.s32 v15, v16;
	v18 =	vld [tilespmem:s0+$0xC070]  }
0x41f: {  	v15 =	vsel vm3, v15, v8  }
0x420: {  	v14 =	vnsel vm3, $0x0, v14;
	[tilespmem:s0+$0x10050] =	vst v15  }
.Ltmp17:
0x421: {  	[tilespmem:s0+$0x14050] =	vst v14;
	v14 =	vor.u32 s30, v1;
	(pc) =	sbr.rel @p0 .LBB2_32-.Ltmp17, $4  }
0x422: {  	v15 =	vld.idx.msk [tilespmem:v17+s12+$0x0], $0xffff;
	v14 =	vshrl.u32 v14, $0x3  }
0x423: {  	s2 =	sadd.s32 $0xFFFFFFF0, s30;
	vm2 =	vge.s32 v18, v0;
	vm3 =	vlt.s32 v18, v2;
	v16 =	vshll.u32 v18, $0xD  }
0x424: {  	v17 =	vor.u32 s2, v1;
	v20 =	vsub.s32 v18, v0;
	vm2 =	vmand vm2, vm3  }
0x425: {  	v19 =	vshll.u32 v19, $0xD;
	s2 =	sshra.s32 s1, $0x2;
	s1 =	sadd.s32 $0x200, s1;
	v18 =	vshrl.u32 v17, $0x3;
	v17 =	vnsel vm2, $0x0, v20  }
0x426: {  	v20 =	vld [tilespmem:s2+$0xC000]  }
0x427: {  	v18 =	vadd.s32 v18, v19  }
0x428: {  	v18 =	vsel vm1, v18, v9  }
0x429: {  	v15 =	vnsel vm1, $0x0, v15;
	[tilespmem:s0+$0x10060] =	vst v18  }
0x42a: {  	v14 =	vadd.s32 v14, v16;
	[tilespmem:s0+$0x14060] =	vst v15  }
0x42b: {  	v14 =	vsel vm2, v14, v10;
	v15 =	vld.idx.msk [tilespmem:v17+s12+$0x0], $0xffff;
	vm1 =	vge.s32 v20, v0;
	vm3 =	vlt.s32 v20, v2  }
0x42c: {  	[tilespmem:s0+$0x10070] =	vst v14;
	v14 =	vsub.s32 v20, v0;
	vm1 =	vmand vm1, vm3  }
0x42d: {  	s1 =	sadd.s32 $0x80, s30;
	v45 =	vld [tilespmem:s2+$0xC010];
	v14 =	vnsel vm1, $0x0, v14  }
0x42e: {  	s14 =	sadd.s32 $0xFFFFFF90, s1  }
0x42f: {  	v46 =	vor.u32 s14, v1  }
0x430: {  	v17 =	vshrl.u32 v46, $0x3;
	v47 =	vshll.u32 v20, $0xD;
	v15 =	vnsel vm2, $0x0, v15  }
0x431: {  	v17 =	vadd.s32 v17, v47;
	[tilespmem:s0+$0x14070] =	vst v15  }
0x432: {  	v15 =	vsel vm1, v17, v3;
	vm2 =	vge.s32 v45, v0;
	vm3 =	vlt.s32 v45, v2;
	v14 =	vld.idx.msk [tilespmem:v14+s12+$0x0], $0xffff  }
0x433: {  	vm2 =	vmand vm2, vm3;
	[tilespmem:s2+$0x10000] =	vst v15;
	v15 =	vsub.s32 v45, v0  }
0x434: {  	v48 =	vld [tilespmem:s2+$0xC020];
	v15 =	vnsel vm2, $0x0, v15  }
0x435: {  	s14 =	sadd.s32 $0xFFFFFFA0, s1  }
0x436: {  	v49 =	vor.u32 s14, v1  }
0x437: {  	v18 =	vshrl.u32 v49, $0x3;
	v16 =	vshll.u32 v45, $0xD;
	v14 =	vnsel vm1, $0x0, v14  }
0x438: {  	v16 =	vadd.s32 v18, v16;
	[tilespmem:s2+$0x14000] =	vst v14  }
0x439: {  	vm3 =	vlt.s32 v48, v2;
	vm1 =	vge.s32 v48, v0;
	v14 =	vsel vm2, v16, v4;
	v15 =	vld.idx.msk [tilespmem:v15+s12+$0x0], $0xffff  }
0x43a: {  	vm1 =	vmand vm1, vm3;
	[tilespmem:s2+$0x10010] =	vst v14;
	v14 =	vsub.s32 v48, v0  }
0x43b: {  	v50 =	vld [tilespmem:s2+$0xC030];
	v14 =	vnsel vm1, $0x0, v14;
	_ =	sdelay $0x2  }
0x43c: {  	v15 =	vnsel vm2, $0x0, v15  }
0x43d: {  	[tilespmem:s2+$0x14010] =	vst v15  }
0x43e: {  	s30 =	sadd.s32 $0xFFFFFFB0, s1;
	vm3 =	vlt.s32 v50, v2;
	vm2 =	vge.s32 v50, v0;
	v14 =	vld.idx.msk [tilespmem:v14+s12+$0x0], $0xffff  }
0x43f: {  	v51 =	vsub.s32 v50, v0;
	v15 =	vor.u32 s30, v1;
	vm2 =	vmand vm2, vm3  }
0x440: {  	v52 =	vld [tilespmem:s2+$0xC040];
	v17 =	vshll.u32 v48, $0xD;
	v15 =	vshrl.u32 v15, $0x3;
	v18 =	vnsel vm2, $0x0, v51  }
0x441: {  	v15 =	vadd.s32 v15, v17  }
0x442: {  	v15 =	vsel vm1, v15, v5  }
0x443: {  	[tilespmem:s2+$0x10020] =	vst v15;
	v14 =	vnsel vm1, $0x0, v14  }
0x444: {  	[tilespmem:s2+$0x14020] =	vst v14  }
0x445: {  	s31 =	sadd.s32 $0xFFFFFFC0, s1;
	vm3 =	vlt.s32 v52, v2;
	vm1 =	vge.s32 v52, v0;
	v14 =	vld.idx.msk [tilespmem:v18+s12+$0x0], $0xffff  }
0x446: {  	v53 =	vsub.s32 v52, v0;
	v15 =	vor.u32 s31, v1;
	vm1 =	vmand vm1, vm3  }
0x447: {  	v54 =	vld [tilespmem:s2+$0xC050];
	v16 =	vshll.u32 v50, $0xD;
	v15 =	vshrl.u32 v15, $0x3;
	v17 =	vnsel vm1, $0x0, v53  }
0x448: {  	v15 =	vadd.s32 v15, v16  }
0x449: {  	v15 =	vsel vm2, v15, v6  }
0x44a: {  	[tilespmem:s2+$0x10030] =	vst v15;
	v14 =	vnsel vm2, $0x0, v14  }
0x44b: {  	[tilespmem:s2+$0x14030] =	vst v14  }
0x44c: {  	s14 =	sadd.s32 $0xFFFFFFD0, s1;
	vm3 =	vlt.s32 v54, v2;
	vm2 =	vge.s32 v54, v0;
	v14 =	vld.idx.msk [tilespmem:v17+s12+$0x0], $0xffff  }
0x44d: {  	v55 =	vsub.s32 v54, v0;
	v15 =	vor.u32 s14, v1;
	vm2 =	vmand vm2, vm3  }
0x44e: {  	v57 =	vld [tilespmem:s2+$0xC060];
	v56 =	vshll.u32 v52, $0xD;
	v15 =	vshrl.u32 v15, $0x3;
	v16 =	vnsel vm2, $0x0, v55  }
0x44f: {  	v15 =	vadd.s32 v15, v56  }
0x450: {  	v15 =	vsel vm1, v15, v7  }
0x451: {  	[tilespmem:s2+$0x10040] =	vst v15;
	v14 =	vnsel vm1, $0x0, v14  }
0x452: {  	[tilespmem:s2+$0x14040] =	vst v14  }
0x453: {  	s30 =	sadd.s32 $0xFFFFFFE0, s1;
	vm3 =	vlt.s32 v57, v2;
	vm1 =	vge.s32 v57, v0;
	v14 =	vld.idx.msk [tilespmem:v16+s12+$0x0], $0xffff  }
0x454: {  	v58 =	vsub.s32 v57, v0;
	v15 =	vor.u32 s30, v1;
	vm1 =	vmand vm1, vm3  }
0x455: {  	v60 =	vld [tilespmem:s2+$0xC070];
	v59 =	vshll.u32 v54, $0xD;
	v15 =	vshrl.u32 v15, $0x3;
	v16 =	vnsel vm1, $0x0, v58  }
0x456: {  	v15 =	vadd.s32 v15, v59  }
0x457: {  	v15 =	vsel vm2, v15, v8  }
0x458: {  	[tilespmem:s2+$0x10050] =	vst v15;
	v14 =	vnsel vm2, $0x0, v14  }
0x459: {  	[tilespmem:s2+$0x14050] =	vst v14  }
0x45a: {  	s31 =	sadd.s32 $0xFFFFFFF0, s1;
	vm3 =	vlt.s32 v60, v2;
	vm2 =	vge.s32 v60, v0;
	v14 =	vld.idx.msk [tilespmem:v16+s12+$0x0], $0xffff  }
0x45b: {  	v61 =	vsub.s32 v60, v0;
	v15 =	vor.u32 s31, v1;
	vm2 =	vmand vm2, vm3  }
0x45c: {  	v62 =	vshll.u32 v57, $0xD;
	v15 =	vshrl.u32 v15, $0x3;
	v16 =	vnsel vm2, $0x0, v61  }
0x45d: {  	v15 =	vadd.s32 v15, v62  }
0x45e: {  	v15 =	vsel vm1, v15, v9  }
0x45f: {  	[tilespmem:s2+$0x10060] =	vst v15;
	v14 =	vnsel vm1, $0x0, v14  }
0x460: {  	[tilespmem:s2+$0x14060] =	vst v14  }
0x461: {  	v14 =	vld.idx.msk [tilespmem:v16+s12+$0x0], $0xffff  }
0x462: {  	v15 =	vor.u32 s1, v1  }
0x463: {  	v63 =	vshll.u32 v60, $0xD;
	v15 =	vshrl.u32 v15, $0x3  }
0x464: {  	v15 =	vadd.s32 v15, v63  }
0x465: {  	v15 =	vsel vm2, v15, v10  }
0x466: {  	[tilespmem:s2+$0x10070] =	vst v15;
	v14 =	vnsel vm2, $0x0, v14  }
0x467: {  	s0 =	simm.s32 $0x80;
	s1 =	simm.s32 $0x14000;
	[tilespmem:s2+$0x14070] =	vst v14;
	s2 =	simm.s32 $0x10000  }
.LBB2_34:
0x468: {  	[hbm4b:s4+s0] =	stream.indirect.scatter [tilespmem:s1], [sflag:$0x2], $0x1, s2, s0, $0xb8;
	[tilespmem:$0x1C200] =	vst v63  }
0x469: {  	s1 =	smov.u32 s29;
	p0 =	sne.s32 s29, $0xFE00  }
.Ltmp18:
0x46a: {  	s29 =	sadd.s32 $0x200, s29;
	(pc) =	sbr.rel @p0 .LBB2_34-.Ltmp18, $3  }
0x46b: {  	_ =	sdelay $0x1  }
0x46c: {  	s2 =	sshra.s32 s1, $0x2  }
0x46d: {  	s1 =	sadd.s32 $0x14000, s2;
	s2 =	sadd.s32 $0x10000, s2  }
0x46e: {  	[hbm4b:s4+s0] =	stream.indirect.scatter [tilespmem:s1], [sflag:$0x2], $0x1, s2, s0, $0xb8;
	[tilespmem:$0x1C200] =	vst v63  }
0x46f: {  	_ =	swait.ge [sflag:s26], $0x80  }
0x470: {  	s0 =	simm.s32 $0x7F;
	[sflag:s26] =	ssyncset.done $0x0  }
.LBB2_36:
0x471: {  	p0 =	sne.s32 s0, $0x1;
	s0 =	sadd.s32 $0xFFFFFFFF, s0;
	[sflag:s26] =	ssyncadd.s32 $0xFFFFFF80  }
.Ltmp19:
0x472: {  	(pc) =	sbr.rel @p0 .LBB2_36-.Ltmp19, $3  }
0x473: {  	_ =	sdelay $0x1  }
0x474: {  	_ =	swait.ge [sflag:s26], $0x80  }
0x475: {  	[sflag:s26] =	ssyncset.done $0x0  }
0x476: {  	s28 =	sadd.s32 $0x1, s28  }
0x477: {  	p0 =	sne.s32 s28, s5  }
.Ltmp20:
0x478: {  	_ = 	snop;
	(pc) =	sbr.rel @p0 .LBB2_1-.Ltmp20, $2  }
0x479: {  	_ =	sdelay $0x2  }
0x47a: {  	[sflag:s26] =	ssyncadd.s32 $0xFFFFFF80  }
0x47b: {  	_ =	sfence.sel $0x180000  }
0x47c: {  	[bflag:$0x0] =	sbarrier.arrive $0xFFFF  }
0x47d: {  	_ =	strace $0x90000047  }
0x47e: {  	s0 =	stileid.u32;
	[bflag:$0x2] =	sbarrier.arrive $0xFFFF  }
0x47f: {  	p0 =	sne.s32 s0, $0x0;
	s0 =	rddreg [dreg:$0x2]  }
0x480: {  	s0 =	sadd.s32 @!p0 $0x100000, s0  }
0x481: {  	[sflag:s0] =	ssyncadd.tile.s32 @!p0 $0x1;
	_ =	shalt  }
.Lfunc_end2:
_tile_overlayer_lowered:
.L_overlay_start_2:
0x482: {  	(tag) =	ssettag $0x2  }
0x483: {  	s0 =	rddreg [dreg:$0x0];
	s2 =	stileid.u32  }
0x484: {  	s1 =	rddreg [dreg:$0x1];
	p0 =	sne.s32 s2, $0x0  }
0x485: {  	s3 =	rddreg [dreg:$0x2];
	[bflag:$0x3] =	sbarrier.arrive $0xFFFF;
	s2 =	simm.s32 @!p0 $0x1C03  }
0x486: {  	[timem:s3], [sflag:s2] =	dma.local @!p0 [hbm:s0], s1  }
0x487: {  	s0 =	simm.s32 @!p0 $0x3  }
0x488: {  	_ =	swait.ge @!p0 [sflag:s0], s1  }
0x489: {  	s1 =	ssub.s32 @!p0 $0x0, s1;
	[sflag:s0] =	ssyncset.done @!p0 $0x0  }
0x48a: {  	[sflag:s0] =	ssyncadd.s32 @!p0 s1  }
0x48b: {  	[bflag:$0x3] =	sbarrier.arrive $0xFFFF  }
0x48c: {  	_ =	shalt  }

</sc_bundles>
